<compile_context>
chip_gen: v7x
topology: tpu7x:2x2x1
jax: 0.10.2.dev20260603
libtpu: 0.0.44.dev20260713+nightly
codegen_flags: <defaults>
</compile_context>

<pallas_src>
import jax
import jax.numpy as jnp
from jax import lax
from jax.experimental import pallas as pl
from jax.experimental.pallas import tpu as pltpu
from jax.experimental.pallas import tpu_sc as plsc

_COLS = 22
_VOCAB = 12
_D = 128
_B = 4096
_REG = 0.01
_NPAIR = _COLS * _COLS

_UPAD = 16
_NROWS = _COLS * _UPAD
_NCOLS = _COLS * _VOCAB
_TABLE_WORDS = _NROWS * _NCOLS

_NC = 2
_NS = 16
_LANES = 16
_NW = _NC * _NS
_BPW = _B // _NW
_GROUPS = _BPW // _LANES
_NACC = 4


def _table_kernel(wp_ref, bp_ref, embp_ref, ep_ref, fc_ref, t_ref, sq_ref):
    wp = wp_ref[0, 0]
    bp = bp_ref[0, 0]
    s_r = lax.broadcasted_iota(jnp.int32, (_NCOLS, _NROWS), 0)
    s_c = lax.broadcasted_iota(jnp.int32, (_NCOLS, _NROWS), 1)
    sel = (s_c == (s_r // _VOCAB) * _UPAD + s_r % _VOCAB).astype(
        jnp.float32)
    e = lax.dot_general(sel, ep_ref[...], (((1,), (0,)), ((), ())),
                        preferred_element_type=jnp.float32)
    tt = e * wp + bp
    sq_ref[...] = jnp.sum(e * e, axis=1, keepdims=True)

    w = fc_ref[...]
    c = jnp.maximum(jnp.sqrt(jnp.sum(w * w, axis=1, keepdims=True)), 1.0)
    wn = w / c

    r_ids = lax.broadcasted_iota(jnp.int32, (_NPAIR, _NPAIR), 0)
    c_ids = lax.broadcasted_iota(jnp.int32, (_NPAIR, _NPAIR), 1)
    pmat = (c_ids == (r_ids % _COLS) * _COLS + r_ids // _COLS).astype(
        jnp.float32)
    wt = lax.dot_general(pmat, wn, (((1,), (0,)), ((), ())),
                         preferred_element_type=jnp.float32)
    d_ids = lax.broadcasted_iota(jnp.int32, (_NPAIR, 1), 0)
    diag = (d_ids % _COLS) == (d_ids // _COLS)
    wsym = wn + jnp.where(diag, 0.0, wt)

    rr_ids = lax.broadcasted_iota(jnp.int32, (_NCOLS, _COLS), 0) // _VOCAB
    rc_ids = lax.broadcasted_iota(jnp.int32, (_NCOLS, _COLS), 1)
    rmat = (rr_ids == rc_ids).astype(jnp.float32)

    reps = [
        lax.dot_general(
            rmat, wsym[i * _COLS:(i + 1) * _COLS, :],
            (((1,), (0,)), ((), ())), preferred_element_type=jnp.float32)
        for i in range(_COLS)
    ]
    cms = [tt * reps[i] for i in range(_COLS)]
    ttis = [embp_ref[i] * wp + bp for i in range(_COLS)]
    blks = [
        lax.dot_general(
            ttis[i], cms[i], (((1,), (1,)), ((), ())),
            preferred_element_type=jnp.float32)
        for i in range(_COLS)
    ]
    for i in range(_COLS):
        t_ref[pl.ds(i * _UPAD, _UPAD), :] = blks[i]


_CHUNKS = (0, 3, 7, 13, 22)


def _sc_kernel(table_hbm, feat_hbm, sq_hbm, out_hbm, part_hbm,
               table_v, feat_v, sq_v, out_v, acc_v, accs_v, *sems):
    wid = lax.axis_index("s") * _NC + lax.axis_index("c")
    base = wid * _BPW

    cps = []
    for k in range(len(_CHUNKS) - 1):
        w0 = _CHUNKS[k] * _UPAD * _NCOLS
        w1 = _CHUNKS[k + 1] * _UPAD * _NCOLS
        cps.append(pltpu.async_copy(
            table_hbm.at[pl.ds(w0, w1 - w0)],
            table_v.at[pl.ds(w0, w1 - w0)], sems[k]))
    pltpu.sync_copy(feat_hbm.at[:, pl.ds(base, _BPW)], feat_v)
    pltpu.sync_copy(sq_hbm, sq_v)
    zeros = jnp.zeros((_LANES,), jnp.float32)
    for i in range(_COLS):
        acc_v[pl.ds(i * _LANES, _LANES)] = zeros

    for k in range(len(_CHUNKS) - 1):
        cps[k].wait()
        i0, i1 = _CHUNKS[k], _CHUNKS[k + 1]

        def group_body(g, carry, i0=i0, i1=i1, first=(k == 0)):
            g16 = g * _LANES
            fj2 = {j: feat_v[j, pl.ds(g16, _LANES)] + (_VOCAB * j)
                   for j in range(i0, _COLS)}
            accs = [jnp.zeros((_LANES,), jnp.float32)
                    for _ in range(_NACC)]
            n = 0
            if first:
                for i in range(_COLS):
                    fi = (feat_v[i, pl.ds(g16, _LANES)] + (_VOCAB * i)
                          if i not in fj2 else fj2[i])
                    sqg = plsc.load_gather(sq_v, [fi])
                    plsc.addupdate(acc_v.at[pl.ds(i * _LANES, _LANES)],
                                   sqg)
            for i in range(i0, i1):
                hi = fj2[i] * _NCOLS + ((_UPAD - _VOCAB) * _NCOLS * i)
                for j in range(i, _COLS):
                    idx = hi + fj2[j]
                    accs[n % _NACC] = accs[n % _NACC] + plsc.load_gather(
                        table_v, [idx])
                    n += 1
            tot = (accs[0] + accs[1]) + (accs[2] + accs[3])
            if first:
                out_v[pl.ds(g16, _LANES)] = tot
            else:
                plsc.addupdate(out_v.at[pl.ds(g16, _LANES)], tot)
            return carry

        lax.fori_loop(0, _GROUPS, group_body, 0)

    pltpu.sync_copy(out_v, out_hbm.at[pl.ds(base, _BPW)])
    lane = lax.iota(jnp.int32, _LANES)
    lo = jnp.zeros((_LANES,), jnp.float32)
    hi_v = jnp.zeros((_LANES,), jnp.float32)
    for i in range(_COLS):
        s_i = jnp.sum(acc_v[pl.ds(i * _LANES, _LANES)])
        if i < _LANES:
            lo = jnp.where(lane == i, s_i, lo)
        else:
            hi_v = jnp.where(lane == (i - _LANES), s_i, hi_v)
    accs_v[pl.ds(0, _LANES)] = lo
    accs_v[pl.ds(_LANES, _LANES)] = hi_v
    pltpu.sync_copy(accs_v, part_hbm.at[wid])


def _regs_kernel(p_ref, out_ref):
    x = p_ref[...]
    s = jnp.sum(x, axis=0, keepdims=True)
    lane = lax.broadcasted_iota(jnp.int32, (1, 32), 1)
    per_col = jnp.where(lane < _COLS, s, 0.0)
    out_ref[0, 0] = jnp.sum(jnp.sqrt(per_col)) * jnp.float32(
        2 * _COLS * _REG)


def kernel(features, emb, fc_w, w_p, b_p):
    embp = jnp.pad(emb, ((0, 0), (0, _UPAD - _VOCAB), (0, 0)))
    ep2 = embp.reshape(_NROWS, _D)
    wp2 = jnp.reshape(w_p, (1, 1))
    bp2 = jnp.reshape(b_p, (1, 1))

    table, sq = pl.pallas_call(
        _table_kernel,
        in_specs=[
            pl.BlockSpec(memory_space=pltpu.SMEM),
            pl.BlockSpec(memory_space=pltpu.SMEM),
            pl.BlockSpec(memory_space=pltpu.VMEM),
            pl.BlockSpec(memory_space=pltpu.VMEM),
            pl.BlockSpec(memory_space=pltpu.VMEM),
        ],
        out_shape=[
            jax.ShapeDtypeStruct((_NROWS, _NCOLS), jnp.float32),
            jax.ShapeDtypeStruct((_NCOLS, 1), jnp.float32),
        ],
    )(wp2, bp2, embp, ep2, fc_w)

    mesh = plsc.VectorSubcoreMesh(
        core_axis_name="c", subcore_axis_name="s",
        num_cores=_NC, num_subcores=_NS)
    sc_fn = pl.kernel(
        _sc_kernel,
        out_type=[
            jax.ShapeDtypeStruct((_B,), jnp.float32),
            jax.ShapeDtypeStruct((_NW, 32), jnp.float32),
        ],
        mesh=mesh,
        compiler_params=pltpu.CompilerParams(
            needs_layout_passes=False, skip_device_barrier=True),
        scratch_types=[
            pltpu.VMEM((_TABLE_WORDS,), jnp.float32),
            pltpu.VMEM((_COLS, _BPW), jnp.int32),
            pltpu.VMEM((_NCOLS,), jnp.float32),
            pltpu.VMEM((_BPW,), jnp.float32),
            pltpu.VMEM((_NROWS,), jnp.float32),
            pltpu.VMEM((32,), jnp.float32),
        ] + [pltpu.SemaphoreType.DMA] * (len(_CHUNKS) - 1),
    )
    out_flat, part = sc_fn(table.reshape(_TABLE_WORDS), features,
                           sq.reshape(_NCOLS))

    regs2 = pl.pallas_call(
        _regs_kernel,
        out_shape=jax.ShapeDtypeStruct((1, 1), jnp.float32),
        out_specs=pl.BlockSpec(memory_space=pltpu.SMEM),
    )(part)

    return out_flat.reshape(_B, 1), jnp.reshape(regs2, ())

# --- scband reference (transcript-rebuilt; emitter-appended) ---
"""Pipeline reference for scband-network-38560216383903 (READ-ONLY COPY).

The authoritative reference and input builder live on the scoring server;
editing this copy changes nothing except your own understanding.
"""

import jax, jax.numpy as jnp
import numpy as np

COLS = 22
VOCAB = 12
D = 128
B = 4096
REG = 0.01


def setup_inputs(seed: int = 0) -> dict:
    key = jax.random.key(seed)
    k1, k2, k3, k4, k5 = jax.random.split(key, 5)
    # features: one index row per column (torch module uses a dict keyed by
    # column name; here stacked as [22, B])
    features = jax.random.randint(k1, (COLS, B), 0, VOCAB, dtype=jnp.int32)
    # 22 embedding tables, each [VOCAB, D]
    emb = jax.random.normal(k2, (COLS, VOCAB, D), dtype=jnp.float32) * 0.1
    # 484 pairwise FC heads, Linear(D, 1, bias=False) -> weight rows [484, D]
    fc_w = jax.random.normal(k3, (COLS * COLS, D), dtype=jnp.float32) * 0.1
    # mlp_p = nn.Linear(1, 1): scalar weight + scalar bias applied elementwise
    w_p = jax.random.normal(k4, (), dtype=jnp.float32)
    b_p = jax.random.normal(k5, (), dtype=jnp.float32) * 0.01
    return {"features": features, "emb": emb, "fc_w": fc_w, "w_p": w_p, "b_p": b_p}


def reference(features, emb, fc_w, w_p, b_p):
    # embedding lookups per column: emb[i][features[i]] -> [B, D]
    e = [emb[i][features[i]] for i in range(COLS)]
    # mlp_p applied to view(-1,1): elementwise affine
    trans = [ei * w_p + b_p for ei in e]
    inferences = jnp.zeros((B, 1), dtype=jnp.float32)
    regs = jnp.float32(0.0)
    for i in range(COLS):
        for j in range(COLS):
            # reg term: Frobenius norms of the raw embeddings
            regs = regs + REG * (jnp.linalg.norm(e[i]) + jnp.linalg.norm(e[j]))
            # constrain(): row-wise L2 norm clamped below at 1
            W = fc_w[i * COLS + j]
            c = jnp.maximum(jnp.linalg.norm(W), 1.0)
            Wc = W / c
            # binary op 'multiply' then Linear(D, 1, bias=False)
            inferences = inferences + (trans[i] * trans[j]) @ Wc[:, None]
    return inferences, regs

if __name__ == "__main__":
    import jax
    _d = setup_inputs()
    print(jax.jit(kernel)(*tuple(_d.values())))

</pallas_src>

<mosaic_0001>
#map = affine_map<(d0, d1) -> (0)>
#map1 = affine_map<(d0, d1) -> (0, 0)>
module attributes {stable_mosaic.version = 14 : i64} {
  func.func @_sc_kernel(%arg0: i32, %arg1: i32, %arg2: memref<92928xf32, #tpu.memory_space<hbm>>, %arg3: memref<22x4096xi32, #tpu.memory_space<hbm>>, %arg4: memref<264xf32, #tpu.memory_space<hbm>>, %arg5: memref<4096xf32, #tpu.memory_space<hbm>>, %arg6: memref<32x32xf32, #tpu.memory_space<hbm>>, %arg7: memref<92928xf32, #tpu.memory_space<vmem>>, %arg8: memref<22x128xi32, #tpu.memory_space<vmem>>, %arg9: memref<264xf32, #tpu.memory_space<vmem>>, %arg10: memref<128xf32, #tpu.memory_space<vmem>>, %arg11: memref<352xf32, #tpu.memory_space<vmem>>, %arg12: memref<32xf32, #tpu.memory_space<vmem>>, %arg13: memref<!tpu.dma_semaphore, #tpu.memory_space<semaphore_mem>>, %arg14: memref<!tpu.dma_semaphore, #tpu.memory_space<semaphore_mem>>, %arg15: memref<!tpu.dma_semaphore, #tpu.memory_space<semaphore_mem>>, %arg16: memref<!tpu.dma_semaphore, #tpu.memory_space<semaphore_mem>>) attributes {dimension_semantics = [#tpu.dimension_semantics<core_parallel>, #tpu.dimension_semantics<subcore_parallel>], iteration_bounds = array<i64: 2, 16>, scalar_prefetch = 0 : i64, scratch_operands = 10 : i64, tpu.core_type = #tpu.core_type<sc_vector_subcore>, window_params = [{transform_indices = #map}, {transform_indices = #map1}, {transform_indices = #map}, {transform_indices = #map}, {transform_indices = #map1}]} {
    %mul3A = arith.constant 2 : i32
    %mul3A_0 = arith.muli %arg1, %mul3A : i32
    %add3A = arith.addi %mul3A_0, %arg0 : i32
    %mul3A_1 = arith.constant 128 : i32
    %mul3A_2 = arith.muli %add3A, %mul3A_1 : i32
    %dma_start3A = arith.constant 0 : i32
    %dma_start3A_3 = tpu.memref_slice %arg7[%dma_start3A] : memref<92928xf32, #tpu.memory_space<vmem>> -> memref<12672xf32, #tpu.memory_space<vmem>>
    %dma_start3A_4 = arith.constant 0 : i32
    %dma_start3A_5 = tpu.memref_slice %arg2[%dma_start3A_4] : memref<92928xf32, #tpu.memory_space<hbm>> -> memref<12672xf32, #tpu.memory_space<hbm>>
    %dma_start3A_6 = arith.constant 0 : i32
    %dma_start3A_7 = tpu.memref_slice %arg7[%dma_start3A_6] : memref<92928xf32, #tpu.memory_space<vmem>> -> memref<12672xf32, #tpu.memory_space<vmem>>
    %dma_start3A_8 = arith.constant 0 : i32
    %dma_start3A_9 = tpu.memref_slice %arg2[%dma_start3A_8] : memref<92928xf32, #tpu.memory_space<hbm>> -> memref<12672xf32, #tpu.memory_space<hbm>>
    tpu.enqueue_dma source(%dma_start3A_9 : memref<12672xf32, #tpu.memory_space<hbm>>) target(%dma_start3A_7 : memref<12672xf32, #tpu.memory_space<vmem>>) target_semaphore(%arg13 : memref<!tpu.dma_semaphore, #tpu.memory_space<semaphore_mem>>)
    %dma_start3A_10 = arith.constant 12672 : i32
    %dma_start3A_11 = tpu.memref_slice %arg7[%dma_start3A_10] : memref<92928xf32, #tpu.memory_space<vmem>> -> memref<16896xf32, #tpu.memory_space<vmem>>
    %dma_start3A_12 = arith.constant 12672 : i32
    %dma_start3A_13 = tpu.memref_slice %arg2[%dma_start3A_12] : memref<92928xf32, #tpu.memory_space<hbm>> -> memref<16896xf32, #tpu.memory_space<hbm>>
    %dma_start3A_14 = arith.constant 12672 : i32
    %dma_start3A_15 = tpu.memref_slice %arg7[%dma_start3A_14] : memref<92928xf32, #tpu.memory_space<vmem>> -> memref<16896xf32, #tpu.memory_space<vmem>>
    %dma_start3A_16 = arith.constant 12672 : i32
    %dma_start3A_17 = tpu.memref_slice %arg2[%dma_start3A_16] : memref<92928xf32, #tpu.memory_space<hbm>> -> memref<16896xf32, #tpu.memory_space<hbm>>
    tpu.enqueue_dma source(%dma_start3A_17 : memref<16896xf32, #tpu.memory_space<hbm>>) target(%dma_start3A_15 : memref<16896xf32, #tpu.memory_space<vmem>>) target_semaphore(%arg14 : memref<!tpu.dma_semaphore, #tpu.memory_space<semaphore_mem>>)
    %dma_start3A_18 = arith.constant 29568 : i32
    %dma_start3A_19 = tpu.memref_slice %arg7[%dma_start3A_18] : memref<92928xf32, #tpu.memory_space<vmem>> -> memref<25344xf32, #tpu.memory_space<vmem>>
    %dma_start3A_20 = arith.constant 29568 : i32
    %dma_start3A_21 = tpu.memref_slice %arg2[%dma_start3A_20] : memref<92928xf32, #tpu.memory_space<hbm>> -> memref<25344xf32, #tpu.memory_space<hbm>>
    %dma_start3A_22 = arith.constant 29568 : i32
    %dma_start3A_23 = tpu.memref_slice %arg7[%dma_start3A_22] : memref<92928xf32, #tpu.memory_space<vmem>> -> memref<25344xf32, #tpu.memory_space<vmem>>
    %dma_start3A_24 = arith.constant 29568 : i32
    %dma_start3A_25 = tpu.memref_slice %arg2[%dma_start3A_24] : memref<92928xf32, #tpu.memory_space<hbm>> -> memref<25344xf32, #tpu.memory_space<hbm>>
    tpu.enqueue_dma source(%dma_start3A_25 : memref<25344xf32, #tpu.memory_space<hbm>>) target(%dma_start3A_23 : memref<25344xf32, #tpu.memory_space<vmem>>) target_semaphore(%arg15 : memref<!tpu.dma_semaphore, #tpu.memory_space<semaphore_mem>>)
    %dma_start3A_26 = arith.constant 54912 : i32
    %dma_start3A_27 = tpu.memref_slice %arg7[%dma_start3A_26] : memref<92928xf32, #tpu.memory_space<vmem>> -> memref<38016xf32, #tpu.memory_space<vmem>>
    %dma_start3A_28 = arith.constant 54912 : i32
    %dma_start3A_29 = tpu.memref_slice %arg2[%dma_start3A_28] : memref<92928xf32, #tpu.memory_space<hbm>> -> memref<38016xf32, #tpu.memory_space<hbm>>
    %dma_start3A_30 = arith.constant 54912 : i32
    %dma_start3A_31 = tpu.memref_slice %arg7[%dma_start3A_30] : memref<92928xf32, #tpu.memory_space<vmem>> -> memref<38016xf32, #tpu.memory_space<vmem>>
    %dma_start3A_32 = arith.constant 54912 : i32
    %dma_start3A_33 = tpu.memref_slice %arg2[%dma_start3A_32] : memref<92928xf32, #tpu.memory_space<hbm>> -> memref<38016xf32, #tpu.memory_space<hbm>>
    tpu.enqueue_dma source(%dma_start3A_33 : memref<38016xf32, #tpu.memory_space<hbm>>) target(%dma_start3A_31 : memref<38016xf32, #tpu.memory_space<vmem>>) target_semaphore(%arg16 : memref<!tpu.dma_semaphore, #tpu.memory_space<semaphore_mem>>)
    "tpu.region"() ({
      %run_scoped3A = tpu.sem_alloc : memref<!tpu.dma_semaphore, #tpu.memory_space<semaphore_mem>>
      %dma_start3A_378 = arith.constant 0 : i32
      %dma_start3A_379 = tpu.memref_slice %arg3[%dma_start3A_378, %mul3A_2] : memref<22x4096xi32, #tpu.memory_space<hbm>> -> memref<22x128xi32, #tpu.memory_space<hbm>>
      %dma_start3A_380 = arith.constant 0 : i32
      %dma_start3A_381 = tpu.memref_slice %arg3[%dma_start3A_380, %mul3A_2] : memref<22x4096xi32, #tpu.memory_space<hbm>> -> memref<22x128xi32, #tpu.memory_space<hbm>>
      tpu.enqueue_dma source(%dma_start3A_381 : memref<22x128xi32, #tpu.memory_space<hbm>>) target(%arg8 : memref<22x128xi32, #tpu.memory_space<vmem>>) target_semaphore(%run_scoped3A : memref<!tpu.dma_semaphore, #tpu.memory_space<semaphore_mem>>)
      %dma_wait3A_382 = arith.constant 0 : i32
      %dma_wait3A_383 = tpu.memref_slice %arg3[%dma_wait3A_382, %mul3A_2] : memref<22x4096xi32, #tpu.memory_space<hbm>> -> memref<22x128xi32, #tpu.memory_space<hbm>>
      %dma_wait3A_384 = arith.constant 0 : i32
      %dma_wait3A_385 = tpu.memref_slice %arg3[%dma_wait3A_384, %mul3A_2] : memref<22x4096xi32, #tpu.memory_space<hbm>> -> memref<22x128xi32, #tpu.memory_space<hbm>>
      tpu.wait_dma2 semaphore(%run_scoped3A : memref<!tpu.dma_semaphore, #tpu.memory_space<semaphore_mem>>) src(%dma_wait3A_385 : memref<22x128xi32, #tpu.memory_space<hbm>>) dst(%arg8 : memref<22x128xi32, #tpu.memory_space<vmem>>)
      tpu.yield
    }) : () -> ()
    "tpu.region"() ({
      %run_scoped3A = tpu.sem_alloc : memref<!tpu.dma_semaphore, #tpu.memory_space<semaphore_mem>>
      tpu.enqueue_dma source(%arg4 : memref<264xf32, #tpu.memory_space<hbm>>) target(%arg9 : memref<264xf32, #tpu.memory_space<vmem>>) target_semaphore(%run_scoped3A : memref<!tpu.dma_semaphore, #tpu.memory_space<semaphore_mem>>)
      tpu.wait_dma2 semaphore(%run_scoped3A : memref<!tpu.dma_semaphore, #tpu.memory_space<semaphore_mem>>) src(%arg4 : memref<264xf32, #tpu.memory_space<hbm>>) dst(%arg9 : memref<264xf32, #tpu.memory_space<vmem>>)
      tpu.yield
    }) : () -> ()
    %broadcast_in_dim3A = arith.constant 0.000000e+00 : f32
    %broadcast_in_dim3A_34 = vector.broadcast %broadcast_in_dim3A : f32 to vector<16xf32>
    %swap3A = arith.constant 0 : index
    %swap3A_35 = tpu.vector_load %arg11[%swap3A] {strides = array<i32>} : memref<352xf32, #tpu.memory_space<vmem>>, vector<16xf32>,
    tpu.vector_store %arg11[%swap3A], %broadcast_in_dim3A_34 {strides = array<i32>} : memref<352xf32, #tpu.memory_space<vmem>>, vector<16xf32>,
    %swap3A_36 = arith.constant 16 : index
    %swap3A_37 = tpu.vector_load %arg11[%swap3A_36] {strides = array<i32>} : memref<352xf32, #tpu.memory_space<vmem>>, vector<16xf32>,
    tpu.vector_store %arg11[%swap3A_36], %broadcast_in_dim3A_34 {strides = array<i32>} : memref<352xf32, #tpu.memory_space<vmem>>, vector<16xf32>,
    %swap3A_38 = arith.constant 32 : index
    %swap3A_39 = tpu.vector_load %arg11[%swap3A_38] {strides = array<i32>} : memref<352xf32, #tpu.memory_space<vmem>>, vector<16xf32>,
    tpu.vector_store %arg11[%swap3A_38], %broadcast_in_dim3A_34 {strides = array<i32>} : memref<352xf32, #tpu.memory_space<vmem>>, vector<16xf32>,
    %swap3A_40 = arith.constant 48 : index
    %swap3A_41 = tpu.vector_load %arg11[%swap3A_40] {strides = array<i32>} : memref<352xf32, #tpu.memory_space<vmem>>, vector<16xf32>,
    tpu.vector_store %arg11[%swap3A_40], %broadcast_in_dim3A_34 {strides = array<i32>} : memref<352xf32, #tpu.memory_space<vmem>>, vector<16xf32>,
    %swap3A_42 = arith.constant 64 : index
    %swap3A_43 = tpu.vector_load %arg11[%swap3A_42] {strides = array<i32>} : memref<352xf32, #tpu.memory_space<vmem>>, vector<16xf32>,
    tpu.vector_store %arg11[%swap3A_42], %broadcast_in_dim3A_34 {strides = array<i32>} : memref<352xf32, #tpu.memory_space<vmem>>, vector<16xf32>,
    %swap3A_44 = arith.constant 80 : index
    %swap3A_45 = tpu.vector_load %arg11[%swap3A_44] {strides = array<i32>} : memref<352xf32, #tpu.memory_space<vmem>>, vector<16xf32>,
    tpu.vector_store %arg11[%swap3A_44], %broadcast_in_dim3A_34 {strides = array<i32>} : memref<352xf32, #tpu.memory_space<vmem>>, vector<16xf32>,
    %swap3A_46 = arith.constant 96 : index
    %swap3A_47 = tpu.vector_load %arg11[%swap3A_46] {strides = array<i32>} : memref<352xf32, #tpu.memory_space<vmem>>, vector<16xf32>,
    tpu.vector_store %arg11[%swap3A_46], %broadcast_in_dim3A_34 {strides = array<i32>} : memref<352xf32, #tpu.memory_space<vmem>>, vector<16xf32>,
    %swap3A_48 = arith.constant 112 : index
    %swap3A_49 = tpu.vector_load %arg11[%swap3A_48] {strides = array<i32>} : memref<352xf32, #tpu.memory_space<vmem>>, vector<16xf32>,
    tpu.vector_store %arg11[%swap3A_48], %broadcast_in_dim3A_34 {strides = array<i32>} : memref<352xf32, #tpu.memory_space<vmem>>, vector<16xf32>,
    %swap3A_50 = arith.constant 128 : index
    %swap3A_51 = tpu.vector_load %arg11[%swap3A_50] {strides = array<i32>} : memref<352xf32, #tpu.memory_space<vmem>>, vector<16xf32>,
    tpu.vector_store %arg11[%swap3A_50], %broadcast_in_dim3A_34 {strides = array<i32>} : memref<352xf32, #tpu.memory_space<vmem>>, vector<16xf32>,
    %swap3A_52 = arith.constant 144 : index
    %swap3A_53 = tpu.vector_load %arg11[%swap3A_52] {strides = array<i32>} : memref<352xf32, #tpu.memory_space<vmem>>, vector<16xf32>,
    tpu.vector_store %arg11[%swap3A_52], %broadcast_in_dim3A_34 {strides = array<i32>} : memref<352xf32, #tpu.memory_space<vmem>>, vector<16xf32>,
    %swap3A_54 = arith.constant 160 : index
    %swap3A_55 = tpu.vector_load %arg11[%swap3A_54] {strides = array<i32>} : memref<352xf32, #tpu.memory_space<vmem>>, vector<16xf32>,
    tpu.vector_store %arg11[%swap3A_54], %broadcast_in_dim3A_34 {strides = array<i32>} : memref<352xf32, #tpu.memory_space<vmem>>, vector<16xf32>,
    %swap3A_56 = arith.constant 176 : index
    %swap3A_57 = tpu.vector_load %arg11[%swap3A_56] {strides = array<i32>} : memref<352xf32, #tpu.memory_space<vmem>>, vector<16xf32>,
    tpu.vector_store %arg11[%swap3A_56], %broadcast_in_dim3A_34 {strides = array<i32>} : memref<352xf32, #tpu.memory_space<vmem>>, vector<16xf32>,
    %swap3A_58 = arith.constant 192 : index
    %swap3A_59 = tpu.vector_load %arg11[%swap3A_58] {strides = array<i32>} : memref<352xf32, #tpu.memory_space<vmem>>, vector<16xf32>,
    tpu.vector_store %arg11[%swap3A_58], %broadcast_in_dim3A_34 {strides = array<i32>} : memref<352xf32, #tpu.memory_space<vmem>>, vector<16xf32>,
    %swap3A_60 = arith.constant 208 : index
    %swap3A_61 = tpu.vector_load %arg11[%swap3A_60] {strides = array<i32>} : memref<352xf32, #tpu.memory_space<vmem>>, vector<16xf32>,
    tpu.vector_store %arg11[%swap3A_60], %broadcast_in_dim3A_34 {strides = array<i32>} : memref<352xf32, #tpu.memory_space<vmem>>, vector<16xf32>,
    %swap3A_62 = arith.constant 224 : index
    %swap3A_63 = tpu.vector_load %arg11[%swap3A_62] {strides = array<i32>} : memref<352xf32, #tpu.memory_space<vmem>>, vector<16xf32>,
    tpu.vector_store %arg11[%swap3A_62], %broadcast_in_dim3A_34 {strides = array<i32>} : memref<352xf32, #tpu.memory_space<vmem>>, vector<16xf32>,
    %swap3A_64 = arith.constant 240 : index
    %swap3A_65 = tpu.vector_load %arg11[%swap3A_64] {strides = array<i32>} : memref<352xf32, #tpu.memory_space<vmem>>, vector<16xf32>,
    tpu.vector_store %arg11[%swap3A_64], %broadcast_in_dim3A_34 {strides = array<i32>} : memref<352xf32, #tpu.memory_space<vmem>>, vector<16xf32>,
    %swap3A_66 = arith.constant 256 : index
    %swap3A_67 = tpu.vector_load %arg11[%swap3A_66] {strides = array<i32>} : memref<352xf32, #tpu.memory_space<vmem>>, vector<16xf32>,
    tpu.vector_store %arg11[%swap3A_66], %broadcast_in_dim3A_34 {strides = array<i32>} : memref<352xf32, #tpu.memory_space<vmem>>, vector<16xf32>,
    %swap3A_68 = arith.constant 272 : index
    %swap3A_69 = tpu.vector_load %arg11[%swap3A_68] {strides = array<i32>} : memref<352xf32, #tpu.memory_space<vmem>>, vector<16xf32>,
    tpu.vector_store %arg11[%swap3A_68], %broadcast_in_dim3A_34 {strides = array<i32>} : memref<352xf32, #tpu.memory_space<vmem>>, vector<16xf32>,
    %swap3A_70 = arith.constant 288 : index
    %swap3A_71 = tpu.vector_load %arg11[%swap3A_70] {strides = array<i32>} : memref<352xf32, #tpu.memory_space<vmem>>, vector<16xf32>,
    tpu.vector_store %arg11[%swap3A_70], %broadcast_in_dim3A_34 {strides = array<i32>} : memref<352xf32, #tpu.memory_space<vmem>>, vector<16xf32>,
    %swap3A_72 = arith.constant 304 : index
    %swap3A_73 = tpu.vector_load %arg11[%swap3A_72] {strides = array<i32>} : memref<352xf32, #tpu.memory_space<vmem>>, vector<16xf32>,
    tpu.vector_store %arg11[%swap3A_72], %broadcast_in_dim3A_34 {strides = array<i32>} : memref<352xf32, #tpu.memory_space<vmem>>, vector<16xf32>,
    %swap3A_74 = arith.constant 320 : index
    %swap3A_75 = tpu.vector_load %arg11[%swap3A_74] {strides = array<i32>} : memref<352xf32, #tpu.memory_space<vmem>>, vector<16xf32>,
    tpu.vector_store %arg11[%swap3A_74], %broadcast_in_dim3A_34 {strides = array<i32>} : memref<352xf32, #tpu.memory_space<vmem>>, vector<16xf32>,
    %swap3A_76 = arith.constant 336 : index
    %swap3A_77 = tpu.vector_load %arg11[%swap3A_76] {strides = array<i32>} : memref<352xf32, #tpu.memory_space<vmem>>, vector<16xf32>,
    tpu.vector_store %arg11[%swap3A_76], %broadcast_in_dim3A_34 {strides = array<i32>} : memref<352xf32, #tpu.memory_space<vmem>>, vector<16xf32>,
    %dma_wait3A = arith.constant 0 : i32
    %dma_wait3A_78 = tpu.memref_slice %arg7[%dma_wait3A] : memref<92928xf32, #tpu.memory_space<vmem>> -> memref<12672xf32, #tpu.memory_space<vmem>>
    %dma_wait3A_79 = arith.constant 0 : i32
    %dma_wait3A_80 = tpu.memref_slice %arg2[%dma_wait3A_79] : memref<92928xf32, #tpu.memory_space<hbm>> -> memref<12672xf32, #tpu.memory_space<hbm>>
    %dma_wait3A_81 = arith.constant 0 : i32
    %dma_wait3A_82 = tpu.memref_slice %arg7[%dma_wait3A_81] : memref<92928xf32, #tpu.memory_space<vmem>> -> memref<12672xf32, #tpu.memory_space<vmem>>
    %dma_wait3A_83 = arith.constant 0 : i32
    %dma_wait3A_84 = tpu.memref_slice %arg2[%dma_wait3A_83] : memref<92928xf32, #tpu.memory_space<hbm>> -> memref<12672xf32, #tpu.memory_space<hbm>>
    tpu.wait_dma2 semaphore(%arg13 : memref<!tpu.dma_semaphore, #tpu.memory_space<semaphore_mem>>) src(%dma_wait3A_84 : memref<12672xf32, #tpu.memory_space<hbm>>) dst(%dma_wait3A_82 : memref<12672xf32, #tpu.memory_space<vmem>>)
    %scan3A = arith.constant 0 : i32
    %scan3A_85 = arith.constant 0 : i32
    %scan3A_86 = arith.constant 8 : i32
    %scan3A_87 = arith.addi %scan3A_85, %scan3A_86 : i32
    %scan3A_88 = arith.constant 1 : i32
    scf.for %scan3A_378 = %scan3A_85 to %scan3A_87 step %scan3A_88  : i32 {
      %mul3A_379 = arith.constant 16 : i32
      %mul3A_380 = arith.muli %scan3A_378, %mul3A_379 : i32
      %get3A_381 = arith.constant 0 : i32
      %get3A_382 = arith.index_cast %get3A_381 : i32 to index
      %get3A_383 = arith.index_cast %mul3A_380 : i32 to index
      %get3A_384 = tpu.vector_load %arg8[%get3A_382, %get3A_383] {strides = array<i32>} : memref<22x128xi32, #tpu.memory_space<vmem>>, vector<16xi32>,
      %add3A_385 = arith.constant 0 : i32
      %add3A_386 = vector.broadcast %add3A_385 : i32 to vector<16xi32>
      %add3A_387 = arith.addi %get3A_384, %add3A_386 : vector<16xi32>
      %get3A_388 = arith.constant 1 : i32
      %get3A_389 = arith.index_cast %get3A_388 : i32 to index
      %get3A_390 = arith.index_cast %mul3A_380 : i32 to index
      %get3A_391 = tpu.vector_load %arg8[%get3A_389, %get3A_390] {strides = array<i32>} : memref<22x128xi32, #tpu.memory_space<vmem>>, vector<16xi32>,
      %add3A_392 = arith.constant 12 : i32
      %add3A_393 = vector.broadcast %add3A_392 : i32 to vector<16xi32>
      %add3A_394 = arith.addi %get3A_391, %add3A_393 : vector<16xi32>
      %get3A_395 = arith.constant 2 : i32
      %get3A_396 = arith.index_cast %get3A_395 : i32 to index
      %get3A_397 = arith.index_cast %mul3A_380 : i32 to index
      %get3A_398 = tpu.vector_load %arg8[%get3A_396, %get3A_397] {strides = array<i32>} : memref<22x128xi32, #tpu.memory_space<vmem>>, vector<16xi32>,
      %add3A_399 = arith.constant 24 : i32
      %add3A_400 = vector.broadcast %add3A_399 : i32 to vector<16xi32>
      %add3A_401 = arith.addi %get3A_398, %add3A_400 : vector<16xi32>
      %get3A_402 = arith.constant 3 : i32
      %get3A_403 = arith.index_cast %get3A_402 : i32 to index
      %get3A_404 = arith.index_cast %mul3A_380 : i32 to index
      %get3A_405 = tpu.vector_load %arg8[%get3A_403, %get3A_404] {strides = array<i32>} : memref<22x128xi32, #tpu.memory_space<vmem>>, vector<16xi32>,
      %add3A_406 = arith.constant 36 : i32
      %add3A_407 = vector.broadcast %add3A_406 : i32 to vector<16xi32>
      %add3A_408 = arith.addi %get3A_405, %add3A_407 : vector<16xi32>
      %get3A_409 = arith.constant 4 : i32
      %get3A_410 = arith.index_cast %get3A_409 : i32 to index
      %get3A_411 = arith.index_cast %mul3A_380 : i32 to index
      %get3A_412 = tpu.vector_load %arg8[%get3A_410, %get3A_411] {strides = array<i32>} : memref<22x128xi32, #tpu.memory_space<vmem>>, vector<16xi32>,
      %add3A_413 = arith.constant 48 : i32
      %add3A_414 = vector.broadcast %add3A_413 : i32 to vector<16xi32>
      %add3A_415 = arith.addi %get3A_412, %add3A_414 : vector<16xi32>
      %get3A_416 = arith.constant 5 : i32
      %get3A_417 = arith.index_cast %get3A_416 : i32 to index
      %get3A_418 = arith.index_cast %mul3A_380 : i32 to index
      %get3A_419 = tpu.vector_load %arg8[%get3A_417, %get3A_418] {strides = array<i32>} : memref<22x128xi32, #tpu.memory_space<vmem>>, vector<16xi32>,
      %add3A_420 = arith.constant 60 : i32
      %add3A_421 = vector.broadcast %add3A_420 : i32 to vector<16xi32>
      %add3A_422 = arith.addi %get3A_419, %add3A_421 : vector<16xi32>
      %get3A_423 = arith.constant 6 : i32
      %get3A_424 = arith.index_cast %get3A_423 : i32 to index
      %get3A_425 = arith.index_cast %mul3A_380 : i32 to index
      %get3A_426 = tpu.vector_load %arg8[%get3A_424, %get3A_425] {strides = array<i32>} : memref<22x128xi32, #tpu.memory_space<vmem>>, vector<16xi32>,
      %add3A_427 = arith.constant 72 : i32
      %add3A_428 = vector.broadcast %add3A_427 : i32 to vector<16xi32>
      %add3A_429 = arith.addi %get3A_426, %add3A_428 : vector<16xi32>
      %get3A_430 = arith.constant 7 : i32
      %get3A_431 = arith.index_cast %get3A_430 : i32 to index
      %get3A_432 = arith.index_cast %mul3A_380 : i32 to index
      %get3A_433 = tpu.vector_load %arg8[%get3A_431, %get3A_432] {strides = array<i32>} : memref<22x128xi32, #tpu.memory_space<vmem>>, vector<16xi32>,
      %add3A_434 = arith.constant 84 : i32
      %add3A_435 = vector.broadcast %add3A_434 : i32 to vector<16xi32>
      %add3A_436 = arith.addi %get3A_433, %add3A_435 : vector<16xi32>
      %get3A_437 = arith.constant 8 : i32
      %get3A_438 = arith.index_cast %get3A_437 : i32 to index
      %get3A_439 = arith.index_cast %mul3A_380 : i32 to index
      %get3A_440 = tpu.vector_load %arg8[%get3A_438, %get3A_439] {strides = array<i32>} : memref<22x128xi32, #tpu.memory_space<vmem>>, vector<16xi32>,
      %add3A_441 = arith.constant 96 : i32
      %add3A_442 = vector.broadcast %add3A_441 : i32 to vector<16xi32>
      %add3A_443 = arith.addi %get3A_440, %add3A_442 : vector<16xi32>
      %get3A_444 = arith.constant 9 : i32
      %get3A_445 = arith.index_cast %get3A_444 : i32 to index
      %get3A_446 = arith.index_cast %mul3A_380 : i32 to index
      %get3A_447 = tpu.vector_load %arg8[%get3A_445, %get3A_446] {strides = array<i32>} : memref<22x128xi32, #tpu.memory_space<vmem>>, vector<16xi32>,
      %add3A_448 = arith.constant 108 : i32
      %add3A_449 = vector.broadcast %add3A_448 : i32 to vector<16xi32>
      %add3A_450 = arith.addi %get3A_447, %add3A_449 : vector<16xi32>
      %get3A_451 = arith.constant 10 : i32
      %get3A_452 = arith.index_cast %get3A_451 : i32 to index
      %get3A_453 = arith.index_cast %mul3A_380 : i32 to index
      %get3A_454 = tpu.vector_load %arg8[%get3A_452, %get3A_453] {strides = array<i32>} : memref<22x128xi32, #tpu.memory_space<vmem>>, vector<16xi32>,
      %add3A_455 = arith.constant 120 : i32
      %add3A_456 = vector.broadcast %add3A_455 : i32 to vector<16xi32>
      %add3A_457 = arith.addi %get3A_454, %add3A_456 : vector<16xi32>
      %get3A_458 = arith.constant 11 : i32
      %get3A_459 = arith.index_cast %get3A_458 : i32 to index
      %get3A_460 = arith.index_cast %mul3A_380 : i32 to index
      %get3A_461 = tpu.vector_load %arg8[%get3A_459, %get3A_460] {strides = array<i32>} : memref<22x128xi32, #tpu.memory_space<vmem>>, vector<16xi32>,
      %add3A_462 = arith.constant 132 : i32
      %add3A_463 = vector.broadcast %add3A_462 : i32 to vector<16xi32>
      %add3A_464 = arith.addi %get3A_461, %add3A_463 : vector<16xi32>
      %get3A_465 = arith.constant 12 : i32
      %get3A_466 = arith.index_cast %get3A_465 : i32 to index
      %get3A_467 = arith.index_cast %mul3A_380 : i32 to index
      %get3A_468 = tpu.vector_load %arg8[%get3A_466, %get3A_467] {strides = array<i32>} : memref<22x128xi32, #tpu.memory_space<vmem>>, vector<16xi32>,
      %add3A_469 = arith.constant 144 : i32
      %add3A_470 = vector.broadcast %add3A_469 : i32 to vector<16xi32>
      %add3A_471 = arith.addi %get3A_468, %add3A_470 : vector<16xi32>
      %get3A_472 = arith.constant 13 : i32
      %get3A_473 = arith.index_cast %get3A_472 : i32 to index
      %get3A_474 = arith.index_cast %mul3A_380 : i32 to index
      %get3A_475 = tpu.vector_load %arg8[%get3A_473, %get3A_474] {strides = array<i32>} : memref<22x128xi32, #tpu.memory_space<vmem>>, vector<16xi32>,
      %add3A_476 = arith.constant 156 : i32
      %add3A_477 = vector.broadcast %add3A_476 : i32 to vector<16xi32>
      %add3A_478 = arith.addi %get3A_475, %add3A_477 : vector<16xi32>
      %get3A_479 = arith.constant 14 : i32
      %get3A_480 = arith.index_cast %get3A_479 : i32 to index
      %get3A_481 = arith.index_cast %mul3A_380 : i32 to index
      %get3A_482 = tpu.vector_load %arg8[%get3A_480, %get3A_481] {strides = array<i32>} : memref<22x128xi32, #tpu.memory_space<vmem>>, vector<16xi32>,
      %add3A_483 = arith.constant 168 : i32
      %add3A_484 = vector.broadcast %add3A_483 : i32 to vector<16xi32>
      %add3A_485 = arith.addi %get3A_482, %add3A_484 : vector<16xi32>
      %get3A_486 = arith.constant 15 : i32
      %get3A_487 = arith.index_cast %get3A_486 : i32 to index
      %get3A_488 = arith.index_cast %mul3A_380 : i32 to index
      %get3A_489 = tpu.vector_load %arg8[%get3A_487, %get3A_488] {strides = array<i32>} : memref<22x128xi32, #tpu.memory_space<vmem>>, vector<16xi32>,
      %add3A_490 = arith.constant 180 : i32
      %add3A_491 = vector.broadcast %add3A_490 : i32 to vector<16xi32>
      %add3A_492 = arith.addi %get3A_489, %add3A_491 : vector<16xi32>
      %get3A_493 = arith.constant 16 : i32
      %get3A_494 = arith.index_cast %get3A_493 : i32 to index
      %get3A_495 = arith.index_cast %mul3A_380 : i32 to index
      %get3A_496 = tpu.vector_load %arg8[%get3A_494, %get3A_495] {strides = array<i32>} : memref<22x128xi32, #tpu.memory_space<vmem>>, vector<16xi32>,
      %add3A_497 = arith.constant 192 : i32
      %add3A_498 = vector.broadcast %add3A_497 : i32 to vector<16xi32>
      %add3A_499 = arith.addi %get3A_496, %add3A_498 : vector<16xi32>
      %get3A_500 = arith.constant 17 : i32
      %get3A_501 = arith.index_cast %get3A_500 : i32 to index
      %get3A_502 = arith.index_cast %mul3A_380 : i32 to index
      %get3A_503 = tpu.vector_load %arg8[%get3A_501, %get3A_502] {strides = array<i32>} : memref<22x128xi32, #tpu.memory_space<vmem>>, vector<16xi32>,
      %add3A_504 = arith.constant 204 : i32
      %add3A_505 = vector.broadcast %add3A_504 : i32 to vector<16xi32>
      %add3A_506 = arith.addi %get3A_503, %add3A_505 : vector<16xi32>
      %get3A_507 = arith.constant 18 : i32
      %get3A_508 = arith.index_cast %get3A_507 : i32 to index
      %get3A_509 = arith.index_cast %mul3A_380 : i32 to index
      %get3A_510 = tpu.vector_load %arg8[%get3A_508, %get3A_509] {strides = array<i32>} : memref<22x128xi32, #tpu.memory_space<vmem>>, vector<16xi32>,
      %add3A_511 = arith.constant 216 : i32
      %add3A_512 = vector.broadcast %add3A_511 : i32 to vector<16xi32>
      %add3A_513 = arith.addi %get3A_510, %add3A_512 : vector<16xi32>
      %get3A_514 = arith.constant 19 : i32
      %get3A_515 = arith.index_cast %get3A_514 : i32 to index
      %get3A_516 = arith.index_cast %mul3A_380 : i32 to index
      %get3A_517 = tpu.vector_load %arg8[%get3A_515, %get3A_516] {strides = array<i32>} : memref<22x128xi32, #tpu.memory_space<vmem>>, vector<16xi32>,
      %add3A_518 = arith.constant 228 : i32
      %add3A_519 = vector.broadcast %add3A_518 : i32 to vector<16xi32>
      %add3A_520 = arith.addi %get3A_517, %add3A_519 : vector<16xi32>
      %get3A_521 = arith.constant 20 : i32
      %get3A_522 = arith.index_cast %get3A_521 : i32 to index
      %get3A_523 = arith.index_cast %mul3A_380 : i32 to index
      %get3A_524 = tpu.vector_load %arg8[%get3A_522, %get3A_523] {strides = array<i32>} : memref<22x128xi32, #tpu.memory_space<vmem>>, vector<16xi32>,
      %add3A_525 = arith.constant 240 : i32
      %add3A_526 = vector.broadcast %add3A_525 : i32 to vector<16xi32>
      %add3A_527 = arith.addi %get3A_524, %add3A_526 : vector<16xi32>
      %get3A_528 = arith.constant 21 : i32
      %get3A_529 = arith.index_cast %get3A_528 : i32 to index
      %get3A_530 = arith.index_cast %mul3A_380 : i32 to index
      %get3A_531 = tpu.vector_load %arg8[%get3A_529, %get3A_530] {strides = array<i32>} : memref<22x128xi32, #tpu.memory_space<vmem>>, vector<16xi32>,
      %add3A_532 = arith.constant 252 : i32
      %add3A_533 = vector.broadcast %add3A_532 : i32 to vector<16xi32>
      %add3A_534 = arith.addi %get3A_531, %add3A_533 : vector<16xi32>
      %broadcast_in_dim3A_535 = arith.constant 0.000000e+00 : f32
      %broadcast_in_dim3A_536 = vector.broadcast %broadcast_in_dim3A_535 : f32 to vector<16xf32>
      %broadcast_in_dim3A_537 = arith.constant 0.000000e+00 : f32
      %broadcast_in_dim3A_538 = vector.broadcast %broadcast_in_dim3A_537 : f32 to vector<16xf32>
      %broadcast_in_dim3A_539 = arith.constant 0.000000e+00 : f32
      %broadcast_in_dim3A_540 = vector.broadcast %broadcast_in_dim3A_539 : f32 to vector<16xf32>
      %broadcast_in_dim3A_541 = arith.constant 0.000000e+00 : f32
      %broadcast_in_dim3A_542 = vector.broadcast %broadcast_in_dim3A_541 : f32 to vector<16xf32>
      %gather3A = tpu.vector_load_idx %arg9[%add3A_387] : memref<264xf32, #tpu.memory_space<vmem>>[vector<16xi32>], vector<16xf32>,
      %swap3A_543 = arith.constant 0 : index
      %swap3A_544 = tpu.vector_load %arg11[%swap3A_543] {strides = array<i32>} : memref<352xf32, #tpu.memory_space<vmem>>, vector<16xf32>,
      tpu.vector_store %arg11[%swap3A_543], %gather3A {add = true, strides = array<i32>} : memref<352xf32, #tpu.memory_space<vmem>>, vector<16xf32>,
      %gather3A_545 = tpu.vector_load_idx %arg9[%add3A_394] : memref<264xf32, #tpu.memory_space<vmem>>[vector<16xi32>], vector<16xf32>,
      %swap3A_546 = arith.constant 16 : index
      %swap3A_547 = tpu.vector_load %arg11[%swap3A_546] {strides = array<i32>} : memref<352xf32, #tpu.memory_space<vmem>>, vector<16xf32>,
      tpu.vector_store %arg11[%swap3A_546], %gather3A_545 {add = true, strides = array<i32>} : memref<352xf32, #tpu.memory_space<vmem>>, vector<16xf32>,
      %gather3A_548 = tpu.vector_load_idx %arg9[%add3A_401] : memref<264xf32, #tpu.memory_space<vmem>>[vector<16xi32>], vector<16xf32>,
      %swap3A_549 = arith.constant 32 : index
      %swap3A_550 = tpu.vector_load %arg11[%swap3A_549] {strides = array<i32>} : memref<352xf32, #tpu.memory_space<vmem>>, vector<16xf32>,
      tpu.vector_store %arg11[%swap3A_549], %gather3A_548 {add = true, strides = array<i32>} : memref<352xf32, #tpu.memory_space<vmem>>, vector<16xf32>,
      %gather3A_551 = tpu.vector_load_idx %arg9[%add3A_408] : memref<264xf32, #tpu.memory_space<vmem>>[vector<16xi32>], vector<16xf32>,
      %swap3A_552 = arith.constant 48 : index
      %swap3A_553 = tpu.vector_load %arg11[%swap3A_552] {strides = array<i32>} : memref<352xf32, #tpu.memory_space<vmem>>, vector<16xf32>,
      tpu.vector_store %arg11[%swap3A_552], %gather3A_551 {add = true, strides = array<i32>} : memref<352xf32, #tpu.memory_space<vmem>>, vector<16xf32>,
      %gather3A_554 = tpu.vector_load_idx %arg9[%add3A_415] : memref<264xf32, #tpu.memory_space<vmem>>[vector<16xi32>], vector<16xf32>,
      %swap3A_555 = arith.constant 64 : index
      %swap3A_556 = tpu.vector_load %arg11[%swap3A_555] {strides = array<i32>} : memref<352xf32, #tpu.memory_space<vmem>>, vector<16xf32>,
      tpu.vector_store %arg11[%swap3A_555], %gather3A_554 {add = true, strides = array<i32>} : memref<352xf32, #tpu.memory_space<vmem>>, vector<16xf32>,
      %gather3A_557 = tpu.vector_load_idx %arg9[%add3A_422] : memref<264xf32, #tpu.memory_space<vmem>>[vector<16xi32>], vector<16xf32>,
      %swap3A_558 = arith.constant 80 : index
      %swap3A_559 = tpu.vector_load %arg11[%swap3A_558] {strides = array<i32>} : memref<352xf32, #tpu.memory_space<vmem>>, vector<16xf32>,
      tpu.vector_store %arg11[%swap3A_558], %gather3A_557 {add = true, strides = array<i32>} : memref<352xf32, #tpu.memory_space<vmem>>, vector<16xf32>,
      %gather3A_560 = tpu.vector_load_idx %arg9[%add3A_429] : memref<264xf32, #tpu.memory_space<vmem>>[vector<16xi32>], vector<16xf32>,
      %swap3A_561 = arith.constant 96 : index
      %swap3A_562 = tpu.vector_load %arg11[%swap3A_561] {strides = array<i32>} : memref<352xf32, #tpu.memory_space<vmem>>, vector<16xf32>,
      tpu.vector_store %arg11[%swap3A_561], %gather3A_560 {add = true, strides = array<i32>} : memref<352xf32, #tpu.memory_space<vmem>>, vector<16xf32>,
      %gather3A_563 = tpu.vector_load_idx %arg9[%add3A_436] : memref<264xf32, #tpu.memory_space<vmem>>[vector<16xi32>], vector<16xf32>,
      %swap3A_564 = arith.constant 112 : index
      %swap3A_565 = tpu.vector_load %arg11[%swap3A_564] {strides = array<i32>} : memref<352xf32, #tpu.memory_space<vmem>>, vector<16xf32>,
      tpu.vector_store %arg11[%swap3A_564], %gather3A_563 {add = true, strides = array<i32>} : memref<352xf32, #tpu.memory_space<vmem>>, vector<16xf32>,
      %gather3A_566 = tpu.vector_load_idx %arg9[%add3A_443] : memref<264xf32, #tpu.memory_space<vmem>>[vector<16xi32>], vector<16xf32>,
      %swap3A_567 = arith.constant 128 : index
      %swap3A_568 = tpu.vector_load %arg11[%swap3A_567] {strides = array<i32>} : memref<352xf32, #tpu.memory_space<vmem>>, vector<16xf32>,
      tpu.vector_store %arg11[%swap3A_567], %gather3A_566 {add = true, strides = array<i32>} : memref<352xf32, #tpu.memory_space<vmem>>, vector<16xf32>,
      %gather3A_569 = tpu.vector_load_idx %arg9[%add3A_450] : memref<264xf32, #tpu.memory_space<vmem>>[vector<16xi32>], vector<16xf32>,
      %swap3A_570 = arith.constant 144 : index
      %swap3A_571 = tpu.vector_load %arg11[%swap3A_570] {strides = array<i32>} : memref<352xf32, #tpu.memory_space<vmem>>, vector<16xf32>,
      tpu.vector_store %arg11[%swap3A_570], %gather3A_569 {add = true, strides = array<i32>} : memref<352xf32, #tpu.memory_space<vmem>>, vector<16xf32>,
      %gather3A_572 = tpu.vector_load_idx %arg9[%add3A_457] : memref<264xf32, #tpu.memory_space<vmem>>[vector<16xi32>], vector<16xf32>,
      %swap3A_573 = arith.constant 160 : index
      %swap3A_574 = tpu.vector_load %arg11[%swap3A_573] {strides = array<i32>} : memref<352xf32, #tpu.memory_space<vmem>>, vector<16xf32>,
      tpu.vector_store %arg11[%swap3A_573], %gather3A_572 {add = true, strides = array<i32>} : memref<352xf32, #tpu.memory_space<vmem>>, vector<16xf32>,
      %gather3A_575 = tpu.vector_load_idx %arg9[%add3A_464] : memref<264xf32, #tpu.memory_space<vmem>>[vector<16xi32>], vector<16xf32>,
      %swap3A_576 = arith.constant 176 : index
      %swap3A_577 = tpu.vector_load %arg11[%swap3A_576] {strides = array<i32>} : memref<352xf32, #tpu.memory_space<vmem>>, vector<16xf32>,
      tpu.vector_store %arg11[%swap3A_576], %gather3A_575 {add = true, strides = array<i32>} : memref<352xf32, #tpu.memory_space<vmem>>, vector<16xf32>,
      %gather3A_578 = tpu.vector_load_idx %arg9[%add3A_471] : memref<264xf32, #tpu.memory_space<vmem>>[vector<16xi32>], vector<16xf32>,
      %swap3A_579 = arith.constant 192 : index
      %swap3A_580 = tpu.vector_load %arg11[%swap3A_579] {strides = array<i32>} : memref<352xf32, #tpu.memory_space<vmem>>, vector<16xf32>,
      tpu.vector_store %arg11[%swap3A_579], %gather3A_578 {add = true, strides = array<i32>} : memref<352xf32, #tpu.memory_space<vmem>>, vector<16xf32>,
      %gather3A_581 = tpu.vector_load_idx %arg9[%add3A_478] : memref<264xf32, #tpu.memory_space<vmem>>[vector<16xi32>], vector<16xf32>,
      %swap3A_582 = arith.constant 208 : index
      %swap3A_583 = tpu.vector_load %arg11[%swap3A_582] {strides = array<i32>} : memref<352xf32, #tpu.memory_space<vmem>>, vector<16xf32>,
      tpu.vector_store %arg11[%swap3A_582], %gather3A_581 {add = true, strides = array<i32>} : memref<352xf32, #tpu.memory_space<vmem>>, vector<16xf32>,
      %gather3A_584 = tpu.vector_load_idx %arg9[%add3A_485] : memref<264xf32, #tpu.memory_space<vmem>>[vector<16xi32>], vector<16xf32>,
      %swap3A_585 = arith.constant 224 : index
      %swap3A_586 = tpu.vector_load %arg11[%swap3A_585] {strides = array<i32>} : memref<352xf32, #tpu.memory_space<vmem>>, vector<16xf32>,
      tpu.vector_store %arg11[%swap3A_585], %gather3A_584 {add = true, strides = array<i32>} : memref<352xf32, #tpu.memory_space<vmem>>, vector<16xf32>,
      %gather3A_587 = tpu.vector_load_idx %arg9[%add3A_492] : memref<264xf32, #tpu.memory_space<vmem>>[vector<16xi32>], vector<16xf32>,
      %swap3A_588 = arith.constant 240 : index
      %swap3A_589 = tpu.vector_load %arg11[%swap3A_588] {strides = array<i32>} : memref<352xf32, #tpu.memory_space<vmem>>, vector<16xf32>,
      tpu.vector_store %arg11[%swap3A_588], %gather3A_587 {add = true, strides = array<i32>} : memref<352xf32, #tpu.memory_space<vmem>>, vector<16xf32>,
      %gather3A_590 = tpu.vector_load_idx %arg9[%add3A_499] : memref<264xf32, #tpu.memory_space<vmem>>[vector<16xi32>], vector<16xf32>,
      %swap3A_591 = arith.constant 256 : index
      %swap3A_592 = tpu.vector_load %arg11[%swap3A_591] {strides = array<i32>} : memref<352xf32, #tpu.memory_space<vmem>>, vector<16xf32>,
      tpu.vector_store %arg11[%swap3A_591], %gather3A_590 {add = true, strides = array<i32>} : memref<352xf32, #tpu.memory_space<vmem>>, vector<16xf32>,
      %gather3A_593 = tpu.vector_load_idx %arg9[%add3A_506] : memref<264xf32, #tpu.memory_space<vmem>>[vector<16xi32>], vector<16xf32>,
      %swap3A_594 = arith.constant 272 : index
      %swap3A_595 = tpu.vector_load %arg11[%swap3A_594] {strides = array<i32>} : memref<352xf32, #tpu.memory_space<vmem>>, vector<16xf32>,
      tpu.vector_store %arg11[%swap3A_594], %gather3A_593 {add = true, strides = array<i32>} : memref<352xf32, #tpu.memory_space<vmem>>, vector<16xf32>,
      %gather3A_596 = tpu.vector_load_idx %arg9[%add3A_513] : memref<264xf32, #tpu.memory_space<vmem>>[vector<16xi32>], vector<16xf32>,
      %swap3A_597 = arith.constant 288 : index
      %swap3A_598 = tpu.vector_load %arg11[%swap3A_597] {strides = array<i32>} : memref<352xf32, #tpu.memory_space<vmem>>, vector<16xf32>,
      tpu.vector_store %arg11[%swap3A_597], %gather3A_596 {add = true, strides = array<i32>} : memref<352xf32, #tpu.memory_space<vmem>>, vector<16xf32>,
      %gather3A_599 = tpu.vector_load_idx %arg9[%add3A_520] : memref<264xf32, #tpu.memory_space<vmem>>[vector<16xi32>], vector<16xf32>,
      %swap3A_600 = arith.constant 304 : index
      %swap3A_601 = tpu.vector_load %arg11[%swap3A_600] {strides = array<i32>} : memref<352xf32, #tpu.memory_space<vmem>>, vector<16xf32>,
      tpu.vector_store %arg11[%swap3A_600], %gather3A_599 {add = true, strides = array<i32>} : memref<352xf32, #tpu.memory_space<vmem>>, vector<16xf32>,
      %gather3A_602 = tpu.vector_load_idx %arg9[%add3A_527] : memref<264xf32, #tpu.memory_space<vmem>>[vector<16xi32>], vector<16xf32>,
      %swap3A_603 = arith.constant 320 : index
      %swap3A_604 = tpu.vector_load %arg11[%swap3A_603] {strides = array<i32>} : memref<352xf32, #tpu.memory_space<vmem>>, vector<16xf32>,
      tpu.vector_store %arg11[%swap3A_603], %gather3A_602 {add = true, strides = array<i32>} : memref<352xf32, #tpu.memory_space<vmem>>, vector<16xf32>,
      %gather3A_605 = tpu.vector_load_idx %arg9[%add3A_534] : memref<264xf32, #tpu.memory_space<vmem>>[vector<16xi32>], vector<16xf32>,
      %swap3A_606 = arith.constant 336 : index
      %swap3A_607 = tpu.vector_load %arg11[%swap3A_606] {strides = array<i32>} : memref<352xf32, #tpu.memory_space<vmem>>, vector<16xf32>,
      tpu.vector_store %arg11[%swap3A_606], %gather3A_605 {add = true, strides = array<i32>} : memref<352xf32, #tpu.memory_space<vmem>>, vector<16xf32>,
      %mul3A_608 = arith.constant 264 : i32
      %mul3A_609 = vector.broadcast %mul3A_608 : i32 to vector<16xi32>
      %mul3A_610 = arith.muli %add3A_387, %mul3A_609 : vector<16xi32>
      %add3A_611 = arith.constant 0 : i32
      %add3A_612 = vector.broadcast %add3A_611 : i32 to vector<16xi32>
      %add3A_613 = arith.addi %mul3A_610, %add3A_612 : vector<16xi32>
      %add3A_614 = arith.addi %add3A_613, %add3A_387 : vector<16xi32>
      %gather3A_615 = tpu.vector_load_idx %arg7[%add3A_614] : memref<92928xf32, #tpu.memory_space<vmem>>[vector<16xi32>], vector<16xf32>,
      %add3A_616 = arith.addf %broadcast_in_dim3A_536, %gather3A_615 : vector<16xf32>
      %add3A_617 = arith.addi %add3A_613, %add3A_394 : vector<16xi32>
      %gather3A_618 = tpu.vector_load_idx %arg7[%add3A_617] : memref<92928xf32, #tpu.memory_space<vmem>>[vector<16xi32>], vector<16xf32>,
      %add3A_619 = arith.addf %broadcast_in_dim3A_538, %gather3A_618 : vector<16xf32>
      %add3A_620 = arith.addi %add3A_613, %add3A_401 : vector<16xi32>
      %gather3A_621 = tpu.vector_load_idx %arg7[%add3A_620] : memref<92928xf32, #tpu.memory_space<vmem>>[vector<16xi32>], vector<16xf32>,
      %add3A_622 = arith.addf %broadcast_in_dim3A_540, %gather3A_621 : vector<16xf32>
      %add3A_623 = arith.addi %add3A_613, %add3A_408 : vector<16xi32>
      %gather3A_624 = tpu.vector_load_idx %arg7[%add3A_623] : memref<92928xf32, #tpu.memory_space<vmem>>[vector<16xi32>], vector<16xf32>,
      %add3A_625 = arith.addf %broadcast_in_dim3A_542, %gather3A_624 : vector<16xf32>
      %add3A_626 = arith.addi %add3A_613, %add3A_415 : vector<16xi32>
      %gather3A_627 = tpu.vector_load_idx %arg7[%add3A_626] : memref<92928xf32, #tpu.memory_space<vmem>>[vector<16xi32>], vector<16xf32>,
      %add3A_628 = arith.addf %add3A_616, %gather3A_627 : vector<16xf32>
      %add3A_629 = arith.addi %add3A_613, %add3A_422 : vector<16xi32>
      %gather3A_630 = tpu.vector_load_idx %arg7[%add3A_629] : memref<92928xf32, #tpu.memory_space<vmem>>[vector<16xi32>], vector<16xf32>,
      %add3A_631 = arith.addf %add3A_619, %gather3A_630 : vector<16xf32>
      %add3A_632 = arith.addi %add3A_613, %add3A_429 : vector<16xi32>
      %gather3A_633 = tpu.vector_load_idx %arg7[%add3A_632] : memref<92928xf32, #tpu.memory_space<vmem>>[vector<16xi32>], vector<16xf32>,
      %add3A_634 = arith.addf %add3A_622, %gather3A_633 : vector<16xf32>
      %add3A_635 = arith.addi %add3A_613, %add3A_436 : vector<16xi32>
      %gather3A_636 = tpu.vector_load_idx %arg7[%add3A_635] : memref<92928xf32, #tpu.memory_space<vmem>>[vector<16xi32>], vector<16xf32>,
      %add3A_637 = arith.addf %add3A_625, %gather3A_636 : vector<16xf32>
      %add3A_638 = arith.addi %add3A_613, %add3A_443 : vector<16xi32>
      %gather3A_639 = tpu.vector_load_idx %arg7[%add3A_638] : memref<92928xf32, #tpu.memory_space<vmem>>[vector<16xi32>], vector<16xf32>,
      %add3A_640 = arith.addf %add3A_628, %gather3A_639 : vector<16xf32>
      %add3A_641 = arith.addi %add3A_613, %add3A_450 : vector<16xi32>
      %gather3A_642 = tpu.vector_load_idx %arg7[%add3A_641] : memref<92928xf32, #tpu.memory_space<vmem>>[vector<16xi32>], vector<16xf32>,
      %add3A_643 = arith.addf %add3A_631, %gather3A_642 : vector<16xf32>
      %add3A_644 = arith.addi %add3A_613, %add3A_457 : vector<16xi32>
      %gather3A_645 = tpu.vector_load_idx %arg7[%add3A_644] : memref<92928xf32, #tpu.memory_space<vmem>>[vector<16xi32>], vector<16xf32>,
      %add3A_646 = arith.addf %add3A_634, %gather3A_645 : vector<16xf32>
      %add3A_647 = arith.addi %add3A_613, %add3A_464 : vector<16xi32>
      %gather3A_648 = tpu.vector_load_idx %arg7[%add3A_647] : memref<92928xf32, #tpu.memory_space<vmem>>[vector<16xi32>], vector<16xf32>,
      %add3A_649 = arith.addf %add3A_637, %gather3A_648 : vector<16xf32>
      %add3A_650 = arith.addi %add3A_613, %add3A_471 : vector<16xi32>
      %gather3A_651 = tpu.vector_load_idx %arg7[%add3A_650] : memref<92928xf32, #tpu.memory_space<vmem>>[vector<16xi32>], vector<16xf32>,
      %add3A_652 = arith.addf %add3A_640, %gather3A_651 : vector<16xf32>
      %add3A_653 = arith.addi %add3A_613, %add3A_478 : vector<16xi32>
      %gather3A_654 = tpu.vector_load_idx %arg7[%add3A_653] : memref<92928xf32, #tpu.memory_space<vmem>>[vector<16xi32>], vector<16xf32>,
      %add3A_655 = arith.addf %add3A_643, %gather3A_654 : vector<16xf32>
      %add3A_656 = arith.addi %add3A_613, %add3A_485 : vector<16xi32>
      %gather3A_657 = tpu.vector_load_idx %arg7[%add3A_656] : memref<92928xf32, #tpu.memory_space<vmem>>[vector<16xi32>], vector<16xf32>,
      %add3A_658 = arith.addf %add3A_646, %gather3A_657 : vector<16xf32>
      %add3A_659 = arith.addi %add3A_613, %add3A_492 : vector<16xi32>
      %gather3A_660 = tpu.vector_load_idx %arg7[%add3A_659] : memref<92928xf32, #tpu.memory_space<vmem>>[vector<16xi32>], vector<16xf32>,
      %add3A_661 = arith.addf %add3A_649, %gather3A_660 : vector<16xf32>
      %add3A_662 = arith.addi %add3A_613, %add3A_499 : vector<16xi32>
      %gather3A_663 = tpu.vector_load_idx %arg7[%add3A_662] : memref<92928xf32, #tpu.memory_space<vmem>>[vector<16xi32>], vector<16xf32>,
      %add3A_664 = arith.addf %add3A_652, %gather3A_663 : vector<16xf32>
      %add3A_665 = arith.addi %add3A_613, %add3A_506 : vector<16xi32>
      %gather3A_666 = tpu.vector_load_idx %arg7[%add3A_665] : memref<92928xf32, #tpu.memory_space<vmem>>[vector<16xi32>], vector<16xf32>,
      %add3A_667 = arith.addf %add3A_655, %gather3A_666 : vector<16xf32>
      %add3A_668 = arith.addi %add3A_613, %add3A_513 : vector<16xi32>
      %gather3A_669 = tpu.vector_load_idx %arg7[%add3A_668] : memref<92928xf32, #tpu.memory_space<vmem>>[vector<16xi32>], vector<16xf32>,
      %add3A_670 = arith.addf %add3A_658, %gather3A_669 : vector<16xf32>
      %add3A_671 = arith.addi %add3A_613, %add3A_520 : vector<16xi32>
      %gather3A_672 = tpu.vector_load_idx %arg7[%add3A_671] : memref<92928xf32, #tpu.memory_space<vmem>>[vector<16xi32>], vector<16xf32>,
      %add3A_673 = arith.addf %add3A_661, %gather3A_672 : vector<16xf32>
      %add3A_674 = arith.addi %add3A_613, %add3A_527 : vector<16xi32>
      %gather3A_675 = tpu.vector_load_idx %arg7[%add3A_674] : memref<92928xf32, #tpu.memory_space<vmem>>[vector<16xi32>], vector<16xf32>,
      %add3A_676 = arith.addf %add3A_664, %gather3A_675 : vector<16xf32>
      %add3A_677 = arith.addi %add3A_613, %add3A_534 : vector<16xi32>
      %gather3A_678 = tpu.vector_load_idx %arg7[%add3A_677] : memref<92928xf32, #tpu.memory_space<vmem>>[vector<16xi32>], vector<16xf32>,
      %add3A_679 = arith.addf %add3A_667, %gather3A_678 : vector<16xf32>
      %mul3A_680 = arith.constant 264 : i32
      %mul3A_681 = vector.broadcast %mul3A_680 : i32 to vector<16xi32>
      %mul3A_682 = arith.muli %add3A_394, %mul3A_681 : vector<16xi32>
      %add3A_683 = arith.constant 1056 : i32
      %add3A_684 = vector.broadcast %add3A_683 : i32 to vector<16xi32>
      %add3A_685 = arith.addi %mul3A_682, %add3A_684 : vector<16xi32>
      %add3A_686 = arith.addi %add3A_685, %add3A_394 : vector<16xi32>
      %gather3A_687 = tpu.vector_load_idx %arg7[%add3A_686] : memref<92928xf32, #tpu.memory_space<vmem>>[vector<16xi32>], vector<16xf32>,
      %add3A_688 = arith.addf %add3A_670, %gather3A_687 : vector<16xf32>
      %add3A_689 = arith.addi %add3A_685, %add3A_401 : vector<16xi32>
      %gather3A_690 = tpu.vector_load_idx %arg7[%add3A_689] : memref<92928xf32, #tpu.memory_space<vmem>>[vector<16xi32>], vector<16xf32>,
      %add3A_691 = arith.addf %add3A_673, %gather3A_690 : vector<16xf32>
      %add3A_692 = arith.addi %add3A_685, %add3A_408 : vector<16xi32>
      %gather3A_693 = tpu.vector_load_idx %arg7[%add3A_692] : memref<92928xf32, #tpu.memory_space<vmem>>[vector<16xi32>], vector<16xf32>,
      %add3A_694 = arith.addf %add3A_676, %gather3A_693 : vector<16xf32>
      %add3A_695 = arith.addi %add3A_685, %add3A_415 : vector<16xi32>
      %gather3A_696 = tpu.vector_load_idx %arg7[%add3A_695] : memref<92928xf32, #tpu.memory_space<vmem>>[vector<16xi32>], vector<16xf32>,
      %add3A_697 = arith.addf %add3A_679, %gather3A_696 : vector<16xf32>
      %add3A_698 = arith.addi %add3A_685, %add3A_422 : vector<16xi32>
      %gather3A_699 = tpu.vector_load_idx %arg7[%add3A_698] : memref<92928xf32, #tpu.memory_space<vmem>>[vector<16xi32>], vector<16xf32>,
      %add3A_700 = arith.addf %add3A_688, %gather3A_699 : vector<16xf32>
      %add3A_701 = arith.addi %add3A_685, %add3A_429 : vector<16xi32>
      %gather3A_702 = tpu.vector_load_idx %arg7[%add3A_701] : memref<92928xf32, #tpu.memory_space<vmem>>[vector<16xi32>], vector<16xf32>,
      %add3A_703 = arith.addf %add3A_691, %gather3A_702 : vector<16xf32>
      %add3A_704 = arith.addi %add3A_685, %add3A_436 : vector<16xi32>
      %gather3A_705 = tpu.vector_load_idx %arg7[%add3A_704] : memref<92928xf32, #tpu.memory_space<vmem>>[vector<16xi32>], vector<16xf32>,
      %add3A_706 = arith.addf %add3A_694, %gather3A_705 : vector<16xf32>
      %add3A_707 = arith.addi %add3A_685, %add3A_443 : vector<16xi32>
      %gather3A_708 = tpu.vector_load_idx %arg7[%add3A_707] : memref<92928xf32, #tpu.memory_space<vmem>>[vector<16xi32>], vector<16xf32>,
      %add3A_709 = arith.addf %add3A_697, %gather3A_708 : vector<16xf32>
      %add3A_710 = arith.addi %add3A_685, %add3A_450 : vector<16xi32>
      %gather3A_711 = tpu.vector_load_idx %arg7[%add3A_710] : memref<92928xf32, #tpu.memory_space<vmem>>[vector<16xi32>], vector<16xf32>,
      %add3A_712 = arith.addf %add3A_700, %gather3A_711 : vector<16xf32>
      %add3A_713 = arith.addi %add3A_685, %add3A_457 : vector<16xi32>
      %gather3A_714 = tpu.vector_load_idx %arg7[%add3A_713] : memref<92928xf32, #tpu.memory_space<vmem>>[vector<16xi32>], vector<16xf32>,
      %add3A_715 = arith.addf %add3A_703, %gather3A_714 : vector<16xf32>
      %add3A_716 = arith.addi %add3A_685, %add3A_464 : vector<16xi32>
      %gather3A_717 = tpu.vector_load_idx %arg7[%add3A_716] : memref<92928xf32, #tpu.memory_space<vmem>>[vector<16xi32>], vector<16xf32>,
      %add3A_718 = arith.addf %add3A_706, %gather3A_717 : vector<16xf32>
      %add3A_719 = arith.addi %add3A_685, %add3A_471 : vector<16xi32>
      %gather3A_720 = tpu.vector_load_idx %arg7[%add3A_719] : memref<92928xf32, #tpu.memory_space<vmem>>[vector<16xi32>], vector<16xf32>,
      %add3A_721 = arith.addf %add3A_709, %gather3A_720 : vector<16xf32>
      %add3A_722 = arith.addi %add3A_685, %add3A_478 : vector<16xi32>
      %gather3A_723 = tpu.vector_load_idx %arg7[%add3A_722] : memref<92928xf32, #tpu.memory_space<vmem>>[vector<16xi32>], vector<16xf32>,
      %add3A_724 = arith.addf %add3A_712, %gather3A_723 : vector<16xf32>
      %add3A_725 = arith.addi %add3A_685, %add3A_485 : vector<16xi32>
      %gather3A_726 = tpu.vector_load_idx %arg7[%add3A_725] : memref<92928xf32, #tpu.memory_space<vmem>>[vector<16xi32>], vector<16xf32>,
      %add3A_727 = arith.addf %add3A_715, %gather3A_726 : vector<16xf32>
      %add3A_728 = arith.addi %add3A_685, %add3A_492 : vector<16xi32>
      %gather3A_729 = tpu.vector_load_idx %arg7[%add3A_728] : memref<92928xf32, #tpu.memory_space<vmem>>[vector<16xi32>], vector<16xf32>,
      %add3A_730 = arith.addf %add3A_718, %gather3A_729 : vector<16xf32>
      %add3A_731 = arith.addi %add3A_685, %add3A_499 : vector<16xi32>
      %gather3A_732 = tpu.vector_load_idx %arg7[%add3A_731] : memref<92928xf32, #tpu.memory_space<vmem>>[vector<16xi32>], vector<16xf32>,
      %add3A_733 = arith.addf %add3A_721, %gather3A_732 : vector<16xf32>
      %add3A_734 = arith.addi %add3A_685, %add3A_506 : vector<16xi32>
      %gather3A_735 = tpu.vector_load_idx %arg7[%add3A_734] : memref<92928xf32, #tpu.memory_space<vmem>>[vector<16xi32>], vector<16xf32>,
      %add3A_736 = arith.addf %add3A_724, %gather3A_735 : vector<16xf32>
      %add3A_737 = arith.addi %add3A_685, %add3A_513 : vector<16xi32>
      %gather3A_738 = tpu.vector_load_idx %arg7[%add3A_737] : memref<92928xf32, #tpu.memory_space<vmem>>[vector<16xi32>], vector<16xf32>,
      %add3A_739 = arith.addf %add3A_727, %gather3A_738 : vector<16xf32>
      %add3A_740 = arith.addi %add3A_685, %add3A_520 : vector<16xi32>
      %gather3A_741 = tpu.vector_load_idx %arg7[%add3A_740] : memref<92928xf32, #tpu.memory_space<vmem>>[vector<16xi32>], vector<16xf32>,
      %add3A_742 = arith.addf %add3A_730, %gather3A_741 : vector<16xf32>
      %add3A_743 = arith.addi %add3A_685, %add3A_527 : vector<16xi32>
      %gather3A_744 = tpu.vector_load_idx %arg7[%add3A_743] : memref<92928xf32, #tpu.memory_space<vmem>>[vector<16xi32>], vector<16xf32>,
      %add3A_745 = arith.addf %add3A_733, %gather3A_744 : vector<16xf32>
      %add3A_746 = arith.addi %add3A_685, %add3A_534 : vector<16xi32>
      %gather3A_747 = tpu.vector_load_idx %arg7[%add3A_746] : memref<92928xf32, #tpu.memory_space<vmem>>[vector<16xi32>], vector<16xf32>,
      %add3A_748 = arith.addf %add3A_736, %gather3A_747 : vector<16xf32>
      %mul3A_749 = arith.constant 264 : i32
      %mul3A_750 = vector.broadcast %mul3A_749 : i32 to vector<16xi32>
      %mul3A_751 = arith.muli %add3A_401, %mul3A_750 : vector<16xi32>
      %add3A_752 = arith.constant 2112 : i32
      %add3A_753 = vector.broadcast %add3A_752 : i32 to vector<16xi32>
      %add3A_754 = arith.addi %mul3A_751, %add3A_753 : vector<16xi32>
      %add3A_755 = arith.addi %add3A_754, %add3A_401 : vector<16xi32>
      %gather3A_756 = tpu.vector_load_idx %arg7[%add3A_755] : memref<92928xf32, #tpu.memory_space<vmem>>[vector<16xi32>], vector<16xf32>,
      %add3A_757 = arith.addf %add3A_739, %gather3A_756 : vector<16xf32>
      %add3A_758 = arith.addi %add3A_754, %add3A_408 : vector<16xi32>
      %gather3A_759 = tpu.vector_load_idx %arg7[%add3A_758] : memref<92928xf32, #tpu.memory_space<vmem>>[vector<16xi32>], vector<16xf32>,
      %add3A_760 = arith.addf %add3A_742, %gather3A_759 : vector<16xf32>
      %add3A_761 = arith.addi %add3A_754, %add3A_415 : vector<16xi32>
      %gather3A_762 = tpu.vector_load_idx %arg7[%add3A_761] : memref<92928xf32, #tpu.memory_space<vmem>>[vector<16xi32>], vector<16xf32>,
      %add3A_763 = arith.addf %add3A_745, %gather3A_762 : vector<16xf32>
      %add3A_764 = arith.addi %add3A_754, %add3A_422 : vector<16xi32>
      %gather3A_765 = tpu.vector_load_idx %arg7[%add3A_764] : memref<92928xf32, #tpu.memory_space<vmem>>[vector<16xi32>], vector<16xf32>,
      %add3A_766 = arith.addf %add3A_748, %gather3A_765 : vector<16xf32>
      %add3A_767 = arith.addi %add3A_754, %add3A_429 : vector<16xi32>
      %gather3A_768 = tpu.vector_load_idx %arg7[%add3A_767] : memref<92928xf32, #tpu.memory_space<vmem>>[vector<16xi32>], vector<16xf32>,
      %add3A_769 = arith.addf %add3A_757, %gather3A_768 : vector<16xf32>
      %add3A_770 = arith.addi %add3A_754, %add3A_436 : vector<16xi32>
      %gather3A_771 = tpu.vector_load_idx %arg7[%add3A_770] : memref<92928xf32, #tpu.memory_space<vmem>>[vector<16xi32>], vector<16xf32>,
      %add3A_772 = arith.addf %add3A_760, %gather3A_771 : vector<16xf32>
      %add3A_773 = arith.addi %add3A_754, %add3A_443 : vector<16xi32>
      %gather3A_774 = tpu.vector_load_idx %arg7[%add3A_773] : memref<92928xf32, #tpu.memory_space<vmem>>[vector<16xi32>], vector<16xf32>,
      %add3A_775 = arith.addf %add3A_763, %gather3A_774 : vector<16xf32>
      %add3A_776 = arith.addi %add3A_754, %add3A_450 : vector<16xi32>
      %gather3A_777 = tpu.vector_load_idx %arg7[%add3A_776] : memref<92928xf32, #tpu.memory_space<vmem>>[vector<16xi32>], vector<16xf32>,
      %add3A_778 = arith.addf %add3A_766, %gather3A_777 : vector<16xf32>
      %add3A_779 = arith.addi %add3A_754, %add3A_457 : vector<16xi32>
      %gather3A_780 = tpu.vector_load_idx %arg7[%add3A_779] : memref<92928xf32, #tpu.memory_space<vmem>>[vector<16xi32>], vector<16xf32>,
      %add3A_781 = arith.addf %add3A_769, %gather3A_780 : vector<16xf32>
      %add3A_782 = arith.addi %add3A_754, %add3A_464 : vector<16xi32>
      %gather3A_783 = tpu.vector_load_idx %arg7[%add3A_782] : memref<92928xf32, #tpu.memory_space<vmem>>[vector<16xi32>], vector<16xf32>,
      %add3A_784 = arith.addf %add3A_772, %gather3A_783 : vector<16xf32>
      %add3A_785 = arith.addi %add3A_754, %add3A_471 : vector<16xi32>
      %gather3A_786 = tpu.vector_load_idx %arg7[%add3A_785] : memref<92928xf32, #tpu.memory_space<vmem>>[vector<16xi32>], vector<16xf32>,
      %add3A_787 = arith.addf %add3A_775, %gather3A_786 : vector<16xf32>
      %add3A_788 = arith.addi %add3A_754, %add3A_478 : vector<16xi32>
      %gather3A_789 = tpu.vector_load_idx %arg7[%add3A_788] : memref<92928xf32, #tpu.memory_space<vmem>>[vector<16xi32>], vector<16xf32>,
      %add3A_790 = arith.addf %add3A_778, %gather3A_789 : vector<16xf32>
      %add3A_791 = arith.addi %add3A_754, %add3A_485 : vector<16xi32>
      %gather3A_792 = tpu.vector_load_idx %arg7[%add3A_791] : memref<92928xf32, #tpu.memory_space<vmem>>[vector<16xi32>], vector<16xf32>,
      %add3A_793 = arith.addf %add3A_781, %gather3A_792 : vector<16xf32>
      %add3A_794 = arith.addi %add3A_754, %add3A_492 : vector<16xi32>
      %gather3A_795 = tpu.vector_load_idx %arg7[%add3A_794] : memref<92928xf32, #tpu.memory_space<vmem>>[vector<16xi32>], vector<16xf32>,
      %add3A_796 = arith.addf %add3A_784, %gather3A_795 : vector<16xf32>
      %add3A_797 = arith.addi %add3A_754, %add3A_499 : vector<16xi32>
      %gather3A_798 = tpu.vector_load_idx %arg7[%add3A_797] : memref<92928xf32, #tpu.memory_space<vmem>>[vector<16xi32>], vector<16xf32>,
      %add3A_799 = arith.addf %add3A_787, %gather3A_798 : vector<16xf32>
      %add3A_800 = arith.addi %add3A_754, %add3A_506 : vector<16xi32>
      %gather3A_801 = tpu.vector_load_idx %arg7[%add3A_800] : memref<92928xf32, #tpu.memory_space<vmem>>[vector<16xi32>], vector<16xf32>,
      %add3A_802 = arith.addf %add3A_790, %gather3A_801 : vector<16xf32>
      %add3A_803 = arith.addi %add3A_754, %add3A_513 : vector<16xi32>
      %gather3A_804 = tpu.vector_load_idx %arg7[%add3A_803] : memref<92928xf32, #tpu.memory_space<vmem>>[vector<16xi32>], vector<16xf32>,
      %add3A_805 = arith.addf %add3A_793, %gather3A_804 : vector<16xf32>
      %add3A_806 = arith.addi %add3A_754, %add3A_520 : vector<16xi32>
      %gather3A_807 = tpu.vector_load_idx %arg7[%add3A_806] : memref<92928xf32, #tpu.memory_space<vmem>>[vector<16xi32>], vector<16xf32>,
      %add3A_808 = arith.addf %add3A_796, %gather3A_807 : vector<16xf32>
      %add3A_809 = arith.addi %add3A_754, %add3A_527 : vector<16xi32>
      %gather3A_810 = tpu.vector_load_idx %arg7[%add3A_809] : memref<92928xf32, #tpu.memory_space<vmem>>[vector<16xi32>], vector<16xf32>,
      %add3A_811 = arith.addf %add3A_799, %gather3A_810 : vector<16xf32>
      %add3A_812 = arith.addi %add3A_754, %add3A_534 : vector<16xi32>
      %gather3A_813 = tpu.vector_load_idx %arg7[%add3A_812] : memref<92928xf32, #tpu.memory_space<vmem>>[vector<16xi32>], vector<16xf32>,
      %add3A_814 = arith.addf %add3A_802, %gather3A_813 : vector<16xf32>
      %add3A_815 = arith.addf %add3A_808, %add3A_811 : vector<16xf32>
      %add3A_816 = arith.addf %add3A_814, %add3A_805 : vector<16xf32>
      %add3A_817 = arith.addf %add3A_815, %add3A_816 : vector<16xf32>
      %swap3A_818 = arith.index_cast %mul3A_380 : i32 to index
      %swap3A_819 = tpu.vector_load %arg10[%swap3A_818] {strides = array<i32>} : memref<128xf32, #tpu.memory_space<vmem>>, vector<16xf32>,
      tpu.vector_store %arg10[%swap3A_818], %add3A_817 {strides = array<i32>} : memref<128xf32, #tpu.memory_space<vmem>>, vector<16xf32>,
    }
    %scan3A_89 = arith.constant 8 : i32
    %dma_wait3A_90 = arith.constant 12672 : i32
    %dma_wait3A_91 = tpu.memref_slice %arg7[%dma_wait3A_90] : memref<92928xf32, #tpu.memory_space<vmem>> -> memref<16896xf32, #tpu.memory_space<vmem>>
    %dma_wait3A_92 = arith.constant 12672 : i32
    %dma_wait3A_93 = tpu.memref_slice %arg2[%dma_wait3A_92] : memref<92928xf32, #tpu.memory_space<hbm>> -> memref<16896xf32, #tpu.memory_space<hbm>>
    %dma_wait3A_94 = arith.constant 12672 : i32
    %dma_wait3A_95 = tpu.memref_slice %arg7[%dma_wait3A_94] : memref<92928xf32, #tpu.memory_space<vmem>> -> memref<16896xf32, #tpu.memory_space<vmem>>
    %dma_wait3A_96 = arith.constant 12672 : i32
    %dma_wait3A_97 = tpu.memref_slice %arg2[%dma_wait3A_96] : memref<92928xf32, #tpu.memory_space<hbm>> -> memref<16896xf32, #tpu.memory_space<hbm>>
    tpu.wait_dma2 semaphore(%arg14 : memref<!tpu.dma_semaphore, #tpu.memory_space<semaphore_mem>>) src(%dma_wait3A_97 : memref<16896xf32, #tpu.memory_space<hbm>>) dst(%dma_wait3A_95 : memref<16896xf32, #tpu.memory_space<vmem>>)
    %scan3A_98 = arith.constant 0 : i32
    %scan3A_99 = arith.constant 0 : i32
    %scan3A_100 = arith.constant 8 : i32
    %scan3A_101 = arith.addi %scan3A_99, %scan3A_100 : i32
    %scan3A_102 = arith.constant 1 : i32
    scf.for %scan3A_378 = %scan3A_99 to %scan3A_101 step %scan3A_102  : i32 {
      %mul3A_379 = arith.constant 16 : i32
      %mul3A_380 = arith.muli %scan3A_378, %mul3A_379 : i32
      %get3A_381 = arith.constant 3 : i32
      %get3A_382 = arith.index_cast %get3A_381 : i32 to index
      %get3A_383 = arith.index_cast %mul3A_380 : i32 to index
      %get3A_384 = tpu.vector_load %arg8[%get3A_382, %get3A_383] {strides = array<i32>} : memref<22x128xi32, #tpu.memory_space<vmem>>, vector<16xi32>,
      %add3A_385 = arith.constant 36 : i32
      %add3A_386 = vector.broadcast %add3A_385 : i32 to vector<16xi32>
      %add3A_387 = arith.addi %get3A_384, %add3A_386 : vector<16xi32>
      %get3A_388 = arith.constant 4 : i32
      %get3A_389 = arith.index_cast %get3A_388 : i32 to index
      %get3A_390 = arith.index_cast %mul3A_380 : i32 to index
      %get3A_391 = tpu.vector_load %arg8[%get3A_389, %get3A_390] {strides = array<i32>} : memref<22x128xi32, #tpu.memory_space<vmem>>, vector<16xi32>,
      %add3A_392 = arith.constant 48 : i32
      %add3A_393 = vector.broadcast %add3A_392 : i32 to vector<16xi32>
      %add3A_394 = arith.addi %get3A_391, %add3A_393 : vector<16xi32>
      %get3A_395 = arith.constant 5 : i32
      %get3A_396 = arith.index_cast %get3A_395 : i32 to index
      %get3A_397 = arith.index_cast %mul3A_380 : i32 to index
      %get3A_398 = tpu.vector_load %arg8[%get3A_396, %get3A_397] {strides = array<i32>} : memref<22x128xi32, #tpu.memory_space<vmem>>, vector<16xi32>,
      %add3A_399 = arith.constant 60 : i32
      %add3A_400 = vector.broadcast %add3A_399 : i32 to vector<16xi32>
      %add3A_401 = arith.addi %get3A_398, %add3A_400 : vector<16xi32>
      %get3A_402 = arith.constant 6 : i32
      %get3A_403 = arith.index_cast %get3A_402 : i32 to index
      %get3A_404 = arith.index_cast %mul3A_380 : i32 to index
      %get3A_405 = tpu.vector_load %arg8[%get3A_403, %get3A_404] {strides = array<i32>} : memref<22x128xi32, #tpu.memory_space<vmem>>, vector<16xi32>,
      %add3A_406 = arith.constant 72 : i32
      %add3A_407 = vector.broadcast %add3A_406 : i32 to vector<16xi32>
      %add3A_408 = arith.addi %get3A_405, %add3A_407 : vector<16xi32>
      %get3A_409 = arith.constant 7 : i32
      %get3A_410 = arith.index_cast %get3A_409 : i32 to index
      %get3A_411 = arith.index_cast %mul3A_380 : i32 to index
      %get3A_412 = tpu.vector_load %arg8[%get3A_410, %get3A_411] {strides = array<i32>} : memref<22x128xi32, #tpu.memory_space<vmem>>, vector<16xi32>,
      %add3A_413 = arith.constant 84 : i32
      %add3A_414 = vector.broadcast %add3A_413 : i32 to vector<16xi32>
      %add3A_415 = arith.addi %get3A_412, %add3A_414 : vector<16xi32>
      %get3A_416 = arith.constant 8 : i32
      %get3A_417 = arith.index_cast %get3A_416 : i32 to index
      %get3A_418 = arith.index_cast %mul3A_380 : i32 to index
      %get3A_419 = tpu.vector_load %arg8[%get3A_417, %get3A_418] {strides = array<i32>} : memref<22x128xi32, #tpu.memory_space<vmem>>, vector<16xi32>,
      %add3A_420 = arith.constant 96 : i32
      %add3A_421 = vector.broadcast %add3A_420 : i32 to vector<16xi32>
      %add3A_422 = arith.addi %get3A_419, %add3A_421 : vector<16xi32>
      %get3A_423 = arith.constant 9 : i32
      %get3A_424 = arith.index_cast %get3A_423 : i32 to index
      %get3A_425 = arith.index_cast %mul3A_380 : i32 to index
      %get3A_426 = tpu.vector_load %arg8[%get3A_424, %get3A_425] {strides = array<i32>} : memref<22x128xi32, #tpu.memory_space<vmem>>, vector<16xi32>,
      %add3A_427 = arith.constant 108 : i32
      %add3A_428 = vector.broadcast %add3A_427 : i32 to vector<16xi32>
      %add3A_429 = arith.addi %get3A_426, %add3A_428 : vector<16xi32>
      %get3A_430 = arith.constant 10 : i32
      %get3A_431 = arith.index_cast %get3A_430 : i32 to index
      %get3A_432 = arith.index_cast %mul3A_380 : i32 to index
      %get3A_433 = tpu.vector_load %arg8[%get3A_431, %get3A_432] {strides = array<i32>} : memref<22x128xi32, #tpu.memory_space<vmem>>, vector<16xi32>,
      %add3A_434 = arith.constant 120 : i32
      %add3A_435 = vector.broadcast %add3A_434 : i32 to vector<16xi32>
      %add3A_436 = arith.addi %get3A_433, %add3A_435 : vector<16xi32>
      %get3A_437 = arith.constant 11 : i32
      %get3A_438 = arith.index_cast %get3A_437 : i32 to index
      %get3A_439 = arith.index_cast %mul3A_380 : i32 to index
      %get3A_440 = tpu.vector_load %arg8[%get3A_438, %get3A_439] {strides = array<i32>} : memref<22x128xi32, #tpu.memory_space<vmem>>, vector<16xi32>,
      %add3A_441 = arith.constant 132 : i32
      %add3A_442 = vector.broadcast %add3A_441 : i32 to vector<16xi32>
      %add3A_443 = arith.addi %get3A_440, %add3A_442 : vector<16xi32>
      %get3A_444 = arith.constant 12 : i32
      %get3A_445 = arith.index_cast %get3A_444 : i32 to index
      %get3A_446 = arith.index_cast %mul3A_380 : i32 to index
      %get3A_447 = tpu.vector_load %arg8[%get3A_445, %get3A_446] {strides = array<i32>} : memref<22x128xi32, #tpu.memory_space<vmem>>, vector<16xi32>,
      %add3A_448 = arith.constant 144 : i32
      %add3A_449 = vector.broadcast %add3A_448 : i32 to vector<16xi32>
      %add3A_450 = arith.addi %get3A_447, %add3A_449 : vector<16xi32>
      %get3A_451 = arith.constant 13 : i32
      %get3A_452 = arith.index_cast %get3A_451 : i32 to index
      %get3A_453 = arith.index_cast %mul3A_380 : i32 to index
      %get3A_454 = tpu.vector_load %arg8[%get3A_452, %get3A_453] {strides = array<i32>} : memref<22x128xi32, #tpu.memory_space<vmem>>, vector<16xi32>,
      %add3A_455 = arith.constant 156 : i32
      %add3A_456 = vector.broadcast %add3A_455 : i32 to vector<16xi32>
      %add3A_457 = arith.addi %get3A_454, %add3A_456 : vector<16xi32>
      %get3A_458 = arith.constant 14 : i32
      %get3A_459 = arith.index_cast %get3A_458 : i32 to index
      %get3A_460 = arith.index_cast %mul3A_380 : i32 to index
      %get3A_461 = tpu.vector_load %arg8[%get3A_459, %get3A_460] {strides = array<i32>} : memref<22x128xi32, #tpu.memory_space<vmem>>, vector<16xi32>,
      %add3A_462 = arith.constant 168 : i32
      %add3A_463 = vector.broadcast %add3A_462 : i32 to vector<16xi32>
      %add3A_464 = arith.addi %get3A_461, %add3A_463 : vector<16xi32>
      %get3A_465 = arith.constant 15 : i32
      %get3A_466 = arith.index_cast %get3A_465 : i32 to index
      %get3A_467 = arith.index_cast %mul3A_380 : i32 to index
      %get3A_468 = tpu.vector_load %arg8[%get3A_466, %get3A_467] {strides = array<i32>} : memref<22x128xi32, #tpu.memory_space<vmem>>, vector<16xi32>,
      %add3A_469 = arith.constant 180 : i32
      %add3A_470 = vector.broadcast %add3A_469 : i32 to vector<16xi32>
      %add3A_471 = arith.addi %get3A_468, %add3A_470 : vector<16xi32>
      %get3A_472 = arith.constant 16 : i32
      %get3A_473 = arith.index_cast %get3A_472 : i32 to index
      %get3A_474 = arith.index_cast %mul3A_380 : i32 to index
      %get3A_475 = tpu.vector_load %arg8[%get3A_473, %get3A_474] {strides = array<i32>} : memref<22x128xi32, #tpu.memory_space<vmem>>, vector<16xi32>,
      %add3A_476 = arith.constant 192 : i32
      %add3A_477 = vector.broadcast %add3A_476 : i32 to vector<16xi32>
      %add3A_478 = arith.addi %get3A_475, %add3A_477 : vector<16xi32>
      %get3A_479 = arith.constant 17 : i32
      %get3A_480 = arith.index_cast %get3A_479 : i32 to index
      %get3A_481 = arith.index_cast %mul3A_380 : i32 to index
      %get3A_482 = tpu.vector_load %arg8[%get3A_480, %get3A_481] {strides = array<i32>} : memref<22x128xi32, #tpu.memory_space<vmem>>, vector<16xi32>,
      %add3A_483 = arith.constant 204 : i32
      %add3A_484 = vector.broadcast %add3A_483 : i32 to vector<16xi32>
      %add3A_485 = arith.addi %get3A_482, %add3A_484 : vector<16xi32>
      %get3A_486 = arith.constant 18 : i32
      %get3A_487 = arith.index_cast %get3A_486 : i32 to index
      %get3A_488 = arith.index_cast %mul3A_380 : i32 to index
      %get3A_489 = tpu.vector_load %arg8[%get3A_487, %get3A_488] {strides = array<i32>} : memref<22x128xi32, #tpu.memory_space<vmem>>, vector<16xi32>,
      %add3A_490 = arith.constant 216 : i32
      %add3A_491 = vector.broadcast %add3A_490 : i32 to vector<16xi32>
      %add3A_492 = arith.addi %get3A_489, %add3A_491 : vector<16xi32>
      %get3A_493 = arith.constant 19 : i32
      %get3A_494 = arith.index_cast %get3A_493 : i32 to index
      %get3A_495 = arith.index_cast %mul3A_380 : i32 to index
      %get3A_496 = tpu.vector_load %arg8[%get3A_494, %get3A_495] {strides = array<i32>} : memref<22x128xi32, #tpu.memory_space<vmem>>, vector<16xi32>,
      %add3A_497 = arith.constant 228 : i32
      %add3A_498 = vector.broadcast %add3A_497 : i32 to vector<16xi32>
      %add3A_499 = arith.addi %get3A_496, %add3A_498 : vector<16xi32>
      %get3A_500 = arith.constant 20 : i32
      %get3A_501 = arith.index_cast %get3A_500 : i32 to index
      %get3A_502 = arith.index_cast %mul3A_380 : i32 to index
      %get3A_503 = tpu.vector_load %arg8[%get3A_501, %get3A_502] {strides = array<i32>} : memref<22x128xi32, #tpu.memory_space<vmem>>, vector<16xi32>,
      %add3A_504 = arith.constant 240 : i32
      %add3A_505 = vector.broadcast %add3A_504 : i32 to vector<16xi32>
      %add3A_506 = arith.addi %get3A_503, %add3A_505 : vector<16xi32>
      %get3A_507 = arith.constant 21 : i32
      %get3A_508 = arith.index_cast %get3A_507 : i32 to index
      %get3A_509 = arith.index_cast %mul3A_380 : i32 to index
      %get3A_510 = tpu.vector_load %arg8[%get3A_508, %get3A_509] {strides = array<i32>} : memref<22x128xi32, #tpu.memory_space<vmem>>, vector<16xi32>,
      %add3A_511 = arith.constant 252 : i32
      %add3A_512 = vector.broadcast %add3A_511 : i32 to vector<16xi32>
      %add3A_513 = arith.addi %get3A_510, %add3A_512 : vector<16xi32>
      %broadcast_in_dim3A_514 = arith.constant 0.000000e+00 : f32
      %broadcast_in_dim3A_515 = vector.broadcast %broadcast_in_dim3A_514 : f32 to vector<16xf32>
      %broadcast_in_dim3A_516 = arith.constant 0.000000e+00 : f32
      %broadcast_in_dim3A_517 = vector.broadcast %broadcast_in_dim3A_516 : f32 to vector<16xf32>
      %broadcast_in_dim3A_518 = arith.constant 0.000000e+00 : f32
      %broadcast_in_dim3A_519 = vector.broadcast %broadcast_in_dim3A_518 : f32 to vector<16xf32>
      %broadcast_in_dim3A_520 = arith.constant 0.000000e+00 : f32
      %broadcast_in_dim3A_521 = vector.broadcast %broadcast_in_dim3A_520 : f32 to vector<16xf32>
      %mul3A_522 = arith.constant 264 : i32
      %mul3A_523 = vector.broadcast %mul3A_522 : i32 to vector<16xi32>
      %mul3A_524 = arith.muli %add3A_387, %mul3A_523 : vector<16xi32>
      %add3A_525 = arith.constant 3168 : i32
      %add3A_526 = vector.broadcast %add3A_525 : i32 to vector<16xi32>
      %add3A_527 = arith.addi %mul3A_524, %add3A_526 : vector<16xi32>
      %add3A_528 = arith.addi %add3A_527, %add3A_387 : vector<16xi32>
      %gather3A = tpu.vector_load_idx %arg7[%add3A_528] : memref<92928xf32, #tpu.memory_space<vmem>>[vector<16xi32>], vector<16xf32>,
      %add3A_529 = arith.addf %broadcast_in_dim3A_515, %gather3A : vector<16xf32>
      %add3A_530 = arith.addi %add3A_527, %add3A_394 : vector<16xi32>
      %gather3A_531 = tpu.vector_load_idx %arg7[%add3A_530] : memref<92928xf32, #tpu.memory_space<vmem>>[vector<16xi32>], vector<16xf32>,
      %add3A_532 = arith.addf %broadcast_in_dim3A_517, %gather3A_531 : vector<16xf32>
      %add3A_533 = arith.addi %add3A_527, %add3A_401 : vector<16xi32>
      %gather3A_534 = tpu.vector_load_idx %arg7[%add3A_533] : memref<92928xf32, #tpu.memory_space<vmem>>[vector<16xi32>], vector<16xf32>,
      %add3A_535 = arith.addf %broadcast_in_dim3A_519, %gather3A_534 : vector<16xf32>
      %add3A_536 = arith.addi %add3A_527, %add3A_408 : vector<16xi32>
      %gather3A_537 = tpu.vector_load_idx %arg7[%add3A_536] : memref<92928xf32, #tpu.memory_space<vmem>>[vector<16xi32>], vector<16xf32>,
      %add3A_538 = arith.addf %broadcast_in_dim3A_521, %gather3A_537 : vector<16xf32>
      %add3A_539 = arith.addi %add3A_527, %add3A_415 : vector<16xi32>
      %gather3A_540 = tpu.vector_load_idx %arg7[%add3A_539] : memref<92928xf32, #tpu.memory_space<vmem>>[vector<16xi32>], vector<16xf32>,
      %add3A_541 = arith.addf %add3A_529, %gather3A_540 : vector<16xf32>
      %add3A_542 = arith.addi %add3A_527, %add3A_422 : vector<16xi32>
      %gather3A_543 = tpu.vector_load_idx %arg7[%add3A_542] : memref<92928xf32, #tpu.memory_space<vmem>>[vector<16xi32>], vector<16xf32>,
      %add3A_544 = arith.addf %add3A_532, %gather3A_543 : vector<16xf32>
      %add3A_545 = arith.addi %add3A_527, %add3A_429 : vector<16xi32>
      %gather3A_546 = tpu.vector_load_idx %arg7[%add3A_545] : memref<92928xf32, #tpu.memory_space<vmem>>[vector<16xi32>], vector<16xf32>,
      %add3A_547 = arith.addf %add3A_535, %gather3A_546 : vector<16xf32>
      %add3A_548 = arith.addi %add3A_527, %add3A_436 : vector<16xi32>
      %gather3A_549 = tpu.vector_load_idx %arg7[%add3A_548] : memref<92928xf32, #tpu.memory_space<vmem>>[vector<16xi32>], vector<16xf32>,
      %add3A_550 = arith.addf %add3A_538, %gather3A_549 : vector<16xf32>
      %add3A_551 = arith.addi %add3A_527, %add3A_443 : vector<16xi32>
      %gather3A_552 = tpu.vector_load_idx %arg7[%add3A_551] : memref<92928xf32, #tpu.memory_space<vmem>>[vector<16xi32>], vector<16xf32>,
      %add3A_553 = arith.addf %add3A_541, %gather3A_552 : vector<16xf32>
      %add3A_554 = arith.addi %add3A_527, %add3A_450 : vector<16xi32>
      %gather3A_555 = tpu.vector_load_idx %arg7[%add3A_554] : memref<92928xf32, #tpu.memory_space<vmem>>[vector<16xi32>], vector<16xf32>,
      %add3A_556 = arith.addf %add3A_544, %gather3A_555 : vector<16xf32>
      %add3A_557 = arith.addi %add3A_527, %add3A_457 : vector<16xi32>
      %gather3A_558 = tpu.vector_load_idx %arg7[%add3A_557] : memref<92928xf32, #tpu.memory_space<vmem>>[vector<16xi32>], vector<16xf32>,
      %add3A_559 = arith.addf %add3A_547, %gather3A_558 : vector<16xf32>
      %add3A_560 = arith.addi %add3A_527, %add3A_464 : vector<16xi32>
      %gather3A_561 = tpu.vector_load_idx %arg7[%add3A_560] : memref<92928xf32, #tpu.memory_space<vmem>>[vector<16xi32>], vector<16xf32>,
      %add3A_562 = arith.addf %add3A_550, %gather3A_561 : vector<16xf32>
      %add3A_563 = arith.addi %add3A_527, %add3A_471 : vector<16xi32>
      %gather3A_564 = tpu.vector_load_idx %arg7[%add3A_563] : memref<92928xf32, #tpu.memory_space<vmem>>[vector<16xi32>], vector<16xf32>,
      %add3A_565 = arith.addf %add3A_553, %gather3A_564 : vector<16xf32>
      %add3A_566 = arith.addi %add3A_527, %add3A_478 : vector<16xi32>
      %gather3A_567 = tpu.vector_load_idx %arg7[%add3A_566] : memref<92928xf32, #tpu.memory_space<vmem>>[vector<16xi32>], vector<16xf32>,
      %add3A_568 = arith.addf %add3A_556, %gather3A_567 : vector<16xf32>
      %add3A_569 = arith.addi %add3A_527, %add3A_485 : vector<16xi32>
      %gather3A_570 = tpu.vector_load_idx %arg7[%add3A_569] : memref<92928xf32, #tpu.memory_space<vmem>>[vector<16xi32>], vector<16xf32>,
      %add3A_571 = arith.addf %add3A_559, %gather3A_570 : vector<16xf32>
      %add3A_572 = arith.addi %add3A_527, %add3A_492 : vector<16xi32>
      %gather3A_573 = tpu.vector_load_idx %arg7[%add3A_572] : memref<92928xf32, #tpu.memory_space<vmem>>[vector<16xi32>], vector<16xf32>,
      %add3A_574 = arith.addf %add3A_562, %gather3A_573 : vector<16xf32>
      %add3A_575 = arith.addi %add3A_527, %add3A_499 : vector<16xi32>
      %gather3A_576 = tpu.vector_load_idx %arg7[%add3A_575] : memref<92928xf32, #tpu.memory_space<vmem>>[vector<16xi32>], vector<16xf32>,
      %add3A_577 = arith.addf %add3A_565, %gather3A_576 : vector<16xf32>
      %add3A_578 = arith.addi %add3A_527, %add3A_506 : vector<16xi32>
      %gather3A_579 = tpu.vector_load_idx %arg7[%add3A_578] : memref<92928xf32, #tpu.memory_space<vmem>>[vector<16xi32>], vector<16xf32>,
      %add3A_580 = arith.addf %add3A_568, %gather3A_579 : vector<16xf32>
      %add3A_581 = arith.addi %add3A_527, %add3A_513 : vector<16xi32>
      %gather3A_582 = tpu.vector_load_idx %arg7[%add3A_581] : memref<92928xf32, #tpu.memory_space<vmem>>[vector<16xi32>], vector<16xf32>,
      %add3A_583 = arith.addf %add3A_571, %gather3A_582 : vector<16xf32>
      %mul3A_584 = arith.constant 264 : i32
      %mul3A_585 = vector.broadcast %mul3A_584 : i32 to vector<16xi32>
      %mul3A_586 = arith.muli %add3A_394, %mul3A_585 : vector<16xi32>
      %add3A_587 = arith.constant 4224 : i32
      %add3A_588 = vector.broadcast %add3A_587 : i32 to vector<16xi32>
      %add3A_589 = arith.addi %mul3A_586, %add3A_588 : vector<16xi32>
      %add3A_590 = arith.addi %add3A_589, %add3A_394 : vector<16xi32>
      %gather3A_591 = tpu.vector_load_idx %arg7[%add3A_590] : memref<92928xf32, #tpu.memory_space<vmem>>[vector<16xi32>], vector<16xf32>,
      %add3A_592 = arith.addf %add3A_574, %gather3A_591 : vector<16xf32>
      %add3A_593 = arith.addi %add3A_589, %add3A_401 : vector<16xi32>
      %gather3A_594 = tpu.vector_load_idx %arg7[%add3A_593] : memref<92928xf32, #tpu.memory_space<vmem>>[vector<16xi32>], vector<16xf32>,
      %add3A_595 = arith.addf %add3A_577, %gather3A_594 : vector<16xf32>
      %add3A_596 = arith.addi %add3A_589, %add3A_408 : vector<16xi32>
      %gather3A_597 = tpu.vector_load_idx %arg7[%add3A_596] : memref<92928xf32, #tpu.memory_space<vmem>>[vector<16xi32>], vector<16xf32>,
      %add3A_598 = arith.addf %add3A_580, %gather3A_597 : vector<16xf32>
      %add3A_599 = arith.addi %add3A_589, %add3A_415 : vector<16xi32>
      %gather3A_600 = tpu.vector_load_idx %arg7[%add3A_599] : memref<92928xf32, #tpu.memory_space<vmem>>[vector<16xi32>], vector<16xf32>,
      %add3A_601 = arith.addf %add3A_583, %gather3A_600 : vector<16xf32>
      %add3A_602 = arith.addi %add3A_589, %add3A_422 : vector<16xi32>
      %gather3A_603 = tpu.vector_load_idx %arg7[%add3A_602] : memref<92928xf32, #tpu.memory_space<vmem>>[vector<16xi32>], vector<16xf32>,
      %add3A_604 = arith.addf %add3A_592, %gather3A_603 : vector<16xf32>
      %add3A_605 = arith.addi %add3A_589, %add3A_429 : vector<16xi32>
      %gather3A_606 = tpu.vector_load_idx %arg7[%add3A_605] : memref<92928xf32, #tpu.memory_space<vmem>>[vector<16xi32>], vector<16xf32>,
      %add3A_607 = arith.addf %add3A_595, %gather3A_606 : vector<16xf32>
      %add3A_608 = arith.addi %add3A_589, %add3A_436 : vector<16xi32>
      %gather3A_609 = tpu.vector_load_idx %arg7[%add3A_608] : memref<92928xf32, #tpu.memory_space<vmem>>[vector<16xi32>], vector<16xf32>,
      %add3A_610 = arith.addf %add3A_598, %gather3A_609 : vector<16xf32>
      %add3A_611 = arith.addi %add3A_589, %add3A_443 : vector<16xi32>
      %gather3A_612 = tpu.vector_load_idx %arg7[%add3A_611] : memref<92928xf32, #tpu.memory_space<vmem>>[vector<16xi32>], vector<16xf32>,
      %add3A_613 = arith.addf %add3A_601, %gather3A_612 : vector<16xf32>
      %add3A_614 = arith.addi %add3A_589, %add3A_450 : vector<16xi32>
      %gather3A_615 = tpu.vector_load_idx %arg7[%add3A_614] : memref<92928xf32, #tpu.memory_space<vmem>>[vector<16xi32>], vector<16xf32>,
      %add3A_616 = arith.addf %add3A_604, %gather3A_615 : vector<16xf32>
      %add3A_617 = arith.addi %add3A_589, %add3A_457 : vector<16xi32>
      %gather3A_618 = tpu.vector_load_idx %arg7[%add3A_617] : memref<92928xf32, #tpu.memory_space<vmem>>[vector<16xi32>], vector<16xf32>,
      %add3A_619 = arith.addf %add3A_607, %gather3A_618 : vector<16xf32>
      %add3A_620 = arith.addi %add3A_589, %add3A_464 : vector<16xi32>
      %gather3A_621 = tpu.vector_load_idx %arg7[%add3A_620] : memref<92928xf32, #tpu.memory_space<vmem>>[vector<16xi32>], vector<16xf32>,
      %add3A_622 = arith.addf %add3A_610, %gather3A_621 : vector<16xf32>
      %add3A_623 = arith.addi %add3A_589, %add3A_471 : vector<16xi32>
      %gather3A_624 = tpu.vector_load_idx %arg7[%add3A_623] : memref<92928xf32, #tpu.memory_space<vmem>>[vector<16xi32>], vector<16xf32>,
      %add3A_625 = arith.addf %add3A_613, %gather3A_624 : vector<16xf32>
      %add3A_626 = arith.addi %add3A_589, %add3A_478 : vector<16xi32>
      %gather3A_627 = tpu.vector_load_idx %arg7[%add3A_626] : memref<92928xf32, #tpu.memory_space<vmem>>[vector<16xi32>], vector<16xf32>,
      %add3A_628 = arith.addf %add3A_616, %gather3A_627 : vector<16xf32>
      %add3A_629 = arith.addi %add3A_589, %add3A_485 : vector<16xi32>
      %gather3A_630 = tpu.vector_load_idx %arg7[%add3A_629] : memref<92928xf32, #tpu.memory_space<vmem>>[vector<16xi32>], vector<16xf32>,
      %add3A_631 = arith.addf %add3A_619, %gather3A_630 : vector<16xf32>
      %add3A_632 = arith.addi %add3A_589, %add3A_492 : vector<16xi32>
      %gather3A_633 = tpu.vector_load_idx %arg7[%add3A_632] : memref<92928xf32, #tpu.memory_space<vmem>>[vector<16xi32>], vector<16xf32>,
      %add3A_634 = arith.addf %add3A_622, %gather3A_633 : vector<16xf32>
      %add3A_635 = arith.addi %add3A_589, %add3A_499 : vector<16xi32>
      %gather3A_636 = tpu.vector_load_idx %arg7[%add3A_635] : memref<92928xf32, #tpu.memory_space<vmem>>[vector<16xi32>], vector<16xf32>,
      %add3A_637 = arith.addf %add3A_625, %gather3A_636 : vector<16xf32>
      %add3A_638 = arith.addi %add3A_589, %add3A_506 : vector<16xi32>
      %gather3A_639 = tpu.vector_load_idx %arg7[%add3A_638] : memref<92928xf32, #tpu.memory_space<vmem>>[vector<16xi32>], vector<16xf32>,
      %add3A_640 = arith.addf %add3A_628, %gather3A_639 : vector<16xf32>
      %add3A_641 = arith.addi %add3A_589, %add3A_513 : vector<16xi32>
      %gather3A_642 = tpu.vector_load_idx %arg7[%add3A_641] : memref<92928xf32, #tpu.memory_space<vmem>>[vector<16xi32>], vector<16xf32>,
      %add3A_643 = arith.addf %add3A_631, %gather3A_642 : vector<16xf32>
      %mul3A_644 = arith.constant 264 : i32
      %mul3A_645 = vector.broadcast %mul3A_644 : i32 to vector<16xi32>
      %mul3A_646 = arith.muli %add3A_401, %mul3A_645 : vector<16xi32>
      %add3A_647 = arith.constant 5280 : i32
      %add3A_648 = vector.broadcast %add3A_647 : i32 to vector<16xi32>
      %add3A_649 = arith.addi %mul3A_646, %add3A_648 : vector<16xi32>
      %add3A_650 = arith.addi %add3A_649, %add3A_401 : vector<16xi32>
      %gather3A_651 = tpu.vector_load_idx %arg7[%add3A_650] : memref<92928xf32, #tpu.memory_space<vmem>>[vector<16xi32>], vector<16xf32>,
      %add3A_652 = arith.addf %add3A_634, %gather3A_651 : vector<16xf32>
      %add3A_653 = arith.addi %add3A_649, %add3A_408 : vector<16xi32>
      %gather3A_654 = tpu.vector_load_idx %arg7[%add3A_653] : memref<92928xf32, #tpu.memory_space<vmem>>[vector<16xi32>], vector<16xf32>,
      %add3A_655 = arith.addf %add3A_637, %gather3A_654 : vector<16xf32>
      %add3A_656 = arith.addi %add3A_649, %add3A_415 : vector<16xi32>
      %gather3A_657 = tpu.vector_load_idx %arg7[%add3A_656] : memref<92928xf32, #tpu.memory_space<vmem>>[vector<16xi32>], vector<16xf32>,
      %add3A_658 = arith.addf %add3A_640, %gather3A_657 : vector<16xf32>
      %add3A_659 = arith.addi %add3A_649, %add3A_422 : vector<16xi32>
      %gather3A_660 = tpu.vector_load_idx %arg7[%add3A_659] : memref<92928xf32, #tpu.memory_space<vmem>>[vector<16xi32>], vector<16xf32>,
      %add3A_661 = arith.addf %add3A_643, %gather3A_660 : vector<16xf32>
      %add3A_662 = arith.addi %add3A_649, %add3A_429 : vector<16xi32>
      %gather3A_663 = tpu.vector_load_idx %arg7[%add3A_662] : memref<92928xf32, #tpu.memory_space<vmem>>[vector<16xi32>], vector<16xf32>,
      %add3A_664 = arith.addf %add3A_652, %gather3A_663 : vector<16xf32>
      %add3A_665 = arith.addi %add3A_649, %add3A_436 : vector<16xi32>
      %gather3A_666 = tpu.vector_load_idx %arg7[%add3A_665] : memref<92928xf32, #tpu.memory_space<vmem>>[vector<16xi32>], vector<16xf32>,
      %add3A_667 = arith.addf %add3A_655, %gather3A_666 : vector<16xf32>
      %add3A_668 = arith.addi %add3A_649, %add3A_443 : vector<16xi32>
      %gather3A_669 = tpu.vector_load_idx %arg7[%add3A_668] : memref<92928xf32, #tpu.memory_space<vmem>>[vector<16xi32>], vector<16xf32>,
      %add3A_670 = arith.addf %add3A_658, %gather3A_669 : vector<16xf32>
      %add3A_671 = arith.addi %add3A_649, %add3A_450 : vector<16xi32>
      %gather3A_672 = tpu.vector_load_idx %arg7[%add3A_671] : memref<92928xf32, #tpu.memory_space<vmem>>[vector<16xi32>], vector<16xf32>,
      %add3A_673 = arith.addf %add3A_661, %gather3A_672 : vector<16xf32>
      %add3A_674 = arith.addi %add3A_649, %add3A_457 : vector<16xi32>
      %gather3A_675 = tpu.vector_load_idx %arg7[%add3A_674] : memref<92928xf32, #tpu.memory_space<vmem>>[vector<16xi32>], vector<16xf32>,
      %add3A_676 = arith.addf %add3A_664, %gather3A_675 : vector<16xf32>
      %add3A_677 = arith.addi %add3A_649, %add3A_464 : vector<16xi32>
      %gather3A_678 = tpu.vector_load_idx %arg7[%add3A_677] : memref<92928xf32, #tpu.memory_space<vmem>>[vector<16xi32>], vector<16xf32>,
      %add3A_679 = arith.addf %add3A_667, %gather3A_678 : vector<16xf32>
      %add3A_680 = arith.addi %add3A_649, %add3A_471 : vector<16xi32>
      %gather3A_681 = tpu.vector_load_idx %arg7[%add3A_680] : memref<92928xf32, #tpu.memory_space<vmem>>[vector<16xi32>], vector<16xf32>,
      %add3A_682 = arith.addf %add3A_670, %gather3A_681 : vector<16xf32>
      %add3A_683 = arith.addi %add3A_649, %add3A_478 : vector<16xi32>
      %gather3A_684 = tpu.vector_load_idx %arg7[%add3A_683] : memref<92928xf32, #tpu.memory_space<vmem>>[vector<16xi32>], vector<16xf32>,
      %add3A_685 = arith.addf %add3A_673, %gather3A_684 : vector<16xf32>
      %add3A_686 = arith.addi %add3A_649, %add3A_485 : vector<16xi32>
      %gather3A_687 = tpu.vector_load_idx %arg7[%add3A_686] : memref<92928xf32, #tpu.memory_space<vmem>>[vector<16xi32>], vector<16xf32>,
      %add3A_688 = arith.addf %add3A_676, %gather3A_687 : vector<16xf32>
      %add3A_689 = arith.addi %add3A_649, %add3A_492 : vector<16xi32>
      %gather3A_690 = tpu.vector_load_idx %arg7[%add3A_689] : memref<92928xf32, #tpu.memory_space<vmem>>[vector<16xi32>], vector<16xf32>,
      %add3A_691 = arith.addf %add3A_679, %gather3A_690 : vector<16xf32>
      %add3A_692 = arith.addi %add3A_649, %add3A_499 : vector<16xi32>
      %gather3A_693 = tpu.vector_load_idx %arg7[%add3A_692] : memref<92928xf32, #tpu.memory_space<vmem>>[vector<16xi32>], vector<16xf32>,
      %add3A_694 = arith.addf %add3A_682, %gather3A_693 : vector<16xf32>
      %add3A_695 = arith.addi %add3A_649, %add3A_506 : vector<16xi32>
      %gather3A_696 = tpu.vector_load_idx %arg7[%add3A_695] : memref<92928xf32, #tpu.memory_space<vmem>>[vector<16xi32>], vector<16xf32>,
      %add3A_697 = arith.addf %add3A_685, %gather3A_696 : vector<16xf32>
      %add3A_698 = arith.addi %add3A_649, %add3A_513 : vector<16xi32>
      %gather3A_699 = tpu.vector_load_idx %arg7[%add3A_698] : memref<92928xf32, #tpu.memory_space<vmem>>[vector<16xi32>], vector<16xf32>,
      %add3A_700 = arith.addf %add3A_688, %gather3A_699 : vector<16xf32>
      %mul3A_701 = arith.constant 264 : i32
      %mul3A_702 = vector.broadcast %mul3A_701 : i32 to vector<16xi32>
      %mul3A_703 = arith.muli %add3A_408, %mul3A_702 : vector<16xi32>
      %add3A_704 = arith.constant 6336 : i32
      %add3A_705 = vector.broadcast %add3A_704 : i32 to vector<16xi32>
      %add3A_706 = arith.addi %mul3A_703, %add3A_705 : vector<16xi32>
      %add3A_707 = arith.addi %add3A_706, %add3A_408 : vector<16xi32>
      %gather3A_708 = tpu.vector_load_idx %arg7[%add3A_707] : memref<92928xf32, #tpu.memory_space<vmem>>[vector<16xi32>], vector<16xf32>,
      %add3A_709 = arith.addf %add3A_691, %gather3A_708 : vector<16xf32>
      %add3A_710 = arith.addi %add3A_706, %add3A_415 : vector<16xi32>
      %gather3A_711 = tpu.vector_load_idx %arg7[%add3A_710] : memref<92928xf32, #tpu.memory_space<vmem>>[vector<16xi32>], vector<16xf32>,
      %add3A_712 = arith.addf %add3A_694, %gather3A_711 : vector<16xf32>
      %add3A_713 = arith.addi %add3A_706, %add3A_422 : vector<16xi32>
      %gather3A_714 = tpu.vector_load_idx %arg7[%add3A_713] : memref<92928xf32, #tpu.memory_space<vmem>>[vector<16xi32>], vector<16xf32>,
      %add3A_715 = arith.addf %add3A_697, %gather3A_714 : vector<16xf32>
      %add3A_716 = arith.addi %add3A_706, %add3A_429 : vector<16xi32>
      %gather3A_717 = tpu.vector_load_idx %arg7[%add3A_716] : memref<92928xf32, #tpu.memory_space<vmem>>[vector<16xi32>], vector<16xf32>,
      %add3A_718 = arith.addf %add3A_700, %gather3A_717 : vector<16xf32>
      %add3A_719 = arith.addi %add3A_706, %add3A_436 : vector<16xi32>
      %gather3A_720 = tpu.vector_load_idx %arg7[%add3A_719] : memref<92928xf32, #tpu.memory_space<vmem>>[vector<16xi32>], vector<16xf32>,
      %add3A_721 = arith.addf %add3A_709, %gather3A_720 : vector<16xf32>
      %add3A_722 = arith.addi %add3A_706, %add3A_443 : vector<16xi32>
      %gather3A_723 = tpu.vector_load_idx %arg7[%add3A_722] : memref<92928xf32, #tpu.memory_space<vmem>>[vector<16xi32>], vector<16xf32>,
      %add3A_724 = arith.addf %add3A_712, %gather3A_723 : vector<16xf32>
      %add3A_725 = arith.addi %add3A_706, %add3A_450 : vector<16xi32>
      %gather3A_726 = tpu.vector_load_idx %arg7[%add3A_725] : memref<92928xf32, #tpu.memory_space<vmem>>[vector<16xi32>], vector<16xf32>,
      %add3A_727 = arith.addf %add3A_715, %gather3A_726 : vector<16xf32>
      %add3A_728 = arith.addi %add3A_706, %add3A_457 : vector<16xi32>
      %gather3A_729 = tpu.vector_load_idx %arg7[%add3A_728] : memref<92928xf32, #tpu.memory_space<vmem>>[vector<16xi32>], vector<16xf32>,
      %add3A_730 = arith.addf %add3A_718, %gather3A_729 : vector<16xf32>
      %add3A_731 = arith.addi %add3A_706, %add3A_464 : vector<16xi32>
      %gather3A_732 = tpu.vector_load_idx %arg7[%add3A_731] : memref<92928xf32, #tpu.memory_space<vmem>>[vector<16xi32>], vector<16xf32>,
      %add3A_733 = arith.addf %add3A_721, %gather3A_732 : vector<16xf32>
      %add3A_734 = arith.addi %add3A_706, %add3A_471 : vector<16xi32>
      %gather3A_735 = tpu.vector_load_idx %arg7[%add3A_734] : memref<92928xf32, #tpu.memory_space<vmem>>[vector<16xi32>], vector<16xf32>,
      %add3A_736 = arith.addf %add3A_724, %gather3A_735 : vector<16xf32>
      %add3A_737 = arith.addi %add3A_706, %add3A_478 : vector<16xi32>
      %gather3A_738 = tpu.vector_load_idx %arg7[%add3A_737] : memref<92928xf32, #tpu.memory_space<vmem>>[vector<16xi32>], vector<16xf32>,
      %add3A_739 = arith.addf %add3A_727, %gather3A_738 : vector<16xf32>
      %add3A_740 = arith.addi %add3A_706, %add3A_485 : vector<16xi32>
      %gather3A_741 = tpu.vector_load_idx %arg7[%add3A_740] : memref<92928xf32, #tpu.memory_space<vmem>>[vector<16xi32>], vector<16xf32>,
      %add3A_742 = arith.addf %add3A_730, %gather3A_741 : vector<16xf32>
      %add3A_743 = arith.addi %add3A_706, %add3A_492 : vector<16xi32>
      %gather3A_744 = tpu.vector_load_idx %arg7[%add3A_743] : memref<92928xf32, #tpu.memory_space<vmem>>[vector<16xi32>], vector<16xf32>,
      %add3A_745 = arith.addf %add3A_733, %gather3A_744 : vector<16xf32>
      %add3A_746 = arith.addi %add3A_706, %add3A_499 : vector<16xi32>
      %gather3A_747 = tpu.vector_load_idx %arg7[%add3A_746] : memref<92928xf32, #tpu.memory_space<vmem>>[vector<16xi32>], vector<16xf32>,
      %add3A_748 = arith.addf %add3A_736, %gather3A_747 : vector<16xf32>
      %add3A_749 = arith.addi %add3A_706, %add3A_506 : vector<16xi32>
      %gather3A_750 = tpu.vector_load_idx %arg7[%add3A_749] : memref<92928xf32, #tpu.memory_space<vmem>>[vector<16xi32>], vector<16xf32>,
      %add3A_751 = arith.addf %add3A_739, %gather3A_750 : vector<16xf32>
      %add3A_752 = arith.addi %add3A_706, %add3A_513 : vector<16xi32>
      %gather3A_753 = tpu.vector_load_idx %arg7[%add3A_752] : memref<92928xf32, #tpu.memory_space<vmem>>[vector<16xi32>], vector<16xf32>,
      %add3A_754 = arith.addf %add3A_742, %gather3A_753 : vector<16xf32>
      %add3A_755 = arith.addf %add3A_751, %add3A_754 : vector<16xf32>
      %add3A_756 = arith.addf %add3A_745, %add3A_748 : vector<16xf32>
      %add3A_757 = arith.addf %add3A_755, %add3A_756 : vector<16xf32>
      %swap3A_758 = arith.index_cast %mul3A_380 : i32 to index
      %swap3A_759 = tpu.vector_load %arg10[%swap3A_758] {strides = array<i32>} : memref<128xf32, #tpu.memory_space<vmem>>, vector<16xf32>,
      tpu.vector_store %arg10[%swap3A_758], %add3A_757 {add = true, strides = array<i32>} : memref<128xf32, #tpu.memory_space<vmem>>, vector<16xf32>,
    }
    %scan3A_103 = arith.constant 8 : i32
    %dma_wait3A_104 = arith.constant 29568 : i32
    %dma_wait3A_105 = tpu.memref_slice %arg7[%dma_wait3A_104] : memref<92928xf32, #tpu.memory_space<vmem>> -> memref<25344xf32, #tpu.memory_space<vmem>>
    %dma_wait3A_106 = arith.constant 29568 : i32
    %dma_wait3A_107 = tpu.memref_slice %arg2[%dma_wait3A_106] : memref<92928xf32, #tpu.memory_space<hbm>> -> memref<25344xf32, #tpu.memory_space<hbm>>
    %dma_wait3A_108 = arith.constant 29568 : i32
    %dma_wait3A_109 = tpu.memref_slice %arg7[%dma_wait3A_108] : memref<92928xf32, #tpu.memory_space<vmem>> -> memref<25344xf32, #tpu.memory_space<vmem>>
    %dma_wait3A_110 = arith.constant 29568 : i32
    %dma_wait3A_111 = tpu.memref_slice %arg2[%dma_wait3A_110] : memref<92928xf32, #tpu.memory_space<hbm>> -> memref<25344xf32, #tpu.memory_space<hbm>>
    tpu.wait_dma2 semaphore(%arg15 : memref<!tpu.dma_semaphore, #tpu.memory_space<semaphore_mem>>) src(%dma_wait3A_111 : memref<25344xf32, #tpu.memory_space<hbm>>) dst(%dma_wait3A_109 : memref<25344xf32, #tpu.memory_space<vmem>>)
    %scan3A_112 = arith.constant 0 : i32
    %scan3A_113 = arith.constant 0 : i32
    %scan3A_114 = arith.constant 8 : i32
    %scan3A_115 = arith.addi %scan3A_113, %scan3A_114 : i32
    %scan3A_116 = arith.constant 1 : i32
    scf.for %scan3A_378 = %scan3A_113 to %scan3A_115 step %scan3A_116  : i32 {
      %mul3A_379 = arith.constant 16 : i32
      %mul3A_380 = arith.muli %scan3A_378, %mul3A_379 : i32
      %get3A_381 = arith.constant 7 : i32
      %get3A_382 = arith.index_cast %get3A_381 : i32 to index
      %get3A_383 = arith.index_cast %mul3A_380 : i32 to index
      %get3A_384 = tpu.vector_load %arg8[%get3A_382, %get3A_383] {strides = array<i32>} : memref<22x128xi32, #tpu.memory_space<vmem>>, vector<16xi32>,
      %add3A_385 = arith.constant 84 : i32
      %add3A_386 = vector.broadcast %add3A_385 : i32 to vector<16xi32>
      %add3A_387 = arith.addi %get3A_384, %add3A_386 : vector<16xi32>
      %get3A_388 = arith.constant 8 : i32
      %get3A_389 = arith.index_cast %get3A_388 : i32 to index
      %get3A_390 = arith.index_cast %mul3A_380 : i32 to index
      %get3A_391 = tpu.vector_load %arg8[%get3A_389, %get3A_390] {strides = array<i32>} : memref<22x128xi32, #tpu.memory_space<vmem>>, vector<16xi32>,
      %add3A_392 = arith.constant 96 : i32
      %add3A_393 = vector.broadcast %add3A_392 : i32 to vector<16xi32>
      %add3A_394 = arith.addi %get3A_391, %add3A_393 : vector<16xi32>
      %get3A_395 = arith.constant 9 : i32
      %get3A_396 = arith.index_cast %get3A_395 : i32 to index
      %get3A_397 = arith.index_cast %mul3A_380 : i32 to index
      %get3A_398 = tpu.vector_load %arg8[%get3A_396, %get3A_397] {strides = array<i32>} : memref<22x128xi32, #tpu.memory_space<vmem>>, vector<16xi32>,
      %add3A_399 = arith.constant 108 : i32
      %add3A_400 = vector.broadcast %add3A_399 : i32 to vector<16xi32>
      %add3A_401 = arith.addi %get3A_398, %add3A_400 : vector<16xi32>
      %get3A_402 = arith.constant 10 : i32
      %get3A_403 = arith.index_cast %get3A_402 : i32 to index
      %get3A_404 = arith.index_cast %mul3A_380 : i32 to index
      %get3A_405 = tpu.vector_load %arg8[%get3A_403, %get3A_404] {strides = array<i32>} : memref<22x128xi32, #tpu.memory_space<vmem>>, vector<16xi32>,
      %add3A_406 = arith.constant 120 : i32
      %add3A_407 = vector.broadcast %add3A_406 : i32 to vector<16xi32>
      %add3A_408 = arith.addi %get3A_405, %add3A_407 : vector<16xi32>
      %get3A_409 = arith.constant 11 : i32
      %get3A_410 = arith.index_cast %get3A_409 : i32 to index
      %get3A_411 = arith.index_cast %mul3A_380 : i32 to index
      %get3A_412 = tpu.vector_load %arg8[%get3A_410, %get3A_411] {strides = array<i32>} : memref<22x128xi32, #tpu.memory_space<vmem>>, vector<16xi32>,
      %add3A_413 = arith.constant 132 : i32
      %add3A_414 = vector.broadcast %add3A_413 : i32 to vector<16xi32>
      %add3A_415 = arith.addi %get3A_412, %add3A_414 : vector<16xi32>
      %get3A_416 = arith.constant 12 : i32
      %get3A_417 = arith.index_cast %get3A_416 : i32 to index
      %get3A_418 = arith.index_cast %mul3A_380 : i32 to index
      %get3A_419 = tpu.vector_load %arg8[%get3A_417, %get3A_418] {strides = array<i32>} : memref<22x128xi32, #tpu.memory_space<vmem>>, vector<16xi32>,
      %add3A_420 = arith.constant 144 : i32
      %add3A_421 = vector.broadcast %add3A_420 : i32 to vector<16xi32>
      %add3A_422 = arith.addi %get3A_419, %add3A_421 : vector<16xi32>
      %get3A_423 = arith.constant 13 : i32
      %get3A_424 = arith.index_cast %get3A_423 : i32 to index
      %get3A_425 = arith.index_cast %mul3A_380 : i32 to index
      %get3A_426 = tpu.vector_load %arg8[%get3A_424, %get3A_425] {strides = array<i32>} : memref<22x128xi32, #tpu.memory_space<vmem>>, vector<16xi32>,
      %add3A_427 = arith.constant 156 : i32
      %add3A_428 = vector.broadcast %add3A_427 : i32 to vector<16xi32>
      %add3A_429 = arith.addi %get3A_426, %add3A_428 : vector<16xi32>
      %get3A_430 = arith.constant 14 : i32
      %get3A_431 = arith.index_cast %get3A_430 : i32 to index
      %get3A_432 = arith.index_cast %mul3A_380 : i32 to index
      %get3A_433 = tpu.vector_load %arg8[%get3A_431, %get3A_432] {strides = array<i32>} : memref<22x128xi32, #tpu.memory_space<vmem>>, vector<16xi32>,
      %add3A_434 = arith.constant 168 : i32
      %add3A_435 = vector.broadcast %add3A_434 : i32 to vector<16xi32>
      %add3A_436 = arith.addi %get3A_433, %add3A_435 : vector<16xi32>
      %get3A_437 = arith.constant 15 : i32
      %get3A_438 = arith.index_cast %get3A_437 : i32 to index
      %get3A_439 = arith.index_cast %mul3A_380 : i32 to index
      %get3A_440 = tpu.vector_load %arg8[%get3A_438, %get3A_439] {strides = array<i32>} : memref<22x128xi32, #tpu.memory_space<vmem>>, vector<16xi32>,
      %add3A_441 = arith.constant 180 : i32
      %add3A_442 = vector.broadcast %add3A_441 : i32 to vector<16xi32>
      %add3A_443 = arith.addi %get3A_440, %add3A_442 : vector<16xi32>
      %get3A_444 = arith.constant 16 : i32
      %get3A_445 = arith.index_cast %get3A_444 : i32 to index
      %get3A_446 = arith.index_cast %mul3A_380 : i32 to index
      %get3A_447 = tpu.vector_load %arg8[%get3A_445, %get3A_446] {strides = array<i32>} : memref<22x128xi32, #tpu.memory_space<vmem>>, vector<16xi32>,
      %add3A_448 = arith.constant 192 : i32
      %add3A_449 = vector.broadcast %add3A_448 : i32 to vector<16xi32>
      %add3A_450 = arith.addi %get3A_447, %add3A_449 : vector<16xi32>
      %get3A_451 = arith.constant 17 : i32
      %get3A_452 = arith.index_cast %get3A_451 : i32 to index
      %get3A_453 = arith.index_cast %mul3A_380 : i32 to index
      %get3A_454 = tpu.vector_load %arg8[%get3A_452, %get3A_453] {strides = array<i32>} : memref<22x128xi32, #tpu.memory_space<vmem>>, vector<16xi32>,
      %add3A_455 = arith.constant 204 : i32
      %add3A_456 = vector.broadcast %add3A_455 : i32 to vector<16xi32>
      %add3A_457 = arith.addi %get3A_454, %add3A_456 : vector<16xi32>
      %get3A_458 = arith.constant 18 : i32
      %get3A_459 = arith.index_cast %get3A_458 : i32 to index
      %get3A_460 = arith.index_cast %mul3A_380 : i32 to index
      %get3A_461 = tpu.vector_load %arg8[%get3A_459, %get3A_460] {strides = array<i32>} : memref<22x128xi32, #tpu.memory_space<vmem>>, vector<16xi32>,
      %add3A_462 = arith.constant 216 : i32
      %add3A_463 = vector.broadcast %add3A_462 : i32 to vector<16xi32>
      %add3A_464 = arith.addi %get3A_461, %add3A_463 : vector<16xi32>
      %get3A_465 = arith.constant 19 : i32
      %get3A_466 = arith.index_cast %get3A_465 : i32 to index
      %get3A_467 = arith.index_cast %mul3A_380 : i32 to index
      %get3A_468 = tpu.vector_load %arg8[%get3A_466, %get3A_467] {strides = array<i32>} : memref<22x128xi32, #tpu.memory_space<vmem>>, vector<16xi32>,
      %add3A_469 = arith.constant 228 : i32
      %add3A_470 = vector.broadcast %add3A_469 : i32 to vector<16xi32>
      %add3A_471 = arith.addi %get3A_468, %add3A_470 : vector<16xi32>
      %get3A_472 = arith.constant 20 : i32
      %get3A_473 = arith.index_cast %get3A_472 : i32 to index
      %get3A_474 = arith.index_cast %mul3A_380 : i32 to index
      %get3A_475 = tpu.vector_load %arg8[%get3A_473, %get3A_474] {strides = array<i32>} : memref<22x128xi32, #tpu.memory_space<vmem>>, vector<16xi32>,
      %add3A_476 = arith.constant 240 : i32
      %add3A_477 = vector.broadcast %add3A_476 : i32 to vector<16xi32>
      %add3A_478 = arith.addi %get3A_475, %add3A_477 : vector<16xi32>
      %get3A_479 = arith.constant 21 : i32
      %get3A_480 = arith.index_cast %get3A_479 : i32 to index
      %get3A_481 = arith.index_cast %mul3A_380 : i32 to index
      %get3A_482 = tpu.vector_load %arg8[%get3A_480, %get3A_481] {strides = array<i32>} : memref<22x128xi32, #tpu.memory_space<vmem>>, vector<16xi32>,
      %add3A_483 = arith.constant 252 : i32
      %add3A_484 = vector.broadcast %add3A_483 : i32 to vector<16xi32>
      %add3A_485 = arith.addi %get3A_482, %add3A_484 : vector<16xi32>
      %broadcast_in_dim3A_486 = arith.constant 0.000000e+00 : f32
      %broadcast_in_dim3A_487 = vector.broadcast %broadcast_in_dim3A_486 : f32 to vector<16xf32>
      %broadcast_in_dim3A_488 = arith.constant 0.000000e+00 : f32
      %broadcast_in_dim3A_489 = vector.broadcast %broadcast_in_dim3A_488 : f32 to vector<16xf32>
      %broadcast_in_dim3A_490 = arith.constant 0.000000e+00 : f32
      %broadcast_in_dim3A_491 = vector.broadcast %broadcast_in_dim3A_490 : f32 to vector<16xf32>
      %broadcast_in_dim3A_492 = arith.constant 0.000000e+00 : f32
      %broadcast_in_dim3A_493 = vector.broadcast %broadcast_in_dim3A_492 : f32 to vector<16xf32>
      %mul3A_494 = arith.constant 264 : i32
      %mul3A_495 = vector.broadcast %mul3A_494 : i32 to vector<16xi32>
      %mul3A_496 = arith.muli %add3A_387, %mul3A_495 : vector<16xi32>
      %add3A_497 = arith.constant 7392 : i32
      %add3A_498 = vector.broadcast %add3A_497 : i32 to vector<16xi32>
      %add3A_499 = arith.addi %mul3A_496, %add3A_498 : vector<16xi32>
      %add3A_500 = arith.addi %add3A_499, %add3A_387 : vector<16xi32>
      %gather3A = tpu.vector_load_idx %arg7[%add3A_500] : memref<92928xf32, #tpu.memory_space<vmem>>[vector<16xi32>], vector<16xf32>,
      %add3A_501 = arith.addf %broadcast_in_dim3A_487, %gather3A : vector<16xf32>
      %add3A_502 = arith.addi %add3A_499, %add3A_394 : vector<16xi32>
      %gather3A_503 = tpu.vector_load_idx %arg7[%add3A_502] : memref<92928xf32, #tpu.memory_space<vmem>>[vector<16xi32>], vector<16xf32>,
      %add3A_504 = arith.addf %broadcast_in_dim3A_489, %gather3A_503 : vector<16xf32>
      %add3A_505 = arith.addi %add3A_499, %add3A_401 : vector<16xi32>
      %gather3A_506 = tpu.vector_load_idx %arg7[%add3A_505] : memref<92928xf32, #tpu.memory_space<vmem>>[vector<16xi32>], vector<16xf32>,
      %add3A_507 = arith.addf %broadcast_in_dim3A_491, %gather3A_506 : vector<16xf32>
      %add3A_508 = arith.addi %add3A_499, %add3A_408 : vector<16xi32>
      %gather3A_509 = tpu.vector_load_idx %arg7[%add3A_508] : memref<92928xf32, #tpu.memory_space<vmem>>[vector<16xi32>], vector<16xf32>,
      %add3A_510 = arith.addf %broadcast_in_dim3A_493, %gather3A_509 : vector<16xf32>
      %add3A_511 = arith.addi %add3A_499, %add3A_415 : vector<16xi32>
      %gather3A_512 = tpu.vector_load_idx %arg7[%add3A_511] : memref<92928xf32, #tpu.memory_space<vmem>>[vector<16xi32>], vector<16xf32>,
      %add3A_513 = arith.addf %add3A_501, %gather3A_512 : vector<16xf32>
      %add3A_514 = arith.addi %add3A_499, %add3A_422 : vector<16xi32>
      %gather3A_515 = tpu.vector_load_idx %arg7[%add3A_514] : memref<92928xf32, #tpu.memory_space<vmem>>[vector<16xi32>], vector<16xf32>,
      %add3A_516 = arith.addf %add3A_504, %gather3A_515 : vector<16xf32>
      %add3A_517 = arith.addi %add3A_499, %add3A_429 : vector<16xi32>
      %gather3A_518 = tpu.vector_load_idx %arg7[%add3A_517] : memref<92928xf32, #tpu.memory_space<vmem>>[vector<16xi32>], vector<16xf32>,
      %add3A_519 = arith.addf %add3A_507, %gather3A_518 : vector<16xf32>
      %add3A_520 = arith.addi %add3A_499, %add3A_436 : vector<16xi32>
      %gather3A_521 = tpu.vector_load_idx %arg7[%add3A_520] : memref<92928xf32, #tpu.memory_space<vmem>>[vector<16xi32>], vector<16xf32>,
      %add3A_522 = arith.addf %add3A_510, %gather3A_521 : vector<16xf32>
      %add3A_523 = arith.addi %add3A_499, %add3A_443 : vector<16xi32>
      %gather3A_524 = tpu.vector_load_idx %arg7[%add3A_523] : memref<92928xf32, #tpu.memory_space<vmem>>[vector<16xi32>], vector<16xf32>,
      %add3A_525 = arith.addf %add3A_513, %gather3A_524 : vector<16xf32>
      %add3A_526 = arith.addi %add3A_499, %add3A_450 : vector<16xi32>
      %gather3A_527 = tpu.vector_load_idx %arg7[%add3A_526] : memref<92928xf32, #tpu.memory_space<vmem>>[vector<16xi32>], vector<16xf32>,
      %add3A_528 = arith.addf %add3A_516, %gather3A_527 : vector<16xf32>
      %add3A_529 = arith.addi %add3A_499, %add3A_457 : vector<16xi32>
      %gather3A_530 = tpu.vector_load_idx %arg7[%add3A_529] : memref<92928xf32, #tpu.memory_space<vmem>>[vector<16xi32>], vector<16xf32>,
      %add3A_531 = arith.addf %add3A_519, %gather3A_530 : vector<16xf32>
      %add3A_532 = arith.addi %add3A_499, %add3A_464 : vector<16xi32>
      %gather3A_533 = tpu.vector_load_idx %arg7[%add3A_532] : memref<92928xf32, #tpu.memory_space<vmem>>[vector<16xi32>], vector<16xf32>,
      %add3A_534 = arith.addf %add3A_522, %gather3A_533 : vector<16xf32>
      %add3A_535 = arith.addi %add3A_499, %add3A_471 : vector<16xi32>
      %gather3A_536 = tpu.vector_load_idx %arg7[%add3A_535] : memref<92928xf32, #tpu.memory_space<vmem>>[vector<16xi32>], vector<16xf32>,
      %add3A_537 = arith.addf %add3A_525, %gather3A_536 : vector<16xf32>
      %add3A_538 = arith.addi %add3A_499, %add3A_478 : vector<16xi32>
      %gather3A_539 = tpu.vector_load_idx %arg7[%add3A_538] : memref<92928xf32, #tpu.memory_space<vmem>>[vector<16xi32>], vector<16xf32>,
      %add3A_540 = arith.addf %add3A_528, %gather3A_539 : vector<16xf32>
      %add3A_541 = arith.addi %add3A_499, %add3A_485 : vector<16xi32>
      %gather3A_542 = tpu.vector_load_idx %arg7[%add3A_541] : memref<92928xf32, #tpu.memory_space<vmem>>[vector<16xi32>], vector<16xf32>,
      %add3A_543 = arith.addf %add3A_531, %gather3A_542 : vector<16xf32>
      %mul3A_544 = arith.constant 264 : i32
      %mul3A_545 = vector.broadcast %mul3A_544 : i32 to vector<16xi32>
      %mul3A_546 = arith.muli %add3A_394, %mul3A_545 : vector<16xi32>
      %add3A_547 = arith.constant 8448 : i32
      %add3A_548 = vector.broadcast %add3A_547 : i32 to vector<16xi32>
      %add3A_549 = arith.addi %mul3A_546, %add3A_548 : vector<16xi32>
      %add3A_550 = arith.addi %add3A_549, %add3A_394 : vector<16xi32>
      %gather3A_551 = tpu.vector_load_idx %arg7[%add3A_550] : memref<92928xf32, #tpu.memory_space<vmem>>[vector<16xi32>], vector<16xf32>,
      %add3A_552 = arith.addf %add3A_534, %gather3A_551 : vector<16xf32>
      %add3A_553 = arith.addi %add3A_549, %add3A_401 : vector<16xi32>
      %gather3A_554 = tpu.vector_load_idx %arg7[%add3A_553] : memref<92928xf32, #tpu.memory_space<vmem>>[vector<16xi32>], vector<16xf32>,
      %add3A_555 = arith.addf %add3A_537, %gather3A_554 : vector<16xf32>
      %add3A_556 = arith.addi %add3A_549, %add3A_408 : vector<16xi32>
      %gather3A_557 = tpu.vector_load_idx %arg7[%add3A_556] : memref<92928xf32, #tpu.memory_space<vmem>>[vector<16xi32>], vector<16xf32>,
      %add3A_558 = arith.addf %add3A_540, %gather3A_557 : vector<16xf32>
      %add3A_559 = arith.addi %add3A_549, %add3A_415 : vector<16xi32>
      %gather3A_560 = tpu.vector_load_idx %arg7[%add3A_559] : memref<92928xf32, #tpu.memory_space<vmem>>[vector<16xi32>], vector<16xf32>,
      %add3A_561 = arith.addf %add3A_543, %gather3A_560 : vector<16xf32>
      %add3A_562 = arith.addi %add3A_549, %add3A_422 : vector<16xi32>
      %gather3A_563 = tpu.vector_load_idx %arg7[%add3A_562] : memref<92928xf32, #tpu.memory_space<vmem>>[vector<16xi32>], vector<16xf32>,
      %add3A_564 = arith.addf %add3A_552, %gather3A_563 : vector<16xf32>
      %add3A_565 = arith.addi %add3A_549, %add3A_429 : vector<16xi32>
      %gather3A_566 = tpu.vector_load_idx %arg7[%add3A_565] : memref<92928xf32, #tpu.memory_space<vmem>>[vector<16xi32>], vector<16xf32>,
      %add3A_567 = arith.addf %add3A_555, %gather3A_566 : vector<16xf32>
      %add3A_568 = arith.addi %add3A_549, %add3A_436 : vector<16xi32>
      %gather3A_569 = tpu.vector_load_idx %arg7[%add3A_568] : memref<92928xf32, #tpu.memory_space<vmem>>[vector<16xi32>], vector<16xf32>,
      %add3A_570 = arith.addf %add3A_558, %gather3A_569 : vector<16xf32>
      %add3A_571 = arith.addi %add3A_549, %add3A_443 : vector<16xi32>
      %gather3A_572 = tpu.vector_load_idx %arg7[%add3A_571] : memref<92928xf32, #tpu.memory_space<vmem>>[vector<16xi32>], vector<16xf32>,
      %add3A_573 = arith.addf %add3A_561, %gather3A_572 : vector<16xf32>
      %add3A_574 = arith.addi %add3A_549, %add3A_450 : vector<16xi32>
      %gather3A_575 = tpu.vector_load_idx %arg7[%add3A_574] : memref<92928xf32, #tpu.memory_space<vmem>>[vector<16xi32>], vector<16xf32>,
      %add3A_576 = arith.addf %add3A_564, %gather3A_575 : vector<16xf32>
      %add3A_577 = arith.addi %add3A_549, %add3A_457 : vector<16xi32>
      %gather3A_578 = tpu.vector_load_idx %arg7[%add3A_577] : memref<92928xf32, #tpu.memory_space<vmem>>[vector<16xi32>], vector<16xf32>,
      %add3A_579 = arith.addf %add3A_567, %gather3A_578 : vector<16xf32>
      %add3A_580 = arith.addi %add3A_549, %add3A_464 : vector<16xi32>
      %gather3A_581 = tpu.vector_load_idx %arg7[%add3A_580] : memref<92928xf32, #tpu.memory_space<vmem>>[vector<16xi32>], vector<16xf32>,
      %add3A_582 = arith.addf %add3A_570, %gather3A_581 : vector<16xf32>
      %add3A_583 = arith.addi %add3A_549, %add3A_471 : vector<16xi32>
      %gather3A_584 = tpu.vector_load_idx %arg7[%add3A_583] : memref<92928xf32, #tpu.memory_space<vmem>>[vector<16xi32>], vector<16xf32>,
      %add3A_585 = arith.addf %add3A_573, %gather3A_584 : vector<16xf32>
      %add3A_586 = arith.addi %add3A_549, %add3A_478 : vector<16xi32>
      %gather3A_587 = tpu.vector_load_idx %arg7[%add3A_586] : memref<92928xf32, #tpu.memory_space<vmem>>[vector<16xi32>], vector<16xf32>,
      %add3A_588 = arith.addf %add3A_576, %gather3A_587 : vector<16xf32>
      %add3A_589 = arith.addi %add3A_549, %add3A_485 : vector<16xi32>
      %gather3A_590 = tpu.vector_load_idx %arg7[%add3A_589] : memref<92928xf32, #tpu.memory_space<vmem>>[vector<16xi32>], vector<16xf32>,
      %add3A_591 = arith.addf %add3A_579, %gather3A_590 : vector<16xf32>
      %mul3A_592 = arith.constant 264 : i32
      %mul3A_593 = vector.broadcast %mul3A_592 : i32 to vector<16xi32>
      %mul3A_594 = arith.muli %add3A_401, %mul3A_593 : vector<16xi32>
      %add3A_595 = arith.constant 9504 : i32
      %add3A_596 = vector.broadcast %add3A_595 : i32 to vector<16xi32>
      %add3A_597 = arith.addi %mul3A_594, %add3A_596 : vector<16xi32>
      %add3A_598 = arith.addi %add3A_597, %add3A_401 : vector<16xi32>
      %gather3A_599 = tpu.vector_load_idx %arg7[%add3A_598] : memref<92928xf32, #tpu.memory_space<vmem>>[vector<16xi32>], vector<16xf32>,
      %add3A_600 = arith.addf %add3A_582, %gather3A_599 : vector<16xf32>
      %add3A_601 = arith.addi %add3A_597, %add3A_408 : vector<16xi32>
      %gather3A_602 = tpu.vector_load_idx %arg7[%add3A_601] : memref<92928xf32, #tpu.memory_space<vmem>>[vector<16xi32>], vector<16xf32>,
      %add3A_603 = arith.addf %add3A_585, %gather3A_602 : vector<16xf32>
      %add3A_604 = arith.addi %add3A_597, %add3A_415 : vector<16xi32>
      %gather3A_605 = tpu.vector_load_idx %arg7[%add3A_604] : memref<92928xf32, #tpu.memory_space<vmem>>[vector<16xi32>], vector<16xf32>,
      %add3A_606 = arith.addf %add3A_588, %gather3A_605 : vector<16xf32>
      %add3A_607 = arith.addi %add3A_597, %add3A_422 : vector<16xi32>
      %gather3A_608 = tpu.vector_load_idx %arg7[%add3A_607] : memref<92928xf32, #tpu.memory_space<vmem>>[vector<16xi32>], vector<16xf32>,
      %add3A_609 = arith.addf %add3A_591, %gather3A_608 : vector<16xf32>
      %add3A_610 = arith.addi %add3A_597, %add3A_429 : vector<16xi32>
      %gather3A_611 = tpu.vector_load_idx %arg7[%add3A_610] : memref<92928xf32, #tpu.memory_space<vmem>>[vector<16xi32>], vector<16xf32>,
      %add3A_612 = arith.addf %add3A_600, %gather3A_611 : vector<16xf32>
      %add3A_613 = arith.addi %add3A_597, %add3A_436 : vector<16xi32>
      %gather3A_614 = tpu.vector_load_idx %arg7[%add3A_613] : memref<92928xf32, #tpu.memory_space<vmem>>[vector<16xi32>], vector<16xf32>,
      %add3A_615 = arith.addf %add3A_603, %gather3A_614 : vector<16xf32>
      %add3A_616 = arith.addi %add3A_597, %add3A_443 : vector<16xi32>
      %gather3A_617 = tpu.vector_load_idx %arg7[%add3A_616] : memref<92928xf32, #tpu.memory_space<vmem>>[vector<16xi32>], vector<16xf32>,
      %add3A_618 = arith.addf %add3A_606, %gather3A_617 : vector<16xf32>
      %add3A_619 = arith.addi %add3A_597, %add3A_450 : vector<16xi32>
      %gather3A_620 = tpu.vector_load_idx %arg7[%add3A_619] : memref<92928xf32, #tpu.memory_space<vmem>>[vector<16xi32>], vector<16xf32>,
      %add3A_621 = arith.addf %add3A_609, %gather3A_620 : vector<16xf32>
      %add3A_622 = arith.addi %add3A_597, %add3A_457 : vector<16xi32>
      %gather3A_623 = tpu.vector_load_idx %arg7[%add3A_622] : memref<92928xf32, #tpu.memory_space<vmem>>[vector<16xi32>], vector<16xf32>,
      %add3A_624 = arith.addf %add3A_612, %gather3A_623 : vector<16xf32>
      %add3A_625 = arith.addi %add3A_597, %add3A_464 : vector<16xi32>
      %gather3A_626 = tpu.vector_load_idx %arg7[%add3A_625] : memref<92928xf32, #tpu.memory_space<vmem>>[vector<16xi32>], vector<16xf32>,
      %add3A_627 = arith.addf %add3A_615, %gather3A_626 : vector<16xf32>
      %add3A_628 = arith.addi %add3A_597, %add3A_471 : vector<16xi32>
      %gather3A_629 = tpu.vector_load_idx %arg7[%add3A_628] : memref<92928xf32, #tpu.memory_space<vmem>>[vector<16xi32>], vector<16xf32>,
      %add3A_630 = arith.addf %add3A_618, %gather3A_629 : vector<16xf32>
      %add3A_631 = arith.addi %add3A_597, %add3A_478 : vector<16xi32>
      %gather3A_632 = tpu.vector_load_idx %arg7[%add3A_631] : memref<92928xf32, #tpu.memory_space<vmem>>[vector<16xi32>], vector<16xf32>,
      %add3A_633 = arith.addf %add3A_621, %gather3A_632 : vector<16xf32>
      %add3A_634 = arith.addi %add3A_597, %add3A_485 : vector<16xi32>
      %gather3A_635 = tpu.vector_load_idx %arg7[%add3A_634] : memref<92928xf32, #tpu.memory_space<vmem>>[vector<16xi32>], vector<16xf32>,
      %add3A_636 = arith.addf %add3A_624, %gather3A_635 : vector<16xf32>
      %mul3A_637 = arith.constant 264 : i32
      %mul3A_638 = vector.broadcast %mul3A_637 : i32 to vector<16xi32>
      %mul3A_639 = arith.muli %add3A_408, %mul3A_638 : vector<16xi32>
      %add3A_640 = arith.constant 10560 : i32
      %add3A_641 = vector.broadcast %add3A_640 : i32 to vector<16xi32>
      %add3A_642 = arith.addi %mul3A_639, %add3A_641 : vector<16xi32>
      %add3A_643 = arith.addi %add3A_642, %add3A_408 : vector<16xi32>
      %gather3A_644 = tpu.vector_load_idx %arg7[%add3A_643] : memref<92928xf32, #tpu.memory_space<vmem>>[vector<16xi32>], vector<16xf32>,
      %add3A_645 = arith.addf %add3A_627, %gather3A_644 : vector<16xf32>
      %add3A_646 = arith.addi %add3A_642, %add3A_415 : vector<16xi32>
      %gather3A_647 = tpu.vector_load_idx %arg7[%add3A_646] : memref<92928xf32, #tpu.memory_space<vmem>>[vector<16xi32>], vector<16xf32>,
      %add3A_648 = arith.addf %add3A_630, %gather3A_647 : vector<16xf32>
      %add3A_649 = arith.addi %add3A_642, %add3A_422 : vector<16xi32>
      %gather3A_650 = tpu.vector_load_idx %arg7[%add3A_649] : memref<92928xf32, #tpu.memory_space<vmem>>[vector<16xi32>], vector<16xf32>,
      %add3A_651 = arith.addf %add3A_633, %gather3A_650 : vector<16xf32>
      %add3A_652 = arith.addi %add3A_642, %add3A_429 : vector<16xi32>
      %gather3A_653 = tpu.vector_load_idx %arg7[%add3A_652] : memref<92928xf32, #tpu.memory_space<vmem>>[vector<16xi32>], vector<16xf32>,
      %add3A_654 = arith.addf %add3A_636, %gather3A_653 : vector<16xf32>
      %add3A_655 = arith.addi %add3A_642, %add3A_436 : vector<16xi32>
      %gather3A_656 = tpu.vector_load_idx %arg7[%add3A_655] : memref<92928xf32, #tpu.memory_space<vmem>>[vector<16xi32>], vector<16xf32>,
      %add3A_657 = arith.addf %add3A_645, %gather3A_656 : vector<16xf32>
      %add3A_658 = arith.addi %add3A_642, %add3A_443 : vector<16xi32>
      %gather3A_659 = tpu.vector_load_idx %arg7[%add3A_658] : memref<92928xf32, #tpu.memory_space<vmem>>[vector<16xi32>], vector<16xf32>,
      %add3A_660 = arith.addf %add3A_648, %gather3A_659 : vector<16xf32>
      %add3A_661 = arith.addi %add3A_642, %add3A_450 : vector<16xi32>
      %gather3A_662 = tpu.vector_load_idx %arg7[%add3A_661] : memref<92928xf32, #tpu.memory_space<vmem>>[vector<16xi32>], vector<16xf32>,
      %add3A_663 = arith.addf %add3A_651, %gather3A_662 : vector<16xf32>
      %add3A_664 = arith.addi %add3A_642, %add3A_457 : vector<16xi32>
      %gather3A_665 = tpu.vector_load_idx %arg7[%add3A_664] : memref<92928xf32, #tpu.memory_space<vmem>>[vector<16xi32>], vector<16xf32>,
      %add3A_666 = arith.addf %add3A_654, %gather3A_665 : vector<16xf32>
      %add3A_667 = arith.addi %add3A_642, %add3A_464 : vector<16xi32>
      %gather3A_668 = tpu.vector_load_idx %arg7[%add3A_667] : memref<92928xf32, #tpu.memory_space<vmem>>[vector<16xi32>], vector<16xf32>,
      %add3A_669 = arith.addf %add3A_657, %gather3A_668 : vector<16xf32>
      %add3A_670 = arith.addi %add3A_642, %add3A_471 : vector<16xi32>
      %gather3A_671 = tpu.vector_load_idx %arg7[%add3A_670] : memref<92928xf32, #tpu.memory_space<vmem>>[vector<16xi32>], vector<16xf32>,
      %add3A_672 = arith.addf %add3A_660, %gather3A_671 : vector<16xf32>
      %add3A_673 = arith.addi %add3A_642, %add3A_478 : vector<16xi32>
      %gather3A_674 = tpu.vector_load_idx %arg7[%add3A_673] : memref<92928xf32, #tpu.memory_space<vmem>>[vector<16xi32>], vector<16xf32>,
      %add3A_675 = arith.addf %add3A_663, %gather3A_674 : vector<16xf32>
      %add3A_676 = arith.addi %add3A_642, %add3A_485 : vector<16xi32>
      %gather3A_677 = tpu.vector_load_idx %arg7[%add3A_676] : memref<92928xf32, #tpu.memory_space<vmem>>[vector<16xi32>], vector<16xf32>,
      %add3A_678 = arith.addf %add3A_666, %gather3A_677 : vector<16xf32>
      %mul3A_679 = arith.constant 264 : i32
      %mul3A_680 = vector.broadcast %mul3A_679 : i32 to vector<16xi32>
      %mul3A_681 = arith.muli %add3A_415, %mul3A_680 : vector<16xi32>
      %add3A_682 = arith.constant 11616 : i32
      %add3A_683 = vector.broadcast %add3A_682 : i32 to vector<16xi32>
      %add3A_684 = arith.addi %mul3A_681, %add3A_683 : vector<16xi32>
      %add3A_685 = arith.addi %add3A_684, %add3A_415 : vector<16xi32>
      %gather3A_686 = tpu.vector_load_idx %arg7[%add3A_685] : memref<92928xf32, #tpu.memory_space<vmem>>[vector<16xi32>], vector<16xf32>,
      %add3A_687 = arith.addf %add3A_669, %gather3A_686 : vector<16xf32>
      %add3A_688 = arith.addi %add3A_684, %add3A_422 : vector<16xi32>
      %gather3A_689 = tpu.vector_load_idx %arg7[%add3A_688] : memref<92928xf32, #tpu.memory_space<vmem>>[vector<16xi32>], vector<16xf32>,
      %add3A_690 = arith.addf %add3A_672, %gather3A_689 : vector<16xf32>
      %add3A_691 = arith.addi %add3A_684, %add3A_429 : vector<16xi32>
      %gather3A_692 = tpu.vector_load_idx %arg7[%add3A_691] : memref<92928xf32, #tpu.memory_space<vmem>>[vector<16xi32>], vector<16xf32>,
      %add3A_693 = arith.addf %add3A_675, %gather3A_692 : vector<16xf32>
      %add3A_694 = arith.addi %add3A_684, %add3A_436 : vector<16xi32>
      %gather3A_695 = tpu.vector_load_idx %arg7[%add3A_694] : memref<92928xf32, #tpu.memory_space<vmem>>[vector<16xi32>], vector<16xf32>,
      %add3A_696 = arith.addf %add3A_678, %gather3A_695 : vector<16xf32>
      %add3A_697 = arith.addi %add3A_684, %add3A_443 : vector<16xi32>
      %gather3A_698 = tpu.vector_load_idx %arg7[%add3A_697] : memref<92928xf32, #tpu.memory_space<vmem>>[vector<16xi32>], vector<16xf32>,
      %add3A_699 = arith.addf %add3A_687, %gather3A_698 : vector<16xf32>
      %add3A_700 = arith.addi %add3A_684, %add3A_450 : vector<16xi32>
      %gather3A_701 = tpu.vector_load_idx %arg7[%add3A_700] : memref<92928xf32, #tpu.memory_space<vmem>>[vector<16xi32>], vector<16xf32>,
      %add3A_702 = arith.addf %add3A_690, %gather3A_701 : vector<16xf32>
      %add3A_703 = arith.addi %add3A_684, %add3A_457 : vector<16xi32>
      %gather3A_704 = tpu.vector_load_idx %arg7[%add3A_703] : memref<92928xf32, #tpu.memory_space<vmem>>[vector<16xi32>], vector<16xf32>,
      %add3A_705 = arith.addf %add3A_693, %gather3A_704 : vector<16xf32>
      %add3A_706 = arith.addi %add3A_684, %add3A_464 : vector<16xi32>
      %gather3A_707 = tpu.vector_load_idx %arg7[%add3A_706] : memref<92928xf32, #tpu.memory_space<vmem>>[vector<16xi32>], vector<16xf32>,
      %add3A_708 = arith.addf %add3A_696, %gather3A_707 : vector<16xf32>
      %add3A_709 = arith.addi %add3A_684, %add3A_471 : vector<16xi32>
      %gather3A_710 = tpu.vector_load_idx %arg7[%add3A_709] : memref<92928xf32, #tpu.memory_space<vmem>>[vector<16xi32>], vector<16xf32>,
      %add3A_711 = arith.addf %add3A_699, %gather3A_710 : vector<16xf32>
      %add3A_712 = arith.addi %add3A_684, %add3A_478 : vector<16xi32>
      %gather3A_713 = tpu.vector_load_idx %arg7[%add3A_712] : memref<92928xf32, #tpu.memory_space<vmem>>[vector<16xi32>], vector<16xf32>,
      %add3A_714 = arith.addf %add3A_702, %gather3A_713 : vector<16xf32>
      %add3A_715 = arith.addi %add3A_684, %add3A_485 : vector<16xi32>
      %gather3A_716 = tpu.vector_load_idx %arg7[%add3A_715] : memref<92928xf32, #tpu.memory_space<vmem>>[vector<16xi32>], vector<16xf32>,
      %add3A_717 = arith.addf %add3A_705, %gather3A_716 : vector<16xf32>
      %mul3A_718 = arith.constant 264 : i32
      %mul3A_719 = vector.broadcast %mul3A_718 : i32 to vector<16xi32>
      %mul3A_720 = arith.muli %add3A_422, %mul3A_719 : vector<16xi32>
      %add3A_721 = arith.constant 12672 : i32
      %add3A_722 = vector.broadcast %add3A_721 : i32 to vector<16xi32>
      %add3A_723 = arith.addi %mul3A_720, %add3A_722 : vector<16xi32>
      %add3A_724 = arith.addi %add3A_723, %add3A_422 : vector<16xi32>
      %gather3A_725 = tpu.vector_load_idx %arg7[%add3A_724] : memref<92928xf32, #tpu.memory_space<vmem>>[vector<16xi32>], vector<16xf32>,
      %add3A_726 = arith.addf %add3A_708, %gather3A_725 : vector<16xf32>
      %add3A_727 = arith.addi %add3A_723, %add3A_429 : vector<16xi32>
      %gather3A_728 = tpu.vector_load_idx %arg7[%add3A_727] : memref<92928xf32, #tpu.memory_space<vmem>>[vector<16xi32>], vector<16xf32>,
      %add3A_729 = arith.addf %add3A_711, %gather3A_728 : vector<16xf32>
      %add3A_730 = arith.addi %add3A_723, %add3A_436 : vector<16xi32>
      %gather3A_731 = tpu.vector_load_idx %arg7[%add3A_730] : memref<92928xf32, #tpu.memory_space<vmem>>[vector<16xi32>], vector<16xf32>,
      %add3A_732 = arith.addf %add3A_714, %gather3A_731 : vector<16xf32>
      %add3A_733 = arith.addi %add3A_723, %add3A_443 : vector<16xi32>
      %gather3A_734 = tpu.vector_load_idx %arg7[%add3A_733] : memref<92928xf32, #tpu.memory_space<vmem>>[vector<16xi32>], vector<16xf32>,
      %add3A_735 = arith.addf %add3A_717, %gather3A_734 : vector<16xf32>
      %add3A_736 = arith.addi %add3A_723, %add3A_450 : vector<16xi32>
      %gather3A_737 = tpu.vector_load_idx %arg7[%add3A_736] : memref<92928xf32, #tpu.memory_space<vmem>>[vector<16xi32>], vector<16xf32>,
      %add3A_738 = arith.addf %add3A_726, %gather3A_737 : vector<16xf32>
      %add3A_739 = arith.addi %add3A_723, %add3A_457 : vector<16xi32>
      %gather3A_740 = tpu.vector_load_idx %arg7[%add3A_739] : memref<92928xf32, #tpu.memory_space<vmem>>[vector<16xi32>], vector<16xf32>,
      %add3A_741 = arith.addf %add3A_729, %gather3A_740 : vector<16xf32>
      %add3A_742 = arith.addi %add3A_723, %add3A_464 : vector<16xi32>
      %gather3A_743 = tpu.vector_load_idx %arg7[%add3A_742] : memref<92928xf32, #tpu.memory_space<vmem>>[vector<16xi32>], vector<16xf32>,
      %add3A_744 = arith.addf %add3A_732, %gather3A_743 : vector<16xf32>
      %add3A_745 = arith.addi %add3A_723, %add3A_471 : vector<16xi32>
      %gather3A_746 = tpu.vector_load_idx %arg7[%add3A_745] : memref<92928xf32, #tpu.memory_space<vmem>>[vector<16xi32>], vector<16xf32>,
      %add3A_747 = arith.addf %add3A_735, %gather3A_746 : vector<16xf32>
      %add3A_748 = arith.addi %add3A_723, %add3A_478 : vector<16xi32>
      %gather3A_749 = tpu.vector_load_idx %arg7[%add3A_748] : memref<92928xf32, #tpu.memory_space<vmem>>[vector<16xi32>], vector<16xf32>,
      %add3A_750 = arith.addf %add3A_738, %gather3A_749 : vector<16xf32>
      %add3A_751 = arith.addi %add3A_723, %add3A_485 : vector<16xi32>
      %gather3A_752 = tpu.vector_load_idx %arg7[%add3A_751] : memref<92928xf32, #tpu.memory_space<vmem>>[vector<16xi32>], vector<16xf32>,
      %add3A_753 = arith.addf %add3A_741, %gather3A_752 : vector<16xf32>
      %add3A_754 = arith.addf %add3A_747, %add3A_750 : vector<16xf32>
      %add3A_755 = arith.addf %add3A_753, %add3A_744 : vector<16xf32>
      %add3A_756 = arith.addf %add3A_754, %add3A_755 : vector<16xf32>
      %swap3A_757 = arith.index_cast %mul3A_380 : i32 to index
      %swap3A_758 = tpu.vector_load %arg10[%swap3A_757] {strides = array<i32>} : memref<128xf32, #tpu.memory_space<vmem>>, vector<16xf32>,
      tpu.vector_store %arg10[%swap3A_757], %add3A_756 {add = true, strides = array<i32>} : memref<128xf32, #tpu.memory_space<vmem>>, vector<16xf32>,
    }
    %scan3A_117 = arith.constant 8 : i32
    %dma_wait3A_118 = arith.constant 54912 : i32
    %dma_wait3A_119 = tpu.memref_slice %arg7[%dma_wait3A_118] : memref<92928xf32, #tpu.memory_space<vmem>> -> memref<38016xf32, #tpu.memory_space<vmem>>
    %dma_wait3A_120 = arith.constant 54912 : i32
    %dma_wait3A_121 = tpu.memref_slice %arg2[%dma_wait3A_120] : memref<92928xf32, #tpu.memory_space<hbm>> -> memref<38016xf32, #tpu.memory_space<hbm>>
    %dma_wait3A_122 = arith.constant 54912 : i32
    %dma_wait3A_123 = tpu.memref_slice %arg7[%dma_wait3A_122] : memref<92928xf32, #tpu.memory_space<vmem>> -> memref<38016xf32, #tpu.memory_space<vmem>>
    %dma_wait3A_124 = arith.constant 54912 : i32
    %dma_wait3A_125 = tpu.memref_slice %arg2[%dma_wait3A_124] : memref<92928xf32, #tpu.memory_space<hbm>> -> memref<38016xf32, #tpu.memory_space<hbm>>
    tpu.wait_dma2 semaphore(%arg16 : memref<!tpu.dma_semaphore, #tpu.memory_space<semaphore_mem>>) src(%dma_wait3A_125 : memref<38016xf32, #tpu.memory_space<hbm>>) dst(%dma_wait3A_123 : memref<38016xf32, #tpu.memory_space<vmem>>)
    %scan3A_126 = arith.constant 0 : i32
    %scan3A_127 = arith.constant 0 : i32
    %scan3A_128 = arith.constant 8 : i32
    %scan3A_129 = arith.addi %scan3A_127, %scan3A_128 : i32
    %scan3A_130 = arith.constant 1 : i32
    scf.for %scan3A_378 = %scan3A_127 to %scan3A_129 step %scan3A_130  : i32 {
      %mul3A_379 = arith.constant 16 : i32
      %mul3A_380 = arith.muli %scan3A_378, %mul3A_379 : i32
      %get3A_381 = arith.constant 13 : i32
      %get3A_382 = arith.index_cast %get3A_381 : i32 to index
      %get3A_383 = arith.index_cast %mul3A_380 : i32 to index
      %get3A_384 = tpu.vector_load %arg8[%get3A_382, %get3A_383] {strides = array<i32>} : memref<22x128xi32, #tpu.memory_space<vmem>>, vector<16xi32>,
      %add3A_385 = arith.constant 156 : i32
      %add3A_386 = vector.broadcast %add3A_385 : i32 to vector<16xi32>
      %add3A_387 = arith.addi %get3A_384, %add3A_386 : vector<16xi32>
      %get3A_388 = arith.constant 14 : i32
      %get3A_389 = arith.index_cast %get3A_388 : i32 to index
      %get3A_390 = arith.index_cast %mul3A_380 : i32 to index
      %get3A_391 = tpu.vector_load %arg8[%get3A_389, %get3A_390] {strides = array<i32>} : memref<22x128xi32, #tpu.memory_space<vmem>>, vector<16xi32>,
      %add3A_392 = arith.constant 168 : i32
      %add3A_393 = vector.broadcast %add3A_392 : i32 to vector<16xi32>
      %add3A_394 = arith.addi %get3A_391, %add3A_393 : vector<16xi32>
      %get3A_395 = arith.constant 15 : i32
      %get3A_396 = arith.index_cast %get3A_395 : i32 to index
      %get3A_397 = arith.index_cast %mul3A_380 : i32 to index
      %get3A_398 = tpu.vector_load %arg8[%get3A_396, %get3A_397] {strides = array<i32>} : memref<22x128xi32, #tpu.memory_space<vmem>>, vector<16xi32>,
      %add3A_399 = arith.constant 180 : i32
      %add3A_400 = vector.broadcast %add3A_399 : i32 to vector<16xi32>
      %add3A_401 = arith.addi %get3A_398, %add3A_400 : vector<16xi32>
      %get3A_402 = arith.constant 16 : i32
      %get3A_403 = arith.index_cast %get3A_402 : i32 to index
      %get3A_404 = arith.index_cast %mul3A_380 : i32 to index
      %get3A_405 = tpu.vector_load %arg8[%get3A_403, %get3A_404] {strides = array<i32>} : memref<22x128xi32, #tpu.memory_space<vmem>>, vector<16xi32>,
      %add3A_406 = arith.constant 192 : i32
      %add3A_407 = vector.broadcast %add3A_406 : i32 to vector<16xi32>
      %add3A_408 = arith.addi %get3A_405, %add3A_407 : vector<16xi32>
      %get3A_409 = arith.constant 17 : i32
      %get3A_410 = arith.index_cast %get3A_409 : i32 to index
      %get3A_411 = arith.index_cast %mul3A_380 : i32 to index
      %get3A_412 = tpu.vector_load %arg8[%get3A_410, %get3A_411] {strides = array<i32>} : memref<22x128xi32, #tpu.memory_space<vmem>>, vector<16xi32>,
      %add3A_413 = arith.constant 204 : i32
      %add3A_414 = vector.broadcast %add3A_413 : i32 to vector<16xi32>
      %add3A_415 = arith.addi %get3A_412, %add3A_414 : vector<16xi32>
      %get3A_416 = arith.constant 18 : i32
      %get3A_417 = arith.index_cast %get3A_416 : i32 to index
      %get3A_418 = arith.index_cast %mul3A_380 : i32 to index
      %get3A_419 = tpu.vector_load %arg8[%get3A_417, %get3A_418] {strides = array<i32>} : memref<22x128xi32, #tpu.memory_space<vmem>>, vector<16xi32>,
      %add3A_420 = arith.constant 216 : i32
      %add3A_421 = vector.broadcast %add3A_420 : i32 to vector<16xi32>
      %add3A_422 = arith.addi %get3A_419, %add3A_421 : vector<16xi32>
      %get3A_423 = arith.constant 19 : i32
      %get3A_424 = arith.index_cast %get3A_423 : i32 to index
      %get3A_425 = arith.index_cast %mul3A_380 : i32 to index
      %get3A_426 = tpu.vector_load %arg8[%get3A_424, %get3A_425] {strides = array<i32>} : memref<22x128xi32, #tpu.memory_space<vmem>>, vector<16xi32>,
      %add3A_427 = arith.constant 228 : i32
      %add3A_428 = vector.broadcast %add3A_427 : i32 to vector<16xi32>
      %add3A_429 = arith.addi %get3A_426, %add3A_428 : vector<16xi32>
      %get3A_430 = arith.constant 20 : i32
      %get3A_431 = arith.index_cast %get3A_430 : i32 to index
      %get3A_432 = arith.index_cast %mul3A_380 : i32 to index
      %get3A_433 = tpu.vector_load %arg8[%get3A_431, %get3A_432] {strides = array<i32>} : memref<22x128xi32, #tpu.memory_space<vmem>>, vector<16xi32>,
      %add3A_434 = arith.constant 240 : i32
      %add3A_435 = vector.broadcast %add3A_434 : i32 to vector<16xi32>
      %add3A_436 = arith.addi %get3A_433, %add3A_435 : vector<16xi32>
      %get3A_437 = arith.constant 21 : i32
      %get3A_438 = arith.index_cast %get3A_437 : i32 to index
      %get3A_439 = arith.index_cast %mul3A_380 : i32 to index
      %get3A_440 = tpu.vector_load %arg8[%get3A_438, %get3A_439] {strides = array<i32>} : memref<22x128xi32, #tpu.memory_space<vmem>>, vector<16xi32>,
      %add3A_441 = arith.constant 252 : i32
      %add3A_442 = vector.broadcast %add3A_441 : i32 to vector<16xi32>
      %add3A_443 = arith.addi %get3A_440, %add3A_442 : vector<16xi32>
      %broadcast_in_dim3A_444 = arith.constant 0.000000e+00 : f32
      %broadcast_in_dim3A_445 = vector.broadcast %broadcast_in_dim3A_444 : f32 to vector<16xf32>
      %broadcast_in_dim3A_446 = arith.constant 0.000000e+00 : f32
      %broadcast_in_dim3A_447 = vector.broadcast %broadcast_in_dim3A_446 : f32 to vector<16xf32>
      %broadcast_in_dim3A_448 = arith.constant 0.000000e+00 : f32
      %broadcast_in_dim3A_449 = vector.broadcast %broadcast_in_dim3A_448 : f32 to vector<16xf32>
      %broadcast_in_dim3A_450 = arith.constant 0.000000e+00 : f32
      %broadcast_in_dim3A_451 = vector.broadcast %broadcast_in_dim3A_450 : f32 to vector<16xf32>
      %mul3A_452 = arith.constant 264 : i32
      %mul3A_453 = vector.broadcast %mul3A_452 : i32 to vector<16xi32>
      %mul3A_454 = arith.muli %add3A_387, %mul3A_453 : vector<16xi32>
      %add3A_455 = arith.constant 13728 : i32
      %add3A_456 = vector.broadcast %add3A_455 : i32 to vector<16xi32>
      %add3A_457 = arith.addi %mul3A_454, %add3A_456 : vector<16xi32>
      %add3A_458 = arith.addi %add3A_457, %add3A_387 : vector<16xi32>
      %gather3A = tpu.vector_load_idx %arg7[%add3A_458] : memref<92928xf32, #tpu.memory_space<vmem>>[vector<16xi32>], vector<16xf32>,
      %add3A_459 = arith.addf %broadcast_in_dim3A_445, %gather3A : vector<16xf32>
      %add3A_460 = arith.addi %add3A_457, %add3A_394 : vector<16xi32>
      %gather3A_461 = tpu.vector_load_idx %arg7[%add3A_460] : memref<92928xf32, #tpu.memory_space<vmem>>[vector<16xi32>], vector<16xf32>,
      %add3A_462 = arith.addf %broadcast_in_dim3A_447, %gather3A_461 : vector<16xf32>
      %add3A_463 = arith.addi %add3A_457, %add3A_401 : vector<16xi32>
      %gather3A_464 = tpu.vector_load_idx %arg7[%add3A_463] : memref<92928xf32, #tpu.memory_space<vmem>>[vector<16xi32>], vector<16xf32>,
      %add3A_465 = arith.addf %broadcast_in_dim3A_449, %gather3A_464 : vector<16xf32>
      %add3A_466 = arith.addi %add3A_457, %add3A_408 : vector<16xi32>
      %gather3A_467 = tpu.vector_load_idx %arg7[%add3A_466] : memref<92928xf32, #tpu.memory_space<vmem>>[vector<16xi32>], vector<16xf32>,
      %add3A_468 = arith.addf %broadcast_in_dim3A_451, %gather3A_467 : vector<16xf32>
      %add3A_469 = arith.addi %add3A_457, %add3A_415 : vector<16xi32>
      %gather3A_470 = tpu.vector_load_idx %arg7[%add3A_469] : memref<92928xf32, #tpu.memory_space<vmem>>[vector<16xi32>], vector<16xf32>,
      %add3A_471 = arith.addf %add3A_459, %gather3A_470 : vector<16xf32>
      %add3A_472 = arith.addi %add3A_457, %add3A_422 : vector<16xi32>
      %gather3A_473 = tpu.vector_load_idx %arg7[%add3A_472] : memref<92928xf32, #tpu.memory_space<vmem>>[vector<16xi32>], vector<16xf32>,
      %add3A_474 = arith.addf %add3A_462, %gather3A_473 : vector<16xf32>
      %add3A_475 = arith.addi %add3A_457, %add3A_429 : vector<16xi32>
      %gather3A_476 = tpu.vector_load_idx %arg7[%add3A_475] : memref<92928xf32, #tpu.memory_space<vmem>>[vector<16xi32>], vector<16xf32>,
      %add3A_477 = arith.addf %add3A_465, %gather3A_476 : vector<16xf32>
      %add3A_478 = arith.addi %add3A_457, %add3A_436 : vector<16xi32>
      %gather3A_479 = tpu.vector_load_idx %arg7[%add3A_478] : memref<92928xf32, #tpu.memory_space<vmem>>[vector<16xi32>], vector<16xf32>,
      %add3A_480 = arith.addf %add3A_468, %gather3A_479 : vector<16xf32>
      %add3A_481 = arith.addi %add3A_457, %add3A_443 : vector<16xi32>
      %gather3A_482 = tpu.vector_load_idx %arg7[%add3A_481] : memref<92928xf32, #tpu.memory_space<vmem>>[vector<16xi32>], vector<16xf32>,
      %add3A_483 = arith.addf %add3A_471, %gather3A_482 : vector<16xf32>
      %mul3A_484 = arith.constant 264 : i32
      %mul3A_485 = vector.broadcast %mul3A_484 : i32 to vector<16xi32>
      %mul3A_486 = arith.muli %add3A_394, %mul3A_485 : vector<16xi32>
      %add3A_487 = arith.constant 14784 : i32
      %add3A_488 = vector.broadcast %add3A_487 : i32 to vector<16xi32>
      %add3A_489 = arith.addi %mul3A_486, %add3A_488 : vector<16xi32>
      %add3A_490 = arith.addi %add3A_489, %add3A_394 : vector<16xi32>
      %gather3A_491 = tpu.vector_load_idx %arg7[%add3A_490] : memref<92928xf32, #tpu.memory_space<vmem>>[vector<16xi32>], vector<16xf32>,
      %add3A_492 = arith.addf %add3A_474, %gather3A_491 : vector<16xf32>
      %add3A_493 = arith.addi %add3A_489, %add3A_401 : vector<16xi32>
      %gather3A_494 = tpu.vector_load_idx %arg7[%add3A_493] : memref<92928xf32, #tpu.memory_space<vmem>>[vector<16xi32>], vector<16xf32>,
      %add3A_495 = arith.addf %add3A_477, %gather3A_494 : vector<16xf32>
      %add3A_496 = arith.addi %add3A_489, %add3A_408 : vector<16xi32>
      %gather3A_497 = tpu.vector_load_idx %arg7[%add3A_496] : memref<92928xf32, #tpu.memory_space<vmem>>[vector<16xi32>], vector<16xf32>,
      %add3A_498 = arith.addf %add3A_480, %gather3A_497 : vector<16xf32>
      %add3A_499 = arith.addi %add3A_489, %add3A_415 : vector<16xi32>
      %gather3A_500 = tpu.vector_load_idx %arg7[%add3A_499] : memref<92928xf32, #tpu.memory_space<vmem>>[vector<16xi32>], vector<16xf32>,
      %add3A_501 = arith.addf %add3A_483, %gather3A_500 : vector<16xf32>
      %add3A_502 = arith.addi %add3A_489, %add3A_422 : vector<16xi32>
      %gather3A_503 = tpu.vector_load_idx %arg7[%add3A_502] : memref<92928xf32, #tpu.memory_space<vmem>>[vector<16xi32>], vector<16xf32>,
      %add3A_504 = arith.addf %add3A_492, %gather3A_503 : vector<16xf32>
      %add3A_505 = arith.addi %add3A_489, %add3A_429 : vector<16xi32>
      %gather3A_506 = tpu.vector_load_idx %arg7[%add3A_505] : memref<92928xf32, #tpu.memory_space<vmem>>[vector<16xi32>], vector<16xf32>,
      %add3A_507 = arith.addf %add3A_495, %gather3A_506 : vector<16xf32>
      %add3A_508 = arith.addi %add3A_489, %add3A_436 : vector<16xi32>
      %gather3A_509 = tpu.vector_load_idx %arg7[%add3A_508] : memref<92928xf32, #tpu.memory_space<vmem>>[vector<16xi32>], vector<16xf32>,
      %add3A_510 = arith.addf %add3A_498, %gather3A_509 : vector<16xf32>
      %add3A_511 = arith.addi %add3A_489, %add3A_443 : vector<16xi32>
      %gather3A_512 = tpu.vector_load_idx %arg7[%add3A_511] : memref<92928xf32, #tpu.memory_space<vmem>>[vector<16xi32>], vector<16xf32>,
      %add3A_513 = arith.addf %add3A_501, %gather3A_512 : vector<16xf32>
      %mul3A_514 = arith.constant 264 : i32
      %mul3A_515 = vector.broadcast %mul3A_514 : i32 to vector<16xi32>
      %mul3A_516 = arith.muli %add3A_401, %mul3A_515 : vector<16xi32>
      %add3A_517 = arith.constant 15840 : i32
      %add3A_518 = vector.broadcast %add3A_517 : i32 to vector<16xi32>
      %add3A_519 = arith.addi %mul3A_516, %add3A_518 : vector<16xi32>
      %add3A_520 = arith.addi %add3A_519, %add3A_401 : vector<16xi32>
      %gather3A_521 = tpu.vector_load_idx %arg7[%add3A_520] : memref<92928xf32, #tpu.memory_space<vmem>>[vector<16xi32>], vector<16xf32>,
      %add3A_522 = arith.addf %add3A_504, %gather3A_521 : vector<16xf32>
      %add3A_523 = arith.addi %add3A_519, %add3A_408 : vector<16xi32>
      %gather3A_524 = tpu.vector_load_idx %arg7[%add3A_523] : memref<92928xf32, #tpu.memory_space<vmem>>[vector<16xi32>], vector<16xf32>,
      %add3A_525 = arith.addf %add3A_507, %gather3A_524 : vector<16xf32>
      %add3A_526 = arith.addi %add3A_519, %add3A_415 : vector<16xi32>
      %gather3A_527 = tpu.vector_load_idx %arg7[%add3A_526] : memref<92928xf32, #tpu.memory_space<vmem>>[vector<16xi32>], vector<16xf32>,
      %add3A_528 = arith.addf %add3A_510, %gather3A_527 : vector<16xf32>
      %add3A_529 = arith.addi %add3A_519, %add3A_422 : vector<16xi32>
      %gather3A_530 = tpu.vector_load_idx %arg7[%add3A_529] : memref<92928xf32, #tpu.memory_space<vmem>>[vector<16xi32>], vector<16xf32>,
      %add3A_531 = arith.addf %add3A_513, %gather3A_530 : vector<16xf32>
      %add3A_532 = arith.addi %add3A_519, %add3A_429 : vector<16xi32>
      %gather3A_533 = tpu.vector_load_idx %arg7[%add3A_532] : memref<92928xf32, #tpu.memory_space<vmem>>[vector<16xi32>], vector<16xf32>,
      %add3A_534 = arith.addf %add3A_522, %gather3A_533 : vector<16xf32>
      %add3A_535 = arith.addi %add3A_519, %add3A_436 : vector<16xi32>
      %gather3A_536 = tpu.vector_load_idx %arg7[%add3A_535] : memref<92928xf32, #tpu.memory_space<vmem>>[vector<16xi32>], vector<16xf32>,
      %add3A_537 = arith.addf %add3A_525, %gather3A_536 : vector<16xf32>
      %add3A_538 = arith.addi %add3A_519, %add3A_443 : vector<16xi32>
      %gather3A_539 = tpu.vector_load_idx %arg7[%add3A_538] : memref<92928xf32, #tpu.memory_space<vmem>>[vector<16xi32>], vector<16xf32>,
      %add3A_540 = arith.addf %add3A_528, %gather3A_539 : vector<16xf32>
      %mul3A_541 = arith.constant 264 : i32
      %mul3A_542 = vector.broadcast %mul3A_541 : i32 to vector<16xi32>
      %mul3A_543 = arith.muli %add3A_408, %mul3A_542 : vector<16xi32>
      %add3A_544 = arith.constant 16896 : i32
      %add3A_545 = vector.broadcast %add3A_544 : i32 to vector<16xi32>
      %add3A_546 = arith.addi %mul3A_543, %add3A_545 : vector<16xi32>
      %add3A_547 = arith.addi %add3A_546, %add3A_408 : vector<16xi32>
      %gather3A_548 = tpu.vector_load_idx %arg7[%add3A_547] : memref<92928xf32, #tpu.memory_space<vmem>>[vector<16xi32>], vector<16xf32>,
      %add3A_549 = arith.addf %add3A_531, %gather3A_548 : vector<16xf32>
      %add3A_550 = arith.addi %add3A_546, %add3A_415 : vector<16xi32>
      %gather3A_551 = tpu.vector_load_idx %arg7[%add3A_550] : memref<92928xf32, #tpu.memory_space<vmem>>[vector<16xi32>], vector<16xf32>,
      %add3A_552 = arith.addf %add3A_534, %gather3A_551 : vector<16xf32>
      %add3A_553 = arith.addi %add3A_546, %add3A_422 : vector<16xi32>
      %gather3A_554 = tpu.vector_load_idx %arg7[%add3A_553] : memref<92928xf32, #tpu.memory_space<vmem>>[vector<16xi32>], vector<16xf32>,
      %add3A_555 = arith.addf %add3A_537, %gather3A_554 : vector<16xf32>
      %add3A_556 = arith.addi %add3A_546, %add3A_429 : vector<16xi32>
      %gather3A_557 = tpu.vector_load_idx %arg7[%add3A_556] : memref<92928xf32, #tpu.memory_space<vmem>>[vector<16xi32>], vector<16xf32>,
      %add3A_558 = arith.addf %add3A_540, %gather3A_557 : vector<16xf32>
      %add3A_559 = arith.addi %add3A_546, %add3A_436 : vector<16xi32>
      %gather3A_560 = tpu.vector_load_idx %arg7[%add3A_559] : memref<92928xf32, #tpu.memory_space<vmem>>[vector<16xi32>], vector<16xf32>,
      %add3A_561 = arith.addf %add3A_549, %gather3A_560 : vector<16xf32>
      %add3A_562 = arith.addi %add3A_546, %add3A_443 : vector<16xi32>
      %gather3A_563 = tpu.vector_load_idx %arg7[%add3A_562] : memref<92928xf32, #tpu.memory_space<vmem>>[vector<16xi32>], vector<16xf32>,
      %add3A_564 = arith.addf %add3A_552, %gather3A_563 : vector<16xf32>
      %mul3A_565 = arith.constant 264 : i32
      %mul3A_566 = vector.broadcast %mul3A_565 : i32 to vector<16xi32>
      %mul3A_567 = arith.muli %add3A_415, %mul3A_566 : vector<16xi32>
      %add3A_568 = arith.constant 17952 : i32
      %add3A_569 = vector.broadcast %add3A_568 : i32 to vector<16xi32>
      %add3A_570 = arith.addi %mul3A_567, %add3A_569 : vector<16xi32>
      %add3A_571 = arith.addi %add3A_570, %add3A_415 : vector<16xi32>
      %gather3A_572 = tpu.vector_load_idx %arg7[%add3A_571] : memref<92928xf32, #tpu.memory_space<vmem>>[vector<16xi32>], vector<16xf32>,
      %add3A_573 = arith.addf %add3A_555, %gather3A_572 : vector<16xf32>
      %add3A_574 = arith.addi %add3A_570, %add3A_422 : vector<16xi32>
      %gather3A_575 = tpu.vector_load_idx %arg7[%add3A_574] : memref<92928xf32, #tpu.memory_space<vmem>>[vector<16xi32>], vector<16xf32>,
      %add3A_576 = arith.addf %add3A_558, %gather3A_575 : vector<16xf32>
      %add3A_577 = arith.addi %add3A_570, %add3A_429 : vector<16xi32>
      %gather3A_578 = tpu.vector_load_idx %arg7[%add3A_577] : memref<92928xf32, #tpu.memory_space<vmem>>[vector<16xi32>], vector<16xf32>,
      %add3A_579 = arith.addf %add3A_561, %gather3A_578 : vector<16xf32>
      %add3A_580 = arith.addi %add3A_570, %add3A_436 : vector<16xi32>
      %gather3A_581 = tpu.vector_load_idx %arg7[%add3A_580] : memref<92928xf32, #tpu.memory_space<vmem>>[vector<16xi32>], vector<16xf32>,
      %add3A_582 = arith.addf %add3A_564, %gather3A_581 : vector<16xf32>
      %add3A_583 = arith.addi %add3A_570, %add3A_443 : vector<16xi32>
      %gather3A_584 = tpu.vector_load_idx %arg7[%add3A_583] : memref<92928xf32, #tpu.memory_space<vmem>>[vector<16xi32>], vector<16xf32>,
      %add3A_585 = arith.addf %add3A_573, %gather3A_584 : vector<16xf32>
      %mul3A_586 = arith.constant 264 : i32
      %mul3A_587 = vector.broadcast %mul3A_586 : i32 to vector<16xi32>
      %mul3A_588 = arith.muli %add3A_422, %mul3A_587 : vector<16xi32>
      %add3A_589 = arith.constant 19008 : i32
      %add3A_590 = vector.broadcast %add3A_589 : i32 to vector<16xi32>
      %add3A_591 = arith.addi %mul3A_588, %add3A_590 : vector<16xi32>
      %add3A_592 = arith.addi %add3A_591, %add3A_422 : vector<16xi32>
      %gather3A_593 = tpu.vector_load_idx %arg7[%add3A_592] : memref<92928xf32, #tpu.memory_space<vmem>>[vector<16xi32>], vector<16xf32>,
      %add3A_594 = arith.addf %add3A_576, %gather3A_593 : vector<16xf32>
      %add3A_595 = arith.addi %add3A_591, %add3A_429 : vector<16xi32>
      %gather3A_596 = tpu.vector_load_idx %arg7[%add3A_595] : memref<92928xf32, #tpu.memory_space<vmem>>[vector<16xi32>], vector<16xf32>,
      %add3A_597 = arith.addf %add3A_579, %gather3A_596 : vector<16xf32>
      %add3A_598 = arith.addi %add3A_591, %add3A_436 : vector<16xi32>
      %gather3A_599 = tpu.vector_load_idx %arg7[%add3A_598] : memref<92928xf32, #tpu.memory_space<vmem>>[vector<16xi32>], vector<16xf32>,
      %add3A_600 = arith.addf %add3A_582, %gather3A_599 : vector<16xf32>
      %add3A_601 = arith.addi %add3A_591, %add3A_443 : vector<16xi32>
      %gather3A_602 = tpu.vector_load_idx %arg7[%add3A_601] : memref<92928xf32, #tpu.memory_space<vmem>>[vector<16xi32>], vector<16xf32>,
      %add3A_603 = arith.addf %add3A_585, %gather3A_602 : vector<16xf32>
      %mul3A_604 = arith.constant 264 : i32
      %mul3A_605 = vector.broadcast %mul3A_604 : i32 to vector<16xi32>
      %mul3A_606 = arith.muli %add3A_429, %mul3A_605 : vector<16xi32>
      %add3A_607 = arith.constant 20064 : i32
      %add3A_608 = vector.broadcast %add3A_607 : i32 to vector<16xi32>
      %add3A_609 = arith.addi %mul3A_606, %add3A_608 : vector<16xi32>
      %add3A_610 = arith.addi %add3A_609, %add3A_429 : vector<16xi32>
      %gather3A_611 = tpu.vector_load_idx %arg7[%add3A_610] : memref<92928xf32, #tpu.memory_space<vmem>>[vector<16xi32>], vector<16xf32>,
      %add3A_612 = arith.addf %add3A_594, %gather3A_611 : vector<16xf32>
      %add3A_613 = arith.addi %add3A_609, %add3A_436 : vector<16xi32>
      %gather3A_614 = tpu.vector_load_idx %arg7[%add3A_613] : memref<92928xf32, #tpu.memory_space<vmem>>[vector<16xi32>], vector<16xf32>,
      %add3A_615 = arith.addf %add3A_597, %gather3A_614 : vector<16xf32>
      %add3A_616 = arith.addi %add3A_609, %add3A_443 : vector<16xi32>
      %gather3A_617 = tpu.vector_load_idx %arg7[%add3A_616] : memref<92928xf32, #tpu.memory_space<vmem>>[vector<16xi32>], vector<16xf32>,
      %add3A_618 = arith.addf %add3A_600, %gather3A_617 : vector<16xf32>
      %mul3A_619 = arith.constant 264 : i32
      %mul3A_620 = vector.broadcast %mul3A_619 : i32 to vector<16xi32>
      %mul3A_621 = arith.muli %add3A_436, %mul3A_620 : vector<16xi32>
      %add3A_622 = arith.constant 21120 : i32
      %add3A_623 = vector.broadcast %add3A_622 : i32 to vector<16xi32>
      %add3A_624 = arith.addi %mul3A_621, %add3A_623 : vector<16xi32>
      %add3A_625 = arith.addi %add3A_624, %add3A_436 : vector<16xi32>
      %gather3A_626 = tpu.vector_load_idx %arg7[%add3A_625] : memref<92928xf32, #tpu.memory_space<vmem>>[vector<16xi32>], vector<16xf32>,
      %add3A_627 = arith.addf %add3A_603, %gather3A_626 : vector<16xf32>
      %add3A_628 = arith.addi %add3A_624, %add3A_443 : vector<16xi32>
      %gather3A_629 = tpu.vector_load_idx %arg7[%add3A_628] : memref<92928xf32, #tpu.memory_space<vmem>>[vector<16xi32>], vector<16xf32>,
      %add3A_630 = arith.addf %add3A_612, %gather3A_629 : vector<16xf32>
      %mul3A_631 = arith.constant 264 : i32
      %mul3A_632 = vector.broadcast %mul3A_631 : i32 to vector<16xi32>
      %mul3A_633 = arith.muli %add3A_443, %mul3A_632 : vector<16xi32>
      %add3A_634 = arith.constant 22176 : i32
      %add3A_635 = vector.broadcast %add3A_634 : i32 to vector<16xi32>
      %add3A_636 = arith.addi %mul3A_633, %add3A_635 : vector<16xi32>
      %add3A_637 = arith.addi %add3A_636, %add3A_443 : vector<16xi32>
      %gather3A_638 = tpu.vector_load_idx %arg7[%add3A_637] : memref<92928xf32, #tpu.memory_space<vmem>>[vector<16xi32>], vector<16xf32>,
      %add3A_639 = arith.addf %add3A_615, %gather3A_638 : vector<16xf32>
      %add3A_640 = arith.addf %add3A_639, %add3A_618 : vector<16xf32>
      %add3A_641 = arith.addf %add3A_627, %add3A_630 : vector<16xf32>
      %add3A_642 = arith.addf %add3A_640, %add3A_641 : vector<16xf32>
      %swap3A_643 = arith.index_cast %mul3A_380 : i32 to index
      %swap3A_644 = tpu.vector_load %arg10[%swap3A_643] {strides = array<i32>} : memref<128xf32, #tpu.memory_space<vmem>>, vector<16xf32>,
      tpu.vector_store %arg10[%swap3A_643], %add3A_642 {add = true, strides = array<i32>} : memref<128xf32, #tpu.memory_space<vmem>>, vector<16xf32>,
    }
    %scan3A_131 = arith.constant 8 : i32
    "tpu.region"() ({
      %run_scoped3A = tpu.sem_alloc : memref<!tpu.dma_semaphore, #tpu.memory_space<semaphore_mem>>
      %dma_start3A_378 = tpu.memref_slice %arg5[%mul3A_2] : memref<4096xf32, #tpu.memory_space<hbm>> -> memref<128xf32, #tpu.memory_space<hbm>>
      %dma_start3A_379 = tpu.memref_slice %arg5[%mul3A_2] : memref<4096xf32, #tpu.memory_space<hbm>> -> memref<128xf32, #tpu.memory_space<hbm>>
      tpu.enqueue_dma source(%arg10 : memref<128xf32, #tpu.memory_space<vmem>>) target(%dma_start3A_379 : memref<128xf32, #tpu.memory_space<hbm>>) target_semaphore(%run_scoped3A : memref<!tpu.dma_semaphore, #tpu.memory_space<semaphore_mem>>)
      %dma_wait3A_380 = tpu.memref_slice %arg5[%mul3A_2] : memref<4096xf32, #tpu.memory_space<hbm>> -> memref<128xf32, #tpu.memory_space<hbm>>
      %dma_wait3A_381 = tpu.memref_slice %arg5[%mul3A_2] : memref<4096xf32, #tpu.memory_space<hbm>> -> memref<128xf32, #tpu.memory_space<hbm>>
      tpu.wait_dma2 semaphore(%run_scoped3A : memref<!tpu.dma_semaphore, #tpu.memory_space<semaphore_mem>>) src(%arg10 : memref<128xf32, #tpu.memory_space<vmem>>) dst(%dma_wait3A_381 : memref<128xf32, #tpu.memory_space<hbm>>)
      tpu.yield
    }) : () -> ()
    %iota3A = tpu.iota {dimensions = array<i32: 0>} : vector<16xi32>
    %broadcast_in_dim3A_132 = arith.constant 0.000000e+00 : f32
    %broadcast_in_dim3A_133 = vector.broadcast %broadcast_in_dim3A_132 : f32 to vector<16xf32>
    %broadcast_in_dim3A_134 = arith.constant 0.000000e+00 : f32
    %broadcast_in_dim3A_135 = vector.broadcast %broadcast_in_dim3A_134 : f32 to vector<16xf32>
    %get3A = arith.constant 0 : index
    %get3A_136 = tpu.vector_load %arg11[%get3A] {strides = array<i32>} : memref<352xf32, #tpu.memory_space<vmem>>, vector<16xf32>,
    %reduce_sum3A = arith.constant true
    %reduce_sum3A_137 = vector.broadcast %reduce_sum3A : i1 to vector<16xi1>
    %reduce_sum3A_138 = tpu.scan <sum>, %get3A_136 masked %reduce_sum3A_137 : vector<16xf32>, vector<16xi1> -> vector<16xf32>
    %reduce_sum3A_139 = vector.extract %reduce_sum3A_138[15] : f32 from vector<16xf32>
    %eq3A = arith.constant 0 : i32
    %eq3A_140 = vector.broadcast %eq3A : i32 to vector<16xi32>
    %eq3A_141 = arith.cmpi eq, %iota3A, %eq3A_140 : vector<16xi32>
    %broadcast_in_dim3A_142 = vector.broadcast %reduce_sum3A_139 : f32 to vector<16xf32>
    %select_n3A = arith.select %eq3A_141, %broadcast_in_dim3A_142, %broadcast_in_dim3A_133 : vector<16xi1>, vector<16xf32>
    %get3A_143 = arith.constant 16 : index
    %get3A_144 = tpu.vector_load %arg11[%get3A_143] {strides = array<i32>} : memref<352xf32, #tpu.memory_space<vmem>>, vector<16xf32>,
    %reduce_sum3A_145 = arith.constant true
    %reduce_sum3A_146 = vector.broadcast %reduce_sum3A_145 : i1 to vector<16xi1>
    %reduce_sum3A_147 = tpu.scan <sum>, %get3A_144 masked %reduce_sum3A_146 : vector<16xf32>, vector<16xi1> -> vector<16xf32>
    %reduce_sum3A_148 = vector.extract %reduce_sum3A_147[15] : f32 from vector<16xf32>
    %eq3A_149 = arith.constant 1 : i32
    %eq3A_150 = vector.broadcast %eq3A_149 : i32 to vector<16xi32>
    %eq3A_151 = arith.cmpi eq, %iota3A, %eq3A_150 : vector<16xi32>
    %broadcast_in_dim3A_152 = vector.broadcast %reduce_sum3A_148 : f32 to vector<16xf32>
    %select_n3A_153 = arith.select %eq3A_151, %broadcast_in_dim3A_152, %select_n3A : vector<16xi1>, vector<16xf32>
    %get3A_154 = arith.constant 32 : index
    %get3A_155 = tpu.vector_load %arg11[%get3A_154] {strides = array<i32>} : memref<352xf32, #tpu.memory_space<vmem>>, vector<16xf32>,
    %reduce_sum3A_156 = arith.constant true
    %reduce_sum3A_157 = vector.broadcast %reduce_sum3A_156 : i1 to vector<16xi1>
    %reduce_sum3A_158 = tpu.scan <sum>, %get3A_155 masked %reduce_sum3A_157 : vector<16xf32>, vector<16xi1> -> vector<16xf32>
    %reduce_sum3A_159 = vector.extract %reduce_sum3A_158[15] : f32 from vector<16xf32>
    %eq3A_160 = arith.constant 2 : i32
    %eq3A_161 = vector.broadcast %eq3A_160 : i32 to vector<16xi32>
    %eq3A_162 = arith.cmpi eq, %iota3A, %eq3A_161 : vector<16xi32>
    %broadcast_in_dim3A_163 = vector.broadcast %reduce_sum3A_159 : f32 to vector<16xf32>
    %select_n3A_164 = arith.select %eq3A_162, %broadcast_in_dim3A_163, %select_n3A_153 : vector<16xi1>, vector<16xf32>
    %get3A_165 = arith.constant 48 : index
    %get3A_166 = tpu.vector_load %arg11[%get3A_165] {strides = array<i32>} : memref<352xf32, #tpu.memory_space<vmem>>, vector<16xf32>,
    %reduce_sum3A_167 = arith.constant true
    %reduce_sum3A_168 = vector.broadcast %reduce_sum3A_167 : i1 to vector<16xi1>
    %reduce_sum3A_169 = tpu.scan <sum>, %get3A_166 masked %reduce_sum3A_168 : vector<16xf32>, vector<16xi1> -> vector<16xf32>
    %reduce_sum3A_170 = vector.extract %reduce_sum3A_169[15] : f32 from vector<16xf32>
    %eq3A_171 = arith.constant 3 : i32
    %eq3A_172 = vector.broadcast %eq3A_171 : i32 to vector<16xi32>
    %eq3A_173 = arith.cmpi eq, %iota3A, %eq3A_172 : vector<16xi32>
    %broadcast_in_dim3A_174 = vector.broadcast %reduce_sum3A_170 : f32 to vector<16xf32>
    %select_n3A_175 = arith.select %eq3A_173, %broadcast_in_dim3A_174, %select_n3A_164 : vector<16xi1>, vector<16xf32>
    %get3A_176 = arith.constant 64 : index
    %get3A_177 = tpu.vector_load %arg11[%get3A_176] {strides = array<i32>} : memref<352xf32, #tpu.memory_space<vmem>>, vector<16xf32>,
    %reduce_sum3A_178 = arith.constant true
    %reduce_sum3A_179 = vector.broadcast %reduce_sum3A_178 : i1 to vector<16xi1>
    %reduce_sum3A_180 = tpu.scan <sum>, %get3A_177 masked %reduce_sum3A_179 : vector<16xf32>, vector<16xi1> -> vector<16xf32>
    %reduce_sum3A_181 = vector.extract %reduce_sum3A_180[15] : f32 from vector<16xf32>
    %eq3A_182 = arith.constant 4 : i32
    %eq3A_183 = vector.broadcast %eq3A_182 : i32 to vector<16xi32>
    %eq3A_184 = arith.cmpi eq, %iota3A, %eq3A_183 : vector<16xi32>
    %broadcast_in_dim3A_185 = vector.broadcast %reduce_sum3A_181 : f32 to vector<16xf32>
    %select_n3A_186 = arith.select %eq3A_184, %broadcast_in_dim3A_185, %select_n3A_175 : vector<16xi1>, vector<16xf32>
    %get3A_187 = arith.constant 80 : index
    %get3A_188 = tpu.vector_load %arg11[%get3A_187] {strides = array<i32>} : memref<352xf32, #tpu.memory_space<vmem>>, vector<16xf32>,
    %reduce_sum3A_189 = arith.constant true
    %reduce_sum3A_190 = vector.broadcast %reduce_sum3A_189 : i1 to vector<16xi1>
    %reduce_sum3A_191 = tpu.scan <sum>, %get3A_188 masked %reduce_sum3A_190 : vector<16xf32>, vector<16xi1> -> vector<16xf32>
    %reduce_sum3A_192 = vector.extract %reduce_sum3A_191[15] : f32 from vector<16xf32>
    %eq3A_193 = arith.constant 5 : i32
    %eq3A_194 = vector.broadcast %eq3A_193 : i32 to vector<16xi32>
    %eq3A_195 = arith.cmpi eq, %iota3A, %eq3A_194 : vector<16xi32>
    %broadcast_in_dim3A_196 = vector.broadcast %reduce_sum3A_192 : f32 to vector<16xf32>
    %select_n3A_197 = arith.select %eq3A_195, %broadcast_in_dim3A_196, %select_n3A_186 : vector<16xi1>, vector<16xf32>
    %get3A_198 = arith.constant 96 : index
    %get3A_199 = tpu.vector_load %arg11[%get3A_198] {strides = array<i32>} : memref<352xf32, #tpu.memory_space<vmem>>, vector<16xf32>,
    %reduce_sum3A_200 = arith.constant true
    %reduce_sum3A_201 = vector.broadcast %reduce_sum3A_200 : i1 to vector<16xi1>
    %reduce_sum3A_202 = tpu.scan <sum>, %get3A_199 masked %reduce_sum3A_201 : vector<16xf32>, vector<16xi1> -> vector<16xf32>
    %reduce_sum3A_203 = vector.extract %reduce_sum3A_202[15] : f32 from vector<16xf32>
    %eq3A_204 = arith.constant 6 : i32
    %eq3A_205 = vector.broadcast %eq3A_204 : i32 to vector<16xi32>
    %eq3A_206 = arith.cmpi eq, %iota3A, %eq3A_205 : vector<16xi32>
    %broadcast_in_dim3A_207 = vector.broadcast %reduce_sum3A_203 : f32 to vector<16xf32>
    %select_n3A_208 = arith.select %eq3A_206, %broadcast_in_dim3A_207, %select_n3A_197 : vector<16xi1>, vector<16xf32>
    %get3A_209 = arith.constant 112 : index
    %get3A_210 = tpu.vector_load %arg11[%get3A_209] {strides = array<i32>} : memref<352xf32, #tpu.memory_space<vmem>>, vector<16xf32>,
    %reduce_sum3A_211 = arith.constant true
    %reduce_sum3A_212 = vector.broadcast %reduce_sum3A_211 : i1 to vector<16xi1>
    %reduce_sum3A_213 = tpu.scan <sum>, %get3A_210 masked %reduce_sum3A_212 : vector<16xf32>, vector<16xi1> -> vector<16xf32>
    %reduce_sum3A_214 = vector.extract %reduce_sum3A_213[15] : f32 from vector<16xf32>
    %eq3A_215 = arith.constant 7 : i32
    %eq3A_216 = vector.broadcast %eq3A_215 : i32 to vector<16xi32>
    %eq3A_217 = arith.cmpi eq, %iota3A, %eq3A_216 : vector<16xi32>
    %broadcast_in_dim3A_218 = vector.broadcast %reduce_sum3A_214 : f32 to vector<16xf32>
    %select_n3A_219 = arith.select %eq3A_217, %broadcast_in_dim3A_218, %select_n3A_208 : vector<16xi1>, vector<16xf32>
    %get3A_220 = arith.constant 128 : index
    %get3A_221 = tpu.vector_load %arg11[%get3A_220] {strides = array<i32>} : memref<352xf32, #tpu.memory_space<vmem>>, vector<16xf32>,
    %reduce_sum3A_222 = arith.constant true
    %reduce_sum3A_223 = vector.broadcast %reduce_sum3A_222 : i1 to vector<16xi1>
    %reduce_sum3A_224 = tpu.scan <sum>, %get3A_221 masked %reduce_sum3A_223 : vector<16xf32>, vector<16xi1> -> vector<16xf32>
    %reduce_sum3A_225 = vector.extract %reduce_sum3A_224[15] : f32 from vector<16xf32>
    %eq3A_226 = arith.constant 8 : i32
    %eq3A_227 = vector.broadcast %eq3A_226 : i32 to vector<16xi32>
    %eq3A_228 = arith.cmpi eq, %iota3A, %eq3A_227 : vector<16xi32>
    %broadcast_in_dim3A_229 = vector.broadcast %reduce_sum3A_225 : f32 to vector<16xf32>
    %select_n3A_230 = arith.select %eq3A_228, %broadcast_in_dim3A_229, %select_n3A_219 : vector<16xi1>, vector<16xf32>
    %get3A_231 = arith.constant 144 : index
    %get3A_232 = tpu.vector_load %arg11[%get3A_231] {strides = array<i32>} : memref<352xf32, #tpu.memory_space<vmem>>, vector<16xf32>,
    %reduce_sum3A_233 = arith.constant true
    %reduce_sum3A_234 = vector.broadcast %reduce_sum3A_233 : i1 to vector<16xi1>
    %reduce_sum3A_235 = tpu.scan <sum>, %get3A_232 masked %reduce_sum3A_234 : vector<16xf32>, vector<16xi1> -> vector<16xf32>
    %reduce_sum3A_236 = vector.extract %reduce_sum3A_235[15] : f32 from vector<16xf32>
    %eq3A_237 = arith.constant 9 : i32
    %eq3A_238 = vector.broadcast %eq3A_237 : i32 to vector<16xi32>
    %eq3A_239 = arith.cmpi eq, %iota3A, %eq3A_238 : vector<16xi32>
    %broadcast_in_dim3A_240 = vector.broadcast %reduce_sum3A_236 : f32 to vector<16xf32>
    %select_n3A_241 = arith.select %eq3A_239, %broadcast_in_dim3A_240, %select_n3A_230 : vector<16xi1>, vector<16xf32>
    %get3A_242 = arith.constant 160 : index
    %get3A_243 = tpu.vector_load %arg11[%get3A_242] {strides = array<i32>} : memref<352xf32, #tpu.memory_space<vmem>>, vector<16xf32>,
    %reduce_sum3A_244 = arith.constant true
    %reduce_sum3A_245 = vector.broadcast %reduce_sum3A_244 : i1 to vector<16xi1>
    %reduce_sum3A_246 = tpu.scan <sum>, %get3A_243 masked %reduce_sum3A_245 : vector<16xf32>, vector<16xi1> -> vector<16xf32>
    %reduce_sum3A_247 = vector.extract %reduce_sum3A_246[15] : f32 from vector<16xf32>
    %eq3A_248 = arith.constant 10 : i32
    %eq3A_249 = vector.broadcast %eq3A_248 : i32 to vector<16xi32>
    %eq3A_250 = arith.cmpi eq, %iota3A, %eq3A_249 : vector<16xi32>
    %broadcast_in_dim3A_251 = vector.broadcast %reduce_sum3A_247 : f32 to vector<16xf32>
    %select_n3A_252 = arith.select %eq3A_250, %broadcast_in_dim3A_251, %select_n3A_241 : vector<16xi1>, vector<16xf32>
    %get3A_253 = arith.constant 176 : index
    %get3A_254 = tpu.vector_load %arg11[%get3A_253] {strides = array<i32>} : memref<352xf32, #tpu.memory_space<vmem>>, vector<16xf32>,
    %reduce_sum3A_255 = arith.constant true
    %reduce_sum3A_256 = vector.broadcast %reduce_sum3A_255 : i1 to vector<16xi1>
    %reduce_sum3A_257 = tpu.scan <sum>, %get3A_254 masked %reduce_sum3A_256 : vector<16xf32>, vector<16xi1> -> vector<16xf32>
    %reduce_sum3A_258 = vector.extract %reduce_sum3A_257[15] : f32 from vector<16xf32>
    %eq3A_259 = arith.constant 11 : i32
    %eq3A_260 = vector.broadcast %eq3A_259 : i32 to vector<16xi32>
    %eq3A_261 = arith.cmpi eq, %iota3A, %eq3A_260 : vector<16xi32>
    %broadcast_in_dim3A_262 = vector.broadcast %reduce_sum3A_258 : f32 to vector<16xf32>
    %select_n3A_263 = arith.select %eq3A_261, %broadcast_in_dim3A_262, %select_n3A_252 : vector<16xi1>, vector<16xf32>
    %get3A_264 = arith.constant 192 : index
    %get3A_265 = tpu.vector_load %arg11[%get3A_264] {strides = array<i32>} : memref<352xf32, #tpu.memory_space<vmem>>, vector<16xf32>,
    %reduce_sum3A_266 = arith.constant true
    %reduce_sum3A_267 = vector.broadcast %reduce_sum3A_266 : i1 to vector<16xi1>
    %reduce_sum3A_268 = tpu.scan <sum>, %get3A_265 masked %reduce_sum3A_267 : vector<16xf32>, vector<16xi1> -> vector<16xf32>
    %reduce_sum3A_269 = vector.extract %reduce_sum3A_268[15] : f32 from vector<16xf32>
    %eq3A_270 = arith.constant 12 : i32
    %eq3A_271 = vector.broadcast %eq3A_270 : i32 to vector<16xi32>
    %eq3A_272 = arith.cmpi eq, %iota3A, %eq3A_271 : vector<16xi32>
    %broadcast_in_dim3A_273 = vector.broadcast %reduce_sum3A_269 : f32 to vector<16xf32>
    %select_n3A_274 = arith.select %eq3A_272, %broadcast_in_dim3A_273, %select_n3A_263 : vector<16xi1>, vector<16xf32>
    %get3A_275 = arith.constant 208 : index
    %get3A_276 = tpu.vector_load %arg11[%get3A_275] {strides = array<i32>} : memref<352xf32, #tpu.memory_space<vmem>>, vector<16xf32>,
    %reduce_sum3A_277 = arith.constant true
    %reduce_sum3A_278 = vector.broadcast %reduce_sum3A_277 : i1 to vector<16xi1>
    %reduce_sum3A_279 = tpu.scan <sum>, %get3A_276 masked %reduce_sum3A_278 : vector<16xf32>, vector<16xi1> -> vector<16xf32>
    %reduce_sum3A_280 = vector.extract %reduce_sum3A_279[15] : f32 from vector<16xf32>
    %eq3A_281 = arith.constant 13 : i32
    %eq3A_282 = vector.broadcast %eq3A_281 : i32 to vector<16xi32>
    %eq3A_283 = arith.cmpi eq, %iota3A, %eq3A_282 : vector<16xi32>
    %broadcast_in_dim3A_284 = vector.broadcast %reduce_sum3A_280 : f32 to vector<16xf32>
    %select_n3A_285 = arith.select %eq3A_283, %broadcast_in_dim3A_284, %select_n3A_274 : vector<16xi1>, vector<16xf32>
    %get3A_286 = arith.constant 224 : index
    %get3A_287 = tpu.vector_load %arg11[%get3A_286] {strides = array<i32>} : memref<352xf32, #tpu.memory_space<vmem>>, vector<16xf32>,
    %reduce_sum3A_288 = arith.constant true
    %reduce_sum3A_289 = vector.broadcast %reduce_sum3A_288 : i1 to vector<16xi1>
    %reduce_sum3A_290 = tpu.scan <sum>, %get3A_287 masked %reduce_sum3A_289 : vector<16xf32>, vector<16xi1> -> vector<16xf32>
    %reduce_sum3A_291 = vector.extract %reduce_sum3A_290[15] : f32 from vector<16xf32>
    %eq3A_292 = arith.constant 14 : i32
    %eq3A_293 = vector.broadcast %eq3A_292 : i32 to vector<16xi32>
    %eq3A_294 = arith.cmpi eq, %iota3A, %eq3A_293 : vector<16xi32>
    %broadcast_in_dim3A_295 = vector.broadcast %reduce_sum3A_291 : f32 to vector<16xf32>
    %select_n3A_296 = arith.select %eq3A_294, %broadcast_in_dim3A_295, %select_n3A_285 : vector<16xi1>, vector<16xf32>
    %get3A_297 = arith.constant 240 : index
    %get3A_298 = tpu.vector_load %arg11[%get3A_297] {strides = array<i32>} : memref<352xf32, #tpu.memory_space<vmem>>, vector<16xf32>,
    %reduce_sum3A_299 = arith.constant true
    %reduce_sum3A_300 = vector.broadcast %reduce_sum3A_299 : i1 to vector<16xi1>
    %reduce_sum3A_301 = tpu.scan <sum>, %get3A_298 masked %reduce_sum3A_300 : vector<16xf32>, vector<16xi1> -> vector<16xf32>
    %reduce_sum3A_302 = vector.extract %reduce_sum3A_301[15] : f32 from vector<16xf32>
    %eq3A_303 = arith.constant 15 : i32
    %eq3A_304 = vector.broadcast %eq3A_303 : i32 to vector<16xi32>
    %eq3A_305 = arith.cmpi eq, %iota3A, %eq3A_304 : vector<16xi32>
    %broadcast_in_dim3A_306 = vector.broadcast %reduce_sum3A_302 : f32 to vector<16xf32>
    %select_n3A_307 = arith.select %eq3A_305, %broadcast_in_dim3A_306, %select_n3A_296 : vector<16xi1>, vector<16xf32>
    %get3A_308 = arith.constant 256 : index
    %get3A_309 = tpu.vector_load %arg11[%get3A_308] {strides = array<i32>} : memref<352xf32, #tpu.memory_space<vmem>>, vector<16xf32>,
    %reduce_sum3A_310 = arith.constant true
    %reduce_sum3A_311 = vector.broadcast %reduce_sum3A_310 : i1 to vector<16xi1>
    %reduce_sum3A_312 = tpu.scan <sum>, %get3A_309 masked %reduce_sum3A_311 : vector<16xf32>, vector<16xi1> -> vector<16xf32>
    %reduce_sum3A_313 = vector.extract %reduce_sum3A_312[15] : f32 from vector<16xf32>
    %eq3A_314 = arith.constant 0 : i32
    %eq3A_315 = vector.broadcast %eq3A_314 : i32 to vector<16xi32>
    %eq3A_316 = arith.cmpi eq, %iota3A, %eq3A_315 : vector<16xi32>
    %broadcast_in_dim3A_317 = vector.broadcast %reduce_sum3A_313 : f32 to vector<16xf32>
    %select_n3A_318 = arith.select %eq3A_316, %broadcast_in_dim3A_317, %broadcast_in_dim3A_135 : vector<16xi1>, vector<16xf32>
    %get3A_319 = arith.constant 272 : index
    %get3A_320 = tpu.vector_load %arg11[%get3A_319] {strides = array<i32>} : memref<352xf32, #tpu.memory_space<vmem>>, vector<16xf32>,
    %reduce_sum3A_321 = arith.constant true
    %reduce_sum3A_322 = vector.broadcast %reduce_sum3A_321 : i1 to vector<16xi1>
    %reduce_sum3A_323 = tpu.scan <sum>, %get3A_320 masked %reduce_sum3A_322 : vector<16xf32>, vector<16xi1> -> vector<16xf32>
    %reduce_sum3A_324 = vector.extract %reduce_sum3A_323[15] : f32 from vector<16xf32>
    %eq3A_325 = arith.constant 1 : i32
    %eq3A_326 = vector.broadcast %eq3A_325 : i32 to vector<16xi32>
    %eq3A_327 = arith.cmpi eq, %iota3A, %eq3A_326 : vector<16xi32>
    %broadcast_in_dim3A_328 = vector.broadcast %reduce_sum3A_324 : f32 to vector<16xf32>
    %select_n3A_329 = arith.select %eq3A_327, %broadcast_in_dim3A_328, %select_n3A_318 : vector<16xi1>, vector<16xf32>
    %get3A_330 = arith.constant 288 : index
    %get3A_331 = tpu.vector_load %arg11[%get3A_330] {strides = array<i32>} : memref<352xf32, #tpu.memory_space<vmem>>, vector<16xf32>,
    %reduce_sum3A_332 = arith.constant true
    %reduce_sum3A_333 = vector.broadcast %reduce_sum3A_332 : i1 to vector<16xi1>
    %reduce_sum3A_334 = tpu.scan <sum>, %get3A_331 masked %reduce_sum3A_333 : vector<16xf32>, vector<16xi1> -> vector<16xf32>
    %reduce_sum3A_335 = vector.extract %reduce_sum3A_334[15] : f32 from vector<16xf32>
    %eq3A_336 = arith.constant 2 : i32
    %eq3A_337 = vector.broadcast %eq3A_336 : i32 to vector<16xi32>
    %eq3A_338 = arith.cmpi eq, %iota3A, %eq3A_337 : vector<16xi32>
    %broadcast_in_dim3A_339 = vector.broadcast %reduce_sum3A_335 : f32 to vector<16xf32>
    %select_n3A_340 = arith.select %eq3A_338, %broadcast_in_dim3A_339, %select_n3A_329 : vector<16xi1>, vector<16xf32>
    %get3A_341 = arith.constant 304 : index
    %get3A_342 = tpu.vector_load %arg11[%get3A_341] {strides = array<i32>} : memref<352xf32, #tpu.memory_space<vmem>>, vector<16xf32>,
    %reduce_sum3A_343 = arith.constant true
    %reduce_sum3A_344 = vector.broadcast %reduce_sum3A_343 : i1 to vector<16xi1>
    %reduce_sum3A_345 = tpu.scan <sum>, %get3A_342 masked %reduce_sum3A_344 : vector<16xf32>, vector<16xi1> -> vector<16xf32>
    %reduce_sum3A_346 = vector.extract %reduce_sum3A_345[15] : f32 from vector<16xf32>
    %eq3A_347 = arith.constant 3 : i32
    %eq3A_348 = vector.broadcast %eq3A_347 : i32 to vector<16xi32>
    %eq3A_349 = arith.cmpi eq, %iota3A, %eq3A_348 : vector<16xi32>
    %broadcast_in_dim3A_350 = vector.broadcast %reduce_sum3A_346 : f32 to vector<16xf32>
    %select_n3A_351 = arith.select %eq3A_349, %broadcast_in_dim3A_350, %select_n3A_340 : vector<16xi1>, vector<16xf32>
    %get3A_352 = arith.constant 320 : index
    %get3A_353 = tpu.vector_load %arg11[%get3A_352] {strides = array<i32>} : memref<352xf32, #tpu.memory_space<vmem>>, vector<16xf32>,
    %reduce_sum3A_354 = arith.constant true
    %reduce_sum3A_355 = vector.broadcast %reduce_sum3A_354 : i1 to vector<16xi1>
    %reduce_sum3A_356 = tpu.scan <sum>, %get3A_353 masked %reduce_sum3A_355 : vector<16xf32>, vector<16xi1> -> vector<16xf32>
    %reduce_sum3A_357 = vector.extract %reduce_sum3A_356[15] : f32 from vector<16xf32>
    %eq3A_358 = arith.constant 4 : i32
    %eq3A_359 = vector.broadcast %eq3A_358 : i32 to vector<16xi32>
    %eq3A_360 = arith.cmpi eq, %iota3A, %eq3A_359 : vector<16xi32>
    %broadcast_in_dim3A_361 = vector.broadcast %reduce_sum3A_357 : f32 to vector<16xf32>
    %select_n3A_362 = arith.select %eq3A_360, %broadcast_in_dim3A_361, %select_n3A_351 : vector<16xi1>, vector<16xf32>
    %get3A_363 = arith.constant 336 : index
    %get3A_364 = tpu.vector_load %arg11[%get3A_363] {strides = array<i32>} : memref<352xf32, #tpu.memory_space<vmem>>, vector<16xf32>,
    %reduce_sum3A_365 = arith.constant true
    %reduce_sum3A_366 = vector.broadcast %reduce_sum3A_365 : i1 to vector<16xi1>
    %reduce_sum3A_367 = tpu.scan <sum>, %get3A_364 masked %reduce_sum3A_366 : vector<16xf32>, vector<16xi1> -> vector<16xf32>
    %reduce_sum3A_368 = vector.extract %reduce_sum3A_367[15] : f32 from vector<16xf32>
    %eq3A_369 = arith.constant 5 : i32
    %eq3A_370 = vector.broadcast %eq3A_369 : i32 to vector<16xi32>
    %eq3A_371 = arith.cmpi eq, %iota3A, %eq3A_370 : vector<16xi32>
    %broadcast_in_dim3A_372 = vector.broadcast %reduce_sum3A_368 : f32 to vector<16xf32>
    %select_n3A_373 = arith.select %eq3A_371, %broadcast_in_dim3A_372, %select_n3A_362 : vector<16xi1>, vector<16xf32>
    %swap3A_374 = arith.constant 0 : index
    %swap3A_375 = tpu.vector_load %arg12[%swap3A_374] {strides = array<i32>} : memref<32xf32, #tpu.memory_space<vmem>>, vector<16xf32>,
    tpu.vector_store %arg12[%swap3A_374], %select_n3A_307 {strides = array<i32>} : memref<32xf32, #tpu.memory_space<vmem>>, vector<16xf32>,
    %swap3A_376 = arith.constant 16 : index
    %swap3A_377 = tpu.vector_load %arg12[%swap3A_376] {strides = array<i32>} : memref<32xf32, #tpu.memory_space<vmem>>, vector<16xf32>,
    tpu.vector_store %arg12[%swap3A_376], %select_n3A_373 {strides = array<i32>} : memref<32xf32, #tpu.memory_space<vmem>>, vector<16xf32>,
    "tpu.region"() ({
      %run_scoped3A = tpu.sem_alloc : memref<!tpu.dma_semaphore, #tpu.memory_space<semaphore_mem>>
      %dma_start3A_378 = arith.constant 0 : i32
      %dma_start3A_379 = tpu.memref_slice %arg6[%add3A, %dma_start3A_378] : memref<32x32xf32, #tpu.memory_space<hbm>> -> memref<1x32xf32, #tpu.memory_space<hbm>>
      %dma_start3A_380 = tpu.memref_squeeze %dma_start3A_379 : memref<1x32xf32, #tpu.memory_space<hbm>> -> memref<32xf32, #tpu.memory_space<hbm>>
      %dma_start3A_381 = arith.constant 0 : i32
      %dma_start3A_382 = tpu.memref_slice %arg6[%add3A, %dma_start3A_381] : memref<32x32xf32, #tpu.memory_space<hbm>> -> memref<1x32xf32, #tpu.memory_space<hbm>>
      %dma_start3A_383 = tpu.memref_squeeze %dma_start3A_382 : memref<1x32xf32, #tpu.memory_space<hbm>> -> memref<32xf32, #tpu.memory_space<hbm>>
      tpu.enqueue_dma source(%arg12 : memref<32xf32, #tpu.memory_space<vmem>>) target(%dma_start3A_383 : memref<32xf32, #tpu.memory_space<hbm>>) target_semaphore(%run_scoped3A : memref<!tpu.dma_semaphore, #tpu.memory_space<semaphore_mem>>)
      %dma_wait3A_384 = arith.constant 0 : i32
      %dma_wait3A_385 = tpu.memref_slice %arg6[%add3A, %dma_wait3A_384] : memref<32x32xf32, #tpu.memory_space<hbm>> -> memref<1x32xf32, #tpu.memory_space<hbm>>
      %dma_wait3A_386 = tpu.memref_squeeze %dma_wait3A_385 : memref<1x32xf32, #tpu.memory_space<hbm>> -> memref<32xf32, #tpu.memory_space<hbm>>
      %dma_wait3A_387 = arith.constant 0 : i32
      %dma_wait3A_388 = tpu.memref_slice %arg6[%add3A, %dma_wait3A_387] : memref<32x32xf32, #tpu.memory_space<hbm>> -> memref<1x32xf32, #tpu.memory_space<hbm>>
      %dma_wait3A_389 = tpu.memref_squeeze %dma_wait3A_388 : memref<1x32xf32, #tpu.memory_space<hbm>> -> memref<32xf32, #tpu.memory_space<hbm>>
      tpu.wait_dma2 semaphore(%run_scoped3A : memref<!tpu.dma_semaphore, #tpu.memory_space<semaphore_mem>>) src(%arg12 : memref<32xf32, #tpu.memory_space<vmem>>) dst(%dma_wait3A_389 : memref<32xf32, #tpu.memory_space<hbm>>)
      tpu.yield
    }) : () -> ()
    return
  }
}

module attributes {stable_mosaic.version = 14 : i64} {
  func.func @_regs_kernel(%arg0: memref<32x32xf32, #tpu.memory_space<vmem>>, %arg1: memref<1x1xf32, #tpu.memory_space<smem>>) attributes {dimension_semantics = [], scalar_prefetch = 0 : i64, scratch_operands = 0 : i64, tpu.core_type = #tpu.core_type<tc>} {
    %get3A = arith.constant 0 : index
    %get3A_0 = arith.constant 0 : index
    %get3A_1 = vector.load %arg0[%get3A, %get3A_0] : memref<32x32xf32, #tpu.memory_space<vmem>>, vector<32x32xf32>
    %reduce_sum3A = arith.constant dense<0.000000e+00> : vector<32xf32>
    %reduce_sum3A_2 = vector.multi_reduction <add>, %get3A_1, %reduce_sum3A [0] : vector<32x32xf32> to vector<32xf32>
    %broadcast_in_dim3A = vector.shape_cast %reduce_sum3A_2 : vector<32xf32> to vector<1x32xf32>
    %iota3A = tpu.iota {dimensions = array<i32: 1>} : vector<1x32xi32>
    %lt3A = arith.constant 22 : i32
    %lt3A_3 = vector.broadcast %lt3A : i32 to vector<1x32xi32>
    %lt3A_4 = arith.cmpi slt, %iota3A, %lt3A_3 : vector<1x32xi32>
    %jit3A = arith.constant 0.000000e+00 : f32
    %broadcast_in_dim3A_5 = vector.broadcast %jit3A : f32 to vector<1x32xf32>
    %select_n3A = arith.select %lt3A_4, %broadcast_in_dim3A, %broadcast_in_dim3A_5 : vector<1x32xi1>, vector<1x32xf32>
    %sqrt3A = math.sqrt %select_n3A : vector<1x32xf32>
    %reduce_sum3A_6 = vector.shape_cast %sqrt3A : vector<1x32xf32> to vector<1x1x32xf32>
    %reduce_sum3A_7 = arith.constant dense<0.000000e+00> : vector<1xf32>
    %reduce_sum3A_8 = vector.multi_reduction <add>, %reduce_sum3A_6, %reduce_sum3A_7 [1, 2] : vector<1x1x32xf32> to vector<1xf32>
    %reduce_sum3A_9 = vector.shape_cast %reduce_sum3A_8 : vector<1xf32> to vector<1x1x1xf32>
    %reduce_sum3A_10 = vector.extract %reduce_sum3A_9[0, 0, 0] : f32 from vector<1x1x1xf32>
    %mul3A = arith.constant 4.400000e-01 : f32
    %mul3A_11 = arith.mulf %reduce_sum3A_10, %mul3A : f32
    %swap3A = arith.constant 0 : index
    %swap3A_12 = arith.constant 0 : index
    %swap3A_13 = memref.load %arg1[%swap3A, %swap3A_12] : memref<1x1xf32, #tpu.memory_space<smem>>
    memref.store %mul3A_11, %arg1[%swap3A, %swap3A_12] : memref<1x1xf32, #tpu.memory_space<smem>>
    return
  }
}

module attributes {stable_mosaic.version = 14 : i64} {
  func.func @_table_kernel(%arg0: memref<1x1xf32, #tpu.memory_space<smem>>, %arg1: memref<1x1xf32, #tpu.memory_space<smem>>, %arg2: memref<22x16x128xf32, #tpu.memory_space<vmem>>, %arg3: memref<352x128xf32, #tpu.memory_space<vmem>>, %arg4: memref<484x128xf32, #tpu.memory_space<vmem>>, %arg5: memref<352x264xf32, #tpu.memory_space<vmem>>, %arg6: memref<264x1xf32, #tpu.memory_space<vmem>>) attributes {dimension_semantics = [], scalar_prefetch = 0 : i64, scratch_operands = 0 : i64, tpu.core_type = #tpu.core_type<tc>} {
    %get3A = arith.constant 0 : index
    %get3A_0 = arith.constant 0 : index
    %get3A_1 = memref.load %arg0[%get3A, %get3A_0] : memref<1x1xf32, #tpu.memory_space<smem>>
    %get3A_2 = arith.constant 0 : index
    %get3A_3 = arith.constant 0 : index
    %get3A_4 = memref.load %arg1[%get3A_2, %get3A_3] : memref<1x1xf32, #tpu.memory_space<smem>>
    %iota3A = tpu.iota {dimensions = array<i32: 0>} : vector<264x352xi32>
    %iota3A_5 = tpu.iota {dimensions = array<i32: 1>} : vector<264x352xi32>
    %jit3A = arith.constant 12 : i32
    %div3A = vector.broadcast %jit3A : i32 to vector<264x352xi32>
    %div3A_6 = arith.divsi %iota3A, %div3A : vector<264x352xi32>
    %sign3A = arith.constant 0 : i32
    %sign3A_7 = vector.broadcast %sign3A : i32 to vector<264x352xi32>
    %sign3A_8 = arith.cmpi sgt, %iota3A, %sign3A_7 : vector<264x352xi32>
    %sign3A_9 = arith.extui %sign3A_8 : vector<264x352xi1> to vector<264x352xi32>
    %sign3A_10 = arith.constant 0 : i32
    %sign3A_11 = vector.broadcast %sign3A_10 : i32 to vector<264x352xi32>
    %sign3A_12 = arith.cmpi slt, %iota3A, %sign3A_11 : vector<264x352xi32>
    %sign3A_13 = arith.extui %sign3A_12 : vector<264x352xi1> to vector<264x352xi32>
    %sign3A_14 = arith.subi %sign3A_9, %sign3A_13 : vector<264x352xi32>
    %sign3A_15 = arith.constant 0 : i32
    %sign3A_16 = arith.cmpi sgt, %jit3A, %sign3A_15 : i32
    %sign3A_17 = arith.extui %sign3A_16 : i1 to i32
    %sign3A_18 = arith.constant 0 : i32
    %sign3A_19 = arith.cmpi slt, %jit3A, %sign3A_18 : i32
    %sign3A_20 = arith.extui %sign3A_19 : i1 to i32
    %sign3A_21 = arith.subi %sign3A_17, %sign3A_20 : i32
    %ne3A = vector.broadcast %sign3A_21 : i32 to vector<264x352xi32>
    %ne3A_22 = arith.cmpi ne, %sign3A_14, %ne3A : vector<264x352xi32>
    %rem3A = vector.broadcast %jit3A : i32 to vector<264x352xi32>
    %rem3A_23 = arith.remsi %iota3A, %rem3A : vector<264x352xi32>
    %ne3A_24 = arith.constant 0 : i32
    %ne3A_25 = vector.broadcast %ne3A_24 : i32 to vector<264x352xi32>
    %ne3A_26 = arith.cmpi ne, %rem3A_23, %ne3A_25 : vector<264x352xi32>
    %and3A = arith.andi %ne3A_22, %ne3A_26 : vector<264x352xi1>
    %sub3A = arith.constant 1 : i32
    %sub3A_27 = vector.broadcast %sub3A : i32 to vector<264x352xi32>
    %sub3A_28 = arith.subi %div3A_6, %sub3A_27 : vector<264x352xi32>
    %select_n3A = arith.select %and3A, %sub3A_28, %div3A_6 : vector<264x352xi1>, vector<264x352xi32>
    %mul3A = arith.constant 16 : i32
    %mul3A_29 = vector.broadcast %mul3A : i32 to vector<264x352xi32>
    %mul3A_30 = arith.muli %select_n3A, %mul3A_29 : vector<264x352xi32>
    %jit3A_31 = arith.constant 12 : i32
    %eq3A = arith.constant 0 : i32
    %eq3A_32 = arith.cmpi eq, %jit3A_31, %eq3A : i32
    %jit3A_33 = arith.constant 1 : i32
    %select_n3A_34 = arith.select %eq3A_32, %jit3A_33, %jit3A_31 : i32
    %rem3A_35 = vector.broadcast %select_n3A_34 : i32 to vector<264x352xi32>
    %rem3A_36 = arith.remsi %iota3A, %rem3A_35 : vector<264x352xi32>
    %ne3A_37 = arith.constant 0 : i32
    %ne3A_38 = vector.broadcast %ne3A_37 : i32 to vector<264x352xi32>
    %ne3A_39 = arith.cmpi ne, %rem3A_36, %ne3A_38 : vector<264x352xi32>
    %lt3A = arith.constant 0 : i32
    %lt3A_40 = vector.broadcast %lt3A : i32 to vector<264x352xi32>
    %lt3A_41 = arith.cmpi slt, %rem3A_36, %lt3A_40 : vector<264x352xi32>
    %lt3A_42 = arith.constant 0 : i32
    %lt3A_43 = arith.cmpi slt, %select_n3A_34, %lt3A_42 : i32
    %ne3A_44 = vector.broadcast %lt3A_43 : i1 to vector<264x352xi1>
    %ne3A_45 = vector.broadcast %ne3A_44 : vector<264x352xi1> to vector<264x352xi1>
    %ne3A_46 = arith.xori %lt3A_41, %ne3A_45 : vector<264x352xi1>
    %and3A_47 = arith.andi %ne3A_46, %ne3A_39 : vector<264x352xi1>
    %add3A = vector.broadcast %select_n3A_34 : i32 to vector<264x352xi32>
    %add3A_48 = arith.addi %rem3A_36, %add3A : vector<264x352xi32>
    %select_n3A_49 = arith.select %and3A_47, %add3A_48, %rem3A_36 : vector<264x352xi1>, vector<264x352xi32>
    %add3A_50 = arith.addi %mul3A_30, %select_n3A_49 : vector<264x352xi32>
    %eq3A_51 = arith.cmpi eq, %iota3A_5, %add3A_50 : vector<264x352xi32>
    %convert_element_type3A = arith.extui %eq3A_51 : vector<264x352xi1> to vector<264x352xi32>
    %convert_element_type3A_52 = arith.sitofp %convert_element_type3A : vector<264x352xi32> to vector<264x352xf32>
    %get3A_53 = arith.constant 0 : index
    %get3A_54 = arith.constant 0 : index
    %get3A_55 = vector.load %arg3[%get3A_53, %get3A_54] : memref<352x128xf32, #tpu.memory_space<vmem>>, vector<352x128xf32>
    %dot_general3A = arith.constant dense<0.000000e+00> : vector<264x128xf32>
    %dot_general3A_56 = tpu.matmul %convert_element_type3A_52, %get3A_55, %dot_general3A {dimension_numbers = #tpu.dot_dimension_numbers<[1], [0], [0], [1], [0, 0, 1, 1], [], []>, transpose_lhs_hint = false} : vector<264x352xf32>, vector<352x128xf32>, vector<264x128xf32> -> vector<264x128xf32>
    %mul3A_57 = vector.broadcast %get3A_1 : f32 to vector<264x128xf32>
    %mul3A_58 = arith.mulf %dot_general3A_56, %mul3A_57 : vector<264x128xf32>
    %add3A_59 = vector.broadcast %get3A_4 : f32 to vector<264x128xf32>
    %add3A_60 = arith.addf %mul3A_58, %add3A_59 : vector<264x128xf32>
    %mul3A_61 = arith.mulf %dot_general3A_56, %dot_general3A_56 : vector<264x128xf32>
    %reduce_sum3A = arith.constant dense<0.000000e+00> : vector<264xf32>
    %reduce_sum3A_62 = vector.multi_reduction <add>, %mul3A_61, %reduce_sum3A [1] : vector<264x128xf32> to vector<264xf32>
    %broadcast_in_dim3A = vector.shape_cast %reduce_sum3A_62 : vector<264xf32> to vector<264x1xf32>
    %swap3A = arith.constant 0 : index
    %swap3A_63 = arith.constant 0 : index
    %swap3A_64 = vector.load %arg6[%swap3A, %swap3A_63] : memref<264x1xf32, #tpu.memory_space<vmem>>, vector<264x1xf32>
    tpu.vector_store %arg6[%swap3A, %swap3A_63], %broadcast_in_dim3A {strides = array<i32>} : memref<264x1xf32, #tpu.memory_space<vmem>>, vector<264x1xf32>,
    %get3A_65 = arith.constant 0 : index
    %get3A_66 = arith.constant 0 : index
    %get3A_67 = vector.load %arg4[%get3A_65, %get3A_66] : memref<484x128xf32, #tpu.memory_space<vmem>>, vector<484x128xf32>
    %mul3A_68 = arith.mulf %get3A_67, %get3A_67 : vector<484x128xf32>
    %reduce_sum3A_69 = arith.constant dense<0.000000e+00> : vector<484xf32>
    %reduce_sum3A_70 = vector.multi_reduction <add>, %mul3A_68, %reduce_sum3A_69 [1] : vector<484x128xf32> to vector<484xf32>
    %broadcast_in_dim3A_71 = vector.shape_cast %reduce_sum3A_70 : vector<484xf32> to vector<484x1xf32>
    %sqrt3A = math.sqrt %broadcast_in_dim3A_71 : vector<484x1xf32>
    %max3A = arith.constant 1.000000e+00 : f32
    %max3A_72 = vector.broadcast %max3A : f32 to vector<484x1xf32>
    %max3A_73 = arith.maximumf %sqrt3A, %max3A_72 : vector<484x1xf32>
    %div3A_74 = vector.broadcast %max3A_73 : vector<484x1xf32> to vector<484x128xf32>
    %div3A_75 = arith.divf %get3A_67, %div3A_74 : vector<484x128xf32>
    %iota3A_76 = tpu.iota {dimensions = array<i32: 0>} : vector<484x484xi32>
    %iota3A_77 = tpu.iota {dimensions = array<i32: 1>} : vector<484x484xi32>
    %jit3A_78 = arith.constant 22 : i32
    %eq3A_79 = arith.constant 0 : i32
    %eq3A_80 = arith.cmpi eq, %jit3A_78, %eq3A_79 : i32
    %jit3A_81 = arith.constant 1 : i32
    %select_n3A_82 = arith.select %eq3A_80, %jit3A_81, %jit3A_78 : i32
    %rem3A_83 = vector.broadcast %select_n3A_82 : i32 to vector<484x484xi32>
    %rem3A_84 = arith.remsi %iota3A_76, %rem3A_83 : vector<484x484xi32>
    %ne3A_85 = arith.constant 0 : i32
    %ne3A_86 = vector.broadcast %ne3A_85 : i32 to vector<484x484xi32>
    %ne3A_87 = arith.cmpi ne, %rem3A_84, %ne3A_86 : vector<484x484xi32>
    %lt3A_88 = arith.constant 0 : i32
    %lt3A_89 = vector.broadcast %lt3A_88 : i32 to vector<484x484xi32>
    %lt3A_90 = arith.cmpi slt, %rem3A_84, %lt3A_89 : vector<484x484xi32>
    %lt3A_91 = arith.constant 0 : i32
    %lt3A_92 = arith.cmpi slt, %select_n3A_82, %lt3A_91 : i32
    %ne3A_93 = vector.broadcast %lt3A_92 : i1 to vector<484x484xi1>
    %ne3A_94 = vector.broadcast %ne3A_93 : vector<484x484xi1> to vector<484x484xi1>
    %ne3A_95 = arith.xori %lt3A_90, %ne3A_94 : vector<484x484xi1>
    %and3A_96 = arith.andi %ne3A_95, %ne3A_87 : vector<484x484xi1>
    %add3A_97 = vector.broadcast %select_n3A_82 : i32 to vector<484x484xi32>
    %add3A_98 = arith.addi %rem3A_84, %add3A_97 : vector<484x484xi32>
    %select_n3A_99 = arith.select %and3A_96, %add3A_98, %rem3A_84 : vector<484x484xi1>, vector<484x484xi32>
    %mul3A_100 = arith.constant 22 : i32
    %mul3A_101 = vector.broadcast %mul3A_100 : i32 to vector<484x484xi32>
    %mul3A_102 = arith.muli %select_n3A_99, %mul3A_101 : vector<484x484xi32>
    %jit3A_103 = arith.constant 22 : i32
    %div3A_104 = vector.broadcast %jit3A_103 : i32 to vector<484x484xi32>
    %div3A_105 = arith.divsi %iota3A_76, %div3A_104 : vector<484x484xi32>
    %sign3A_106 = arith.constant 0 : i32
    %sign3A_107 = vector.broadcast %sign3A_106 : i32 to vector<484x484xi32>
    %sign3A_108 = arith.cmpi sgt, %iota3A_76, %sign3A_107 : vector<484x484xi32>
    %sign3A_109 = arith.extui %sign3A_108 : vector<484x484xi1> to vector<484x484xi32>
    %sign3A_110 = arith.constant 0 : i32
    %sign3A_111 = vector.broadcast %sign3A_110 : i32 to vector<484x484xi32>
    %sign3A_112 = arith.cmpi slt, %iota3A_76, %sign3A_111 : vector<484x484xi32>
    %sign3A_113 = arith.extui %sign3A_112 : vector<484x484xi1> to vector<484x484xi32>
    %sign3A_114 = arith.subi %sign3A_109, %sign3A_113 : vector<484x484xi32>
    %sign3A_115 = arith.constant 0 : i32
    %sign3A_116 = arith.cmpi sgt, %jit3A_103, %sign3A_115 : i32
    %sign3A_117 = arith.extui %sign3A_116 : i1 to i32
    %sign3A_118 = arith.constant 0 : i32
    %sign3A_119 = arith.cmpi slt, %jit3A_103, %sign3A_118 : i32
    %sign3A_120 = arith.extui %sign3A_119 : i1 to i32
    %sign3A_121 = arith.subi %sign3A_117, %sign3A_120 : i32
    %ne3A_122 = vector.broadcast %sign3A_121 : i32 to vector<484x484xi32>
    %ne3A_123 = arith.cmpi ne, %sign3A_114, %ne3A_122 : vector<484x484xi32>
    %rem3A_124 = vector.broadcast %jit3A_103 : i32 to vector<484x484xi32>
    %rem3A_125 = arith.remsi %iota3A_76, %rem3A_124 : vector<484x484xi32>
    %ne3A_126 = arith.constant 0 : i32
    %ne3A_127 = vector.broadcast %ne3A_126 : i32 to vector<484x484xi32>
    %ne3A_128 = arith.cmpi ne, %rem3A_125, %ne3A_127 : vector<484x484xi32>
    %and3A_129 = arith.andi %ne3A_123, %ne3A_128 : vector<484x484xi1>
    %sub3A_130 = arith.constant 1 : i32
    %sub3A_131 = vector.broadcast %sub3A_130 : i32 to vector<484x484xi32>
    %sub3A_132 = arith.subi %div3A_105, %sub3A_131 : vector<484x484xi32>
    %select_n3A_133 = arith.select %and3A_129, %sub3A_132, %div3A_105 : vector<484x484xi1>, vector<484x484xi32>
    %add3A_134 = arith.addi %mul3A_102, %select_n3A_133 : vector<484x484xi32>
    %eq3A_135 = arith.cmpi eq, %iota3A_77, %add3A_134 : vector<484x484xi32>
    %convert_element_type3A_136 = arith.extui %eq3A_135 : vector<484x484xi1> to vector<484x484xi32>
    %convert_element_type3A_137 = arith.sitofp %convert_element_type3A_136 : vector<484x484xi32> to vector<484x484xf32>
    %dot_general3A_138 = arith.constant dense<0.000000e+00> : vector<484x128xf32>
    %dot_general3A_139 = tpu.matmul %convert_element_type3A_137, %div3A_75, %dot_general3A_138 {dimension_numbers = #tpu.dot_dimension_numbers<[1], [0], [0], [1], [0, 0, 1, 1], [], []>, transpose_lhs_hint = false} : vector<484x484xf32>, vector<484x128xf32>, vector<484x128xf32> -> vector<484x128xf32>
    %iota3A_140 = tpu.iota {dimensions = array<i32: 0>} : vector<484x1xi32>
    %jit3A_141 = arith.constant 22 : i32
    %eq3A_142 = arith.constant 0 : i32
    %eq3A_143 = arith.cmpi eq, %jit3A_141, %eq3A_142 : i32
    %jit3A_144 = arith.constant 1 : i32
    %select_n3A_145 = arith.select %eq3A_143, %jit3A_144, %jit3A_141 : i32
    %rem3A_146 = vector.broadcast %select_n3A_145 : i32 to vector<484x1xi32>
    %rem3A_147 = arith.remsi %iota3A_140, %rem3A_146 : vector<484x1xi32>
    %ne3A_148 = arith.constant 0 : i32
    %ne3A_149 = vector.broadcast %ne3A_148 : i32 to vector<484x1xi32>
    %ne3A_150 = arith.cmpi ne, %rem3A_147, %ne3A_149 : vector<484x1xi32>
    %lt3A_151 = arith.constant 0 : i32
    %lt3A_152 = vector.broadcast %lt3A_151 : i32 to vector<484x1xi32>
    %lt3A_153 = arith.cmpi slt, %rem3A_147, %lt3A_152 : vector<484x1xi32>
    %lt3A_154 = arith.constant 0 : i32
    %lt3A_155 = arith.cmpi slt, %select_n3A_145, %lt3A_154 : i32
    %ne3A_156 = vector.broadcast %lt3A_155 : i1 to vector<484x1xi1>
    %ne3A_157 = vector.broadcast %ne3A_156 : vector<484x1xi1> to vector<484x1xi1>
    %ne3A_158 = arith.xori %lt3A_153, %ne3A_157 : vector<484x1xi1>
    %and3A_159 = arith.andi %ne3A_158, %ne3A_150 : vector<484x1xi1>
    %add3A_160 = vector.broadcast %select_n3A_145 : i32 to vector<484x1xi32>
    %add3A_161 = arith.addi %rem3A_147, %add3A_160 : vector<484x1xi32>
    %select_n3A_162 = arith.select %and3A_159, %add3A_161, %rem3A_147 : vector<484x1xi1>, vector<484x1xi32>
    %jit3A_163 = arith.constant 22 : i32
    %div3A_164 = vector.broadcast %jit3A_163 : i32 to vector<484x1xi32>
    %div3A_165 = arith.divsi %iota3A_140, %div3A_164 : vector<484x1xi32>
    %sign3A_166 = arith.constant 0 : i32
    %sign3A_167 = vector.broadcast %sign3A_166 : i32 to vector<484x1xi32>
    %sign3A_168 = arith.cmpi sgt, %iota3A_140, %sign3A_167 : vector<484x1xi32>
    %sign3A_169 = arith.extui %sign3A_168 : vector<484x1xi1> to vector<484x1xi32>
    %sign3A_170 = arith.constant 0 : i32
    %sign3A_171 = vector.broadcast %sign3A_170 : i32 to vector<484x1xi32>
    %sign3A_172 = arith.cmpi slt, %iota3A_140, %sign3A_171 : vector<484x1xi32>
    %sign3A_173 = arith.extui %sign3A_172 : vector<484x1xi1> to vector<484x1xi32>
    %sign3A_174 = arith.subi %sign3A_169, %sign3A_173 : vector<484x1xi32>
    %sign3A_175 = arith.constant 0 : i32
    %sign3A_176 = arith.cmpi sgt, %jit3A_163, %sign3A_175 : i32
    %sign3A_177 = arith.extui %sign3A_176 : i1 to i32
    %sign3A_178 = arith.constant 0 : i32
    %sign3A_179 = arith.cmpi slt, %jit3A_163, %sign3A_178 : i32
    %sign3A_180 = arith.extui %sign3A_179 : i1 to i32
    %sign3A_181 = arith.subi %sign3A_177, %sign3A_180 : i32
    %ne3A_182 = vector.broadcast %sign3A_181 : i32 to vector<484x1xi32>
    %ne3A_183 = arith.cmpi ne, %sign3A_174, %ne3A_182 : vector<484x1xi32>
    %rem3A_184 = vector.broadcast %jit3A_163 : i32 to vector<484x1xi32>
    %rem3A_185 = arith.remsi %iota3A_140, %rem3A_184 : vector<484x1xi32>
    %ne3A_186 = arith.constant 0 : i32
    %ne3A_187 = vector.broadcast %ne3A_186 : i32 to vector<484x1xi32>
    %ne3A_188 = arith.cmpi ne, %rem3A_185, %ne3A_187 : vector<484x1xi32>
    %and3A_189 = arith.andi %ne3A_183, %ne3A_188 : vector<484x1xi1>
    %sub3A_190 = arith.constant 1 : i32
    %sub3A_191 = vector.broadcast %sub3A_190 : i32 to vector<484x1xi32>
    %sub3A_192 = arith.subi %div3A_165, %sub3A_191 : vector<484x1xi32>
    %select_n3A_193 = arith.select %and3A_189, %sub3A_192, %div3A_165 : vector<484x1xi1>, vector<484x1xi32>
    %eq3A_194 = arith.cmpi eq, %select_n3A_162, %select_n3A_193 : vector<484x1xi32>
    %jit3A_195 = arith.constant 0.000000e+00 : f32
    %broadcast_in_dim3A_196 = vector.shape_cast %eq3A_194 : vector<484x1xi1> to vector<484x1xi1>
    %broadcast_in_dim3A_197 = vector.broadcast %broadcast_in_dim3A_196 : vector<484x1xi1> to vector<484x128xi1>
    %broadcast_in_dim3A_198 = vector.broadcast %jit3A_195 : f32 to vector<484x128xf32>
    %select_n3A_199 = arith.select %broadcast_in_dim3A_197, %broadcast_in_dim3A_198, %dot_general3A_139 : vector<484x128xi1>, vector<484x128xf32>
    %add3A_200 = arith.addf %div3A_75, %select_n3A_199 : vector<484x128xf32>
    %iota3A_201 = tpu.iota {dimensions = array<i32: 0>} : vector<264x22xi32>
    %jit3A_202 = arith.constant 12 : i32
    %div3A_203 = vector.broadcast %jit3A_202 : i32 to vector<264x22xi32>
    %div3A_204 = arith.divsi %iota3A_201, %div3A_203 : vector<264x22xi32>
    %sign3A_205 = arith.constant 0 : i32
    %sign3A_206 = vector.broadcast %sign3A_205 : i32 to vector<264x22xi32>
    %sign3A_207 = arith.cmpi sgt, %iota3A_201, %sign3A_206 : vector<264x22xi32>
    %sign3A_208 = arith.extui %sign3A_207 : vector<264x22xi1> to vector<264x22xi32>
    %sign3A_209 = arith.constant 0 : i32
    %sign3A_210 = vector.broadcast %sign3A_209 : i32 to vector<264x22xi32>
    %sign3A_211 = arith.cmpi slt, %iota3A_201, %sign3A_210 : vector<264x22xi32>
    %sign3A_212 = arith.extui %sign3A_211 : vector<264x22xi1> to vector<264x22xi32>
    %sign3A_213 = arith.subi %sign3A_208, %sign3A_212 : vector<264x22xi32>
    %sign3A_214 = arith.constant 0 : i32
    %sign3A_215 = arith.cmpi sgt, %jit3A_202, %sign3A_214 : i32
    %sign3A_216 = arith.extui %sign3A_215 : i1 to i32
    %sign3A_217 = arith.constant 0 : i32
    %sign3A_218 = arith.cmpi slt, %jit3A_202, %sign3A_217 : i32
    %sign3A_219 = arith.extui %sign3A_218 : i1 to i32
    %sign3A_220 = arith.subi %sign3A_216, %sign3A_219 : i32
    %ne3A_221 = vector.broadcast %sign3A_220 : i32 to vector<264x22xi32>
    %ne3A_222 = arith.cmpi ne, %sign3A_213, %ne3A_221 : vector<264x22xi32>
    %rem3A_223 = vector.broadcast %jit3A_202 : i32 to vector<264x22xi32>
    %rem3A_224 = arith.remsi %iota3A_201, %rem3A_223 : vector<264x22xi32>
    %ne3A_225 = arith.constant 0 : i32
    %ne3A_226 = vector.broadcast %ne3A_225 : i32 to vector<264x22xi32>
    %ne3A_227 = arith.cmpi ne, %rem3A_224, %ne3A_226 : vector<264x22xi32>
    %and3A_228 = arith.andi %ne3A_222, %ne3A_227 : vector<264x22xi1>
    %sub3A_229 = arith.constant 1 : i32
    %sub3A_230 = vector.broadcast %sub3A_229 : i32 to vector<264x22xi32>
    %sub3A_231 = arith.subi %div3A_204, %sub3A_230 : vector<264x22xi32>
    %select_n3A_232 = arith.select %and3A_228, %sub3A_231, %div3A_204 : vector<264x22xi1>, vector<264x22xi32>
    %iota3A_233 = tpu.iota {dimensions = array<i32: 1>} : vector<264x22xi32>
    %eq3A_234 = arith.cmpi eq, %select_n3A_232, %iota3A_233 : vector<264x22xi32>
    %convert_element_type3A_235 = arith.extui %eq3A_234 : vector<264x22xi1> to vector<264x22xi32>
    %convert_element_type3A_236 = arith.sitofp %convert_element_type3A_235 : vector<264x22xi32> to vector<264x22xf32>
    %slice3A = vector.extract_strided_slice %add3A_200 {offsets = [0, 0], sizes = [22, 128], strides = [1, 1]} : vector<484x128xf32> to vector<22x128xf32>
    %dot_general3A_237 = arith.constant dense<0.000000e+00> : vector<264x128xf32>
    %dot_general3A_238 = tpu.matmul %convert_element_type3A_236, %slice3A, %dot_general3A_237 {dimension_numbers = #tpu.dot_dimension_numbers<[1], [0], [0], [1], [0, 0, 1, 1], [], []>, transpose_lhs_hint = false} : vector<264x22xf32>, vector<22x128xf32>, vector<264x128xf32> -> vector<264x128xf32>
    %slice3A_239 = vector.extract_strided_slice %add3A_200 {offsets = [22, 0], sizes = [22, 128], strides = [1, 1]} : vector<484x128xf32> to vector<22x128xf32>
    %dot_general3A_240 = arith.constant dense<0.000000e+00> : vector<264x128xf32>
    %dot_general3A_241 = tpu.matmul %convert_element_type3A_236, %slice3A_239, %dot_general3A_240 {dimension_numbers = #tpu.dot_dimension_numbers<[1], [0], [0], [1], [0, 0, 1, 1], [], []>, transpose_lhs_hint = false} : vector<264x22xf32>, vector<22x128xf32>, vector<264x128xf32> -> vector<264x128xf32>
    %slice3A_242 = vector.extract_strided_slice %add3A_200 {offsets = [44, 0], sizes = [22, 128], strides = [1, 1]} : vector<484x128xf32> to vector<22x128xf32>
    %dot_general3A_243 = arith.constant dense<0.000000e+00> : vector<264x128xf32>
    %dot_general3A_244 = tpu.matmul %convert_element_type3A_236, %slice3A_242, %dot_general3A_243 {dimension_numbers = #tpu.dot_dimension_numbers<[1], [0], [0], [1], [0, 0, 1, 1], [], []>, transpose_lhs_hint = false} : vector<264x22xf32>, vector<22x128xf32>, vector<264x128xf32> -> vector<264x128xf32>
    %slice3A_245 = vector.extract_strided_slice %add3A_200 {offsets = [66, 0], sizes = [22, 128], strides = [1, 1]} : vector<484x128xf32> to vector<22x128xf32>
    %dot_general3A_246 = arith.constant dense<0.000000e+00> : vector<264x128xf32>
    %dot_general3A_247 = tpu.matmul %convert_element_type3A_236, %slice3A_245, %dot_general3A_246 {dimension_numbers = #tpu.dot_dimension_numbers<[1], [0], [0], [1], [0, 0, 1, 1], [], []>, transpose_lhs_hint = false} : vector<264x22xf32>, vector<22x128xf32>, vector<264x128xf32> -> vector<264x128xf32>
    %slice3A_248 = vector.extract_strided_slice %add3A_200 {offsets = [88, 0], sizes = [22, 128], strides = [1, 1]} : vector<484x128xf32> to vector<22x128xf32>
    %dot_general3A_249 = arith.constant dense<0.000000e+00> : vector<264x128xf32>
    %dot_general3A_250 = tpu.matmul %convert_element_type3A_236, %slice3A_248, %dot_general3A_249 {dimension_numbers = #tpu.dot_dimension_numbers<[1], [0], [0], [1], [0, 0, 1, 1], [], []>, transpose_lhs_hint = false} : vector<264x22xf32>, vector<22x128xf32>, vector<264x128xf32> -> vector<264x128xf32>
    %slice3A_251 = vector.extract_strided_slice %add3A_200 {offsets = [110, 0], sizes = [22, 128], strides = [1, 1]} : vector<484x128xf32> to vector<22x128xf32>
    %dot_general3A_252 = arith.constant dense<0.000000e+00> : vector<264x128xf32>
    %dot_general3A_253 = tpu.matmul %convert_element_type3A_236, %slice3A_251, %dot_general3A_252 {dimension_numbers = #tpu.dot_dimension_numbers<[1], [0], [0], [1], [0, 0, 1, 1], [], []>, transpose_lhs_hint = false} : vector<264x22xf32>, vector<22x128xf32>, vector<264x128xf32> -> vector<264x128xf32>
    %slice3A_254 = vector.extract_strided_slice %add3A_200 {offsets = [132, 0], sizes = [22, 128], strides = [1, 1]} : vector<484x128xf32> to vector<22x128xf32>
    %dot_general3A_255 = arith.constant dense<0.000000e+00> : vector<264x128xf32>
    %dot_general3A_256 = tpu.matmul %convert_element_type3A_236, %slice3A_254, %dot_general3A_255 {dimension_numbers = #tpu.dot_dimension_numbers<[1], [0], [0], [1], [0, 0, 1, 1], [], []>, transpose_lhs_hint = false} : vector<264x22xf32>, vector<22x128xf32>, vector<264x128xf32> -> vector<264x128xf32>
    %slice3A_257 = vector.extract_strided_slice %add3A_200 {offsets = [154, 0], sizes = [22, 128], strides = [1, 1]} : vector<484x128xf32> to vector<22x128xf32>
    %dot_general3A_258 = arith.constant dense<0.000000e+00> : vector<264x128xf32>
    %dot_general3A_259 = tpu.matmul %convert_element_type3A_236, %slice3A_257, %dot_general3A_258 {dimension_numbers = #tpu.dot_dimension_numbers<[1], [0], [0], [1], [0, 0, 1, 1], [], []>, transpose_lhs_hint = false} : vector<264x22xf32>, vector<22x128xf32>, vector<264x128xf32> -> vector<264x128xf32>
    %slice3A_260 = vector.extract_strided_slice %add3A_200 {offsets = [176, 0], sizes = [22, 128], strides = [1, 1]} : vector<484x128xf32> to vector<22x128xf32>
    %dot_general3A_261 = arith.constant dense<0.000000e+00> : vector<264x128xf32>
    %dot_general3A_262 = tpu.matmul %convert_element_type3A_236, %slice3A_260, %dot_general3A_261 {dimension_numbers = #tpu.dot_dimension_numbers<[1], [0], [0], [1], [0, 0, 1, 1], [], []>, transpose_lhs_hint = false} : vector<264x22xf32>, vector<22x128xf32>, vector<264x128xf32> -> vector<264x128xf32>
    %slice3A_263 = vector.extract_strided_slice %add3A_200 {offsets = [198, 0], sizes = [22, 128], strides = [1, 1]} : vector<484x128xf32> to vector<22x128xf32>
    %dot_general3A_264 = arith.constant dense<0.000000e+00> : vector<264x128xf32>
    %dot_general3A_265 = tpu.matmul %convert_element_type3A_236, %slice3A_263, %dot_general3A_264 {dimension_numbers = #tpu.dot_dimension_numbers<[1], [0], [0], [1], [0, 0, 1, 1], [], []>, transpose_lhs_hint = false} : vector<264x22xf32>, vector<22x128xf32>, vector<264x128xf32> -> vector<264x128xf32>
    %slice3A_266 = vector.extract_strided_slice %add3A_200 {offsets = [220, 0], sizes = [22, 128], strides = [1, 1]} : vector<484x128xf32> to vector<22x128xf32>
    %dot_general3A_267 = arith.constant dense<0.000000e+00> : vector<264x128xf32>
    %dot_general3A_268 = tpu.matmul %convert_element_type3A_236, %slice3A_266, %dot_general3A_267 {dimension_numbers = #tpu.dot_dimension_numbers<[1], [0], [0], [1], [0, 0, 1, 1], [], []>, transpose_lhs_hint = false} : vector<264x22xf32>, vector<22x128xf32>, vector<264x128xf32> -> vector<264x128xf32>
    %slice3A_269 = vector.extract_strided_slice %add3A_200 {offsets = [242, 0], sizes = [22, 128], strides = [1, 1]} : vector<484x128xf32> to vector<22x128xf32>
    %dot_general3A_270 = arith.constant dense<0.000000e+00> : vector<264x128xf32>
    %dot_general3A_271 = tpu.matmul %convert_element_type3A_236, %slice3A_269, %dot_general3A_270 {dimension_numbers = #tpu.dot_dimension_numbers<[1], [0], [0], [1], [0, 0, 1, 1], [], []>, transpose_lhs_hint = false} : vector<264x22xf32>, vector<22x128xf32>, vector<264x128xf32> -> vector<264x128xf32>
    %slice3A_272 = vector.extract_strided_slice %add3A_200 {offsets = [264, 0], sizes = [22, 128], strides = [1, 1]} : vector<484x128xf32> to vector<22x128xf32>
    %dot_general3A_273 = arith.constant dense<0.000000e+00> : vector<264x128xf32>
    %dot_general3A_274 = tpu.matmul %convert_element_type3A_236, %slice3A_272, %dot_general3A_273 {dimension_numbers = #tpu.dot_dimension_numbers<[1], [0], [0], [1], [0, 0, 1, 1], [], []>, transpose_lhs_hint = false} : vector<264x22xf32>, vector<22x128xf32>, vector<264x128xf32> -> vector<264x128xf32>
    %slice3A_275 = vector.extract_strided_slice %add3A_200 {offsets = [286, 0], sizes = [22, 128], strides = [1, 1]} : vector<484x128xf32> to vector<22x128xf32>
    %dot_general3A_276 = arith.constant dense<0.000000e+00> : vector<264x128xf32>
    %dot_general3A_277 = tpu.matmul %convert_element_type3A_236, %slice3A_275, %dot_general3A_276 {dimension_numbers = #tpu.dot_dimension_numbers<[1], [0], [0], [1], [0, 0, 1, 1], [], []>, transpose_lhs_hint = false} : vector<264x22xf32>, vector<22x128xf32>, vector<264x128xf32> -> vector<264x128xf32>
    %slice3A_278 = vector.extract_strided_slice %add3A_200 {offsets = [308, 0], sizes = [22, 128], strides = [1, 1]} : vector<484x128xf32> to vector<22x128xf32>
    %dot_general3A_279 = arith.constant dense<0.000000e+00> : vector<264x128xf32>
    %dot_general3A_280 = tpu.matmul %convert_element_type3A_236, %slice3A_278, %dot_general3A_279 {dimension_numbers = #tpu.dot_dimension_numbers<[1], [0], [0], [1], [0, 0, 1, 1], [], []>, transpose_lhs_hint = false} : vector<264x22xf32>, vector<22x128xf32>, vector<264x128xf32> -> vector<264x128xf32>
    %slice3A_281 = vector.extract_strided_slice %add3A_200 {offsets = [330, 0], sizes = [22, 128], strides = [1, 1]} : vector<484x128xf32> to vector<22x128xf32>
    %dot_general3A_282 = arith.constant dense<0.000000e+00> : vector<264x128xf32>
    %dot_general3A_283 = tpu.matmul %convert_element_type3A_236, %slice3A_281, %dot_general3A_282 {dimension_numbers = #tpu.dot_dimension_numbers<[1], [0], [0], [1], [0, 0, 1, 1], [], []>, transpose_lhs_hint = false} : vector<264x22xf32>, vector<22x128xf32>, vector<264x128xf32> -> vector<264x128xf32>
    %slice3A_284 = vector.extract_strided_slice %add3A_200 {offsets = [352, 0], sizes = [22, 128], strides = [1, 1]} : vector<484x128xf32> to vector<22x128xf32>
    %dot_general3A_285 = arith.constant dense<0.000000e+00> : vector<264x128xf32>
    %dot_general3A_286 = tpu.matmul %convert_element_type3A_236, %slice3A_284, %dot_general3A_285 {dimension_numbers = #tpu.dot_dimension_numbers<[1], [0], [0], [1], [0, 0, 1, 1], [], []>, transpose_lhs_hint = false} : vector<264x22xf32>, vector<22x128xf32>, vector<264x128xf32> -> vector<264x128xf32>
    %slice3A_287 = vector.extract_strided_slice %add3A_200 {offsets = [374, 0], sizes = [22, 128], strides = [1, 1]} : vector<484x128xf32> to vector<22x128xf32>
    %dot_general3A_288 = arith.constant dense<0.000000e+00> : vector<264x128xf32>
    %dot_general3A_289 = tpu.matmul %convert_element_type3A_236, %slice3A_287, %dot_general3A_288 {dimension_numbers = #tpu.dot_dimension_numbers<[1], [0], [0], [1], [0, 0, 1, 1], [], []>, transpose_lhs_hint = false} : vector<264x22xf32>, vector<22x128xf32>, vector<264x128xf32> -> vector<264x128xf32>
    %slice3A_290 = vector.extract_strided_slice %add3A_200 {offsets = [396, 0], sizes = [22, 128], strides = [1, 1]} : vector<484x128xf32> to vector<22x128xf32>
    %dot_general3A_291 = arith.constant dense<0.000000e+00> : vector<264x128xf32>
    %dot_general3A_292 = tpu.matmul %convert_element_type3A_236, %slice3A_290, %dot_general3A_291 {dimension_numbers = #tpu.dot_dimension_numbers<[1], [0], [0], [1], [0, 0, 1, 1], [], []>, transpose_lhs_hint = false} : vector<264x22xf32>, vector<22x128xf32>, vector<264x128xf32> -> vector<264x128xf32>
    %slice3A_293 = vector.extract_strided_slice %add3A_200 {offsets = [418, 0], sizes = [22, 128], strides = [1, 1]} : vector<484x128xf32> to vector<22x128xf32>
    %dot_general3A_294 = arith.constant dense<0.000000e+00> : vector<264x128xf32>
    %dot_general3A_295 = tpu.matmul %convert_element_type3A_236, %slice3A_293, %dot_general3A_294 {dimension_numbers = #tpu.dot_dimension_numbers<[1], [0], [0], [1], [0, 0, 1, 1], [], []>, transpose_lhs_hint = false} : vector<264x22xf32>, vector<22x128xf32>, vector<264x128xf32> -> vector<264x128xf32>
    %slice3A_296 = vector.extract_strided_slice %add3A_200 {offsets = [440, 0], sizes = [22, 128], strides = [1, 1]} : vector<484x128xf32> to vector<22x128xf32>
    %dot_general3A_297 = arith.constant dense<0.000000e+00> : vector<264x128xf32>
    %dot_general3A_298 = tpu.matmul %convert_element_type3A_236, %slice3A_296, %dot_general3A_297 {dimension_numbers = #tpu.dot_dimension_numbers<[1], [0], [0], [1], [0, 0, 1, 1], [], []>, transpose_lhs_hint = false} : vector<264x22xf32>, vector<22x128xf32>, vector<264x128xf32> -> vector<264x128xf32>
    %slice3A_299 = vector.extract_strided_slice %add3A_200 {offsets = [462, 0], sizes = [22, 128], strides = [1, 1]} : vector<484x128xf32> to vector<22x128xf32>
    %dot_general3A_300 = arith.constant dense<0.000000e+00> : vector<264x128xf32>
    %dot_general3A_301 = tpu.matmul %convert_element_type3A_236, %slice3A_299, %dot_general3A_300 {dimension_numbers = #tpu.dot_dimension_numbers<[1], [0], [0], [1], [0, 0, 1, 1], [], []>, transpose_lhs_hint = false} : vector<264x22xf32>, vector<22x128xf32>, vector<264x128xf32> -> vector<264x128xf32>
    %mul3A_302 = arith.mulf %add3A_60, %dot_general3A_238 : vector<264x128xf32>
    %mul3A_303 = arith.mulf %add3A_60, %dot_general3A_241 : vector<264x128xf32>
    %mul3A_304 = arith.mulf %add3A_60, %dot_general3A_244 : vector<264x128xf32>
    %mul3A_305 = arith.mulf %add3A_60, %dot_general3A_247 : vector<264x128xf32>
    %mul3A_306 = arith.mulf %add3A_60, %dot_general3A_250 : vector<264x128xf32>
    %mul3A_307 = arith.mulf %add3A_60, %dot_general3A_253 : vector<264x128xf32>
    %mul3A_308 = arith.mulf %add3A_60, %dot_general3A_256 : vector<264x128xf32>
    %mul3A_309 = arith.mulf %add3A_60, %dot_general3A_259 : vector<264x128xf32>
    %mul3A_310 = arith.mulf %add3A_60, %dot_general3A_262 : vector<264x128xf32>
    %mul3A_311 = arith.mulf %add3A_60, %dot_general3A_265 : vector<264x128xf32>
    %mul3A_312 = arith.mulf %add3A_60, %dot_general3A_268 : vector<264x128xf32>
    %mul3A_313 = arith.mulf %add3A_60, %dot_general3A_271 : vector<264x128xf32>
    %mul3A_314 = arith.mulf %add3A_60, %dot_general3A_274 : vector<264x128xf32>
    %mul3A_315 = arith.mulf %add3A_60, %dot_general3A_277 : vector<264x128xf32>
    %mul3A_316 = arith.mulf %add3A_60, %dot_general3A_280 : vector<264x128xf32>
    %mul3A_317 = arith.mulf %add3A_60, %dot_general3A_283 : vector<264x128xf32>
    %mul3A_318 = arith.mulf %add3A_60, %dot_general3A_286 : vector<264x128xf32>
    %mul3A_319 = arith.mulf %add3A_60, %dot_general3A_289 : vector<264x128xf32>
    %mul3A_320 = arith.mulf %add3A_60, %dot_general3A_292 : vector<264x128xf32>
    %mul3A_321 = arith.mulf %add3A_60, %dot_general3A_295 : vector<264x128xf32>
    %mul3A_322 = arith.mulf %add3A_60, %dot_general3A_298 : vector<264x128xf32>
    %mul3A_323 = arith.mulf %add3A_60, %dot_general3A_301 : vector<264x128xf32>
    %get3A_324 = arith.constant 0 : index
    %get3A_325 = arith.constant 0 : index
    %get3A_326 = arith.constant 0 : index
    %get3A_327 = vector.load %arg2[%get3A_324, %get3A_325, %get3A_326] : memref<22x16x128xf32, #tpu.memory_space<vmem>>, vector<1x16x128xf32>
    %get3A_328 = vector.shape_cast %get3A_327 : vector<1x16x128xf32> to vector<16x128xf32>
    %mul3A_329 = vector.broadcast %get3A_1 : f32 to vector<16x128xf32>
    %mul3A_330 = arith.mulf %get3A_328, %mul3A_329 : vector<16x128xf32>
    %add3A_331 = vector.broadcast %get3A_4 : f32 to vector<16x128xf32>
    %add3A_332 = arith.addf %mul3A_330, %add3A_331 : vector<16x128xf32>
    %get3A_333 = arith.constant 1 : index
    %get3A_334 = arith.constant 0 : index
    %get3A_335 = arith.constant 0 : index
    %get3A_336 = vector.load %arg2[%get3A_333, %get3A_334, %get3A_335] : memref<22x16x128xf32, #tpu.memory_space<vmem>>, vector<1x16x128xf32>
    %get3A_337 = vector.shape_cast %get3A_336 : vector<1x16x128xf32> to vector<16x128xf32>
    %mul3A_338 = vector.broadcast %get3A_1 : f32 to vector<16x128xf32>
    %mul3A_339 = arith.mulf %get3A_337, %mul3A_338 : vector<16x128xf32>
    %add3A_340 = vector.broadcast %get3A_4 : f32 to vector<16x128xf32>
    %add3A_341 = arith.addf %mul3A_339, %add3A_340 : vector<16x128xf32>
    %get3A_342 = arith.constant 2 : index
    %get3A_343 = arith.constant 0 : index
    %get3A_344 = arith.constant 0 : index
    %get3A_345 = vector.load %arg2[%get3A_342, %get3A_343, %get3A_344] : memref<22x16x128xf32, #tpu.memory_space<vmem>>, vector<1x16x128xf32>
    %get3A_346 = vector.shape_cast %get3A_345 : vector<1x16x128xf32> to vector<16x128xf32>
    %mul3A_347 = vector.broadcast %get3A_1 : f32 to vector<16x128xf32>
    %mul3A_348 = arith.mulf %get3A_346, %mul3A_347 : vector<16x128xf32>
    %add3A_349 = vector.broadcast %get3A_4 : f32 to vector<16x128xf32>
    %add3A_350 = arith.addf %mul3A_348, %add3A_349 : vector<16x128xf32>
    %get3A_351 = arith.constant 3 : index
    %get3A_352 = arith.constant 0 : index
    %get3A_353 = arith.constant 0 : index
    %get3A_354 = vector.load %arg2[%get3A_351, %get3A_352, %get3A_353] : memref<22x16x128xf32, #tpu.memory_space<vmem>>, vector<1x16x128xf32>
    %get3A_355 = vector.shape_cast %get3A_354 : vector<1x16x128xf32> to vector<16x128xf32>
    %mul3A_356 = vector.broadcast %get3A_1 : f32 to vector<16x128xf32>
    %mul3A_357 = arith.mulf %get3A_355, %mul3A_356 : vector<16x128xf32>
    %add3A_358 = vector.broadcast %get3A_4 : f32 to vector<16x128xf32>
    %add3A_359 = arith.addf %mul3A_357, %add3A_358 : vector<16x128xf32>
    %get3A_360 = arith.constant 4 : index
    %get3A_361 = arith.constant 0 : index
    %get3A_362 = arith.constant 0 : index
    %get3A_363 = vector.load %arg2[%get3A_360, %get3A_361, %get3A_362] : memref<22x16x128xf32, #tpu.memory_space<vmem>>, vector<1x16x128xf32>
    %get3A_364 = vector.shape_cast %get3A_363 : vector<1x16x128xf32> to vector<16x128xf32>
    %mul3A_365 = vector.broadcast %get3A_1 : f32 to vector<16x128xf32>
    %mul3A_366 = arith.mulf %get3A_364, %mul3A_365 : vector<16x128xf32>
    %add3A_367 = vector.broadcast %get3A_4 : f32 to vector<16x128xf32>
    %add3A_368 = arith.addf %mul3A_366, %add3A_367 : vector<16x128xf32>
    %get3A_369 = arith.constant 5 : index
    %get3A_370 = arith.constant 0 : index
    %get3A_371 = arith.constant 0 : index
    %get3A_372 = vector.load %arg2[%get3A_369, %get3A_370, %get3A_371] : memref<22x16x128xf32, #tpu.memory_space<vmem>>, vector<1x16x128xf32>
    %get3A_373 = vector.shape_cast %get3A_372 : vector<1x16x128xf32> to vector<16x128xf32>
    %mul3A_374 = vector.broadcast %get3A_1 : f32 to vector<16x128xf32>
    %mul3A_375 = arith.mulf %get3A_373, %mul3A_374 : vector<16x128xf32>
    %add3A_376 = vector.broadcast %get3A_4 : f32 to vector<16x128xf32>
    %add3A_377 = arith.addf %mul3A_375, %add3A_376 : vector<16x128xf32>
    %get3A_378 = arith.constant 6 : index
    %get3A_379 = arith.constant 0 : index
    %get3A_380 = arith.constant 0 : index
    %get3A_381 = vector.load %arg2[%get3A_378, %get3A_379, %get3A_380] : memref<22x16x128xf32, #tpu.memory_space<vmem>>, vector<1x16x128xf32>
    %get3A_382 = vector.shape_cast %get3A_381 : vector<1x16x128xf32> to vector<16x128xf32>
    %mul3A_383 = vector.broadcast %get3A_1 : f32 to vector<16x128xf32>
    %mul3A_384 = arith.mulf %get3A_382, %mul3A_383 : vector<16x128xf32>
    %add3A_385 = vector.broadcast %get3A_4 : f32 to vector<16x128xf32>
    %add3A_386 = arith.addf %mul3A_384, %add3A_385 : vector<16x128xf32>
    %get3A_387 = arith.constant 7 : index
    %get3A_388 = arith.constant 0 : index
    %get3A_389 = arith.constant 0 : index
    %get3A_390 = vector.load %arg2[%get3A_387, %get3A_388, %get3A_389] : memref<22x16x128xf32, #tpu.memory_space<vmem>>, vector<1x16x128xf32>
    %get3A_391 = vector.shape_cast %get3A_390 : vector<1x16x128xf32> to vector<16x128xf32>
    %mul3A_392 = vector.broadcast %get3A_1 : f32 to vector<16x128xf32>
    %mul3A_393 = arith.mulf %get3A_391, %mul3A_392 : vector<16x128xf32>
    %add3A_394 = vector.broadcast %get3A_4 : f32 to vector<16x128xf32>
    %add3A_395 = arith.addf %mul3A_393, %add3A_394 : vector<16x128xf32>
    %get3A_396 = arith.constant 8 : index
    %get3A_397 = arith.constant 0 : index
    %get3A_398 = arith.constant 0 : index
    %get3A_399 = vector.load %arg2[%get3A_396, %get3A_397, %get3A_398] : memref<22x16x128xf32, #tpu.memory_space<vmem>>, vector<1x16x128xf32>
    %get3A_400 = vector.shape_cast %get3A_399 : vector<1x16x128xf32> to vector<16x128xf32>
    %mul3A_401 = vector.broadcast %get3A_1 : f32 to vector<16x128xf32>
    %mul3A_402 = arith.mulf %get3A_400, %mul3A_401 : vector<16x128xf32>
    %add3A_403 = vector.broadcast %get3A_4 : f32 to vector<16x128xf32>
    %add3A_404 = arith.addf %mul3A_402, %add3A_403 : vector<16x128xf32>
    %get3A_405 = arith.constant 9 : index
    %get3A_406 = arith.constant 0 : index
    %get3A_407 = arith.constant 0 : index
    %get3A_408 = vector.load %arg2[%get3A_405, %get3A_406, %get3A_407] : memref<22x16x128xf32, #tpu.memory_space<vmem>>, vector<1x16x128xf32>
    %get3A_409 = vector.shape_cast %get3A_408 : vector<1x16x128xf32> to vector<16x128xf32>
    %mul3A_410 = vector.broadcast %get3A_1 : f32 to vector<16x128xf32>
    %mul3A_411 = arith.mulf %get3A_409, %mul3A_410 : vector<16x128xf32>
    %add3A_412 = vector.broadcast %get3A_4 : f32 to vector<16x128xf32>
    %add3A_413 = arith.addf %mul3A_411, %add3A_412 : vector<16x128xf32>
    %get3A_414 = arith.constant 10 : index
    %get3A_415 = arith.constant 0 : index
    %get3A_416 = arith.constant 0 : index
    %get3A_417 = vector.load %arg2[%get3A_414, %get3A_415, %get3A_416] : memref<22x16x128xf32, #tpu.memory_space<vmem>>, vector<1x16x128xf32>
    %get3A_418 = vector.shape_cast %get3A_417 : vector<1x16x128xf32> to vector<16x128xf32>
    %mul3A_419 = vector.broadcast %get3A_1 : f32 to vector<16x128xf32>
    %mul3A_420 = arith.mulf %get3A_418, %mul3A_419 : vector<16x128xf32>
    %add3A_421 = vector.broadcast %get3A_4 : f32 to vector<16x128xf32>
    %add3A_422 = arith.addf %mul3A_420, %add3A_421 : vector<16x128xf32>
    %get3A_423 = arith.constant 11 : index
    %get3A_424 = arith.constant 0 : index
    %get3A_425 = arith.constant 0 : index
    %get3A_426 = vector.load %arg2[%get3A_423, %get3A_424, %get3A_425] : memref<22x16x128xf32, #tpu.memory_space<vmem>>, vector<1x16x128xf32>
    %get3A_427 = vector.shape_cast %get3A_426 : vector<1x16x128xf32> to vector<16x128xf32>
    %mul3A_428 = vector.broadcast %get3A_1 : f32 to vector<16x128xf32>
    %mul3A_429 = arith.mulf %get3A_427, %mul3A_428 : vector<16x128xf32>
    %add3A_430 = vector.broadcast %get3A_4 : f32 to vector<16x128xf32>
    %add3A_431 = arith.addf %mul3A_429, %add3A_430 : vector<16x128xf32>
    %get3A_432 = arith.constant 12 : index
    %get3A_433 = arith.constant 0 : index
    %get3A_434 = arith.constant 0 : index
    %get3A_435 = vector.load %arg2[%get3A_432, %get3A_433, %get3A_434] : memref<22x16x128xf32, #tpu.memory_space<vmem>>, vector<1x16x128xf32>
    %get3A_436 = vector.shape_cast %get3A_435 : vector<1x16x128xf32> to vector<16x128xf32>
    %mul3A_437 = vector.broadcast %get3A_1 : f32 to vector<16x128xf32>
    %mul3A_438 = arith.mulf %get3A_436, %mul3A_437 : vector<16x128xf32>
    %add3A_439 = vector.broadcast %get3A_4 : f32 to vector<16x128xf32>
    %add3A_440 = arith.addf %mul3A_438, %add3A_439 : vector<16x128xf32>
    %get3A_441 = arith.constant 13 : index
    %get3A_442 = arith.constant 0 : index
    %get3A_443 = arith.constant 0 : index
    %get3A_444 = vector.load %arg2[%get3A_441, %get3A_442, %get3A_443] : memref<22x16x128xf32, #tpu.memory_space<vmem>>, vector<1x16x128xf32>
    %get3A_445 = vector.shape_cast %get3A_444 : vector<1x16x128xf32> to vector<16x128xf32>
    %mul3A_446 = vector.broadcast %get3A_1 : f32 to vector<16x128xf32>
    %mul3A_447 = arith.mulf %get3A_445, %mul3A_446 : vector<16x128xf32>
    %add3A_448 = vector.broadcast %get3A_4 : f32 to vector<16x128xf32>
    %add3A_449 = arith.addf %mul3A_447, %add3A_448 : vector<16x128xf32>
    %get3A_450 = arith.constant 14 : index
    %get3A_451 = arith.constant 0 : index
    %get3A_452 = arith.constant 0 : index
    %get3A_453 = vector.load %arg2[%get3A_450, %get3A_451, %get3A_452] : memref<22x16x128xf32, #tpu.memory_space<vmem>>, vector<1x16x128xf32>
    %get3A_454 = vector.shape_cast %get3A_453 : vector<1x16x128xf32> to vector<16x128xf32>
    %mul3A_455 = vector.broadcast %get3A_1 : f32 to vector<16x128xf32>
    %mul3A_456 = arith.mulf %get3A_454, %mul3A_455 : vector<16x128xf32>
    %add3A_457 = vector.broadcast %get3A_4 : f32 to vector<16x128xf32>
    %add3A_458 = arith.addf %mul3A_456, %add3A_457 : vector<16x128xf32>
    %get3A_459 = arith.constant 15 : index
    %get3A_460 = arith.constant 0 : index
    %get3A_461 = arith.constant 0 : index
    %get3A_462 = vector.load %arg2[%get3A_459, %get3A_460, %get3A_461] : memref<22x16x128xf32, #tpu.memory_space<vmem>>, vector<1x16x128xf32>
    %get3A_463 = vector.shape_cast %get3A_462 : vector<1x16x128xf32> to vector<16x128xf32>
    %mul3A_464 = vector.broadcast %get3A_1 : f32 to vector<16x128xf32>
    %mul3A_465 = arith.mulf %get3A_463, %mul3A_464 : vector<16x128xf32>
    %add3A_466 = vector.broadcast %get3A_4 : f32 to vector<16x128xf32>
    %add3A_467 = arith.addf %mul3A_465, %add3A_466 : vector<16x128xf32>
    %get3A_468 = arith.constant 16 : index
    %get3A_469 = arith.constant 0 : index
    %get3A_470 = arith.constant 0 : index
    %get3A_471 = vector.load %arg2[%get3A_468, %get3A_469, %get3A_470] : memref<22x16x128xf32, #tpu.memory_space<vmem>>, vector<1x16x128xf32>
    %get3A_472 = vector.shape_cast %get3A_471 : vector<1x16x128xf32> to vector<16x128xf32>
    %mul3A_473 = vector.broadcast %get3A_1 : f32 to vector<16x128xf32>
    %mul3A_474 = arith.mulf %get3A_472, %mul3A_473 : vector<16x128xf32>
    %add3A_475 = vector.broadcast %get3A_4 : f32 to vector<16x128xf32>
    %add3A_476 = arith.addf %mul3A_474, %add3A_475 : vector<16x128xf32>
    %get3A_477 = arith.constant 17 : index
    %get3A_478 = arith.constant 0 : index
    %get3A_479 = arith.constant 0 : index
    %get3A_480 = vector.load %arg2[%get3A_477, %get3A_478, %get3A_479] : memref<22x16x128xf32, #tpu.memory_space<vmem>>, vector<1x16x128xf32>
    %get3A_481 = vector.shape_cast %get3A_480 : vector<1x16x128xf32> to vector<16x128xf32>
    %mul3A_482 = vector.broadcast %get3A_1 : f32 to vector<16x128xf32>
    %mul3A_483 = arith.mulf %get3A_481, %mul3A_482 : vector<16x128xf32>
    %add3A_484 = vector.broadcast %get3A_4 : f32 to vector<16x128xf32>
    %add3A_485 = arith.addf %mul3A_483, %add3A_484 : vector<16x128xf32>
    %get3A_486 = arith.constant 18 : index
    %get3A_487 = arith.constant 0 : index
    %get3A_488 = arith.constant 0 : index
    %get3A_489 = vector.load %arg2[%get3A_486, %get3A_487, %get3A_488] : memref<22x16x128xf32, #tpu.memory_space<vmem>>, vector<1x16x128xf32>
    %get3A_490 = vector.shape_cast %get3A_489 : vector<1x16x128xf32> to vector<16x128xf32>
    %mul3A_491 = vector.broadcast %get3A_1 : f32 to vector<16x128xf32>
    %mul3A_492 = arith.mulf %get3A_490, %mul3A_491 : vector<16x128xf32>
    %add3A_493 = vector.broadcast %get3A_4 : f32 to vector<16x128xf32>
    %add3A_494 = arith.addf %mul3A_492, %add3A_493 : vector<16x128xf32>
    %get3A_495 = arith.constant 19 : index
    %get3A_496 = arith.constant 0 : index
    %get3A_497 = arith.constant 0 : index
    %get3A_498 = vector.load %arg2[%get3A_495, %get3A_496, %get3A_497] : memref<22x16x128xf32, #tpu.memory_space<vmem>>, vector<1x16x128xf32>
    %get3A_499 = vector.shape_cast %get3A_498 : vector<1x16x128xf32> to vector<16x128xf32>
    %mul3A_500 = vector.broadcast %get3A_1 : f32 to vector<16x128xf32>
    %mul3A_501 = arith.mulf %get3A_499, %mul3A_500 : vector<16x128xf32>
    %add3A_502 = vector.broadcast %get3A_4 : f32 to vector<16x128xf32>
    %add3A_503 = arith.addf %mul3A_501, %add3A_502 : vector<16x128xf32>
    %get3A_504 = arith.constant 20 : index
    %get3A_505 = arith.constant 0 : index
    %get3A_506 = arith.constant 0 : index
    %get3A_507 = vector.load %arg2[%get3A_504, %get3A_505, %get3A_506] : memref<22x16x128xf32, #tpu.memory_space<vmem>>, vector<1x16x128xf32>
    %get3A_508 = vector.shape_cast %get3A_507 : vector<1x16x128xf32> to vector<16x128xf32>
    %mul3A_509 = vector.broadcast %get3A_1 : f32 to vector<16x128xf32>
    %mul3A_510 = arith.mulf %get3A_508, %mul3A_509 : vector<16x128xf32>
    %add3A_511 = vector.broadcast %get3A_4 : f32 to vector<16x128xf32>
    %add3A_512 = arith.addf %mul3A_510, %add3A_511 : vector<16x128xf32>
    %get3A_513 = arith.constant 21 : index
    %get3A_514 = arith.constant 0 : index
    %get3A_515 = arith.constant 0 : index
    %get3A_516 = vector.load %arg2[%get3A_513, %get3A_514, %get3A_515] : memref<22x16x128xf32, #tpu.memory_space<vmem>>, vector<1x16x128xf32>
    %get3A_517 = vector.shape_cast %get3A_516 : vector<1x16x128xf32> to vector<16x128xf32>
    %mul3A_518 = vector.broadcast %get3A_1 : f32 to vector<16x128xf32>
    %mul3A_519 = arith.mulf %get3A_517, %mul3A_518 : vector<16x128xf32>
    %add3A_520 = vector.broadcast %get3A_4 : f32 to vector<16x128xf32>
    %add3A_521 = arith.addf %mul3A_519, %add3A_520 : vector<16x128xf32>
    %dot_general3A_522 = arith.constant dense<0.000000e+00> : vector<16x264xf32>
    %dot_general3A_523 = tpu.matmul %add3A_332, %mul3A_302, %dot_general3A_522 {dimension_numbers = #tpu.dot_dimension_numbers<[1], [1], [0], [0], [0, 0, 1, 0], [], []>, transpose_lhs_hint = false} : vector<16x128xf32>, vector<264x128xf32>, vector<16x264xf32> -> vector<16x264xf32>
    %dot_general3A_524 = arith.constant dense<0.000000e+00> : vector<16x264xf32>
    %dot_general3A_525 = tpu.matmul %add3A_341, %mul3A_303, %dot_general3A_524 {dimension_numbers = #tpu.dot_dimension_numbers<[1], [1], [0], [0], [0, 0, 1, 0], [], []>, transpose_lhs_hint = false} : vector<16x128xf32>, vector<264x128xf32>, vector<16x264xf32> -> vector<16x264xf32>
    %dot_general3A_526 = arith.constant dense<0.000000e+00> : vector<16x264xf32>
    %dot_general3A_527 = tpu.matmul %add3A_350, %mul3A_304, %dot_general3A_526 {dimension_numbers = #tpu.dot_dimension_numbers<[1], [1], [0], [0], [0, 0, 1, 0], [], []>, transpose_lhs_hint = false} : vector<16x128xf32>, vector<264x128xf32>, vector<16x264xf32> -> vector<16x264xf32>
    %dot_general3A_528 = arith.constant dense<0.000000e+00> : vector<16x264xf32>
    %dot_general3A_529 = tpu.matmul %add3A_359, %mul3A_305, %dot_general3A_528 {dimension_numbers = #tpu.dot_dimension_numbers<[1], [1], [0], [0], [0, 0, 1, 0], [], []>, transpose_lhs_hint = false} : vector<16x128xf32>, vector<264x128xf32>, vector<16x264xf32> -> vector<16x264xf32>
    %dot_general3A_530 = arith.constant dense<0.000000e+00> : vector<16x264xf32>
    %dot_general3A_531 = tpu.matmul %add3A_368, %mul3A_306, %dot_general3A_530 {dimension_numbers = #tpu.dot_dimension_numbers<[1], [1], [0], [0], [0, 0, 1, 0], [], []>, transpose_lhs_hint = false} : vector<16x128xf32>, vector<264x128xf32>, vector<16x264xf32> -> vector<16x264xf32>
    %dot_general3A_532 = arith.constant dense<0.000000e+00> : vector<16x264xf32>
    %dot_general3A_533 = tpu.matmul %add3A_377, %mul3A_307, %dot_general3A_532 {dimension_numbers = #tpu.dot_dimension_numbers<[1], [1], [0], [0], [0, 0, 1, 0], [], []>, transpose_lhs_hint = false} : vector<16x128xf32>, vector<264x128xf32>, vector<16x264xf32> -> vector<16x264xf32>
    %dot_general3A_534 = arith.constant dense<0.000000e+00> : vector<16x264xf32>
    %dot_general3A_535 = tpu.matmul %add3A_386, %mul3A_308, %dot_general3A_534 {dimension_numbers = #tpu.dot_dimension_numbers<[1], [1], [0], [0], [0, 0, 1, 0], [], []>, transpose_lhs_hint = false} : vector<16x128xf32>, vector<264x128xf32>, vector<16x264xf32> -> vector<16x264xf32>
    %dot_general3A_536 = arith.constant dense<0.000000e+00> : vector<16x264xf32>
    %dot_general3A_537 = tpu.matmul %add3A_395, %mul3A_309, %dot_general3A_536 {dimension_numbers = #tpu.dot_dimension_numbers<[1], [1], [0], [0], [0, 0, 1, 0], [], []>, transpose_lhs_hint = false} : vector<16x128xf32>, vector<264x128xf32>, vector<16x264xf32> -> vector<16x264xf32>
    %dot_general3A_538 = arith.constant dense<0.000000e+00> : vector<16x264xf32>
    %dot_general3A_539 = tpu.matmul %add3A_404, %mul3A_310, %dot_general3A_538 {dimension_numbers = #tpu.dot_dimension_numbers<[1], [1], [0], [0], [0, 0, 1, 0], [], []>, transpose_lhs_hint = false} : vector<16x128xf32>, vector<264x128xf32>, vector<16x264xf32> -> vector<16x264xf32>
    %dot_general3A_540 = arith.constant dense<0.000000e+00> : vector<16x264xf32>
    %dot_general3A_541 = tpu.matmul %add3A_413, %mul3A_311, %dot_general3A_540 {dimension_numbers = #tpu.dot_dimension_numbers<[1], [1], [0], [0], [0, 0, 1, 0], [], []>, transpose_lhs_hint = false} : vector<16x128xf32>, vector<264x128xf32>, vector<16x264xf32> -> vector<16x264xf32>
    %dot_general3A_542 = arith.constant dense<0.000000e+00> : vector<16x264xf32>
    %dot_general3A_543 = tpu.matmul %add3A_422, %mul3A_312, %dot_general3A_542 {dimension_numbers = #tpu.dot_dimension_numbers<[1], [1], [0], [0], [0, 0, 1, 0], [], []>, transpose_lhs_hint = false} : vector<16x128xf32>, vector<264x128xf32>, vector<16x264xf32> -> vector<16x264xf32>
    %dot_general3A_544 = arith.constant dense<0.000000e+00> : vector<16x264xf32>
    %dot_general3A_545 = tpu.matmul %add3A_431, %mul3A_313, %dot_general3A_544 {dimension_numbers = #tpu.dot_dimension_numbers<[1], [1], [0], [0], [0, 0, 1, 0], [], []>, transpose_lhs_hint = false} : vector<16x128xf32>, vector<264x128xf32>, vector<16x264xf32> -> vector<16x264xf32>
    %dot_general3A_546 = arith.constant dense<0.000000e+00> : vector<16x264xf32>
    %dot_general3A_547 = tpu.matmul %add3A_440, %mul3A_314, %dot_general3A_546 {dimension_numbers = #tpu.dot_dimension_numbers<[1], [1], [0], [0], [0, 0, 1, 0], [], []>, transpose_lhs_hint = false} : vector<16x128xf32>, vector<264x128xf32>, vector<16x264xf32> -> vector<16x264xf32>
    %dot_general3A_548 = arith.constant dense<0.000000e+00> : vector<16x264xf32>
    %dot_general3A_549 = tpu.matmul %add3A_449, %mul3A_315, %dot_general3A_548 {dimension_numbers = #tpu.dot_dimension_numbers<[1], [1], [0], [0], [0, 0, 1, 0], [], []>, transpose_lhs_hint = false} : vector<16x128xf32>, vector<264x128xf32>, vector<16x264xf32> -> vector<16x264xf32>
    %dot_general3A_550 = arith.constant dense<0.000000e+00> : vector<16x264xf32>
    %dot_general3A_551 = tpu.matmul %add3A_458, %mul3A_316, %dot_general3A_550 {dimension_numbers = #tpu.dot_dimension_numbers<[1], [1], [0], [0], [0, 0, 1, 0], [], []>, transpose_lhs_hint = false} : vector<16x128xf32>, vector<264x128xf32>, vector<16x264xf32> -> vector<16x264xf32>
    %dot_general3A_552 = arith.constant dense<0.000000e+00> : vector<16x264xf32>
    %dot_general3A_553 = tpu.matmul %add3A_467, %mul3A_317, %dot_general3A_552 {dimension_numbers = #tpu.dot_dimension_numbers<[1], [1], [0], [0], [0, 0, 1, 0], [], []>, transpose_lhs_hint = false} : vector<16x128xf32>, vector<264x128xf32>, vector<16x264xf32> -> vector<16x264xf32>
    %dot_general3A_554 = arith.constant dense<0.000000e+00> : vector<16x264xf32>
    %dot_general3A_555 = tpu.matmul %add3A_476, %mul3A_318, %dot_general3A_554 {dimension_numbers = #tpu.dot_dimension_numbers<[1], [1], [0], [0], [0, 0, 1, 0], [], []>, transpose_lhs_hint = false} : vector<16x128xf32>, vector<264x128xf32>, vector<16x264xf32> -> vector<16x264xf32>
    %dot_general3A_556 = arith.constant dense<0.000000e+00> : vector<16x264xf32>
    %dot_general3A_557 = tpu.matmul %add3A_485, %mul3A_319, %dot_general3A_556 {dimension_numbers = #tpu.dot_dimension_numbers<[1], [1], [0], [0], [0, 0, 1, 0], [], []>, transpose_lhs_hint = false} : vector<16x128xf32>, vector<264x128xf32>, vector<16x264xf32> -> vector<16x264xf32>
    %dot_general3A_558 = arith.constant dense<0.000000e+00> : vector<16x264xf32>
    %dot_general3A_559 = tpu.matmul %add3A_494, %mul3A_320, %dot_general3A_558 {dimension_numbers = #tpu.dot_dimension_numbers<[1], [1], [0], [0], [0, 0, 1, 0], [], []>, transpose_lhs_hint = false} : vector<16x128xf32>, vector<264x128xf32>, vector<16x264xf32> -> vector<16x264xf32>
    %dot_general3A_560 = arith.constant dense<0.000000e+00> : vector<16x264xf32>
    %dot_general3A_561 = tpu.matmul %add3A_503, %mul3A_321, %dot_general3A_560 {dimension_numbers = #tpu.dot_dimension_numbers<[1], [1], [0], [0], [0, 0, 1, 0], [], []>, transpose_lhs_hint = false} : vector<16x128xf32>, vector<264x128xf32>, vector<16x264xf32> -> vector<16x264xf32>
    %dot_general3A_562 = arith.constant dense<0.000000e+00> : vector<16x264xf32>
    %dot_general3A_563 = tpu.matmul %add3A_512, %mul3A_322, %dot_general3A_562 {dimension_numbers = #tpu.dot_dimension_numbers<[1], [1], [0], [0], [0, 0, 1, 0], [], []>, transpose_lhs_hint = false} : vector<16x128xf32>, vector<264x128xf32>, vector<16x264xf32> -> vector<16x264xf32>
    %dot_general3A_564 = arith.constant dense<0.000000e+00> : vector<16x264xf32>
    %dot_general3A_565 = tpu.matmul %add3A_521, %mul3A_323, %dot_general3A_564 {dimension_numbers = #tpu.dot_dimension_numbers<[1], [1], [0], [0], [0, 0, 1, 0], [], []>, transpose_lhs_hint = false} : vector<16x128xf32>, vector<264x128xf32>, vector<16x264xf32> -> vector<16x264xf32>
    %swap3A_566 = arith.constant 0 : index
    %swap3A_567 = arith.constant 0 : index
    %swap3A_568 = vector.load %arg5[%swap3A_566, %swap3A_567] : memref<352x264xf32, #tpu.memory_space<vmem>>, vector<16x264xf32>
    tpu.vector_store %arg5[%swap3A_566, %swap3A_567], %dot_general3A_523 {strides = array<i32>} : memref<352x264xf32, #tpu.memory_space<vmem>>, vector<16x264xf32>,
    %swap3A_569 = arith.constant 16 : index
    %swap3A_570 = arith.constant 0 : index
    %swap3A_571 = vector.load %arg5[%swap3A_569, %swap3A_570] : memref<352x264xf32, #tpu.memory_space<vmem>>, vector<16x264xf32>
    tpu.vector_store %arg5[%swap3A_569, %swap3A_570], %dot_general3A_525 {strides = array<i32>} : memref<352x264xf32, #tpu.memory_space<vmem>>, vector<16x264xf32>,
    %swap3A_572 = arith.constant 32 : index
    %swap3A_573 = arith.constant 0 : index
    %swap3A_574 = vector.load %arg5[%swap3A_572, %swap3A_573] : memref<352x264xf32, #tpu.memory_space<vmem>>, vector<16x264xf32>
    tpu.vector_store %arg5[%swap3A_572, %swap3A_573], %dot_general3A_527 {strides = array<i32>} : memref<352x264xf32, #tpu.memory_space<vmem>>, vector<16x264xf32>,
    %swap3A_575 = arith.constant 48 : index
    %swap3A_576 = arith.constant 0 : index
    %swap3A_577 = vector.load %arg5[%swap3A_575, %swap3A_576] : memref<352x264xf32, #tpu.memory_space<vmem>>, vector<16x264xf32>
    tpu.vector_store %arg5[%swap3A_575, %swap3A_576], %dot_general3A_529 {strides = array<i32>} : memref<352x264xf32, #tpu.memory_space<vmem>>, vector<16x264xf32>,
    %swap3A_578 = arith.constant 64 : index
    %swap3A_579 = arith.constant 0 : index
    %swap3A_580 = vector.load %arg5[%swap3A_578, %swap3A_579] : memref<352x264xf32, #tpu.memory_space<vmem>>, vector<16x264xf32>
    tpu.vector_store %arg5[%swap3A_578, %swap3A_579], %dot_general3A_531 {strides = array<i32>} : memref<352x264xf32, #tpu.memory_space<vmem>>, vector<16x264xf32>,
    %swap3A_581 = arith.constant 80 : index
    %swap3A_582 = arith.constant 0 : index
    %swap3A_583 = vector.load %arg5[%swap3A_581, %swap3A_582] : memref<352x264xf32, #tpu.memory_space<vmem>>, vector<16x264xf32>
    tpu.vector_store %arg5[%swap3A_581, %swap3A_582], %dot_general3A_533 {strides = array<i32>} : memref<352x264xf32, #tpu.memory_space<vmem>>, vector<16x264xf32>,
    %swap3A_584 = arith.constant 96 : index
    %swap3A_585 = arith.constant 0 : index
    %swap3A_586 = vector.load %arg5[%swap3A_584, %swap3A_585] : memref<352x264xf32, #tpu.memory_space<vmem>>, vector<16x264xf32>
    tpu.vector_store %arg5[%swap3A_584, %swap3A_585], %dot_general3A_535 {strides = array<i32>} : memref<352x264xf32, #tpu.memory_space<vmem>>, vector<16x264xf32>,
    %swap3A_587 = arith.constant 112 : index
    %swap3A_588 = arith.constant 0 : index
    %swap3A_589 = vector.load %arg5[%swap3A_587, %swap3A_588] : memref<352x264xf32, #tpu.memory_space<vmem>>, vector<16x264xf32>
    tpu.vector_store %arg5[%swap3A_587, %swap3A_588], %dot_general3A_537 {strides = array<i32>} : memref<352x264xf32, #tpu.memory_space<vmem>>, vector<16x264xf32>,
    %swap3A_590 = arith.constant 128 : index
    %swap3A_591 = arith.constant 0 : index
    %swap3A_592 = vector.load %arg5[%swap3A_590, %swap3A_591] : memref<352x264xf32, #tpu.memory_space<vmem>>, vector<16x264xf32>
    tpu.vector_store %arg5[%swap3A_590, %swap3A_591], %dot_general3A_539 {strides = array<i32>} : memref<352x264xf32, #tpu.memory_space<vmem>>, vector<16x264xf32>,
    %swap3A_593 = arith.constant 144 : index
    %swap3A_594 = arith.constant 0 : index
    %swap3A_595 = vector.load %arg5[%swap3A_593, %swap3A_594] : memref<352x264xf32, #tpu.memory_space<vmem>>, vector<16x264xf32>
    tpu.vector_store %arg5[%swap3A_593, %swap3A_594], %dot_general3A_541 {strides = array<i32>} : memref<352x264xf32, #tpu.memory_space<vmem>>, vector<16x264xf32>,
    %swap3A_596 = arith.constant 160 : index
    %swap3A_597 = arith.constant 0 : index
    %swap3A_598 = vector.load %arg5[%swap3A_596, %swap3A_597] : memref<352x264xf32, #tpu.memory_space<vmem>>, vector<16x264xf32>
    tpu.vector_store %arg5[%swap3A_596, %swap3A_597], %dot_general3A_543 {strides = array<i32>} : memref<352x264xf32, #tpu.memory_space<vmem>>, vector<16x264xf32>,
    %swap3A_599 = arith.constant 176 : index
    %swap3A_600 = arith.constant 0 : index
    %swap3A_601 = vector.load %arg5[%swap3A_599, %swap3A_600] : memref<352x264xf32, #tpu.memory_space<vmem>>, vector<16x264xf32>
    tpu.vector_store %arg5[%swap3A_599, %swap3A_600], %dot_general3A_545 {strides = array<i32>} : memref<352x264xf32, #tpu.memory_space<vmem>>, vector<16x264xf32>,
    %swap3A_602 = arith.constant 192 : index
    %swap3A_603 = arith.constant 0 : index
    %swap3A_604 = vector.load %arg5[%swap3A_602, %swap3A_603] : memref<352x264xf32, #tpu.memory_space<vmem>>, vector<16x264xf32>
    tpu.vector_store %arg5[%swap3A_602, %swap3A_603], %dot_general3A_547 {strides = array<i32>} : memref<352x264xf32, #tpu.memory_space<vmem>>, vector<16x264xf32>,
    %swap3A_605 = arith.constant 208 : index
    %swap3A_606 = arith.constant 0 : index
    %swap3A_607 = vector.load %arg5[%swap3A_605, %swap3A_606] : memref<352x264xf32, #tpu.memory_space<vmem>>, vector<16x264xf32>
    tpu.vector_store %arg5[%swap3A_605, %swap3A_606], %dot_general3A_549 {strides = array<i32>} : memref<352x264xf32, #tpu.memory_space<vmem>>, vector<16x264xf32>,
    %swap3A_608 = arith.constant 224 : index
    %swap3A_609 = arith.constant 0 : index
    %swap3A_610 = vector.load %arg5[%swap3A_608, %swap3A_609] : memref<352x264xf32, #tpu.memory_space<vmem>>, vector<16x264xf32>
    tpu.vector_store %arg5[%swap3A_608, %swap3A_609], %dot_general3A_551 {strides = array<i32>} : memref<352x264xf32, #tpu.memory_space<vmem>>, vector<16x264xf32>,
    %swap3A_611 = arith.constant 240 : index
    %swap3A_612 = arith.constant 0 : index
    %swap3A_613 = vector.load %arg5[%swap3A_611, %swap3A_612] : memref<352x264xf32, #tpu.memory_space<vmem>>, vector<16x264xf32>
    tpu.vector_store %arg5[%swap3A_611, %swap3A_612], %dot_general3A_553 {strides = array<i32>} : memref<352x264xf32, #tpu.memory_space<vmem>>, vector<16x264xf32>,
    %swap3A_614 = arith.constant 256 : index
    %swap3A_615 = arith.constant 0 : index
    %swap3A_616 = vector.load %arg5[%swap3A_614, %swap3A_615] : memref<352x264xf32, #tpu.memory_space<vmem>>, vector<16x264xf32>
    tpu.vector_store %arg5[%swap3A_614, %swap3A_615], %dot_general3A_555 {strides = array<i32>} : memref<352x264xf32, #tpu.memory_space<vmem>>, vector<16x264xf32>,
    %swap3A_617 = arith.constant 272 : index
    %swap3A_618 = arith.constant 0 : index
    %swap3A_619 = vector.load %arg5[%swap3A_617, %swap3A_618] : memref<352x264xf32, #tpu.memory_space<vmem>>, vector<16x264xf32>
    tpu.vector_store %arg5[%swap3A_617, %swap3A_618], %dot_general3A_557 {strides = array<i32>} : memref<352x264xf32, #tpu.memory_space<vmem>>, vector<16x264xf32>,
    %swap3A_620 = arith.constant 288 : index
    %swap3A_621 = arith.constant 0 : index
    %swap3A_622 = vector.load %arg5[%swap3A_620, %swap3A_621] : memref<352x264xf32, #tpu.memory_space<vmem>>, vector<16x264xf32>
    tpu.vector_store %arg5[%swap3A_620, %swap3A_621], %dot_general3A_559 {strides = array<i32>} : memref<352x264xf32, #tpu.memory_space<vmem>>, vector<16x264xf32>,
    %swap3A_623 = arith.constant 304 : index
    %swap3A_624 = arith.constant 0 : index
    %swap3A_625 = vector.load %arg5[%swap3A_623, %swap3A_624] : memref<352x264xf32, #tpu.memory_space<vmem>>, vector<16x264xf32>
    tpu.vector_store %arg5[%swap3A_623, %swap3A_624], %dot_general3A_561 {strides = array<i32>} : memref<352x264xf32, #tpu.memory_space<vmem>>, vector<16x264xf32>,
    %swap3A_626 = arith.constant 320 : index
    %swap3A_627 = arith.constant 0 : index
    %swap3A_628 = vector.load %arg5[%swap3A_626, %swap3A_627] : memref<352x264xf32, #tpu.memory_space<vmem>>, vector<16x264xf32>
    tpu.vector_store %arg5[%swap3A_626, %swap3A_627], %dot_general3A_563 {strides = array<i32>} : memref<352x264xf32, #tpu.memory_space<vmem>>, vector<16x264xf32>,
    %swap3A_629 = arith.constant 336 : index
    %swap3A_630 = arith.constant 0 : index
    %swap3A_631 = vector.load %arg5[%swap3A_629, %swap3A_630] : memref<352x264xf32, #tpu.memory_space<vmem>>, vector<16x264xf32>
    tpu.vector_store %arg5[%swap3A_629, %swap3A_630], %dot_general3A_565 {strides = array<i32>} : memref<352x264xf32, #tpu.memory_space<vmem>>, vector<16x264xf32>,
    return
  }
}

</mosaic_0001>

<sc_bundles>
// kernel: kernel.5.cloned.1.call-start
scs
__scs_entry_jumppad:
0x0: {  	(pc) =	sbr.rel $0x88, $3  }
0x1: {  	(tag) =	ssettag $0x0;
	lr =	simm.s32 $0x1  }
0x2: {  	[smem:$0x3F9C] =	sst lr;
	_ =	strace $0xD0000000  }
0x3: {  	_ = 	snop  }
0x4: {  	_ = 	snop  }
0x5: {  	_ = 	snop  }
0x6: {  	_ = 	snop  }
0x7: {  	_ = 	snop  }
__scs_overlays_trampoline_lowered:
0x8: {  	[smem:$0x3FAB] =	sst s0  }
0x9: {  	[smem:$0x3FAC] =	sst s1  }
0xa: {  	[smem:$0x3FAD] =	sst s2  }
0xb: {  	[smem:$0x3FAE] =	sst s3  }
0xc: {  	[smem:$0x3FAF] =	sst s4  }
0xd: {  	[smem:$0x3FB0] =	sst s5  }
0xe: {  	[smem:$0x3FB1] =	sst s6  }
0xf: {  	[smem:$0x3FB2] =	sst s7  }
0x10: {  	[smem:$0x3FB3] =	sst s8  }
0x11: {  	[smem:$0x3FB4] =	sst s9;
	s0 =	simm.s32 @!p0 $0x0  }
0x12: {  	s1 =	sld [smem:$0x3F9A];
	s0 =	simm.s32 @p0 $0x1  }
0x13: {  	[smem:$0x3FB5] =	sst s0;
	s0 =	simm.s32 @!p1 $0x0  }
0x14: {  	s2 =	sld [smem:$0x3F99];
	s0 =	simm.s32 @p1 $0x1  }
0x15: {  	[smem:$0x3FB6] =	sst s0;
	s0 =	simm.s32 @!p2 $0x0  }
0x16: {  	s3 =	sld [smem:$0x3FDB];
	s0 =	simm.s32 @p2 $0x1  }
0x17: {  	s4 =	simm.s32 $0x1BF5;
	[smem:$0x3FB8] =	sst s0  }
0x18: {  	s0 =	sld [smem:$0x3F9B];
	_ =	swait.ge [sflag:s4], $0x0  }
0x19: {  	s7 =	sld [smem:$0x3F9C]  }
0x1a: {  	s8 =	sadd.s32 $0xFFFFE003, lr  }
0x1b: {  	s9 =	sadd.s32 $0xFFFFFEF7, lr;
	s5 =	simm.s32 $0xFFFFFFFF;
	p2 =	slt.u32 s8, $0xFFFFF086  }
0x1c: {  	p1 =	slt.u32 s9, $0xF7A;
	s5 =	simm.s32 @!p2 $0x0  }
0x1d: {  	s5 =	simm.s32 @p1 $0x1;
	p0 =	seq.s32 s7, s2  }
0x1e: {  	s7 =	smul.u32 @!p0 $0xF7A, s2;
	p2 =	seq.s32 @!p0 s5, $0x0  }
0x1f: {  	s9 =	smul.u32 $0xF7A, s1;
	s8 =	simm.s32 @!p0 $0x1BF5;
	p2 =	por !p2, p0  }
0x20: {  	[sflag:s8] =	ssyncset.s32 @!p0 $0xFFFFF086;
	s6 =	sadd.s32 @!p0 s3, s7;
	s7 =	simm.s32 @!p0 $0x108  }
0x21: {  	s3 =	sadd.s32 s3, s9;
	s6 =	sadd.s32 @!p0 $0x88, s6;
	s7 =	simm.s32 @p2 $0x1082  }
0x22: {  	[simem:s7], [sflag:s8] =	dma.local @!p0 [hbm:s6], $0xF7A  }
0x23: {  	s9 =	sor.u32 $0xD0000000, s2;
	s6 =	simm.s32 $0x108;
	_ =	swait.ge @!p0 [sflag:s8], $0x0  }
0x24: {  	s3 =	sadd.s32 $0x88, s3;
	s6 =	simm.s32 @!p1 $0x1082;
	[sflag:s4] =	ssyncset.s32 $0xFFFFF086  }
0x25: {  	[simem:s6], [sflag:s4] =	dma.local [hbm:s3], $0xF7A  }
0x26: {  	[smem:$0x3F9C] =	sst s1;
	(tag) =	ssettag s2;
	_ =	strace s9  }
0x27: {  	s1 =	sld [smem:$0x3FAC]  }
0x28: {  	s2 =	sld [smem:$0x3FAD]  }
0x29: {  	s4 =	sld [smem:$0x3FAF]  }
0x2a: {  	p0 =	seq.s32 s5, $0x0;
	s5 =	sld [smem:$0x3FB0]  }
0x2b: {  	s6 =	sld [smem:$0x3FB1]  }
0x2c: {  	s7 =	sld [smem:$0x3FB2]  }
0x2d: {  	s3 =	simm.s32 $0x108;
	s8 =	sld [smem:$0x3FB3]  }
0x2e: {  	s3 =	simm.s32 @!p0 $0x1082;
	s9 =	sld [smem:$0x3FB4]  }
0x2f: {  	lr =	sadd.s32 s0, s3;
	s0 =	sld [smem:$0x3FAB]  }
0x30: {  	s3 =	sld [smem:$0x3FAE]  }
0x31: {  	[smem:$0x3FB7] =	sst s10  }
0x32: {  	s10 =	sld [smem:$0x3FB5];
	_ =	sdelay $0x3  }
0x33: {  	p0 =	seq.s32 s10, $0x1;
	s10 =	sld [smem:$0x3FB7];
	_ =	sdelay $0x3  }
0x34: {  	[smem:$0x3FB7] =	sst s10  }
0x35: {  	s10 =	sld [smem:$0x3FB6];
	_ =	sdelay $0x3  }
0x36: {  	p1 =	seq.s32 s10, $0x1;
	s10 =	sld [smem:$0x3FB7];
	_ =	sdelay $0x3  }
0x37: {  	[smem:$0x3FB7] =	sst s10  }
0x38: {  	s10 =	sld [smem:$0x3FB8]  }
0x39: {  	_ = 	snop;
	(pc) =	sbr.ind lr, $3  }
0x3a: {  	_ = 	snop  }
0x3b: {  	_ = 	snop  }
0x3c: {  	p2 =	seq.s32 s10, $0x1;
	s10 =	sld [smem:$0x3FB7]  }
0x3d: {  	_ =	shalt  }
0x3e: {  	_ =	shalt  }
0x3f: {  	_ =	shalt  }
0x40: {  	_ =	shalt  }
0x41: {  	_ =	shalt  }
0x42: {  	_ =	shalt  }
0x43: {  	_ =	shalt  }
0x44: {  	_ =	shalt  }
0x45: {  	_ =	shalt  }
0x46: {  	_ =	shalt  }
0x47: {  	_ =	shalt  }
0x48: {  	_ =	shalt  }
0x49: {  	_ =	shalt  }
0x4a: {  	_ =	shalt  }
0x4b: {  	_ =	shalt  }
0x4c: {  	_ =	shalt  }
0x4d: {  	_ =	shalt  }
0x4e: {  	_ =	shalt  }
0x4f: {  	_ =	shalt  }
0x50: {  	_ =	shalt  }
0x51: {  	_ =	shalt  }
0x52: {  	_ =	shalt  }
0x53: {  	_ =	shalt  }
0x54: {  	_ =	shalt  }
0x55: {  	_ =	shalt  }
0x56: {  	_ =	shalt  }
0x57: {  	_ =	shalt  }
0x58: {  	_ =	shalt  }
0x59: {  	_ =	shalt  }
0x5a: {  	_ =	shalt  }
0x5b: {  	_ =	shalt  }
0x5c: {  	_ =	shalt  }
0x5d: {  	_ =	shalt  }
0x5e: {  	_ =	shalt  }
0x5f: {  	_ =	shalt  }
0x60: {  	_ =	shalt  }
0x61: {  	_ =	shalt  }
0x62: {  	_ =	shalt  }
0x63: {  	_ =	shalt  }
0x64: {  	_ =	shalt  }
0x65: {  	_ =	shalt  }
0x66: {  	_ =	shalt  }
0x67: {  	_ =	shalt  }
0x68: {  	_ =	shalt  }
0x69: {  	_ =	shalt  }
0x6a: {  	_ =	shalt  }
0x6b: {  	_ =	shalt  }
0x6c: {  	_ =	shalt  }
0x6d: {  	_ =	shalt  }
0x6e: {  	_ =	shalt  }
0x6f: {  	_ =	shalt  }
0x70: {  	_ =	shalt  }
0x71: {  	_ =	shalt  }
0x72: {  	_ =	shalt  }
0x73: {  	_ =	shalt  }
0x74: {  	_ =	shalt  }
0x75: {  	_ =	shalt  }
0x76: {  	_ =	shalt  }
0x77: {  	_ =	shalt  }
0x78: {  	_ =	shalt  }
0x79: {  	_ =	shalt  }
0x7a: {  	_ =	shalt  }
0x7b: {  	_ =	shalt  }
0x7c: {  	_ =	shalt  }
0x7d: {  	_ =	shalt  }
0x7e: {  	_ =	shalt  }
0x7f: {  	_ =	shalt  }
0x80: {  	_ =	shalt  }
0x81: {  	_ =	shalt  }
0x82: {  	_ =	shalt  }
0x83: {  	_ =	shalt  }
0x84: {  	_ =	shalt  }
0x85: {  	_ =	shalt  }
0x86: {  	_ =	shalt  }
0x87: {  	_ =	shalt  }
.Lfunc_end0:
.L_simem_size_0:
called_computation_lowered:
.L_overlay_start_0:
0x88: {  	s2 =	sld [smem:$0x3FD9]  }
0x89: {  	s3 =	sld [smem:$0x3FFE];
	_ =	sdelay $0x1  }
0x8a: {  	s1 =	srdreg.scid  }
0x8b: {  	s0 =	sand.u32 $0x1, s1  }
0x8c: {  	s14 =	sshll.u32 s0, $0xA;
	s2 =	sadd.s32 s3, s2  }
0x8d: {  	s2 =	sadd.s32 s2, s14  }
0x8e: {  	[smem:$0x3FC3] =	sst s2  }
0x8f: {  	_ = 	snop  }
0x90: {  	s2 =	sld [smem:$0x3FD0];
	_ =	sdelay $0x2  }
0x91: {  	s4 =	simm.s32 $0xA;
	s5 =	simm.s32 $0x10;
	s15 =	sld [smem:$0x3FC9]  }
0x92: {  	[smem:s5], [sflag:s4] =	dma.local [hbm:s2], $0x1  }
0x93: {  	_ =	swait.eq [sflag:s4], $0x1  }
0x94: {  	[sflag:s4] =	ssyncset.done $0x0  }
0x95: {  	[sflag:s4] =	ssyncadd.s32 $0xFFFFFFFF  }
0x96: {  	s16 =	sld [smem:$0x10];
	(tm) =	ssettm $0x1  }
0x97: {  	s17 =	sld [smem:$0x3FFB];
	_ =	sdelay $0x3  }
0x98: {  	_ =	strace s17  }
0x99: {  	s4 =	sld [smem:$0x3FFC];
	_ =	sdelay $0x3  }
0x9a: {  	_ =	strace s4  }
0x9b: {  	s4 =	sld [smem:$0x3FFD];
	_ =	sdelay $0x3  }
0x9c: {  	_ =	strace s4  }
0x9d: {  	_ =	strace $0x8FFFFFFF  }
0x9e: {  	s18 =	sld [smem:$0x3FDB];
	_ =	sdelay $0x1  }
0x9f: {  	s19 =	simm.s32 $_scs_section_size  }
0xa0: {  	s6 =	simm.s32 $_size__tile_overlayer_lowered;
	s7 =	simm.s32 $_tile_overlayer_lowered  }
0xa1: {  	s22 =	simm.s32 $0x1BFF;
	s21 =	sshll.u32 s7, $0x1;
	s4 =	sadd.s32 s19, s18  }
0xa2: {  	s8 =	simm.s32 $0x0;
	s20 =	sshll.u32 s6, $0x1;
	s6 =	sadd.s32 s21, s4  }
0xa3: {  	[timem:s8], [sflag:s22] =	dma.local [hbm:s6], s20  }
0xa4: {  	_ =	swait.ge [sflag:s22], s20  }
0xa5: {  	s5 =	ssub.s32 $0x0, s20;
	[sflag:s22] =	ssyncset.done $0x0  }
0xa6: {  	[sflag:s22] =	ssyncadd.s32 s5;
	_ =	sdelay $0x1  }
0xa7: {  	s23 =	simm.s32 $0x1B8B  }
0xa8: {  	_ =	swait.ge [sflag:s23], $0x1  }
0xa9: {  	[sflag:s23] =	ssyncset.done $0x0  }
0xaa: {  	s25 =	simm.s32 $0x1B8E;
	s24 =	sld [smem:$0x3FFE];
	[sflag:s23] =	ssyncadd.s32 $0xFFFFFFFF  }
0xab: {  	s26 =	simm.s32 $execute0_lowered;
	[smem:$0x3FD2] =	sst s25  }
0xac: {  	s6 =	sshll.u32 s26, $0x1;
	_ =	strace $0x80000046;
	[dreg:$0x1] =	wrdreg $0xFFFFFFFF  }
0xad: {  	s28 =	simm.s32 $_size_execute0_lowered;
	s4 =	sadd.s32 s4, s6;
	[dreg:$0x0] =	wrdreg $0x0  }
0xae: {  	s6 =	sshll.u32 s28, $0x1;
	[dreg:$0x2] =	wrdreg s4  }
0xaf: {  	[dreg:$0x3] =	wrdreg s6  }
0xb0: {  	[dreg:$0x4] =	wrdreg $0xC0  }
0xb1: {  	_ =	task [dreg:s8], $0x5FFFF  }
0xb2: {  	[dreg:$0x1] =	wrdreg $0xFFFFFFFF  }
0xb3: {  	[dreg:$0x0] =	wrdreg $0x60  }
0xb4: {  	[dreg:$0x2] =	wrdreg s24  }
0xb5: {  	[dreg:$0x3] =	wrdreg s15  }
0xb6: {  	[dreg:$0x4] =	wrdreg s16  }
0xb7: {  	[dreg:$0x5] =	wrdreg $0x9  }
0xb8: {  	_ =	task.clear_ibuf [dreg:s8], $0x6FFFF;
	_ =	strace $0x90000046  }
0xb9: {  	s29 =	simm.s32 $0x9;
	_ =	strace $0x80000048  }
0xba: {  	_ =	swait.ge [sflag:s29], $0x1  }
0xbb: {  	[sflag:s29] =	ssyncadd.s32 $0xFFFFFFFF  }
0xbc: {  	_ =	strace $0x90000048  }
0xbd: {  	_ =	sfence  }
0xbe: {  	s30 =	sld [smem:$0x0];
	_ =	sdelay $0x2  }
0xbf: {  	s31 =	sshll.u32 s1, $0xD;
	s1 =	sshrl.u32 s1, $0x2  }
0xc0: {  	s3 =	sand.u32 $0x4000, s31;
	s1 =	sadd.s32 s1, s30  }
0xc1: {  	s0 =	sor.u32 s3, s0;
	s1 =	sshll.u32 s1, $0x11  }
0xc2: {  	s0 =	sor.u32 s1, s0  }
0xc3: {  	s0 =	sadd.s32 $0x8F2B, s0  }
0xc4: {  	[sflag:s0] =	ssyncadd.remote.s32 $0x1  }
0xc5: {  	_ =	sfence.sel $0xFFFF  }
0xc6: {  	[dreg:$0x0] =	wrdreg $0xFFFFFFFF;
	(pc) =	sbr.abs _section_cstart, $3  }
0xc7: {  	[dreg:$0x1] =	wrdreg $0xFFFFFFFF  }
0xc8: {  	_ =	task.clear_ibuf [dreg:s8], $0x2FFFF;
	_ =	strace $0x9FFFFFFF  }
0xc9: {  	(tm) =	ssettm $0x7FFFFFFF  }
tec
execute0_lowered:
.L_overlay_start_1:
0x0: {  	(tag) =	ssettag $0x1  }
0x1: {  	s0 =	rddreg [dreg:$0x0]  }
0x2: {  	s1 =	rddreg [dreg:$0x1]  }
0x3: {  	s3 =	rddreg [dreg:$0x2];
	s2 =	simm.s32 $0x0  }
0x4: {  	s4 =	srdreg.scid;
	s5 =	stileid.u32;
	s28 =	simm.s32 $0x17940  }
0x5: {  	s29 =	simm.s32 $0x17950;
	s30 =	simm.s32 $0x17960;
	s31 =	simm.s32 $0x17970  }
0x6: {  	s13 =	simm.s32 $0x179A0;
	s14 =	simm.s32 $0x179B0;
	s15 =	simm.s32 $0x179C0  }
0x7: {  	s16 =	simm.s32 $0x179D0;
	s17 =	simm.s32 $0x179E0;
	s18 =	simm.s32 $0x179F0  }
0x8: {  	s11 =	simm.s32 $0x4;
	s12 =	simm.s32 $0x0;
	s10 =	simm.s32 $0x16B00  }
0x9: {  	[smem:$0x7FF] =	sst s2;
	s4 =	sand.u32 $0x1, s4;
	s6 =	sadd.s32 $0xA00, s0  }
0xa: {  	s7 =	sadd.s32 $0x3800, s0;
	_ =	strace $0x80000047;
	[dreg:$0x4] =	wrdreg s6  }
0xb: {  	s5 =	sshll.u32 s5, $0x1;
	s21 =	sadd.s32 $0x1030, s0;
	[dreg:$0x5] =	wrdreg s7  }
0xc: {  	s22 =	sadd.s32 $0x1870, s0;
	s5 =	sor.u32 s4, s5;
	[dreg:$0x6] =	wrdreg s21  }
0xd: {  	s4 =	ssub.s32 $0x2, s4;
	[dreg:$0x7] =	wrdreg s22;
	s21 =	simm.s32 $0x17700  }
0xe: {  	s6 =	simm.s32 $0x17A40;
	s7 =	simm.s32 $0x17A50;
	s19 =	sshll.u32 s5, $0x4  }
0xf: {  	s8 =	sshrl.u32 s4, $0x1;
	s5 =	sshll.u32 s5, $0x7;
	s20 =	sadd.s32 s19, s0  }
0x10: {  	s4 =	ssub.s32 s4, s8;
	s0 =	sadd.s32 $0x24D0, s0;
	s23 =	sadd.s32 s1, s5  }
0x11: {  	s24 =	sadd.s32 s3, s19;
	s1 =	simm.s32 $0x17990;
	[dreg:$0x8] =	wrdreg s0  }
0x12: {  	s19 =	simm.s32 $0x17A00;
	s3 =	simm.s32 $0x17A10;
	[dreg:$0x9] =	wrdreg s23  }
0x13: {  	vm0 =	vmmov $0x1;
	s5 =	simm.s32 $0x17A30;
	s0 =	sadd.s32 $0x2000, s23;
	[dreg:$0xb] =	wrdreg s24  }
0x14: {  	vm1 =	vmmov $0x3;
	vm2 =	vmmov $0x7;
	vm3 =	vmmov $0xf;
	s25 =	sadd.s32 $0x3A00, s20;
	s26 =	smax.u32 s4, $0x1;
	[dreg:$0xa] =	wrdreg s0  }
0x15: {  	vm4 =	vmmov $0x1f;
	vm5 =	vmmov $0x3f;
	vm6 =	vmmov $0x7f;
	s20 =	simm.s32 $0x5;
	s23 =	simm.s32 $0x17900;
	[dreg:$0xc] =	wrdreg s25  }
0x16: {  	vm7 =	vmmov $0xff;
	vm8 =	vcmask $0x318;
	vm9 =	vcmask $0x718;
	s24 =	simm.s32 $0x17910;
	s4 =	simm.s32 $0x17A20;
	[dreg:$0xd] =	wrdreg s26  }
0x17: {  	vm10 =	vcmask $0xB18;
	vm11 =	vcmask $0xF18;
	vm12 =	vcmask $0x1318;
	s25 =	simm.s32 $0x17920;
	s26 =	simm.s32 $0x17930;
	s0 =	simm.s32 $0x17980  }
.LBB2_1:
0x18: {  	s8 =	rddreg [dreg:$0x4]  }
0x19: {  	[tilespmem:s2], [sflag:$0x1] =	stream.linear.gather [hbm4b:s8+s2], $0x3180, $0x38;
	[tilespmem:$0x17B00] =	vst v63  }
0x1a: {  	s22 =	rddreg [dreg:$0x6];
	s9 =	simm.s32 $0x3180  }
0x1b: {  	[tilespmem:s9], [sflag:$0x2] =	stream.linear.gather [hbm4b:s22+s2], $0x4200, $0x38;
	[tilespmem:$0x17B00] =	vst v63  }
0x1c: {  	s9 =	rddreg [dreg:$0x7];
	s22 =	simm.s32 $0x7380  }
0x1d: {  	[tilespmem:s22], [sflag:$0x3] =	stream.linear.gather [hbm4b:s9+s2], $0x6300, $0x38;
	[tilespmem:$0x17B00] =	vst v63  }
0x1e: {  	s9 =	rddreg [dreg:$0x8];
	s22 =	simm.s32 $0xD680  }
0x1f: {  	[tilespmem:s22], [sflag:$0x4] =	stream.linear.gather [hbm4b:s9+s2], $0x9480, $0x38;
	[tilespmem:$0x17B00] =	vst v63  }
0x20: {  	s8 =	rddreg [dreg:$0x9];
	s9 =	simm.s32 $0x400;
	s22 =	simm.s32 $0x8000  }
0x21: {  	[tilespmem:s10], [sflag:$0x5] =	stream.strided.gather [hbm4b:s8+s9], $0x800, s22, s9, $0x38;
	[tilespmem:$0x17B00] =	vst v63  }
0x22: {  	s9 =	rddreg [dreg:$0xa];
	s22 =	simm.s32 $0x17300  }
0x23: {  	[tilespmem:s22], [sflag:$0x5] =	stream.linear.gather [hbm4b:s9+s2], $0x300, $0x38;
	[tilespmem:$0x17B00] =	vst v63  }
0x24: {  	_ =	swait.ge [sflag:s20], $0xB00  }
0x25: {  	[sflag:s20] =	ssyncset.done $0x0  }
0x26: {  	s9 =	rddreg [dreg:$0x5];
	[sflag:s20] =	ssyncadd.s32 $0xFFFFF500  }
0x27: {  	[tilespmem:s21], [sflag:$0x5] =	stream.linear.gather [hbm4b:s9+s2], $0x180, $0x38;
	[tilespmem:$0x17B00] =	vst v63  }
0x28: {  	_ =	swait.ge [sflag:s20], $0x180  }
0x29: {  	[sflag:s20] =	ssyncset.done $0x0  }
0x2a: {  	v0 =	vimm.f32 $0.0e+00;
	[sflag:s20] =	ssyncadd.s32 $0xFFFFFE80  }
0x2b: {  	[tilespmem:$0x17900] =	vst v0  }
0x2c: {  	[tilespmem:$0x17910] =	vst v0  }
0x2d: {  	[tilespmem:$0x17920] =	vst v0  }
0x2e: {  	[tilespmem:$0x17930] =	vst v0  }
0x2f: {  	[tilespmem:$0x17940] =	vst v0  }
0x30: {  	[tilespmem:$0x17950] =	vst v0  }
0x31: {  	[tilespmem:$0x17960] =	vst v0  }
0x32: {  	[tilespmem:$0x17970] =	vst v0  }
0x33: {  	[tilespmem:$0x17980] =	vst v0  }
0x34: {  	[tilespmem:$0x17990] =	vst v0  }
0x35: {  	[tilespmem:$0x179A0] =	vst v0  }
0x36: {  	[tilespmem:$0x179B0] =	vst v0  }
0x37: {  	[tilespmem:$0x179C0] =	vst v0  }
0x38: {  	[tilespmem:$0x179D0] =	vst v0  }
0x39: {  	[tilespmem:$0x179E0] =	vst v0  }
0x3a: {  	[tilespmem:$0x179F0] =	vst v0  }
0x3b: {  	[tilespmem:$0x17A00] =	vst v0  }
0x3c: {  	[tilespmem:$0x17A10] =	vst v0  }
0x3d: {  	[tilespmem:$0x17A20] =	vst v0  }
0x3e: {  	[tilespmem:$0x17A30] =	vst v0  }
0x3f: {  	[tilespmem:$0x17A40] =	vst v0  }
0x40: {  	s22 =	simm.s32 $0x1;
	[tilespmem:$0x17A50] =	vst v0  }
0x41: {  	_ =	swait.ge [sflag:s22], $0x3180  }
0x42: {  	[sflag:s22] =	ssyncset.done $0x0  }
0x43: {  	s8 =	simm.s32 $0x0;
	[sflag:s22] =	ssyncadd.s32 $0xFFFFCE80  }
.LBB2_2:
0x44: {  	s22 =	sshra.s32 s8, $0x2  }
0x45: {  	v21 =	vld [tilespmem:s22+$0x16B00]  }
0x46: {  	v1 =	vld [tilespmem:s22+$0x16B80]  }
0x47: {  	v2 =	vld [tilespmem:s22+$0x16C00]  }
0x48: {  	v3 =	vld [tilespmem:s22+$0x16C80]  }
0x49: {  	v4 =	vld [tilespmem:s22+$0x16D00]  }
0x4a: {  	v5 =	vld [tilespmem:s22+$0x16D80]  }
0x4b: {  	v6 =	vld [tilespmem:s22+$0x16E00]  }
0x4c: {  	v7 =	vld [tilespmem:s22+$0x16E80]  }
0x4d: {  	v8 =	vld [tilespmem:s22+$0x16F00]  }
0x4e: {  	v9 =	vld [tilespmem:s22+$0x16F80]  }
0x4f: {  	v10 =	vld [tilespmem:s22+$0x17000]  }
0x50: {  	v11 =	vld [tilespmem:s22+$0x17080]  }
0x51: {  	v22 =	vld [tilespmem:s22+$0x17100]  }
0x52: {  	v23 =	vld [tilespmem:s22+$0x17180]  }
0x53: {  	v24 =	vld [tilespmem:s22+$0x17200]  }
0x54: {  	v25 =	vld [tilespmem:s22+$0x17280]  }
0x55: {  	v26 =	vld [tilespmem:s22+$0x17300]  }
0x56: {  	v27 =	vld [tilespmem:s22+$0x17380]  }
0x57: {  	v12 =	vld.idx.msk [tilespmem:v21+s21+$0x0], $0xffff  }
0x58: {  	v51 =	vld [tilespmem:s22+$0x17400];
	v28 =	vadd.s32 $0xC, v1  }
0x59: {  	v29 =	vld [tilespmem:s22+$0x17480]  }
0x5a: {  	v30 =	vld [tilespmem:s22+$0x17500]  }
0x5b: {  	v31 =	vld [tilespmem:s22+$0x17580]  }
0x5c: {  	[tilespmem:s23+$0x0] =	vst.add.f32.msk $0xffff, v12  }
0x5d: {  	v12 =	vld.idx.msk [tilespmem:v28+s21+$0x0], $0xffff  }
0x5e: {  	v20 =	vadd.s32 $0x18, v2;
	_ =	sdelay $0x3  }
0x5f: {  	[tilespmem:s24+$0x0] =	vst.add.f32.msk $0xffff, v12  }
0x60: {  	v2 =	vld.idx.msk [tilespmem:v20+s21+$0x0], $0xffff  }
0x61: {  	v19 =	vadd.s32 $0x24, v3;
	_ =	sdelay $0x3  }
0x62: {  	[tilespmem:s25+$0x0] =	vst.add.f32.msk $0xffff, v2  }
0x63: {  	v2 =	vld.idx.msk [tilespmem:v19+s21+$0x0], $0xffff  }
0x64: {  	v18 =	vadd.s32 $0x30, v4;
	_ =	sdelay $0x3  }
0x65: {  	[tilespmem:s26+$0x0] =	vst.add.f32.msk $0xffff, v2  }
0x66: {  	v2 =	vld.idx.msk [tilespmem:v18+s21+$0x0], $0xffff  }
0x67: {  	v17 =	vadd.s32 $0x3C, v5;
	_ =	sdelay $0x3  }
0x68: {  	[tilespmem:s28+$0x0] =	vst.add.f32.msk $0xffff, v2  }
0x69: {  	v2 =	vld.idx.msk [tilespmem:v17+s21+$0x0], $0xffff  }
0x6a: {  	v16 =	vadd.s32 $0x48, v6;
	_ =	sdelay $0x3  }
0x6b: {  	[tilespmem:s29+$0x0] =	vst.add.f32.msk $0xffff, v2  }
0x6c: {  	v2 =	vld.idx.msk [tilespmem:v16+s21+$0x0], $0xffff  }
0x6d: {  	v15 =	vadd.s32 $0x54, v7;
	_ =	sdelay $0x3  }
0x6e: {  	[tilespmem:s30+$0x0] =	vst.add.f32.msk $0xffff, v2  }
0x6f: {  	v2 =	vld.idx.msk [tilespmem:v15+s21+$0x0], $0xffff  }
0x70: {  	v14 =	vadd.s32 $0x60, v8;
	_ =	sdelay $0x3  }
0x71: {  	[tilespmem:s31+$0x0] =	vst.add.f32.msk $0xffff, v2  }
0x72: {  	v2 =	vld.idx.msk [tilespmem:v14+s21+$0x0], $0xffff  }
0x73: {  	v13 =	vadd.s32 $0x6C, v9;
	_ =	sdelay $0x3  }
0x74: {  	[tilespmem:s0+$0x0] =	vst.add.f32.msk $0xffff, v2  }
0x75: {  	v2 =	vld.idx.msk [tilespmem:v13+s21+$0x0], $0xffff  }
0x76: {  	v12 =	vadd.s32 $0x78, v10;
	_ =	sdelay $0x3  }
0x77: {  	[tilespmem:s1+$0x0] =	vst.add.f32.msk $0xffff, v2  }
0x78: {  	v2 =	vld.idx.msk [tilespmem:v12+s21+$0x0], $0xffff  }
0x79: {  	v11 =	vadd.s32 $0x84, v11;
	_ =	sdelay $0x3  }
0x7a: {  	[tilespmem:s13+$0x0] =	vst.add.f32.msk $0xffff, v2  }
0x7b: {  	v2 =	vld.idx.msk [tilespmem:v11+s21+$0x0], $0xffff  }
0x7c: {  	v10 =	vadd.s32 $0x90, v22;
	_ =	sdelay $0x3  }
0x7d: {  	[tilespmem:s14+$0x0] =	vst.add.f32.msk $0xffff, v2  }
0x7e: {  	v2 =	vld.idx.msk [tilespmem:v10+s21+$0x0], $0xffff  }
0x7f: {  	v9 =	vadd.s32 $0x9C, v23;
	_ =	sdelay $0x3  }
0x80: {  	[tilespmem:s15+$0x0] =	vst.add.f32.msk $0xffff, v2  }
0x81: {  	v2 =	vld.idx.msk [tilespmem:v9+s21+$0x0], $0xffff  }
0x82: {  	v8 =	vadd.s32 $0xA8, v24;
	_ =	sdelay $0x3  }
0x83: {  	[tilespmem:s16+$0x0] =	vst.add.f32.msk $0xffff, v2  }
0x84: {  	v2 =	vld.idx.msk [tilespmem:v8+s21+$0x0], $0xffff  }
0x85: {  	v7 =	vadd.s32 $0xB4, v25;
	_ =	sdelay $0x3  }
0x86: {  	[tilespmem:s17+$0x0] =	vst.add.f32.msk $0xffff, v2  }
0x87: {  	v2 =	vld.idx.msk [tilespmem:v7+s21+$0x0], $0xffff  }
0x88: {  	v6 =	vadd.s32 $0xC0, v26;
	_ =	sdelay $0x3  }
0x89: {  	[tilespmem:s18+$0x0] =	vst.add.f32.msk $0xffff, v2  }
0x8a: {  	v2 =	vld.idx.msk [tilespmem:v6+s21+$0x0], $0xffff  }
0x8b: {  	v5 =	vadd.s32 $0xCC, v27;
	_ =	sdelay $0x3  }
0x8c: {  	[tilespmem:s19+$0x0] =	vst.add.f32.msk $0xffff, v2  }
0x8d: {  	v2 =	vld.idx.msk [tilespmem:v5+s21+$0x0], $0xffff  }
0x8e: {  	v4 =	vadd.s32 $0xD8, v51;
	_ =	sdelay $0x3  }
0x8f: {  	[tilespmem:s3+$0x0] =	vst.add.f32.msk $0xffff, v2  }
0x90: {  	v1 =	vld.idx.msk [tilespmem:v4+s21+$0x0], $0xffff  }
0x91: {  	v3 =	vadd.s32 $0xE4, v29;
	_ =	sdelay $0x3  }
0x92: {  	[tilespmem:s4+$0x0] =	vst.add.f32.msk $0xffff, v1  }
0x93: {  	v1 =	vld.idx.msk [tilespmem:v3+s21+$0x0], $0xffff  }
0x94: {  	v2 =	vadd.s32 $0xF0, v30;
	_ =	sdelay $0x3  }
0x95: {  	[tilespmem:s5+$0x0] =	vst.add.f32.msk $0xffff, v1  }
0x96: {  	v52 =	vld.idx.msk [tilespmem:v2+s21+$0x0], $0xffff  }
0x97: {  	v1 =	vadd.s32 $0xFC, v31;
	_ =	sdelay $0x3  }
0x98: {  	[tilespmem:s6+$0x0] =	vst.add.f32.msk $0xffff, v52  }
0x99: {  	v53 =	vmul.u32 $0x108, v21;
	v21 =	vmul.u32 $0x109, v21;
	v22 =	vld.idx.msk [tilespmem:v1+s21+$0x0], $0xffff;
	_ =	sdelay $0x1  }
0x9a: {  	v54 =	vadd.s32 v53, v28  }
0x9b: {  	v55 =	vadd.s32 v53, v20  }
0x9c: {  	v56 =	vadd.s32 v53, v19  }
0x9d: {  	v57 =	vadd.s32 v53, v18;
	[tilespmem:s7+$0x0] =	vst.add.f32.msk $0xffff, v22  }
0x9e: {  	v58 =	vadd.s32 v53, v17;
	v21 =	vld.idx.msk [tilespmem:v21+s2+$0x0], $0xffff  }
0x9f: {  	v59 =	vadd.s32 v53, v16;
	v24 =	vld.idx.msk [tilespmem:v54+s2+$0x0], $0xffff  }
0xa0: {  	v60 =	vadd.s32 v53, v15;
	v25 =	vld.idx.msk [tilespmem:v55+s2+$0x0], $0xffff  }
0xa1: {  	v61 =	vadd.s32 v53, v14;
	v26 =	vld.idx.msk [tilespmem:v56+s2+$0x0], $0xffff  }
0xa2: {  	v32 =	vadd.s32 v53, v13;
	v22 =	vld.idx.msk [tilespmem:v57+s2+$0x0], $0xffff  }
0xa3: {  	v33 =	vadd.s32 v53, v12;
	v27 =	vld.idx.msk [tilespmem:v58+s2+$0x0], $0xffff  }
0xa4: {  	v34 =	vadd.s32 v53, v11;
	v29 =	vld.idx.msk [tilespmem:v59+s2+$0x0], $0xffff  }
0xa5: {  	v35 =	vadd.s32 v53, v10;
	v30 =	vld.idx.msk [tilespmem:v60+s2+$0x0], $0xffff  }
0xa6: {  	v36 =	vadd.s32 v53, v9;
	v31 =	vld.idx.msk [tilespmem:v61+s2+$0x0], $0xffff  }
0xa7: {  	v37 =	vadd.s32 v53, v8;
	v32 =	vld.idx.msk [tilespmem:v32+s2+$0x0], $0xffff  }
0xa8: {  	v38 =	vadd.s32 v53, v7;
	v33 =	vld.idx.msk [tilespmem:v33+s2+$0x0], $0xffff  }
0xa9: {  	v39 =	vadd.s32 v53, v6;
	v34 =	vld.idx.msk [tilespmem:v34+s2+$0x0], $0xffff  }
0xaa: {  	v40 =	vadd.s32 v53, v5;
	v35 =	vld.idx.msk [tilespmem:v35+s2+$0x0], $0xffff  }
0xab: {  	v41 =	vadd.s32 v53, v4;
	v36 =	vld.idx.msk [tilespmem:v36+s2+$0x0], $0xffff  }
0xac: {  	v43 =	vmul.u32 $0x108, v28;
	v42 =	vadd.s32 v53, v3;
	v37 =	vld.idx.msk [tilespmem:v37+s2+$0x0], $0xffff  }
0xad: {  	v44 =	vadd.s32 v53, v2;
	v38 =	vld.idx.msk [tilespmem:v38+s2+$0x0], $0xffff  }
0xae: {  	v43 =	vadd.s32 $0x420, v43;
	v23 =	vadd.s32 v53, v1;
	v39 =	vld.idx.msk [tilespmem:v39+s2+$0x0], $0xffff  }
0xaf: {  	v28 =	vadd.s32 v28, v43;
	v40 =	vld.idx.msk [tilespmem:v40+s2+$0x0], $0xffff  }
0xb0: {  	v45 =	vadd.s32 v20, v43;
	v41 =	vld.idx.msk [tilespmem:v41+s2+$0x0], $0xffff  }
0xb1: {  	v46 =	vadd.s32 v19, v43;
	v42 =	vld.idx.msk [tilespmem:v42+s2+$0x0], $0xffff  }
0xb2: {  	v47 =	vadd.s32 v43, v18;
	v44 =	vld.idx.msk [tilespmem:v44+s2+$0x0], $0xffff  }
0xb3: {  	v48 =	vadd.s32 v43, v17;
	v23 =	vld.idx.msk [tilespmem:v23+s2+$0x0], $0xffff  }
0xb4: {  	v49 =	vadd.s32 v43, v16;
	v28 =	vld.idx.msk [tilespmem:v28+s2+$0x0], $0xffff  }
0xb5: {  	v50 =	vadd.s32 v43, v15;
	v45 =	vld.idx.msk [tilespmem:v45+s2+$0x0], $0xffff  }
0xb6: {  	v51 =	vadd.s32 v43, v14;
	v46 =	vld.idx.msk [tilespmem:v46+s2+$0x0], $0xffff  }
0xb7: {  	v52 =	vadd.s32 v43, v13;
	v47 =	vld.idx.msk [tilespmem:v47+s2+$0x0], $0xffff  }
0xb8: {  	v63 =	vmul.u32 $0x108, v20;
	v53 =	vadd.s32 v43, v12;
	v48 =	vld.idx.msk [tilespmem:v48+s2+$0x0], $0xffff  }
0xb9: {  	v62 =	vadd.s32 v43, v3;
	v49 =	vld.idx.msk [tilespmem:v49+s2+$0x0], $0xffff  }
0xba: {  	v63 =	vadd.s32 $0x840, v63;
	v0 =	vadd.s32 v43, v2;
	v50 =	vld.idx.msk [tilespmem:v50+s2+$0x0], $0xffff  }
0xbb: {  	v20 =	vadd.s32 v20, v63;
	v51 =	vld.idx.msk [tilespmem:v51+s2+$0x0], $0xffff  }
0xbc: {  	v19 =	vadd.s32 v19, v63;
	v52 =	vld.idx.msk [tilespmem:v52+s2+$0x0], $0xffff  }
0xbd: {  	v18 =	vadd.s32 v18, v63;
	v53 =	vld.idx.msk [tilespmem:v53+s2+$0x0], $0xffff  }
0xbe: {  	v17 =	vadd.s32 v63, v17;
	v62 =	vld.idx.msk [tilespmem:v62+s2+$0x0], $0xffff  }
0xbf: {  	v16 =	vadd.s32 v63, v16;
	v0 =	vld.idx.msk [tilespmem:v0+s2+$0x0], $0xffff  }
0xc0: {  	v15 =	vadd.s32 v63, v15;
	v20 =	vld.idx.msk [tilespmem:v20+s2+$0x0], $0xffff  }
0xc1: {  	v14 =	vadd.s32 v63, v14;
	v19 =	vld.idx.msk [tilespmem:v19+s2+$0x0], $0xffff  }
0xc2: {  	v13 =	vadd.s32 v63, v13;
	v18 =	vld.idx.msk [tilespmem:v18+s2+$0x0], $0xffff;
	v21 =	vadd.f32 $0.0e+00, v21  }
0xc3: {  	v12 =	vadd.s32 v63, v12;
	v17 =	vld.idx.msk [tilespmem:v17+s2+$0x0], $0xffff;
	v24 =	vadd.f32 $0.0e+00, v24;
	v25 =	vadd.f32 $0.0e+00, v25  }
0xc4: {  	v54 =	vadd.s32 v43, v11;
	v16 =	vld.idx.msk [tilespmem:v16+s2+$0x0], $0xffff;
	v21 =	vadd.f32 v22, v21;
	v22 =	vadd.f32 $0.0e+00, v26  }
0xc5: {  	v55 =	vadd.s32 v43, v10;
	v15 =	vld.idx.msk [tilespmem:v15+s2+$0x0], $0xffff;
	v24 =	vadd.f32 v27, v24;
	v25 =	vadd.f32 v29, v25  }
0xc6: {  	v56 =	vadd.s32 v43, v9;
	v14 =	vld.idx.msk [tilespmem:v14+s2+$0x0], $0xffff;
	v22 =	vadd.f32 v30, v22;
	v21 =	vadd.f32 v31, v21  }
0xc7: {  	v57 =	vadd.s32 v43, v8;
	v13 =	vld.idx.msk [tilespmem:v13+s2+$0x0], $0xffff;
	v24 =	vadd.f32 v32, v24;
	v25 =	vadd.f32 v33, v25  }
0xc8: {  	v61 =	vadd.s32 v43, v4;
	v12 =	vld.idx.msk [tilespmem:v12+s2+$0x0], $0xffff;
	v22 =	vadd.f32 v34, v22;
	v21 =	vadd.f32 v35, v21  }
0xc9: {  	v58 =	vadd.s32 v43, v7;
	v54 =	vld.idx.msk [tilespmem:v54+s2+$0x0], $0xffff;
	v24 =	vadd.f32 v36, v24;
	v25 =	vadd.f32 v37, v25  }
0xca: {  	v59 =	vadd.s32 v43, v6;
	v55 =	vld.idx.msk [tilespmem:v55+s2+$0x0], $0xffff;
	v22 =	vadd.f32 v38, v22;
	v21 =	vadd.f32 v39, v21  }
0xcb: {  	v60 =	vadd.s32 v43, v5;
	v56 =	vld.idx.msk [tilespmem:v56+s2+$0x0], $0xffff;
	v24 =	vadd.f32 v40, v24;
	v25 =	vadd.f32 v41, v25  }
0xcc: {  	v3 =	vadd.s32 v63, v3;
	v57 =	vld.idx.msk [tilespmem:v57+s2+$0x0], $0xffff;
	v22 =	vadd.f32 v42, v22;
	v21 =	vadd.f32 v44, v21  }
0xcd: {  	v43 =	vadd.s32 v43, v1;
	v27 =	vld.idx.msk [tilespmem:v61+s2+$0x0], $0xffff;
	v23 =	vadd.f32 v23, v24;
	v61 =	vadd.f32 v28, v25  }
0xce: {  	v2 =	vadd.s32 v63, v2;
	v58 =	vld.idx.msk [tilespmem:v58+s2+$0x0], $0xffff;
	v22 =	vadd.f32 v45, v22;
	v21 =	vadd.f32 v46, v21  }
0xcf: {  	v11 =	vadd.s32 v63, v11;
	v59 =	vld.idx.msk [tilespmem:v59+s2+$0x0], $0xffff;
	v23 =	vadd.f32 v47, v23;
	v24 =	vadd.f32 v48, v61  }
0xd0: {  	v10 =	vadd.s32 v63, v10;
	v26 =	vld.idx.msk [tilespmem:v60+s2+$0x0], $0xffff;
	v22 =	vadd.f32 v49, v22;
	v21 =	vadd.f32 v50, v21  }
0xd1: {  	v9 =	vadd.s32 v63, v9;
	v3 =	vld.idx.msk [tilespmem:v3+s2+$0x0], $0xffff;
	v23 =	vadd.f32 v51, v23;
	v24 =	vadd.f32 v52, v24  }
0xd2: {  	v8 =	vadd.s32 v63, v8;
	v60 =	vld.idx.msk [tilespmem:v43+s2+$0x0], $0xffff;
	v22 =	vadd.f32 v53, v22;
	v21 =	vadd.f32 v54, v21  }
0xd3: {  	v7 =	vadd.s32 v63, v7;
	v2 =	vld.idx.msk [tilespmem:v2+s2+$0x0], $0xffff;
	v23 =	vadd.f32 v55, v23;
	v24 =	vadd.f32 v56, v24  }
0xd4: {  	v6 =	vadd.s32 v63, v6;
	v11 =	vld.idx.msk [tilespmem:v11+s2+$0x0], $0xffff;
	v22 =	vadd.f32 v57, v22;
	v21 =	vadd.f32 v58, v21  }
0xd5: {  	v5 =	vadd.s32 v63, v5;
	v10 =	vld.idx.msk [tilespmem:v10+s2+$0x0], $0xffff;
	v23 =	vadd.f32 v59, v23;
	v24 =	vadd.f32 v26, v24  }
0xd6: {  	v4 =	vadd.s32 v63, v4;
	v9 =	vld.idx.msk [tilespmem:v9+s2+$0x0], $0xffff;
	v22 =	vadd.f32 v27, v22;
	v21 =	vadd.f32 v62, v21  }
0xd7: {  	v1 =	vadd.s32 v63, v1;
	v8 =	vld.idx.msk [tilespmem:v8+s2+$0x0], $0xffff;
	v0 =	vadd.f32 v0, v23;
	v62 =	vadd.f32 v60, v24  }
0xd8: {  	v7 =	vld.idx.msk [tilespmem:v7+s2+$0x0], $0xffff;
	v20 =	vadd.f32 v20, v22;
	v19 =	vadd.f32 v19, v21  }
0xd9: {  	v6 =	vld.idx.msk [tilespmem:v6+s2+$0x0], $0xffff;
	v0 =	vadd.f32 v18, v0;
	v17 =	vadd.f32 v17, v62  }
0xda: {  	v5 =	vld.idx.msk [tilespmem:v5+s2+$0x0], $0xffff;
	v16 =	vadd.f32 v16, v20;
	v15 =	vadd.f32 v15, v19  }
0xdb: {  	v4 =	vld.idx.msk [tilespmem:v4+s2+$0x0], $0xffff;
	v0 =	vadd.f32 v14, v0;
	v13 =	vadd.f32 v13, v17  }
0xdc: {  	v1 =	vld.idx.msk [tilespmem:v1+s2+$0x0], $0xffff;
	v12 =	vadd.f32 v12, v16;
	v11 =	vadd.f32 v11, v15  }
0xdd: {  	v0 =	vadd.f32 v10, v0;
	v9 =	vadd.f32 v9, v13  }
0xde: {  	v8 =	vadd.f32 v8, v12;
	v7 =	vadd.f32 v7, v11  }
0xdf: {  	v0 =	vadd.f32 v6, v0;
	v5 =	vadd.f32 v5, v9  }
0xe0: {  	v4 =	vadd.f32 v4, v8;
	v3 =	vadd.f32 v3, v7  }
0xe1: {  	v0 =	vadd.f32 v2, v0;
	v1 =	vadd.f32 v1, v5  }
0xe2: {  	p0 =	sne.s32 s8, $0x1C0  }
.Ltmp0:
0xe3: {  	v0 =	vadd.f32 v0, v3;
	v1 =	vadd.f32 v1, v4;
	(pc) =	sbr.rel @p0 .LBB2_2-.Ltmp0, $3  }
0xe4: {  	_ = 	snop  }
0xe5: {  	v0 =	vadd.f32 v1, v0;
	_ =	sdelay $0x1  }
0xe6: {  	s8 =	sadd.s32 $0x40, s8;
	[tilespmem:s22+$0x17880] =	vst v0  }
0xe7: {  	s8 =	simm.s32 $0x2  }
0xe8: {  	_ =	swait.ge [sflag:s8], $0x4200  }
0xe9: {  	[sflag:s8] =	ssyncset.done $0x0  }
0xea: {  	[sflag:s8] =	ssyncadd.s32 $0xFFFFBE00;
	s8 =	simm.s32 $0x0  }
0xeb: {  	v0 =	vld [tilespmem:s8+$0x17580]  }
0xec: {  	v17 =	vld [tilespmem:s8+$0x17380]  }
0xed: {  	v1 =	vld [tilespmem:s8+$0x17400]  }
0xee: {  	v14 =	vld [tilespmem:s8+$0x17480]  }
0xef: {  	v2 =	vld [tilespmem:s8+$0x17500]  }
0xf0: {  	v3 =	vld [tilespmem:s8+$0x16E00]  }
0xf1: {  	v23 =	vld [tilespmem:s8+$0x17180]  }
0xf2: {  	v4 =	vld [tilespmem:s8+$0x17200]  }
0xf3: {  	v19 =	vld [tilespmem:s8+$0x17280]  }
0xf4: {  	v5 =	vld [tilespmem:s8+$0x17300]  }
0xf5: {  	v32 =	vld [tilespmem:s8+$0x16F80];
	v31 =	vadd.s32 $0x48, v3  }
0xf6: {  	v7 =	vld [tilespmem:s8+$0x17100];
	v3 =	vmul.u32 $0x108, v31  }
0xf7: {  	v8 =	vld [tilespmem:s8+$0x16D80]  }
0xf8: {  	v6 =	vld [tilespmem:s8+$0x17000];
	v21 =	vadd.s32 $0xF0, v2;
	v3 =	vadd.s32 $0x18C0, v3  }
0xf9: {  	v28 =	vld [tilespmem:s8+$0x17080];
	v22 =	vadd.s32 $0xD8, v1;
	v1 =	vadd.s32 v3, v21  }
0xfa: {  	v2 =	vld [tilespmem:s8+$0x16F00];
	v26 =	vadd.s32 $0xC0, v5;
	v5 =	vadd.s32 v3, v22  }
0xfb: {  	v35 =	vld [tilespmem:s8+$0x16E80];
	v29 =	vadd.s32 $0xA8, v4;
	v4 =	vadd.s32 v3, v26  }
0xfc: {  	v9 =	vld [tilespmem:s8+$0x16D00];
	v33 =	vadd.s32 $0x90, v7;
	v25 =	vadd.s32 $0x3C, v8;
	v7 =	vadd.s32 v3, v29  }
0xfd: {  	v30 =	vld [tilespmem:s8+$0x16C80];
	v37 =	vadd.s32 $0x78, v6;
	v8 =	vmul.u32 $0x108, v25;
	v6 =	vadd.s32 v3, v33  }
0xfe: {  	v10 =	vadd.s32 v3, v37;
	v1 =	vld.idx.msk [tilespmem:v1+s2+$0x0], $0xffff  }
0xff: {  	v16 =	vadd.s32 $0x14A0, v8;
	v12 =	vadd.s32 v31, v3;
	v38 =	vadd.s32 $0x60, v2;
	v2 =	vld.idx.msk [tilespmem:v5+s2+$0x0], $0xffff  }
0x100: {  	v13 =	vadd.s32 v16, v21;
	v4 =	vld.idx.msk [tilespmem:v4+s2+$0x0], $0xffff  }
0x101: {  	v18 =	vadd.s32 v16, v26;
	v5 =	vld.idx.msk [tilespmem:v7+s2+$0x0], $0xffff  }
0x102: {  	v24 =	vadd.s32 v16, v33;
	v6 =	vld.idx.msk [tilespmem:v6+s2+$0x0], $0xffff  }
0x103: {  	v11 =	vadd.s32 v38, v3;
	v7 =	vld.idx.msk [tilespmem:v10+s2+$0x0], $0xffff  }
0x104: {  	v42 =	vadd.s32 $0x30, v9;
	v15 =	vadd.s32 v16, v22;
	v9 =	vld.idx.msk [tilespmem:v12+s2+$0x0], $0xffff  }
0x105: {  	v27 =	vmul.u32 $0x108, v42;
	v20 =	vadd.s32 v16, v29;
	v10 =	vld.idx.msk [tilespmem:v13+s2+$0x0], $0xffff  }
0x106: {  	v34 =	vadd.s32 v16, v37;
	v13 =	vld.idx.msk [tilespmem:v18+s2+$0x0], $0xffff  }
0x107: {  	v14 =	vadd.s32 $0xE4, v14;
	v40 =	vadd.s32 $0x1080, v27;
	v36 =	vadd.s32 v16, v38;
	v18 =	vld.idx.msk [tilespmem:v24+s2+$0x0], $0xffff  }
0x108: {  	v17 =	vadd.s32 $0xCC, v17;
	v41 =	vadd.s32 v40, v14;
	v8 =	vld.idx.msk [tilespmem:v11+s2+$0x0], $0xffff  }
0x109: {  	v43 =	vadd.s32 v40, v17;
	v11 =	vld.idx.msk [tilespmem:v15+s2+$0x0], $0xffff  }
0x10a: {  	v23 =	vadd.s32 $0x9C, v23;
	v12 =	vadd.s32 $0xFC, v0;
	v0 =	vadd.s32 v31, v16;
	v15 =	vld.idx.msk [tilespmem:v20+s2+$0x0], $0xffff  }
0x10b: {  	v50 =	vadd.s32 v40, v23;
	v20 =	vld.idx.msk [tilespmem:v34+s2+$0x0], $0xffff  }
0x10c: {  	v19 =	vadd.s32 $0xB4, v19;
	v39 =	vadd.s32 v40, v12;
	v24 =	vld.idx.msk [tilespmem:v36+s2+$0x0], $0xffff  }
0x10d: {  	v47 =	vadd.s32 v40, v19;
	v34 =	vld.idx.msk [tilespmem:v41+s2+$0x0], $0xffff  }
0x10e: {  	v44 =	vadd.s32 $0x24, v30;
	v36 =	vld.idx.msk [tilespmem:v43+s2+$0x0], $0xffff  }
0x10f: {  	v28 =	vadd.s32 $0x84, v28;
	v27 =	vld.idx.msk [tilespmem:v0+s2+$0x0], $0xffff;
	v0 =	vmul.u32 $0x108, v44  }
0x110: {  	v32 =	vadd.s32 $0x6C, v32;
	v35 =	vadd.s32 $0x54, v35;
	v45 =	vadd.s32 v40, v28;
	v41 =	vld.idx.msk [tilespmem:v50+s2+$0x0], $0xffff  }
0x111: {  	v46 =	vadd.s32 v40, v32;
	v48 =	vadd.s32 v40, v35;
	v30 =	vld.idx.msk [tilespmem:v39+s2+$0x0], $0xffff;
	v43 =	vadd.s32 $0xC60, v0  }
0x112: {  	s22 =	simm.s32 $0x40;
	v49 =	vadd.s32 v25, v40;
	[tilespmem:$0x1FFF0] =	vst v1;
	v39 =	vld.idx.msk [tilespmem:v47+s2+$0x0], $0xffff;
	v47 =	vadd.s32 v43, v12  }
.LBB2_4:
0x113: {  	_ =	sdelay $0x3  }
0x114: {  	v0 =	vadd.s32 v43, v14;
	v45 =	vld.idx.msk [tilespmem:v45+s2+$0x0], $0xffff  }
0x115: {  	v46 =	vld.idx.msk [tilespmem:v46+s2+$0x0], $0xffff;
	v52 =	vadd.s32 v43, v23  }
0x116: {  	v48 =	vld.idx.msk [tilespmem:v48+s2+$0x0], $0xffff;
	v53 =	vadd.s32 v43, v28  }
0x117: {  	v49 =	vld.idx.msk [tilespmem:v49+s2+$0x0], $0xffff;
	v54 =	vadd.s32 v43, v32  }
0x118: {  	v47 =	vld.idx.msk [tilespmem:v47+s2+$0x0], $0xffff;
	v55 =	vadd.s32 v43, v35  }
0x119: {  	v56 =	vadd.s32 v25, v43;
	v0 =	vld.idx.msk [tilespmem:v0+s2+$0x0], $0xffff  }
0x11a: {  	v44 =	vadd.s32 v44, v43;
	v52 =	vld.idx.msk [tilespmem:v52+s2+$0x0], $0xffff  }
0x11b: {  	v57 =	vadd.s32 v42, v43;
	v53 =	vld.idx.msk [tilespmem:v53+s2+$0x0], $0xffff  }
0x11c: {  	v58 =	vadd.s32 v43, v31;
	v54 =	vld.idx.msk [tilespmem:v54+s2+$0x0], $0xffff  }
0x11d: {  	v59 =	vadd.s32 v43, v38;
	v55 =	vld.idx.msk [tilespmem:v55+s2+$0x0], $0xffff  }
0x11e: {  	v60 =	vadd.s32 v43, v37;
	v56 =	vld.idx.msk [tilespmem:v56+s2+$0x0], $0xffff  }
0x11f: {  	v61 =	vadd.s32 v43, v33;
	v44 =	vld.idx.msk [tilespmem:v44+s2+$0x0], $0xffff  }
0x120: {  	v62 =	vadd.s32 v43, v29;
	v57 =	vld.idx.msk [tilespmem:v57+s2+$0x0], $0xffff  }
0x121: {  	v50 =	vadd.s32 v43, v17;
	v58 =	vld.idx.msk [tilespmem:v58+s2+$0x0], $0xffff  }
0x122: {  	v51 =	vadd.s32 v43, v19;
	v63 =	vadd.s32 v43, v26;
	v1 =	vadd.s32 v43, v22;
	v59 =	vld.idx.msk [tilespmem:v59+s2+$0x0], $0xffff  }
0x123: {  	v43 =	vadd.s32 v43, v21;
	v42 =	vadd.s32 v42, v40;
	v31 =	vadd.s32 v31, v40;
	v60 =	vld.idx.msk [tilespmem:v60+s2+$0x0], $0xffff  }
0x124: {  	v38 =	vadd.s32 v40, v38;
	v37 =	vadd.s32 v40, v37;
	v33 =	vadd.s32 v40, v33;
	v61 =	vld.idx.msk [tilespmem:v61+s2+$0x0], $0xffff  }
0x125: {  	v29 =	vadd.s32 v40, v29;
	v62 =	vld.idx.msk [tilespmem:v62+s2+$0x0], $0xffff;
	v44 =	vadd.f32 $0.0e+00, v44;
	v57 =	vadd.f32 $0.0e+00, v57  }
0x126: {  	v26 =	vadd.s32 v40, v26;
	v50 =	vld.idx.msk [tilespmem:v50+s2+$0x0], $0xffff;
	v56 =	vadd.f32 $0.0e+00, v56;
	v58 =	vadd.f32 $0.0e+00, v58  }
0x127: {  	v22 =	vadd.s32 v40, v22;
	v51 =	vld.idx.msk [tilespmem:v51+s2+$0x0], $0xffff;
	v44 =	vadd.f32 v55, v44;
	v55 =	vadd.f32 v59, v57  }
0x128: {  	v21 =	vadd.s32 v40, v21;
	v63 =	vld.idx.msk [tilespmem:v63+s2+$0x0], $0xffff;
	v54 =	vadd.f32 v54, v56;
	v60 =	vadd.f32 v60, v58  }
0x129: {  	v25 =	vadd.s32 v25, v16;
	v1 =	vld.idx.msk [tilespmem:v1+s2+$0x0], $0xffff;
	v44 =	vadd.f32 v53, v44;
	v58 =	vadd.f32 v61, v55  }
0x12a: {  	v43 =	vld.idx.msk [tilespmem:v43+s2+$0x0], $0xffff;
	v56 =	vadd.s32 v3, v32;
	v52 =	vadd.f32 v52, v54;
	v59 =	vadd.f32 v62, v60  }
0x12b: {  	v42 =	vld.idx.msk [tilespmem:v42+s2+$0x0], $0xffff;
	v62 =	vadd.s32 v35, v16;
	v53 =	vadd.s32 v16, v17;
	v54 =	vadd.s32 v16, v14  }
0x12c: {  	v31 =	vld.idx.msk [tilespmem:v31+s2+$0x0], $0xffff;
	v55 =	vadd.s32 v35, v3;
	v17 =	vadd.s32 v3, v17;
	v61 =	vadd.f32 v50, v52  }
0x12d: {  	v38 =	vld.idx.msk [tilespmem:v38+s2+$0x0], $0xffff;
	v14 =	vadd.s32 v3, v14;
	v44 =	vadd.f32 v51, v44;
	v60 =	vadd.f32 v63, v58  }
0x12e: {  	v37 =	vld.idx.msk [tilespmem:v37+s2+$0x0], $0xffff;
	v1 =	vadd.f32 v1, v59;
	v63 =	vadd.s32 v16, v32;
	v40 =	vadd.f32 v47, v61  }
0x12f: {  	v33 =	vld.idx.msk [tilespmem:v33+s2+$0x0], $0xffff;
	v50 =	vadd.s32 v16, v23;
	v51 =	vadd.s32 v16, v19;
	v0 =	vadd.f32 v0, v44  }
0x130: {  	v29 =	vld.idx.msk [tilespmem:v29+s2+$0x0], $0xffff;
	v23 =	vadd.s32 v3, v23;
	v43 =	vadd.f32 v43, v60;
	v40 =	vadd.f32 v48, v40  }
0x131: {  	v26 =	vld.idx.msk [tilespmem:v26+s2+$0x0], $0xffff;
	v19 =	vadd.s32 v3, v19;
	v1 =	vadd.f32 v42, v1;
	v0 =	vadd.f32 v49, v0  }
0x132: {  	v22 =	vld.idx.msk [tilespmem:v22+s2+$0x0], $0xffff;
	v31 =	vadd.f32 v31, v43;
	v49 =	vadd.s32 v16, v28;
	v40 =	vadd.f32 v45, v40  }
0x133: {  	v21 =	vld.idx.msk [tilespmem:v21+s2+$0x0], $0xffff;
	v1 =	vadd.f32 v38, v1;
	v16 =	vadd.s32 v16, v12;
	v28 =	vadd.s32 v3, v28  }
0x134: {  	v25 =	vld.idx.msk [tilespmem:v25+s2+$0x0], $0xffff;
	v3 =	vadd.s32 v3, v12;
	v31 =	vadd.f32 v37, v31;
	v39 =	vadd.f32 v39, v40  }
0x135: {  	v52 =	vld.idx.msk [tilespmem:v62+s2+$0x0], $0xffff;
	v0 =	vadd.f32 v46, v0;
	v1 =	vadd.f32 v33, v1  }
0x136: {  	v29 =	vadd.f32 v29, v31;
	v31 =	vld.idx.msk [tilespmem:v63+s2+$0x0], $0xffff;
	v34 =	vadd.f32 v34, v39  }
0x137: {  	v0 =	vadd.f32 v41, v0;
	v1 =	vadd.f32 v26, v1;
	v26 =	vld.idx.msk [tilespmem:v49+s2+$0x0], $0xffff  }
0x138: {  	v16 =	vld.idx.msk [tilespmem:v16+s2+$0x0], $0xffff;
	v27 =	vadd.f32 v27, v34  }
0x139: {  	v3 =	vld.idx.msk [tilespmem:v3+s2+$0x0], $0xffff;
	v0 =	vadd.f32 v36, v0;
	v22 =	vadd.f32 v22, v29  }
0x13a: {  	v29 =	vld.idx.msk [tilespmem:v50+s2+$0x0], $0xffff;
	v1 =	vadd.f32 v21, v1;
	v20 =	vadd.f32 v20, v27  }
0x13b: {  	v21 =	vld.idx.msk [tilespmem:v51+s2+$0x0], $0xffff;
	v0 =	vadd.f32 v30, v0;
	v22 =	vadd.f32 v25, v22  }
0x13c: {  	v25 =	vld.idx.msk [tilespmem:v53+s2+$0x0], $0xffff;
	v1 =	vadd.f32 v52, v1;
	v15 =	vadd.f32 v15, v20  }
0x13d: {  	v30 =	vld.idx.msk [tilespmem:v54+s2+$0x0], $0xffff;
	v0 =	vadd.f32 v24, v0;
	v22 =	vadd.f32 v31, v22  }
0x13e: {  	v1 =	vadd.f32 v26, v1;
	v24 =	vld.idx.msk [tilespmem:v55+s2+$0x0], $0xffff;
	v11 =	vadd.f32 v11, v15  }
0x13f: {  	v0 =	vadd.f32 v18, v0;
	v18 =	vadd.f32 v29, v22;
	v22 =	vld.idx.msk [tilespmem:v56+s2+$0x0], $0xffff  }
0x140: {  	v1 =	vadd.f32 v21, v1;
	v20 =	vld.idx.msk [tilespmem:v28+s2+$0x0], $0xffff;
	v9 =	vadd.f32 v9, v11  }
0x141: {  	v0 =	vadd.f32 v13, v0;
	v12 =	vadd.f32 v25, v18;
	v13 =	vld.idx.msk [tilespmem:v23+s2+$0x0], $0xffff  }
0x142: {  	s9 =	sshra.s32 s22, $0x2;
	v1 =	vadd.f32 v30, v1;
	v15 =	vld.idx.msk [tilespmem:v19+s2+$0x0], $0xffff;
	v7 =	vadd.f32 v7, v9  }
0x143: {  	v23 =	vld [tilespmem:s9+$0x17180];
	v0 =	vadd.f32 v10, v0;
	v10 =	vadd.f32 v16, v12  }
0x144: {  	v12 =	vld.idx.msk [tilespmem:v17+s2+$0x0], $0xffff;
	v1 =	vadd.f32 v24, v1;
	v5 =	vadd.f32 v5, v7  }
0x145: {  	v11 =	vld.idx.msk [tilespmem:v14+s2+$0x0], $0xffff;
	v0 =	vadd.f32 v8, v0;
	v8 =	vadd.f32 v22, v10  }
0x146: {  	v1 =	vadd.f32 v20, v1;
	v2 =	vadd.f32 v2, v5;
	v5 =	vld [tilespmem:$0x1FFF0]  }
0x147: {  	v19 =	vld [tilespmem:s9+$0x17280];
	v0 =	vadd.f32 v6, v0;
	v6 =	vadd.f32 v13, v8  }
0x148: {  	v14 =	vld [tilespmem:s9+$0x17580];
	v1 =	vadd.f32 v15, v1  }
0x149: {  	v17 =	vld [tilespmem:s9+$0x17380];
	v0 =	vadd.f32 v4, v0;
	v4 =	vadd.f32 v12, v6  }
0x14a: {  	v8 =	vld [tilespmem:s9+$0x17400];
	v1 =	vadd.f32 v11, v1  }
0x14b: {  	v15 =	vld [tilespmem:s9+$0x17480];
	v3 =	vadd.f32 v3, v4;
	v0 =	vadd.f32 v5, v0  }
0x14c: {  	v4 =	vld [tilespmem:s9+$0x16E00]  }
0x14d: {  	v6 =	vld [tilespmem:s9+$0x17500];
	v1 =	vadd.f32 v1, v2;
	v0 =	vadd.f32 v3, v0  }
0x14e: {  	v2 =	vld [tilespmem:s9+$0x17300]  }
0x14f: {  	v5 =	vld [tilespmem:s9+$0x17200];
	v0 =	vadd.f32 v0, v1  }
0x150: {  	v1 =	vld [tilespmem:s9+$0x16F80]  }
0x151: {  	v31 =	vadd.s32 $0x48, v4;
	[tilespmem:s8+$0x17880] =	vst.add.f32.msk $0xffff, v0;
	s8 =	smov.u32 s9  }
0x152: {  	v3 =	vmul.u32 $0x108, v31;
	v0 =	vld [tilespmem:s8+$0x17000]  }
0x153: {  	v4 =	vld [tilespmem:s8+$0x17100]  }
0x154: {  	v21 =	vadd.s32 $0xF0, v6;
	v3 =	vadd.s32 $0x18C0, v3;
	v7 =	vld [tilespmem:s8+$0x16D80]  }
0x155: {  	v22 =	vadd.s32 $0xD8, v8;
	v8 =	vadd.s32 v3, v21;
	v6 =	vld [tilespmem:s8+$0x16F00]  }
0x156: {  	v26 =	vadd.s32 $0xC0, v2;
	v2 =	vadd.s32 v3, v22;
	v27 =	vld [tilespmem:s8+$0x17080]  }
0x157: {  	v29 =	vadd.s32 $0xA8, v5;
	v11 =	vadd.s32 v31, v3;
	v9 =	vld [tilespmem:s8+$0x16D00]  }
0x158: {  	v5 =	vadd.s32 v3, v26;
	v10 =	vadd.s32 v3, v29;
	v57 =	vld [tilespmem:s8+$0x16E80]  }
0x159: {  	v30 =	vld [tilespmem:s8+$0x16C80];
	v33 =	vadd.s32 $0x90, v4;
	v25 =	vadd.s32 $0x3C, v7;
	v37 =	vadd.s32 $0x78, v0  }
0x15a: {  	v38 =	vadd.s32 $0x60, v6;
	v6 =	vld.idx.msk [tilespmem:v8+s2+$0x0], $0xffff;
	v0 =	vadd.s32 v3, v33;
	v4 =	vmul.u32 $0x108, v25  }
0x15b: {  	v2 =	vld.idx.msk [tilespmem:v2+s2+$0x0], $0xffff;
	v7 =	vadd.s32 v3, v37  }
0x15c: {  	v42 =	vadd.s32 $0x30, v9;
	v9 =	vld.idx.msk [tilespmem:v11+s2+$0x0], $0xffff;
	v8 =	vadd.s32 v38, v3;
	v16 =	vadd.s32 $0x14A0, v4  }
0x15d: {  	v4 =	vld.idx.msk [tilespmem:v5+s2+$0x0], $0xffff;
	v12 =	vadd.s32 v16, v21  }
0x15e: {  	v5 =	vld.idx.msk [tilespmem:v10+s2+$0x0], $0xffff;
	v13 =	vadd.s32 v16, v22  }
0x15f: {  	v18 =	vadd.s32 v16, v29;
	[tilespmem:$0x1FFF0] =	vst v6;
	v6 =	vld.idx.msk [tilespmem:v0+s2+$0x0], $0xffff  }
0x160: {  	v20 =	vadd.s32 v16, v33;
	v7 =	vld.idx.msk [tilespmem:v7+s2+$0x0], $0xffff  }
0x161: {  	v24 =	vmul.u32 $0x108, v42;
	v0 =	vadd.s32 v16, v26;
	v8 =	vld.idx.msk [tilespmem:v8+s2+$0x0], $0xffff  }
0x162: {  	v28 =	vadd.s32 v16, v37;
	v10 =	vld.idx.msk [tilespmem:v12+s2+$0x0], $0xffff  }
0x163: {  	v17 =	vadd.s32 $0xCC, v17;
	v40 =	vadd.s32 $0x1080, v24;
	v58 =	vadd.s32 v16, v38;
	v11 =	vld.idx.msk [tilespmem:v13+s2+$0x0], $0xffff  }
0x164: {  	v59 =	vadd.s32 v31, v16;
	v12 =	vadd.s32 $0xFC, v14;
	v14 =	vadd.s32 $0xE4, v15;
	v15 =	vld.idx.msk [tilespmem:v18+s2+$0x0], $0xffff  }
0x165: {  	v61 =	vadd.s32 v40, v17;
	v18 =	vld.idx.msk [tilespmem:v20+s2+$0x0], $0xffff  }
0x166: {  	v19 =	vadd.s32 $0xB4, v19;
	v13 =	vld.idx.msk [tilespmem:v0+s2+$0x0], $0xffff;
	v0 =	vadd.s32 v40, v12  }
0x167: {  	v23 =	vadd.s32 $0x9C, v23;
	v62 =	vadd.s32 v40, v19;
	v20 =	vld.idx.msk [tilespmem:v28+s2+$0x0], $0xffff  }
0x168: {  	v63 =	vadd.s32 v40, v23;
	v24 =	vld.idx.msk [tilespmem:v58+s2+$0x0], $0xffff  }
0x169: {  	p0 =	sne.s32 s22, $0x1C0;
	v28 =	vadd.s32 $0x84, v27;
	v27 =	vld.idx.msk [tilespmem:v59+s2+$0x0], $0xffff;
	v60 =	vadd.s32 v40, v14  }
.Ltmp1:
0x16a: {  	v44 =	vadd.s32 $0x24, v30;
	v36 =	vld.idx.msk [tilespmem:v61+s2+$0x0], $0xffff;
	(pc) =	sbr.rel @p0 .LBB2_4-.Ltmp1, $4  }
0x16b: {  	v30 =	vld.idx.msk [tilespmem:v0+s2+$0x0], $0xffff;
	v0 =	vmul.u32 $0x108, v44  }
0x16c: {  	v32 =	vadd.s32 $0x6C, v1;
	v35 =	vadd.s32 $0x54, v57;
	v39 =	vld.idx.msk [tilespmem:v62+s2+$0x0], $0xffff  }
0x16d: {  	v46 =	vadd.s32 v40, v32;
	v48 =	vadd.s32 v40, v35;
	v41 =	vld.idx.msk [tilespmem:v63+s2+$0x0], $0xffff;
	v43 =	vadd.s32 $0xC60, v0  }
0x16e: {  	s22 =	sadd.s32 $0x40, s22;
	v49 =	vadd.s32 v25, v40;
	v45 =	vadd.s32 v40, v28;
	v34 =	vld.idx.msk [tilespmem:v60+s2+$0x0], $0xffff;
	v47 =	vadd.s32 v43, v12  }
0x16f: {  	_ =	sdelay $0x3  }
0x170: {  	v0 =	vadd.s32 v43, v14;
	v1 =	vld.idx.msk [tilespmem:v45+s2+$0x0], $0xffff  }
0x171: {  	v57 =	vadd.s32 v43, v17;
	v46 =	vld.idx.msk [tilespmem:v46+s2+$0x0], $0xffff  }
0x172: {  	v50 =	vadd.s32 v43, v19;
	v48 =	vld.idx.msk [tilespmem:v48+s2+$0x0], $0xffff  }
0x173: {  	v49 =	vld.idx.msk [tilespmem:v49+s2+$0x0], $0xffff;
	v53 =	vadd.s32 v43, v32  }
0x174: {  	v47 =	vld.idx.msk [tilespmem:v47+s2+$0x0], $0xffff;
	v54 =	vadd.s32 v43, v35  }
0x175: {  	v55 =	vadd.s32 v25, v43;
	v0 =	vld.idx.msk [tilespmem:v0+s2+$0x0], $0xffff  }
0x176: {  	v44 =	vadd.s32 v44, v43;
	v45 =	vld.idx.msk [tilespmem:v57+s2+$0x0], $0xffff  }
0x177: {  	v56 =	vadd.s32 v42, v43;
	v50 =	vld.idx.msk [tilespmem:v50+s2+$0x0], $0xffff  }
0x178: {  	v57 =	vadd.s32 v43, v31;
	v53 =	vld.idx.msk [tilespmem:v53+s2+$0x0], $0xffff  }
0x179: {  	v58 =	vadd.s32 v43, v38;
	v54 =	vld.idx.msk [tilespmem:v54+s2+$0x0], $0xffff  }
0x17a: {  	v59 =	vadd.s32 v43, v37;
	v55 =	vld.idx.msk [tilespmem:v55+s2+$0x0], $0xffff  }
0x17b: {  	v51 =	vadd.s32 v43, v23;
	v44 =	vld.idx.msk [tilespmem:v44+s2+$0x0], $0xffff  }
0x17c: {  	v61 =	vadd.s32 v43, v29;
	v56 =	vld.idx.msk [tilespmem:v56+s2+$0x0], $0xffff  }
0x17d: {  	v52 =	vadd.s32 v43, v28;
	v57 =	vld.idx.msk [tilespmem:v57+s2+$0x0], $0xffff  }
0x17e: {  	v63 =	vadd.s32 v43, v22;
	v58 =	vld.idx.msk [tilespmem:v58+s2+$0x0], $0xffff  }
0x17f: {  	v60 =	vadd.s32 v43, v33;
	v59 =	vld.idx.msk [tilespmem:v59+s2+$0x0], $0xffff  }
0x180: {  	v42 =	vadd.s32 v42, v40;
	v51 =	vld.idx.msk [tilespmem:v51+s2+$0x0], $0xffff  }
0x181: {  	v62 =	vadd.s32 v43, v26;
	v61 =	vld.idx.msk [tilespmem:v61+s2+$0x0], $0xffff;
	v44 =	vadd.f32 $0.0e+00, v44;
	v56 =	vadd.f32 $0.0e+00, v56  }
0x182: {  	v38 =	vadd.s32 v40, v38;
	v52 =	vld.idx.msk [tilespmem:v52+s2+$0x0], $0xffff;
	v55 =	vadd.f32 $0.0e+00, v55;
	v57 =	vadd.f32 $0.0e+00, v57  }
0x183: {  	v43 =	vadd.s32 v43, v21;
	v44 =	vadd.f32 v54, v44;
	v54 =	vadd.f32 v58, v56;
	v56 =	vld.idx.msk [tilespmem:v63+s2+$0x0], $0xffff  }
0x184: {  	v60 =	vld.idx.msk [tilespmem:v60+s2+$0x0], $0xffff;
	v53 =	vadd.f32 v53, v55;
	v58 =	vadd.f32 v59, v57;
	v59 =	vadd.s32 v40, v33  }
0x185: {  	v31 =	vadd.s32 v31, v40;
	v42 =	vld.idx.msk [tilespmem:v42+s2+$0x0], $0xffff  }
0x186: {  	v26 =	vadd.s32 v40, v26;
	v62 =	vld.idx.msk [tilespmem:v62+s2+$0x0], $0xffff;
	v51 =	vadd.f32 v51, v53;
	v63 =	vadd.f32 v61, v58  }
0x187: {  	v37 =	vadd.s32 v40, v37;
	v29 =	vadd.s32 v40, v29;
	v38 =	vld.idx.msk [tilespmem:v38+s2+$0x0], $0xffff;
	v44 =	vadd.f32 v52, v44  }
0x188: {  	v21 =	vadd.s32 v40, v21;
	v43 =	vld.idx.msk [tilespmem:v43+s2+$0x0], $0xffff;
	v57 =	vadd.f32 v45, v51;
	v58 =	vadd.f32 v56, v63  }
0x189: {  	v22 =	vadd.s32 v40, v22;
	v60 =	vadd.f32 v60, v54;
	v44 =	vadd.f32 v50, v44;
	v33 =	vld.idx.msk [tilespmem:v59+s2+$0x0], $0xffff  }
0x18a: {  	v31 =	vld.idx.msk [tilespmem:v31+s2+$0x0], $0xffff;
	v40 =	vadd.f32 v47, v57;
	v59 =	vadd.s32 v35, v16;
	v42 =	vadd.f32 v42, v58  }
0x18b: {  	v26 =	vld.idx.msk [tilespmem:v26+s2+$0x0], $0xffff;
	v55 =	vadd.f32 v62, v60;
	v0 =	vadd.f32 v0, v44  }
0x18c: {  	v37 =	vld.idx.msk [tilespmem:v37+s2+$0x0], $0xffff;
	v61 =	vadd.s32 v16, v28;
	v40 =	vadd.f32 v48, v40;
	v38 =	vadd.f32 v38, v42  }
0x18d: {  	v25 =	vadd.s32 v25, v16;
	v21 =	vld.idx.msk [tilespmem:v21+s2+$0x0], $0xffff;
	v43 =	vadd.f32 v43, v55;
	v0 =	vadd.f32 v49, v0  }
0x18e: {  	v29 =	vld.idx.msk [tilespmem:v29+s2+$0x0], $0xffff;
	v63 =	vadd.s32 v16, v19;
	v1 =	vadd.f32 v1, v40;
	v33 =	vadd.f32 v33, v38  }
0x18f: {  	v60 =	vadd.s32 v16, v32;
	v31 =	vadd.f32 v31, v43;
	v0 =	vadd.f32 v46, v0;
	v46 =	vld.idx.msk [tilespmem:v59+s2+$0x0], $0xffff  }
0x190: {  	v22 =	vld.idx.msk [tilespmem:v22+s2+$0x0], $0xffff;
	v48 =	vadd.s32 v16, v14;
	v1 =	vadd.f32 v39, v1;
	v26 =	vadd.f32 v26, v33  }
0x191: {  	v62 =	vadd.s32 v16, v23;
	v31 =	vadd.f32 v37, v31;
	v49 =	vld.idx.msk [tilespmem:v61+s2+$0x0], $0xffff  }
0x192: {  	v25 =	vld.idx.msk [tilespmem:v25+s2+$0x0], $0xffff;
	v50 =	vadd.s32 v35, v3;
	v1 =	vadd.f32 v34, v1;
	v21 =	vadd.f32 v21, v26  }
0x193: {  	v47 =	vadd.s32 v16, v17;
	v0 =	vadd.f32 v41, v0;
	v29 =	vadd.f32 v29, v31;
	v26 =	vld.idx.msk [tilespmem:v63+s2+$0x0], $0xffff  }
0x194: {  	v28 =	vadd.s32 v3, v28;
	v31 =	vld.idx.msk [tilespmem:v60+s2+$0x0], $0xffff;
	v1 =	vadd.f32 v27, v1;
	v21 =	vadd.f32 v46, v21  }
0x195: {  	v16 =	vadd.s32 v16, v12;
	v0 =	vadd.f32 v36, v0;
	v22 =	vadd.f32 v22, v29;
	v27 =	vld.idx.msk [tilespmem:v48+s2+$0x0], $0xffff  }
0x196: {  	v19 =	vadd.s32 v3, v19;
	v29 =	vld.idx.msk [tilespmem:v62+s2+$0x0], $0xffff;
	v1 =	vadd.f32 v20, v1;
	v20 =	vadd.f32 v49, v21  }
0x197: {  	v51 =	vadd.s32 v3, v32;
	v0 =	vadd.f32 v30, v0;
	v22 =	vadd.f32 v25, v22;
	v21 =	vld.idx.msk [tilespmem:v50+s2+$0x0], $0xffff  }
0x198: {  	v14 =	vadd.s32 v3, v14;
	v25 =	vld.idx.msk [tilespmem:v47+s2+$0x0], $0xffff;
	v1 =	vadd.f32 v15, v1;
	v15 =	vadd.f32 v26, v20  }
0x199: {  	v23 =	vadd.s32 v3, v23;
	v0 =	vadd.f32 v24, v0;
	v22 =	vadd.f32 v31, v22;
	v20 =	vld.idx.msk [tilespmem:v28+s2+$0x0], $0xffff  }
0x19a: {  	v16 =	vld.idx.msk [tilespmem:v16+s2+$0x0], $0xffff;
	v1 =	vadd.f32 v11, v1;
	v11 =	vadd.f32 v27, v15  }
0x19b: {  	v17 =	vadd.s32 v3, v17;
	v0 =	vadd.f32 v18, v0;
	v18 =	vadd.f32 v29, v22;
	v15 =	vld.idx.msk [tilespmem:v19+s2+$0x0], $0xffff  }
0x19c: {  	v3 =	vadd.s32 v3, v12;
	v22 =	vld.idx.msk [tilespmem:v51+s2+$0x0], $0xffff;
	v1 =	vadd.f32 v9, v1;
	v9 =	vadd.f32 v21, v11  }
0x19d: {  	v0 =	vadd.f32 v13, v0;
	v12 =	vadd.f32 v25, v18;
	v11 =	vld.idx.msk [tilespmem:v14+s2+$0x0], $0xffff  }
0x19e: {  	v13 =	vld.idx.msk [tilespmem:v23+s2+$0x0], $0xffff;
	v1 =	vadd.f32 v7, v1;
	v7 =	vadd.f32 v20, v9  }
0x19f: {  	v0 =	vadd.f32 v10, v0;
	v10 =	vadd.f32 v16, v12  }
0x1a0: {  	v12 =	vld.idx.msk [tilespmem:v17+s2+$0x0], $0xffff;
	v1 =	vadd.f32 v5, v1;
	v5 =	vadd.f32 v15, v7  }
0x1a1: {  	v3 =	vld.idx.msk [tilespmem:v3+s2+$0x0], $0xffff;
	v0 =	vadd.f32 v8, v0;
	v8 =	vadd.f32 v22, v10  }
0x1a2: {  	v1 =	vadd.f32 v2, v1;
	v2 =	vadd.f32 v11, v5;
	v5 =	vld [tilespmem:$0x1FFF0]  }
0x1a3: {  	v0 =	vadd.f32 v6, v0;
	v6 =	vadd.f32 v13, v8;
	_ =	sdelay $0x1  }
0x1a4: {  	v0 =	vadd.f32 v4, v0;
	v4 =	vadd.f32 v12, v6;
	_ =	sdelay $0x1  }
0x1a5: {  	v3 =	vadd.f32 v3, v4;
	v0 =	vadd.f32 v5, v0;
	_ =	sdelay $0x1  }
0x1a6: {  	v1 =	vadd.f32 v2, v1;
	v0 =	vadd.f32 v3, v0;
	_ =	sdelay $0x1  }
0x1a7: {  	v0 =	vadd.f32 v0, v1;
	_ =	sdelay $0x1  }
0x1a8: {  	s22 =	simm.s32 $0x3;
	[tilespmem:s8+$0x17880] =	vst.add.f32.msk $0xffff, v0  }
0x1a9: {  	_ =	swait.ge [sflag:s22], $0x6300  }
0x1aa: {  	[sflag:s22] =	ssyncset.done $0x0  }
0x1ab: {  	s8 =	simm.s32 $0x0;
	[sflag:s22] =	ssyncadd.s32 $0xFFFF9D00  }
0x1ac: {  	v0 =	vld [tilespmem:s8+$0x17400]  }
0x1ad: {  	v1 =	vld [tilespmem:s8+$0x17100]  }
0x1ae: {  	v2 =	vld [tilespmem:s8+$0x17480]  }
0x1af: {  	v4 =	vld [tilespmem:s8+$0x17500]  }
0x1b0: {  	v19 =	vld [tilespmem:s8+$0x16F80]  }
0x1b1: {  	v5 =	vld [tilespmem:s8+$0x17580]  }
0x1b2: {  	v6 =	vld [tilespmem:s8+$0x17080];
	v11 =	vadd.s32 $0x90, v1  }
0x1b3: {  	v7 =	vld [tilespmem:s8+$0x17300];
	v3 =	vmul.u32 $0x108, v11  }
0x1b4: {  	v12 =	vld [tilespmem:s8+$0x17380]  }
0x1b5: {  	v1 =	vld [tilespmem:s8+$0x17280];
	v9 =	vadd.s32 $0xE4, v2;
	v43 =	vadd.s32 $0x6C, v19;
	v3 =	vadd.s32 $0x3180, v3  }
0x1b6: {  	v27 =	vld [tilespmem:s8+$0x16F00];
	v10 =	vadd.s32 $0xF0, v4;
	v30 =	vmul.u32 $0x108, v43;
	v4 =	vadd.s32 v3, v9  }
0x1b7: {  	v8 =	vld [tilespmem:s8+$0x17200];
	v15 =	vadd.s32 v3, v10  }
0x1b8: {  	v14 =	vld [tilespmem:s8+$0x17180];
	v21 =	vadd.s32 $0x84, v6;
	v36 =	vadd.s32 $0x2520, v30;
	v24 =	vadd.s32 v11, v3  }
0x1b9: {  	v39 =	vld [tilespmem:s8+$0x16E80];
	v6 =	vadd.s32 $0xFC, v5;
	v12 =	vadd.s32 $0xCC, v12;
	v55 =	vadd.s32 v36, v10  }
0x1ba: {  	v2 =	vld [tilespmem:s8+$0x17000];
	v56 =	vadd.s32 v36, v6;
	v17 =	vadd.s32 $0xB4, v1;
	v1 =	vmul.u32 $0x108, v21  }
0x1bb: {  	v18 =	vadd.s32 $0xC0, v7;
	v42 =	vadd.s32 $0x60, v27;
	v58 =	vadd.s32 v36, v12;
	v63 =	vld.idx.msk [tilespmem:v4+s2+$0x0], $0xffff  }
0x1bc: {  	v57 =	vmul.u32 $0x108, v42;
	v59 =	vadd.s32 v36, v11;
	v16 =	vadd.s32 $0x2D60, v1;
	v1 =	vld.idx.msk [tilespmem:v15+s2+$0x0], $0xffff  }
0x1bd: {  	v22 =	vadd.s32 $0x9C, v14;
	v23 =	vadd.s32 $0xA8, v8;
	v7 =	vadd.s32 v3, v17;
	v8 =	vld.idx.msk [tilespmem:v24+s2+$0x0], $0xffff  }
0x1be: {  	v41 =	vadd.s32 $0x2100, v57;
	v60 =	vadd.s32 v36, v22;
	v33 =	vld.idx.msk [tilespmem:v55+s2+$0x0], $0xffff  }
0x1bf: {  	v61 =	vadd.s32 v41, v6;
	v32 =	vld.idx.msk [tilespmem:v56+s2+$0x0], $0xffff  }
0x1c0: {  	v62 =	vadd.s32 v43, v36;
	v34 =	vld.idx.msk [tilespmem:v58+s2+$0x0], $0xffff  }
0x1c1: {  	v25 =	vadd.s32 v22, v16;
	v38 =	vld.idx.msk [tilespmem:v59+s2+$0x0], $0xffff  }
0x1c2: {  	v5 =	vadd.s32 v3, v18;
	[tilespmem:$0x1FFC0] =	vst v1;
	v1 =	vld.idx.msk [tilespmem:v7+s2+$0x0], $0xffff  }
0x1c3: {  	v13 =	vadd.s32 $0xD8, v0;
	v31 =	vadd.s32 $0x78, v2;
	v0 =	vadd.s32 v16, v12;
	v37 =	vld.idx.msk [tilespmem:v60+s2+$0x0], $0xffff  }
0x1c4: {  	v44 =	vadd.s32 $0x54, v39;
	v14 =	vmul.u32 $0x108, v31;
	v20 =	vadd.s32 v16, v6;
	v39 =	vld.idx.msk [tilespmem:v61+s2+$0x0], $0xffff  }
0x1c5: {  	v15 =	vadd.s32 v16, v13;
	v40 =	vld.idx.msk [tilespmem:v62+s2+$0x0], $0xffff  }
0x1c6: {  	v28 =	vadd.s32 $0x2940, v14;
	v26 =	vadd.s32 v16, v23;
	v19 =	vld.idx.msk [tilespmem:v25+s2+$0x0], $0xffff  }
0x1c7: {  	v29 =	vadd.s32 v28, v10;
	[tilespmem:$0x1FFD0] =	vst v1;
	v1 =	vld.idx.msk [tilespmem:v5+s2+$0x0], $0xffff  }
0x1c8: {  	v5 =	vld.idx.msk [tilespmem:v0+s2+$0x0], $0xffff;
	v0 =	vadd.s32 v28, v18  }
0x1c9: {  	v24 =	vadd.s32 v28, v6;
	v7 =	vld.idx.msk [tilespmem:v20+s2+$0x0], $0xffff  }
0x1ca: {  	v52 =	vadd.s32 v28, v12;
	v15 =	vld.idx.msk [tilespmem:v15+s2+$0x0], $0xffff  }
0x1cb: {  	v53 =	vadd.s32 v11, v28;
	v20 =	vld.idx.msk [tilespmem:v26+s2+$0x0], $0xffff  }
0x1cc: {  	v54 =	vadd.s32 v28, v22;
	v25 =	vld.idx.msk [tilespmem:v29+s2+$0x0], $0xffff  }
0x1cd: {  	v26 =	vld.idx.msk [tilespmem:v0+s2+$0x0], $0xffff;
	v0 =	vadd.s32 v36, v18  }
0x1ce: {  	v24 =	vld.idx.msk [tilespmem:v24+s2+$0x0], $0xffff  }
0x1cf: {  	v27 =	vld.idx.msk [tilespmem:v52+s2+$0x0], $0xffff  }
0x1d0: {  	v30 =	vld.idx.msk [tilespmem:v53+s2+$0x0], $0xffff  }
0x1d1: {  	v45 =	vadd.s32 v41, v12;
	v46 =	vadd.s32 v41, v13;
	v47 =	vadd.s32 v41, v22;
	v29 =	vld.idx.msk [tilespmem:v54+s2+$0x0], $0xffff  }
0x1d2: {  	s22 =	simm.s32 $0x40;
	v50 =	vmul.u32 $0x108, v44;
	v49 =	vadd.s32 v41, v23;
	v48 =	vadd.s32 v43, v41;
	[tilespmem:$0x1FFE0] =	vst v1;
	v35 =	vld.idx.msk [tilespmem:v0+s2+$0x0], $0xffff  }
.LBB2_6:
0x1d3: {  	_ =	sdelay $0x1  }
0x1d4: {  	v59 =	vadd.s32 v31, v41  }
0x1d5: {  	v45 =	vld.idx.msk [tilespmem:v45+s2+$0x0], $0xffff;
	v1 =	vadd.s32 v41, v11;
	v0 =	vadd.s32 $0x1CE0, v50  }
0x1d6: {  	v46 =	vld.idx.msk [tilespmem:v46+s2+$0x0], $0xffff;
	v51 =	vadd.s32 v0, v9  }
0x1d7: {  	v47 =	vld.idx.msk [tilespmem:v47+s2+$0x0], $0xffff;
	v53 =	vadd.s32 v0, v17  }
0x1d8: {  	v48 =	vld.idx.msk [tilespmem:v48+s2+$0x0], $0xffff;
	v54 =	vadd.s32 v0, v18  }
0x1d9: {  	v44 =	vadd.s32 v44, v0;
	v50 =	vld.idx.msk [tilespmem:v59+s2+$0x0], $0xffff  }
0x1da: {  	v55 =	vadd.s32 v0, v21;
	v1 =	vld.idx.msk [tilespmem:v1+s2+$0x0], $0xffff  }
0x1db: {  	v58 =	vadd.s32 v0, v31;
	v51 =	vld.idx.msk [tilespmem:v51+s2+$0x0], $0xffff  }
0x1dc: {  	v56 =	vadd.s32 v0, v11;
	v53 =	vld.idx.msk [tilespmem:v53+s2+$0x0], $0xffff  }
0x1dd: {  	v60 =	vadd.s32 v0, v23;
	v54 =	vld.idx.msk [tilespmem:v54+s2+$0x0], $0xffff  }
0x1de: {  	v57 =	vadd.s32 v42, v0;
	v44 =	vld.idx.msk [tilespmem:v44+s2+$0x0], $0xffff  }
0x1df: {  	v62 =	vadd.s32 v0, v13;
	v55 =	vld.idx.msk [tilespmem:v55+s2+$0x0], $0xffff  }
0x1e0: {  	v43 =	vadd.s32 v43, v0;
	v58 =	vld.idx.msk [tilespmem:v58+s2+$0x0], $0xffff  }
0x1e1: {  	v42 =	vadd.s32 v42, v41;
	v56 =	vld.idx.msk [tilespmem:v56+s2+$0x0], $0xffff  }
0x1e2: {  	v59 =	vadd.s32 v0, v22;
	v60 =	vld.idx.msk [tilespmem:v60+s2+$0x0], $0xffff  }
0x1e3: {  	v52 =	vadd.s32 v0, v10;
	v57 =	vld.idx.msk [tilespmem:v57+s2+$0x0], $0xffff;
	v44 =	vadd.f32 $0.0e+00, v44  }
0x1e4: {  	v61 =	vadd.s32 v0, v12;
	v62 =	vld.idx.msk [tilespmem:v62+s2+$0x0], $0xffff  }
0x1e5: {  	v4 =	vadd.s32 v41, v18;
	v43 =	vld.idx.msk [tilespmem:v43+s2+$0x0], $0xffff;
	v58 =	vadd.f32 $0.0e+00, v58;
	v44 =	vadd.f32 v55, v44  }
0x1e6: {  	v0 =	vadd.s32 v0, v6;
	v42 =	vld.idx.msk [tilespmem:v42+s2+$0x0], $0xffff  }
0x1e7: {  	v59 =	vld.idx.msk [tilespmem:v59+s2+$0x0], $0xffff;
	v58 =	vadd.f32 v60, v58;
	v44 =	vadd.f32 v53, v44  }
0x1e8: {  	v14 =	vmov v63;
	v63 =	vadd.s32 v41, v21;
	v52 =	vld.idx.msk [tilespmem:v52+s2+$0x0], $0xffff;
	v57 =	vadd.f32 $0.0e+00, v57  }
0x1e9: {  	v2 =	vadd.s32 v41, v17;
	v61 =	vld.idx.msk [tilespmem:v61+s2+$0x0], $0xffff;
	v58 =	vadd.f32 v62, v58;
	v44 =	vadd.f32 v51, v44  }
0x1ea: {  	v11 =	vadd.s32 v11, v16;
	v4 =	vld.idx.msk [tilespmem:v4+s2+$0x0], $0xffff;
	v43 =	vadd.f32 $0.0e+00, v43;
	v56 =	vadd.f32 v56, v57  }
0x1eb: {  	v0 =	vld.idx.msk [tilespmem:v0+s2+$0x0], $0xffff;
	v55 =	vadd.s32 v41, v9;
	v42 =	vadd.f32 v42, v58;
	v44 =	vadd.f32 v48, v44  }
0x1ec: {  	v49 =	vld.idx.msk [tilespmem:v49+s2+$0x0], $0xffff;
	v41 =	vadd.s32 v41, v10;
	v43 =	vadd.f32 v59, v43;
	v54 =	vadd.f32 v54, v56  }
0x1ed: {  	v57 =	vld.idx.msk [tilespmem:v63+s2+$0x0], $0xffff;
	v60 =	vadd.s32 v31, v36;
	v1 =	vadd.f32 v1, v42;
	v59 =	vadd.f32 v47, v44  }
0x1ee: {  	v2 =	vld.idx.msk [tilespmem:v2+s2+$0x0], $0xffff;
	v43 =	vadd.f32 v61, v43;
	v61 =	vadd.s32 v21, v36;
	v52 =	vadd.f32 v52, v54  }
0x1ef: {  	v11 =	vld.idx.msk [tilespmem:v11+s2+$0x0], $0xffff;
	v62 =	vadd.s32 v36, v23;
	v1 =	vadd.f32 v4, v1;
	v4 =	vadd.f32 v45, v59  }
0x1f0: {  	v63 =	vadd.s32 v36, v17;
	v0 =	vadd.f32 v0, v43;
	v43 =	vld.idx.msk [tilespmem:v55+s2+$0x0], $0xffff  }
0x1f1: {  	v58 =	vadd.s32 v36, v9;
	v41 =	vld.idx.msk [tilespmem:v41+s2+$0x0], $0xffff;
	v50 =	vadd.f32 v50, v52;
	v4 =	vadd.f32 v39, v4  }
0x1f2: {  	v48 =	vadd.s32 v36, v13;
	v0 =	vadd.f32 v57, v0;
	v57 =	vld.idx.msk [tilespmem:v60+s2+$0x0], $0xffff  }
0x1f3: {  	v31 =	vadd.s32 v31, v28;
	v60 =	vld.idx.msk [tilespmem:v61+s2+$0x0], $0xffff;
	v61 =	vadd.f32 v49, v50;
	v4 =	vadd.f32 v38, v4  }
0x1f4: {  	v0 =	vadd.f32 v2, v0;
	v2 =	vld.idx.msk [tilespmem:v62+s2+$0x0], $0xffff;
	v62 =	vadd.s32 v21, v28  }
0x1f5: {  	v53 =	vadd.s32 v28, v17;
	v63 =	vld.idx.msk [tilespmem:v63+s2+$0x0], $0xffff;
	v46 =	vadd.f32 v46, v61;
	v4 =	vadd.f32 v35, v4  }
0x1f6: {  	v50 =	vadd.s32 v28, v23;
	v36 =	vld.idx.msk [tilespmem:v58+s2+$0x0], $0xffff;
	v1 =	vadd.f32 v41, v1;
	v0 =	vadd.f32 v43, v0  }
0x1f7: {  	v18 =	vadd.s32 v16, v18;
	v51 =	vld.idx.msk [tilespmem:v48+s2+$0x0], $0xffff;
	v40 =	vadd.f32 v40, v46;
	v4 =	vadd.f32 v33, v4  }
0x1f8: {  	v54 =	vadd.s32 v28, v13;
	v31 =	vld.idx.msk [tilespmem:v31+s2+$0x0], $0xffff;
	v0 =	vadd.f32 v57, v0;
	v1 =	vadd.f32 v60, v1  }
0x1f9: {  	v28 =	vadd.s32 v28, v9;
	v55 =	vld.idx.msk [tilespmem:v62+s2+$0x0], $0xffff;
	v37 =	vadd.f32 v37, v40;
	v4 =	vadd.f32 v30, v4  }
0x1fa: {  	v56 =	vld.idx.msk [tilespmem:v53+s2+$0x0], $0xffff;
	v21 =	vadd.s32 v21, v16;
	v0 =	vadd.f32 v2, v0;
	v1 =	vadd.f32 v63, v1  }
0x1fb: {  	v17 =	vadd.s32 v16, v17;
	v2 =	vld.idx.msk [tilespmem:v50+s2+$0x0], $0xffff;
	v34 =	vadd.f32 v34, v37;
	v4 =	vadd.f32 v26, v4  }
0x1fc: {  	v18 =	vld.idx.msk [tilespmem:v18+s2+$0x0], $0xffff;
	v0 =	vadd.f32 v51, v0;
	v1 =	vadd.f32 v36, v1  }
0x1fd: {  	v10 =	vadd.s32 v16, v10;
	v57 =	vld.idx.msk [tilespmem:v54+s2+$0x0], $0xffff;
	v32 =	vadd.f32 v32, v34;
	v4 =	vadd.f32 v25, v4  }
0x1fe: {  	v9 =	vadd.s32 v16, v9;
	v28 =	vld.idx.msk [tilespmem:v28+s2+$0x0], $0xffff;
	v0 =	vadd.f32 v31, v0;
	v1 =	vadd.f32 v55, v1  }
0x1ff: {  	v16 =	vadd.s32 v22, v3;
	v21 =	vld.idx.msk [tilespmem:v21+s2+$0x0], $0xffff;
	v22 =	vadd.f32 v29, v32;
	v4 =	vadd.f32 v19, v4  }
0x200: {  	v0 =	vadd.f32 v2, v0;
	v2 =	vld.idx.msk [tilespmem:v17+s2+$0x0], $0xffff;
	v17 =	vadd.s32 v23, v3;
	v1 =	vadd.f32 v56, v1  }
0x201: {  	v22 =	vadd.f32 v27, v22;
	v4 =	vadd.f32 v5, v4;
	v5 =	vld [tilespmem:$0x1FFD0]  }
0x202: {  	v12 =	vadd.s32 v3, v12;
	v10 =	vld.idx.msk [tilespmem:v10+s2+$0x0], $0xffff;
	v13 =	vadd.s32 v3, v13;
	v0 =	vadd.f32 v57, v0  }
0x203: {  	v9 =	vld.idx.msk [tilespmem:v9+s2+$0x0], $0xffff;
	v3 =	vadd.s32 v3, v6;
	v1 =	vadd.f32 v28, v1;
	v6 =	vadd.f32 v24, v22  }
0x204: {  	v16 =	vld.idx.msk [tilespmem:v16+s2+$0x0], $0xffff;
	v0 =	vadd.f32 v21, v0;
	v4 =	vadd.f32 v7, v4  }
0x205: {  	v1 =	vadd.f32 v11, v1;
	v11 =	vld.idx.msk [tilespmem:v17+s2+$0x0], $0xffff;
	v6 =	vadd.f32 v20, v6  }
0x206: {  	v0 =	vadd.f32 v2, v0;
	v4 =	vadd.f32 v5, v4;
	v5 =	vld [tilespmem:$0x1FFE0]  }
0x207: {  	v2 =	vld.idx.msk [tilespmem:v12+s2+$0x0], $0xffff;
	v6 =	vadd.f32 v15, v6  }
0x208: {  	v3 =	vld.idx.msk [tilespmem:v3+s2+$0x0], $0xffff;
	v1 =	vadd.f32 v18, v1;
	v0 =	vadd.f32 v9, v0  }
0x209: {  	s9 =	sshra.s32 s22, $0x2;
	v12 =	vld.idx.msk [tilespmem:v13+s2+$0x0], $0xffff;
	v6 =	vadd.f32 v8, v6  }
0x20a: {  	v1 =	vadd.f32 v10, v1;
	v8 =	vld [tilespmem:s9+$0x17100];
	v0 =	vadd.f32 v16, v0  }
0x20b: {  	v5 =	vadd.f32 v5, v6;
	v6 =	vld [tilespmem:$0x1FFC0]  }
0x20c: {  	v13 =	vld [tilespmem:s9+$0x17400];
	v1 =	vadd.f32 v11, v1;
	v0 =	vadd.f32 v2, v0  }
0x20d: {  	v7 =	vld [tilespmem:s9+$0x17480]  }
0x20e: {  	v2 =	vld [tilespmem:s9+$0x17580];
	v1 =	vadd.f32 v12, v1;
	v0 =	vadd.f32 v3, v0  }
0x20f: {  	v4 =	vadd.f32 v14, v4;
	v11 =	vadd.s32 $0x90, v8;
	v8 =	vld [tilespmem:s9+$0x17280]  }
0x210: {  	v0 =	vadd.f32 v0, v1;
	v1 =	vld [tilespmem:s9+$0x17300];
	v5 =	vadd.f32 v6, v5  }
0x211: {  	v6 =	vld [tilespmem:s9+$0x17080]  }
0x212: {  	v10 =	vld [tilespmem:s9+$0x17500];
	v3 =	vadd.f32 v5, v4;
	v4 =	vmul.u32 $0x108, v11  }
0x213: {  	v15 =	vld [tilespmem:s9+$0x17000]  }
0x214: {  	v14 =	vld [tilespmem:s9+$0x17200];
	v17 =	vadd.s32 $0xB4, v8;
	v0 =	vadd.f32 v0, v3;
	v3 =	vadd.s32 $0x3180, v4  }
0x215: {  	v9 =	vadd.s32 $0xE4, v7;
	v18 =	vadd.s32 $0xC0, v1;
	v5 =	vld [tilespmem:s9+$0x17380];
	v1 =	vadd.s32 v3, v17  }
0x216: {  	v21 =	vadd.s32 $0x84, v6;
	v6 =	vadd.s32 $0xFC, v2;
	v2 =	vadd.s32 v3, v18;
	[tilespmem:s8+$0x17880] =	vst.add.f32.msk $0xffff, v0;
	s8 =	smov.u32 s9  }
0x217: {  	v10 =	vadd.s32 $0xF0, v10;
	v4 =	vadd.s32 v3, v9;
	v0 =	vld [tilespmem:s8+$0x17180]  }
0x218: {  	v8 =	vadd.s32 v3, v10;
	v7 =	vmul.u32 $0x108, v21;
	v27 =	vld [tilespmem:s8+$0x16F00]  }
0x219: {  	v19 =	vld [tilespmem:s8+$0x16F80]  }
0x21a: {  	v13 =	vadd.s32 $0xD8, v13;
	v20 =	vadd.s32 v11, v3;
	v16 =	vadd.s32 $0x2D60, v7;
	v1 =	vld.idx.msk [tilespmem:v1+s2+$0x0], $0xffff  }
0x21b: {  	v31 =	vadd.s32 $0x78, v15;
	v12 =	vadd.s32 $0xCC, v5;
	v7 =	vadd.s32 v16, v6;
	v2 =	vld.idx.msk [tilespmem:v2+s2+$0x0], $0xffff  }
0x21c: {  	v15 =	vadd.s32 v16, v13;
	v63 =	vld.idx.msk [tilespmem:v4+s2+$0x0], $0xffff;
	v22 =	vadd.s32 $0x9C, v0;
	v0 =	vmul.u32 $0x108, v31  }
0x21d: {  	v23 =	vadd.s32 $0xA8, v14;
	v4 =	vadd.s32 v16, v12;
	v5 =	vld.idx.msk [tilespmem:v8+s2+$0x0], $0xffff  }
0x21e: {  	v58 =	vld [tilespmem:s8+$0x16E80];
	v28 =	vadd.s32 $0x2940, v0;
	v0 =	vadd.s32 v16, v23  }
0x21f: {  	v8 =	vld.idx.msk [tilespmem:v20+s2+$0x0], $0xffff;
	[tilespmem:$0x1FFD0] =	vst v1;
	v1 =	vadd.s32 v22, v16  }
0x220: {  	v43 =	vadd.s32 $0x6C, v19;
	v7 =	vld.idx.msk [tilespmem:v7+s2+$0x0], $0xffff;
	[tilespmem:$0x1FFE0] =	vst v2;
	v2 =	vadd.s32 v28, v10  }
0x221: {  	v25 =	vmul.u32 $0x108, v43;
	v15 =	vld.idx.msk [tilespmem:v15+s2+$0x0], $0xffff;
	v24 =	vadd.s32 v28, v6  }
0x222: {  	[tilespmem:$0x1FFC0] =	vst v5;
	v5 =	vld.idx.msk [tilespmem:v4+s2+$0x0], $0xffff;
	v4 =	vadd.s32 v28, v18  }
0x223: {  	v29 =	vadd.s32 v28, v12;
	v36 =	vadd.s32 $0x2520, v25;
	v20 =	vld.idx.msk [tilespmem:v0+s2+$0x0], $0xffff  }
0x224: {  	v59 =	vadd.s32 v36, v6;
	v19 =	vld.idx.msk [tilespmem:v1+s2+$0x0], $0xffff  }
0x225: {  	v61 =	vadd.s32 v36, v12;
	v25 =	vld.idx.msk [tilespmem:v2+s2+$0x0], $0xffff  }
0x226: {  	v0 =	vadd.s32 v28, v22;
	v24 =	vld.idx.msk [tilespmem:v24+s2+$0x0], $0xffff  }
0x227: {  	v1 =	vadd.s32 v11, v28;
	v26 =	vld.idx.msk [tilespmem:v4+s2+$0x0], $0xffff  }
0x228: {  	v42 =	vadd.s32 $0x60, v27;
	v2 =	vadd.s32 v36, v10;
	v27 =	vld.idx.msk [tilespmem:v29+s2+$0x0], $0xffff  }
0x229: {  	v62 =	vadd.s32 v43, v36;
	v32 =	vld.idx.msk [tilespmem:v59+s2+$0x0], $0xffff  }
0x22a: {  	v60 =	vmul.u32 $0x108, v42;
	v4 =	vadd.s32 v36, v18;
	v34 =	vld.idx.msk [tilespmem:v61+s2+$0x0], $0xffff  }
0x22b: {  	v29 =	vld.idx.msk [tilespmem:v0+s2+$0x0], $0xffff;
	v0 =	vadd.s32 v36, v22  }
0x22c: {  	v41 =	vadd.s32 $0x2100, v60;
	v30 =	vld.idx.msk [tilespmem:v1+s2+$0x0], $0xffff;
	v1 =	vadd.s32 v36, v11  }
0x22d: {  	p0 =	sne.s32 s22, $0x1C0;
	v33 =	vld.idx.msk [tilespmem:v2+s2+$0x0], $0xffff;
	v2 =	vadd.s32 v41, v6  }
.Ltmp2:
0x22e: {  	v40 =	vld.idx.msk [tilespmem:v62+s2+$0x0], $0xffff;
	(pc) =	sbr.rel @p0 .LBB2_6-.Ltmp2, $4  }
0x22f: {  	v35 =	vld.idx.msk [tilespmem:v4+s2+$0x0], $0xffff  }
0x230: {  	v44 =	vadd.s32 $0x54, v58;
	v37 =	vld.idx.msk [tilespmem:v0+s2+$0x0], $0xffff  }
0x231: {  	v50 =	vmul.u32 $0x108, v44;
	v45 =	vadd.s32 v41, v12;
	v46 =	vadd.s32 v41, v13;
	v38 =	vld.idx.msk [tilespmem:v1+s2+$0x0], $0xffff  }
0x232: {  	s22 =	sadd.s32 $0x40, s22;
	v47 =	vadd.s32 v41, v22;
	v49 =	vadd.s32 v41, v23;
	v48 =	vadd.s32 v43, v41;
	v39 =	vld.idx.msk [tilespmem:v2+s2+$0x0], $0xffff  }
0x233: {  	_ =	sdelay $0x3  }
0x234: {  	v0 =	vadd.s32 $0x1CE0, v50;
	v1 =	vadd.s32 v31, v41;
	v2 =	vld.idx.msk [tilespmem:v45+s2+$0x0], $0xffff  }
0x235: {  	v45 =	vld.idx.msk [tilespmem:v46+s2+$0x0], $0xffff;
	v4 =	vadd.s32 v0, v9  }
0x236: {  	v47 =	vld.idx.msk [tilespmem:v47+s2+$0x0], $0xffff;
	v57 =	vadd.s32 v0, v10  }
0x237: {  	v49 =	vld.idx.msk [tilespmem:v49+s2+$0x0], $0xffff;
	v44 =	vadd.s32 v44, v0  }
0x238: {  	v48 =	vld.idx.msk [tilespmem:v48+s2+$0x0], $0xffff;
	v50 =	vadd.s32 v0, v17  }
0x239: {  	v52 =	vadd.s32 v0, v21;
	v1 =	vld.idx.msk [tilespmem:v1+s2+$0x0], $0xffff  }
0x23a: {  	v51 =	vadd.s32 v0, v18;
	v4 =	vld.idx.msk [tilespmem:v4+s2+$0x0], $0xffff  }
0x23b: {  	v53 =	vadd.s32 v0, v11;
	v46 =	vld.idx.msk [tilespmem:v57+s2+$0x0], $0xffff  }
0x23c: {  	v54 =	vadd.s32 v42, v0;
	v44 =	vld.idx.msk [tilespmem:v44+s2+$0x0], $0xffff  }
0x23d: {  	v43 =	vadd.s32 v43, v0;
	v50 =	vld.idx.msk [tilespmem:v50+s2+$0x0], $0xffff  }
0x23e: {  	v55 =	vadd.s32 v0, v31;
	v52 =	vld.idx.msk [tilespmem:v52+s2+$0x0], $0xffff  }
0x23f: {  	v56 =	vadd.s32 v0, v22;
	v51 =	vld.idx.msk [tilespmem:v51+s2+$0x0], $0xffff  }
0x240: {  	v58 =	vadd.s32 v0, v12;
	v53 =	vld.idx.msk [tilespmem:v53+s2+$0x0], $0xffff  }
0x241: {  	v59 =	vadd.s32 v0, v13;
	v54 =	vld.idx.msk [tilespmem:v54+s2+$0x0], $0xffff;
	v44 =	vadd.f32 $0.0e+00, v44  }
0x242: {  	v57 =	vadd.s32 v0, v23;
	v43 =	vld.idx.msk [tilespmem:v43+s2+$0x0], $0xffff  }
0x243: {  	v42 =	vadd.s32 v42, v41;
	v55 =	vld.idx.msk [tilespmem:v55+s2+$0x0], $0xffff;
	v44 =	vadd.f32 v52, v44  }
0x244: {  	v61 =	vadd.s32 v41, v11;
	v11 =	vadd.s32 v11, v16;
	v56 =	vld.idx.msk [tilespmem:v56+s2+$0x0], $0xffff  }
0x245: {  	v12 =	vadd.s32 v3, v12;
	v58 =	vld.idx.msk [tilespmem:v58+s2+$0x0], $0xffff;
	v44 =	vadd.f32 v50, v44  }
0x246: {  	v0 =	vadd.s32 v0, v6;
	v59 =	vld.idx.msk [tilespmem:v59+s2+$0x0], $0xffff  }
0x247: {  	v60 =	vadd.s32 v41, v21;
	v57 =	vld.idx.msk [tilespmem:v57+s2+$0x0], $0xffff;
	v54 =	vadd.f32 $0.0e+00, v54;
	v4 =	vadd.f32 v4, v44  }
0x248: {  	v42 =	vld.idx.msk [tilespmem:v42+s2+$0x0], $0xffff  }
0x249: {  	v62 =	vadd.s32 v41, v17;
	v11 =	vld.idx.msk [tilespmem:v11+s2+$0x0], $0xffff;
	v53 =	vadd.f32 v53, v54;
	v4 =	vadd.f32 v48, v4  }
0x24a: {  	v12 =	vld.idx.msk [tilespmem:v12+s2+$0x0], $0xffff;
	v43 =	vadd.f32 $0.0e+00, v43;
	v52 =	vadd.f32 $0.0e+00, v55;
	v55 =	vadd.s32 v41, v18  }
0x24b: {  	v0 =	vld.idx.msk [tilespmem:v0+s2+$0x0], $0xffff;
	v54 =	vadd.s32 v41, v9;
	v51 =	vadd.f32 v51, v53;
	v4 =	vadd.f32 v47, v4  }
0x24c: {  	v43 =	vadd.f32 v56, v43;
	v41 =	vadd.s32 v41, v10;
	v50 =	vld.idx.msk [tilespmem:v60+s2+$0x0], $0xffff;
	v52 =	vadd.f32 v57, v52  }
0x24d: {  	v56 =	vadd.s32 v31, v36;
	v53 =	vld.idx.msk [tilespmem:v61+s2+$0x0], $0xffff;
	v46 =	vadd.f32 v46, v51;
	v2 =	vadd.f32 v2, v4  }
0x24e: {  	v43 =	vadd.f32 v58, v43;
	v57 =	vld.idx.msk [tilespmem:v62+s2+$0x0], $0xffff;
	v44 =	vadd.s32 v21, v36;
	v52 =	vadd.f32 v59, v52  }
0x24f: {  	v58 =	vadd.s32 v36, v23;
	v51 =	vld.idx.msk [tilespmem:v55+s2+$0x0], $0xffff;
	v1 =	vadd.f32 v1, v46;
	v2 =	vadd.f32 v39, v2  }
0x250: {  	v60 =	vadd.s32 v36, v17;
	v0 =	vadd.f32 v0, v43;
	v59 =	vld.idx.msk [tilespmem:v54+s2+$0x0], $0xffff;
	v42 =	vadd.f32 v42, v52  }
0x251: {  	v61 =	vadd.s32 v36, v13;
	v41 =	vld.idx.msk [tilespmem:v41+s2+$0x0], $0xffff;
	v1 =	vadd.f32 v49, v1;
	v2 =	vadd.f32 v38, v2  }
0x252: {  	v62 =	vld.idx.msk [tilespmem:v56+s2+$0x0], $0xffff;
	v0 =	vadd.f32 v50, v0;
	v42 =	vadd.f32 v53, v42;
	v53 =	vadd.s32 v36, v9  }
0x253: {  	v31 =	vadd.s32 v31, v28;
	v44 =	vld.idx.msk [tilespmem:v44+s2+$0x0], $0xffff;
	v1 =	vadd.f32 v45, v1;
	v2 =	vadd.f32 v35, v2  }
0x254: {  	v43 =	vld.idx.msk [tilespmem:v58+s2+$0x0], $0xffff;
	v0 =	vadd.f32 v57, v0;
	v4 =	vadd.s32 v21, v28;
	v42 =	vadd.f32 v51, v42  }
0x255: {  	v55 =	vadd.s32 v28, v23;
	v54 =	vld.idx.msk [tilespmem:v60+s2+$0x0], $0xffff;
	v1 =	vadd.f32 v40, v1;
	v2 =	vadd.f32 v33, v2  }
0x256: {  	v56 =	vld.idx.msk [tilespmem:v61+s2+$0x0], $0xffff;
	v58 =	vadd.s32 v28, v13;
	v0 =	vadd.f32 v59, v0;
	v41 =	vadd.f32 v41, v42  }
0x257: {  	v57 =	vadd.s32 v28, v17;
	v36 =	vld.idx.msk [tilespmem:v53+s2+$0x0], $0xffff;
	v1 =	vadd.f32 v37, v1;
	v2 =	vadd.f32 v30, v2  }
0x258: {  	v31 =	vld.idx.msk [tilespmem:v31+s2+$0x0], $0xffff;
	v28 =	vadd.s32 v28, v9;
	v0 =	vadd.f32 v62, v0;
	v41 =	vadd.f32 v44, v41  }
0x259: {  	v21 =	vadd.s32 v21, v16;
	v4 =	vld.idx.msk [tilespmem:v4+s2+$0x0], $0xffff;
	v1 =	vadd.f32 v34, v1;
	v2 =	vadd.f32 v26, v2  }
0x25a: {  	v60 =	vld.idx.msk [tilespmem:v55+s2+$0x0], $0xffff;
	v0 =	vadd.f32 v43, v0;
	v59 =	vadd.f32 v54, v41  }
0x25b: {  	v18 =	vadd.s32 v16, v18;
	v62 =	vld.idx.msk [tilespmem:v58+s2+$0x0], $0xffff;
	v1 =	vadd.f32 v32, v1;
	v2 =	vadd.f32 v25, v2  }
0x25c: {  	v17 =	vadd.s32 v16, v17;
	v61 =	vld.idx.msk [tilespmem:v57+s2+$0x0], $0xffff;
	v0 =	vadd.f32 v56, v0;
	v36 =	vadd.f32 v36, v59  }
0x25d: {  	v10 =	vadd.s32 v16, v10;
	v28 =	vld.idx.msk [tilespmem:v28+s2+$0x0], $0xffff;
	v1 =	vadd.f32 v29, v1;
	v2 =	vadd.f32 v19, v2  }
0x25e: {  	v9 =	vadd.s32 v16, v9;
	v16 =	vld.idx.msk [tilespmem:v21+s2+$0x0], $0xffff;
	v0 =	vadd.f32 v31, v0;
	v4 =	vadd.f32 v4, v36  }
0x25f: {  	v1 =	vadd.f32 v27, v1;
	v2 =	vadd.f32 v5, v2;
	v5 =	vld [tilespmem:$0x1FFD0]  }
0x260: {  	v18 =	vld.idx.msk [tilespmem:v18+s2+$0x0], $0xffff;
	v21 =	vadd.s32 v22, v3;
	v0 =	vadd.f32 v60, v0  }
0x261: {  	v17 =	vld.idx.msk [tilespmem:v17+s2+$0x0], $0xffff;
	v22 =	vadd.s32 v23, v3;
	v4 =	vadd.f32 v61, v4;
	v1 =	vadd.f32 v24, v1  }
0x262: {  	v10 =	vld.idx.msk [tilespmem:v10+s2+$0x0], $0xffff;
	v13 =	vadd.s32 v3, v13;
	v0 =	vadd.f32 v62, v0;
	v2 =	vadd.f32 v7, v2  }
0x263: {  	v9 =	vld.idx.msk [tilespmem:v9+s2+$0x0], $0xffff;
	v3 =	vadd.s32 v3, v6;
	v4 =	vadd.f32 v28, v4;
	v1 =	vadd.f32 v20, v1  }
0x264: {  	v0 =	vadd.f32 v16, v0;
	v2 =	vadd.f32 v5, v2;
	v5 =	vld [tilespmem:$0x1FFE0]  }
0x265: {  	v6 =	vld.idx.msk [tilespmem:v21+s2+$0x0], $0xffff;
	v4 =	vadd.f32 v11, v4;
	v1 =	vadd.f32 v15, v1  }
0x266: {  	v11 =	vld.idx.msk [tilespmem:v22+s2+$0x0], $0xffff;
	v0 =	vadd.f32 v17, v0  }
0x267: {  	v13 =	vld.idx.msk [tilespmem:v13+s2+$0x0], $0xffff;
	v4 =	vadd.f32 v18, v4;
	v1 =	vadd.f32 v8, v1  }
0x268: {  	v3 =	vld.idx.msk [tilespmem:v3+s2+$0x0], $0xffff;
	v0 =	vadd.f32 v9, v0  }
0x269: {  	v4 =	vadd.f32 v10, v4;
	v1 =	vadd.f32 v5, v1;
	v5 =	vld [tilespmem:$0x1FFC0]  }
0x26a: {  	v0 =	vadd.f32 v6, v0  }
0x26b: {  	v4 =	vadd.f32 v11, v4  }
0x26c: {  	v0 =	vadd.f32 v12, v0  }
0x26d: {  	v4 =	vadd.f32 v13, v4;
	v2 =	vadd.f32 v63, v2  }
0x26e: {  	v0 =	vadd.f32 v3, v0;
	v1 =	vadd.f32 v5, v1;
	_ =	sdelay $0x1  }
0x26f: {  	v0 =	vadd.f32 v0, v4;
	v1 =	vadd.f32 v1, v2;
	_ =	sdelay $0x1  }
0x270: {  	v0 =	vadd.f32 v0, v1;
	_ =	sdelay $0x1  }
0x271: {  	[tilespmem:s8+$0x17880] =	vst.add.f32.msk $0xffff, v0  }
0x272: {  	_ =	swait.ge [sflag:s11], $0x9480  }
0x273: {  	[sflag:s11] =	ssyncset.done $0x0  }
0x274: {  	s8 =	simm.s32 $0x0;
	[sflag:s11] =	ssyncadd.s32 $0xFFFF6B80  }
0x275: {  	v0 =	vld [tilespmem:s8+$0x17480]  }
0x276: {  	v1 =	vld [tilespmem:s8+$0x17580]  }
0x277: {  	v3 =	vld [tilespmem:s8+$0x17400]  }
0x278: {  	v5 =	vld [tilespmem:s8+$0x17500]  }
0x279: {  	v6 =	vld [tilespmem:s8+$0x17380]  }
0x27a: {  	v4 =	vadd.s32 $0xE4, v0  }
0x27b: {  	v2 =	vadd.s32 $0xFC, v1;
	v0 =	vld [tilespmem:s8+$0x17300];
	v7 =	vmul.u32 $0x108, v4  }
0x27c: {  	v9 =	vadd.s32 $0xD8, v3;
	v3 =	vmul.u32 $0x108, v2  }
0x27d: {  	v5 =	vadd.s32 $0xF0, v5;
	v10 =	vmul.u32 $0x108, v9;
	v8 =	vadd.s32 $0x4E60, v7  }
0x27e: {  	v15 =	vadd.s32 $0xCC, v6;
	v1 =	vadd.s32 v3, v1;
	v6 =	vadd.s32 v2, v8  }
0x27f: {  	v3 =	vmul.u32 $0x108, v15;
	v12 =	vadd.s32 $0x4A40, v10;
	v7 =	vld [tilespmem:s8+$0x17280];
	v1 =	vadd.s32 $0x579C, v1  }
0x280: {  	v18 =	vadd.s32 $0xC0, v0;
	v0 =	vadd.s32 v5, v12  }
0x281: {  	v13 =	vld [tilespmem:s8+$0x17200];
	v11 =	vadd.s32 v5, v8;
	v16 =	vadd.s32 $0x4620, v3  }
0x282: {  	v21 =	vld [tilespmem:s8+$0x17180];
	v10 =	vmul.u32 $0x108, v18;
	v14 =	vadd.s32 v16, v5  }
0x283: {  	v29 =	vadd.s32 v4, v16;
	v3 =	vld.idx.msk [tilespmem:v6+s2+$0x0], $0xffff  }
0x284: {  	v17 =	vadd.s32 $0x4200, v10;
	v10 =	vadd.s32 v4, v12;
	v20 =	vadd.s32 $0xB4, v7;
	v1 =	vld.idx.msk [tilespmem:v1+s2+$0x0], $0xffff  }
0x285: {  	v23 =	vadd.s32 v17, v2;
	v7 =	vld.idx.msk [tilespmem:v0+s2+$0x0], $0xffff;
	v0 =	vmul.u32 $0x108, v20  }
0x286: {  	v6 =	vld.idx.msk [tilespmem:v11+s2+$0x0], $0xffff;
	v25 =	vadd.s32 v15, v17  }
0x287: {  	v26 =	vadd.s32 v17, v5;
	v11 =	vld.idx.msk [tilespmem:v14+s2+$0x0], $0xffff;
	v19 =	vadd.s32 $0x3DE0, v0  }
0x288: {  	v22 =	vadd.s32 $0xA8, v13;
	v13 =	vld.idx.msk [tilespmem:v29+s2+$0x0], $0xffff;
	v24 =	vadd.s32 v19, v4  }
0x289: {  	v28 =	vmul.u32 $0x108, v22;
	v27 =	vadd.s32 v18, v17;
	v10 =	vld.idx.msk [tilespmem:v10+s2+$0x0], $0xffff  }
0x28a: {  	s22 =	simm.s32 $0x40;
	v14 =	vld.idx.msk [tilespmem:v23+s2+$0x0], $0xffff;
	v23 =	vadd.s32 v20, v19  }
.LBB2_8:
0x28b: {  	p0 =	sne.s32 s22, $0x1C0;
	v0 =	vadd.s32 $0x39C0, v28;
	v28 =	vadd.s32 v19, v9;
	v25 =	vld.idx.msk [tilespmem:v25+s2+$0x0], $0xffff  }
0x28c: {  	v21 =	vadd.s32 $0x9C, v21;
	v29 =	vadd.s32 v0, v9;
	v26 =	vld.idx.msk [tilespmem:v26+s2+$0x0], $0xffff  }
0x28d: {  	v30 =	vmul.u32 $0x108, v21;
	v31 =	vadd.s32 v0, v2;
	v24 =	vld.idx.msk [tilespmem:v24+s2+$0x0], $0xffff  }
0x28e: {  	v32 =	vadd.s32 v22, v0;
	v27 =	vld.idx.msk [tilespmem:v27+s2+$0x0], $0xffff  }
0x28f: {  	v33 =	vadd.s32 v0, v15;
	v30 =	vadd.s32 $0x35A0, v30;
	v23 =	vld.idx.msk [tilespmem:v23+s2+$0x0], $0xffff  }
0x290: {  	v34 =	vadd.s32 v30, v9;
	v28 =	vld.idx.msk [tilespmem:v28+s2+$0x0], $0xffff  }
0x291: {  	v35 =	vadd.s32 v30, v2;
	v29 =	vld.idx.msk [tilespmem:v29+s2+$0x0], $0xffff  }
0x292: {  	v22 =	vadd.s32 v22, v30;
	v31 =	vld.idx.msk [tilespmem:v31+s2+$0x0], $0xffff  }
0x293: {  	v36 =	vadd.s32 v30, v15;
	v32 =	vld.idx.msk [tilespmem:v32+s2+$0x0], $0xffff  }
0x294: {  	v21 =	vadd.s32 v21, v30;
	v33 =	vld.idx.msk [tilespmem:v33+s2+$0x0], $0xffff  }
0x295: {  	v37 =	vadd.s32 v20, v30;
	v34 =	vld.idx.msk [tilespmem:v34+s2+$0x0], $0xffff  }
0x296: {  	v38 =	vadd.s32 v30, v18;
	v35 =	vld.idx.msk [tilespmem:v35+s2+$0x0], $0xffff  }
0x297: {  	v39 =	vadd.s32 v30, v4;
	v22 =	vld.idx.msk [tilespmem:v22+s2+$0x0], $0xffff  }
0x298: {  	v30 =	vadd.s32 v30, v5;
	v36 =	vld.idx.msk [tilespmem:v36+s2+$0x0], $0xffff  }
0x299: {  	v20 =	vadd.s32 v20, v0;
	v21 =	vld.idx.msk [tilespmem:v21+s2+$0x0], $0xffff  }
0x29a: {  	v40 =	vadd.s32 v18, v0;
	v37 =	vld.idx.msk [tilespmem:v37+s2+$0x0], $0xffff  }
0x29b: {  	v41 =	vadd.s32 v0, v4;
	v38 =	vld.idx.msk [tilespmem:v38+s2+$0x0], $0xffff  }
0x29c: {  	v0 =	vadd.s32 v0, v5;
	v39 =	vld.idx.msk [tilespmem:v39+s2+$0x0], $0xffff  }
0x29d: {  	v42 =	vmul.u32 $0x108, v5;
	v18 =	vadd.s32 v18, v19;
	v30 =	vld.idx.msk [tilespmem:v30+s2+$0x0], $0xffff  }
0x29e: {  	v43 =	vadd.s32 v15, v19;
	v20 =	vld.idx.msk [tilespmem:v20+s2+$0x0], $0xffff  }
0x29f: {  	v44 =	vadd.s32 v19, v5;
	v42 =	vadd.s32 $0x5280, v42;
	v21 =	vadd.f32 $0.0e+00, v21;
	v40 =	vld.idx.msk [tilespmem:v40+s2+$0x0], $0xffff  }
0x2a0: {  	v19 =	vadd.s32 v19, v2;
	v22 =	vadd.f32 $0.0e+00, v22;
	v37 =	vadd.f32 $0.0e+00, v37;
	v41 =	vld.idx.msk [tilespmem:v41+s2+$0x0], $0xffff  }
0x2a1: {  	v38 =	vadd.f32 $0.0e+00, v38;
	v21 =	vadd.f32 v36, v21;
	v36 =	vadd.s32 v9, v17;
	v0 =	vld.idx.msk [tilespmem:v0+s2+$0x0], $0xffff  }
0x2a2: {  	v22 =	vadd.f32 v34, v22;
	v17 =	vadd.s32 v17, v4;
	v34 =	vadd.f32 v39, v37;
	v18 =	vld.idx.msk [tilespmem:v18+s2+$0x0], $0xffff  }
0x2a3: {  	v15 =	vadd.s32 v15, v16;
	v30 =	vadd.f32 v30, v38;
	v21 =	vadd.f32 v35, v21;
	v35 =	vld.idx.msk [tilespmem:v43+s2+$0x0], $0xffff  }
0x2a4: {  	v22 =	vadd.f32 v32, v22;
	v20 =	vadd.f32 v20, v34;
	v34 =	vadd.s32 v9, v16;
	v32 =	vld.idx.msk [tilespmem:v44+s2+$0x0], $0xffff  }
0x2a5: {  	v16 =	vadd.s32 v16, v2;
	v30 =	vadd.f32 v40, v30;
	v21 =	vadd.f32 v33, v21;
	v19 =	vld.idx.msk [tilespmem:v19+s2+$0x0], $0xffff  }
0x2a6: {  	v22 =	vadd.f32 v29, v22;
	v9 =	vadd.s32 v9, v12;
	v20 =	vadd.f32 v41, v20;
	v29 =	vld.idx.msk [tilespmem:v36+s2+$0x0], $0xffff  }
0x2a7: {  	v12 =	vadd.s32 v12, v2;
	v0 =	vadd.f32 v0, v30;
	v21 =	vadd.f32 v31, v21;
	v17 =	vld.idx.msk [tilespmem:v17+s2+$0x0], $0xffff  }
0x2a8: {  	v4 =	vadd.s32 v4, v8;
	v22 =	vadd.f32 v23, v22;
	v18 =	vadd.f32 v18, v20;
	v15 =	vld.idx.msk [tilespmem:v15+s2+$0x0], $0xffff  }
0x2a9: {  	v5 =	vadd.s32 v5, v42;
	v0 =	vadd.f32 v35, v0;
	v8 =	vadd.f32 v28, v21;
	v20 =	vld.idx.msk [tilespmem:v34+s2+$0x0], $0xffff  }
0x2aa: {  	v2 =	vadd.s32 v2, v42;
	v21 =	vadd.f32 v24, v22;
	v18 =	vadd.f32 v32, v18;
	v16 =	vld.idx.msk [tilespmem:v16+s2+$0x0], $0xffff  }
0x2ab: {  	v0 =	vadd.f32 v19, v0;
	v8 =	vadd.f32 v27, v8;
	v9 =	vld.idx.msk [tilespmem:v9+s2+$0x0], $0xffff  }
0x2ac: {  	v19 =	vadd.f32 v25, v21;
	v18 =	vadd.f32 v29, v18;
	v12 =	vld.idx.msk [tilespmem:v12+s2+$0x0], $0xffff  }
0x2ad: {  	v0 =	vadd.f32 v17, v0;
	v8 =	vadd.f32 v26, v8;
	v4 =	vld.idx.msk [tilespmem:v4+s2+$0x0], $0xffff  }
0x2ae: {  	v14 =	vadd.f32 v14, v19;
	v15 =	vadd.f32 v15, v18;
	v5 =	vld.idx.msk [tilespmem:v5+s2+$0x0], $0xffff  }
0x2af: {  	s9 =	sshra.s32 s22, $0x2;
	v0 =	vadd.f32 v20, v0;
	v8 =	vadd.f32 v13, v8;
	v2 =	vld.idx.msk [tilespmem:v2+s2+$0x0], $0xffff  }
0x2b0: {  	v11 =	vadd.f32 v11, v14;
	v14 =	vadd.f32 v16, v15;
	v13 =	vld [tilespmem:s9+$0x17480]  }
0x2b1: {  	v0 =	vadd.f32 v9, v0;
	v8 =	vadd.f32 v10, v8;
	v16 =	vld [tilespmem:s9+$0x17580]  }
0x2b2: {  	v7 =	vadd.f32 v7, v11;
	v10 =	vadd.f32 v12, v14;
	v9 =	vld [tilespmem:s9+$0x17400]  }
0x2b3: {  	v0 =	vadd.f32 v4, v0;
	v4 =	vadd.f32 v6, v8;
	v11 =	vld [tilespmem:s9+$0x17500]  }
0x2b4: {  	v3 =	vadd.f32 v3, v7;
	v5 =	vadd.f32 v5, v10  }
0x2b5: {  	v0 =	vadd.f32 v2, v0;
	v1 =	vadd.f32 v1, v4;
	v6 =	vld [tilespmem:s9+$0x17380]  }
0x2b6: {  	v4 =	vadd.s32 $0xE4, v13;
	v2 =	vadd.s32 $0xFC, v16  }
0x2b7: {  	v8 =	vmul.u32 $0x108, v4;
	v1 =	vadd.f32 v1, v3;
	v0 =	vadd.f32 v0, v5;
	v7 =	vld [tilespmem:s9+$0x17300]  }
0x2b8: {  	v9 =	vadd.s32 $0xD8, v9;
	v3 =	vmul.u32 $0x108, v2;
	v5 =	vadd.s32 $0xF0, v11  }
0x2b9: {  	v10 =	vmul.u32 $0x108, v9;
	v8 =	vadd.s32 $0x4E60, v8;
	v0 =	vadd.f32 v1, v0  }
0x2ba: {  	v3 =	vadd.s32 v3, v16;
	v1 =	vld [tilespmem:s9+$0x17280];
	v15 =	vadd.s32 $0xCC, v6;
	v6 =	vadd.s32 v2, v8  }
0x2bb: {  	v12 =	vadd.s32 $0x4A40, v10;
	v10 =	vadd.s32 $0x579C, v3;
	v11 =	vmul.u32 $0x108, v15;
	[tilespmem:s8+$0x17880] =	vst.add.f32.msk $0xffff, v0;
	s8 =	smov.u32 s9  }
0x2bc: {  	v0 =	vadd.s32 v5, v12;
	v18 =	vadd.s32 $0xC0, v7  }
0x2bd: {  	v13 =	vld [tilespmem:s8+$0x17200];
	v3 =	vmul.u32 $0x108, v18;
	v16 =	vadd.s32 $0x4620, v11;
	v11 =	vadd.s32 v5, v8  }
0x2be: {  	v21 =	vld [tilespmem:s8+$0x17180];
	v14 =	vadd.s32 v16, v5  }
0x2bf: {  	v23 =	vadd.s32 v4, v12;
	v17 =	vadd.s32 $0x4200, v3;
	v3 =	vld.idx.msk [tilespmem:v6+s2+$0x0], $0xffff  }
0x2c0: {  	v20 =	vadd.s32 $0xB4, v1;
	v29 =	vadd.s32 v17, v2;
	v1 =	vld.idx.msk [tilespmem:v10+s2+$0x0], $0xffff  }
0x2c1: {  	v30 =	vadd.s32 v4, v16;
	v10 =	vmul.u32 $0x108, v20;
	v7 =	vld.idx.msk [tilespmem:v0+s2+$0x0], $0xffff  }
.Ltmp3:
0x2c2: {  	v25 =	vadd.s32 v15, v17;
	v6 =	vld.idx.msk [tilespmem:v11+s2+$0x0], $0xffff;
	(pc) =	sbr.rel @p0 .LBB2_8-.Ltmp3, $4  }
0x2c3: {  	v26 =	vadd.s32 v17, v5;
	v19 =	vadd.s32 $0x3DE0, v10;
	v11 =	vld.idx.msk [tilespmem:v14+s2+$0x0], $0xffff  }
0x2c4: {  	v22 =	vadd.s32 $0xA8, v13;
	v24 =	vadd.s32 v19, v4;
	v10 =	vld.idx.msk [tilespmem:v23+s2+$0x0], $0xffff  }
0x2c5: {  	v27 =	vadd.s32 v18, v17;
	v28 =	vmul.u32 $0x108, v22;
	v14 =	vld.idx.msk [tilespmem:v29+s2+$0x0], $0xffff  }
0x2c6: {  	s22 =	sadd.s32 $0x40, s22;
	v23 =	vadd.s32 v20, v19;
	v13 =	vld.idx.msk [tilespmem:v30+s2+$0x0], $0xffff  }
0x2c7: {  	_ =	sdelay $0x3  }
0x2c8: {  	v0 =	vadd.s32 $0x39C0, v28;
	v57 =	vadd.s32 v19, v9;
	v25 =	vld.idx.msk [tilespmem:v25+s2+$0x0], $0xffff  }
0x2c9: {  	v21 =	vadd.s32 $0x9C, v21;
	v26 =	vld.idx.msk [tilespmem:v26+s2+$0x0], $0xffff;
	v29 =	vadd.s32 v0, v9  }
0x2ca: {  	v24 =	vld.idx.msk [tilespmem:v24+s2+$0x0], $0xffff;
	v30 =	vmul.u32 $0x108, v21;
	v31 =	vadd.s32 v0, v2  }
0x2cb: {  	v27 =	vld.idx.msk [tilespmem:v27+s2+$0x0], $0xffff;
	v32 =	vadd.s32 v22, v0  }
0x2cc: {  	v23 =	vld.idx.msk [tilespmem:v23+s2+$0x0], $0xffff;
	v33 =	vadd.s32 v0, v15;
	v30 =	vadd.s32 $0x35A0, v30  }
0x2cd: {  	v34 =	vadd.s32 v30, v9;
	v28 =	vld.idx.msk [tilespmem:v57+s2+$0x0], $0xffff  }
0x2ce: {  	v35 =	vadd.s32 v30, v2;
	v29 =	vld.idx.msk [tilespmem:v29+s2+$0x0], $0xffff  }
0x2cf: {  	v58 =	vadd.s32 v22, v30;
	v31 =	vld.idx.msk [tilespmem:v31+s2+$0x0], $0xffff  }
0x2d0: {  	v36 =	vadd.s32 v30, v15;
	v32 =	vld.idx.msk [tilespmem:v32+s2+$0x0], $0xffff  }
0x2d1: {  	v21 =	vadd.s32 v21, v30;
	v33 =	vld.idx.msk [tilespmem:v33+s2+$0x0], $0xffff  }
0x2d2: {  	v37 =	vadd.s32 v20, v30;
	v34 =	vld.idx.msk [tilespmem:v34+s2+$0x0], $0xffff  }
0x2d3: {  	v38 =	vadd.s32 v30, v18;
	v35 =	vld.idx.msk [tilespmem:v35+s2+$0x0], $0xffff  }
0x2d4: {  	v39 =	vadd.s32 v30, v4;
	v22 =	vld.idx.msk [tilespmem:v58+s2+$0x0], $0xffff  }
0x2d5: {  	v30 =	vadd.s32 v30, v5;
	v36 =	vld.idx.msk [tilespmem:v36+s2+$0x0], $0xffff  }
0x2d6: {  	v59 =	vadd.s32 v20, v0;
	v21 =	vld.idx.msk [tilespmem:v21+s2+$0x0], $0xffff  }
0x2d7: {  	v40 =	vadd.s32 v18, v0;
	v37 =	vld.idx.msk [tilespmem:v37+s2+$0x0], $0xffff  }
0x2d8: {  	v41 =	vadd.s32 v0, v4;
	v38 =	vld.idx.msk [tilespmem:v38+s2+$0x0], $0xffff  }
0x2d9: {  	v0 =	vadd.s32 v0, v5;
	v39 =	vld.idx.msk [tilespmem:v39+s2+$0x0], $0xffff  }
0x2da: {  	v60 =	vadd.s32 v18, v19;
	v42 =	vmul.u32 $0x108, v5;
	v30 =	vld.idx.msk [tilespmem:v30+s2+$0x0], $0xffff  }
0x2db: {  	v43 =	vadd.s32 v15, v19;
	v44 =	vadd.s32 v19, v5;
	v20 =	vld.idx.msk [tilespmem:v59+s2+$0x0], $0xffff;
	v21 =	vadd.f32 $0.0e+00, v21  }
0x2dc: {  	v61 =	vadd.s32 v19, v2;
	v40 =	vld.idx.msk [tilespmem:v40+s2+$0x0], $0xffff;
	v22 =	vadd.f32 $0.0e+00, v22;
	v37 =	vadd.f32 $0.0e+00, v37  }
0x2dd: {  	v62 =	vadd.s32 v9, v17;
	v41 =	vld.idx.msk [tilespmem:v41+s2+$0x0], $0xffff;
	v38 =	vadd.f32 $0.0e+00, v38;
	v21 =	vadd.f32 v36, v21  }
0x2de: {  	v45 =	vadd.s32 v9, v16;
	v0 =	vld.idx.msk [tilespmem:v0+s2+$0x0], $0xffff;
	v22 =	vadd.f32 v34, v22;
	v63 =	vadd.f32 v39, v37  }
0x2df: {  	v18 =	vld.idx.msk [tilespmem:v60+s2+$0x0], $0xffff;
	v37 =	vadd.s32 v17, v4;
	v30 =	vadd.f32 v30, v38;
	v21 =	vadd.f32 v35, v21  }
0x2e0: {  	v39 =	vld.idx.msk [tilespmem:v43+s2+$0x0], $0xffff;
	v43 =	vadd.s32 v15, v16;
	v22 =	vadd.f32 v32, v22;
	v20 =	vadd.f32 v20, v63  }
0x2e1: {  	v46 =	vadd.s32 v16, v2;
	v44 =	vld.idx.msk [tilespmem:v44+s2+$0x0], $0xffff;
	v30 =	vadd.f32 v40, v30;
	v21 =	vadd.f32 v33, v21  }
0x2e2: {  	v48 =	vadd.s32 v9, v12;
	v19 =	vld.idx.msk [tilespmem:v61+s2+$0x0], $0xffff;
	v22 =	vadd.f32 v29, v22;
	v20 =	vadd.f32 v41, v20  }
0x2e3: {  	v49 =	vadd.s32 v12, v2;
	v47 =	vld.idx.msk [tilespmem:v62+s2+$0x0], $0xffff;
	v0 =	vadd.f32 v0, v30;
	v21 =	vadd.f32 v31, v21  }
0x2e4: {  	v50 =	vadd.s32 v4, v8;
	v17 =	vld.idx.msk [tilespmem:v37+s2+$0x0], $0xffff;
	v22 =	vadd.f32 v23, v22;
	v18 =	vadd.f32 v18, v20  }
0x2e5: {  	v42 =	vadd.s32 $0x5280, v42;
	v15 =	vld.idx.msk [tilespmem:v43+s2+$0x0], $0xffff;
	v0 =	vadd.f32 v39, v0;
	v51 =	vadd.f32 v28, v21  }
0x2e6: {  	v53 =	vadd.s32 v5, v42;
	v52 =	vld.idx.msk [tilespmem:v45+s2+$0x0], $0xffff;
	v54 =	vadd.f32 v24, v22;
	v18 =	vadd.f32 v44, v18  }
0x2e7: {  	v55 =	vadd.s32 v2, v42;
	v16 =	vld.idx.msk [tilespmem:v46+s2+$0x0], $0xffff;
	v0 =	vadd.f32 v19, v0;
	v8 =	vadd.f32 v27, v51  }
0x2e8: {  	v9 =	vld.idx.msk [tilespmem:v48+s2+$0x0], $0xffff;
	v56 =	vadd.f32 v25, v54;
	v18 =	vadd.f32 v47, v18  }
0x2e9: {  	v12 =	vld.idx.msk [tilespmem:v49+s2+$0x0], $0xffff;
	v0 =	vadd.f32 v17, v0;
	v8 =	vadd.f32 v26, v8  }
0x2ea: {  	v4 =	vld.idx.msk [tilespmem:v50+s2+$0x0], $0xffff;
	v14 =	vadd.f32 v14, v56;
	v15 =	vadd.f32 v15, v18  }
0x2eb: {  	v5 =	vld.idx.msk [tilespmem:v53+s2+$0x0], $0xffff;
	v0 =	vadd.f32 v52, v0;
	v8 =	vadd.f32 v13, v8  }
0x2ec: {  	v2 =	vld.idx.msk [tilespmem:v55+s2+$0x0], $0xffff;
	v11 =	vadd.f32 v11, v14;
	v57 =	vadd.f32 v16, v15  }
0x2ed: {  	v0 =	vadd.f32 v9, v0;
	v8 =	vadd.f32 v10, v8  }
0x2ee: {  	v7 =	vadd.f32 v7, v11;
	v58 =	vadd.f32 v12, v57  }
0x2ef: {  	v0 =	vadd.f32 v4, v0;
	v59 =	vadd.f32 v6, v8  }
0x2f0: {  	v3 =	vadd.f32 v3, v7;
	v5 =	vadd.f32 v5, v58  }
0x2f1: {  	v0 =	vadd.f32 v2, v0;
	v1 =	vadd.f32 v1, v59;
	_ =	sdelay $0x1  }
0x2f2: {  	v0 =	vadd.f32 v0, v5;
	v1 =	vadd.f32 v1, v3;
	_ =	sdelay $0x1  }
0x2f3: {  	v0 =	vadd.f32 v1, v0;
	_ =	sdelay $0x1  }
0x2f4: {  	s22 =	rddreg [dreg:$0xb];
	s9 =	simm.s32 $0x17880;
	[tilespmem:s8+$0x17880] =	vst.add.f32.msk $0xffff, v0  }
0x2f5: {  	[hbm4b:s22+s2] =	stream.linear.scatter [tilespmem:s9], [sflag:$0x5], $0x80, $0x38;
	[tilespmem:$0x17B00] =	vst v63  }
0x2f6: {  	_ =	swait.ge [sflag:s20], $0x80  }
0x2f7: {  	[sflag:s20] =	ssyncset.done $0x0  }
0x2f8: {  	[sflag:s20] =	ssyncadd.s32 $0xFFFFFF80  }
0x2f9: {  	v60 =	vld [tilespmem:$0x17900]  }
0x2fa: {  	v61 =	vld [tilespmem:$0x17910]  }
0x2fb: {  	v62 =	vld [tilespmem:$0x17920]  }
0x2fc: {  	v63 =	vld [tilespmem:$0x17930]  }
0x2fd: {  	v8 =	vld [tilespmem:$0x17940]  }
0x2fe: {  	v9 =	vld [tilespmem:$0x17950];
	(xrf2) =	vadd.scan.msk.f32 $0xffff, v60  }
0x2ff: {  	v10 =	vld [tilespmem:$0x17960];
	(xrf2) =	vadd.scan.msk.f32 $0xffff, v61  }
0x300: {  	v11 =	vld [tilespmem:$0x17970];
	(xrf2) =	vadd.scan.msk.f32 $0xffff, v62  }
0x301: {  	v12 =	vld [tilespmem:$0x17980];
	(xrf2) =	vadd.scan.msk.f32 $0xffff, v63  }
0x302: {  	v13 =	vld [tilespmem:$0x17990];
	(xrf2) =	vadd.scan.msk.f32 $0xffff, v8  }
0x303: {  	v14 =	vld [tilespmem:$0x179A0];
	(xrf2) =	vadd.scan.msk.f32 $0xffff, v9  }
0x304: {  	v15 =	vld [tilespmem:$0x179B0];
	(xrf2) =	vadd.scan.msk.f32 $0xffff, v10  }
0x305: {  	v16 =	vld [tilespmem:$0x179C0];
	(xrf2) =	vadd.scan.msk.f32 $0xffff, v11  }
0x306: {  	v17 =	vld [tilespmem:$0x179D0];
	(xrf2) =	vadd.scan.msk.f32 $0xffff, v12  }
0x307: {  	v18 =	vld [tilespmem:$0x179E0];
	(xrf2) =	vadd.scan.msk.f32 $0xffff, v13  }
0x308: {  	v20 =	vld [tilespmem:$0x179F0];
	v19, _, _ =	vpop (xrf2);
	(xrf2) =	vadd.scan.msk.f32 $0xffff, v14  }
0x309: {  	v22 =	vld [tilespmem:$0x17A00];
	v21, _, _ =	vpop (xrf2);
	(xrf2) =	vadd.scan.msk.f32 $0xffff, v15  }
0x30a: {  	v24 =	vld [tilespmem:$0x17A10];
	v23, _, _ =	vpop (xrf2);
	(xrf2) =	vadd.scan.msk.f32 $0xffff, v16  }
0x30b: {  	v26 =	vld [tilespmem:$0x17A20];
	v25, _, _ =	vpop (xrf2);
	(xrf2) =	vadd.scan.msk.f32 $0xffff, v17  }
0x30c: {  	v28 =	vld [tilespmem:$0x17A30];
	v5 =	vbroadcast v19, $0xF;
	v6 =	vbroadcast v21, $0xF;
	v27, _, _ =	vpop (xrf2);
	(xrf2) =	vadd.scan.msk.f32 $0xffff, v18  }
0x30d: {  	v30 =	vld [tilespmem:$0x17A40];
	v7 =	vbroadcast v23, $0xF;
	v29, _, _ =	vpop (xrf2);
	(xrf2) =	vadd.scan.msk.f32 $0xffff, v20  }
0x30e: {  	v33 =	vld [tilespmem:$0x17A50];
	v5 =	vsel vm0, v5, v6;
	v31 =	vbroadcast v25, $0xF;
	v32, _, _ =	vpop (xrf2);
	(xrf2) =	vadd.scan.msk.f32 $0xffff, v22  }
0x30f: {  	v5 =	vsel vm1, v5, v7;
	v34 =	vbroadcast v27, $0xF;
	v35, _, _ =	vpop (xrf2);
	(xrf2) =	vadd.scan.msk.f32 $0xffff, v24  }
0x310: {  	v36 =	vsel vm2, v5, v31;
	v37 =	vbroadcast v29, $0xF;
	v38, _, _ =	vpop (xrf2);
	(xrf2) =	vadd.scan.msk.f32 $0xffff, v26  }
0x311: {  	v2 =	vsel vm3, v36, v34;
	v39 =	vbroadcast v32, $0xF;
	v40, _, _ =	vpop (xrf2);
	(xrf2) =	vadd.scan.msk.f32 $0xffff, v28  }
0x312: {  	v2 =	vsel vm4, v2, v37;
	v41 =	vbroadcast v35, $0xF;
	v42, _, _ =	vpop (xrf2);
	(xrf2) =	vadd.scan.msk.f32 $0xffff, v30  }
0x313: {  	v43 =	vsel vm5, v2, v39;
	v44 =	vbroadcast v38, $0xF;
	v45, _, _ =	vpop (xrf2);
	(xrf2) =	vadd.scan.msk.f32 $0xffff, v33  }
0x314: {  	v0 =	vsel vm6, v43, v41;
	v47 =	vbroadcast v40, $0xF;
	v46, _, _ =	vpop (xrf2)  }
0x315: {  	vm13 =	vmmov $0x1ff;
	v0 =	vsel vm7, v0, v44;
	v49 =	vbroadcast v42, $0xF;
	v48, _, _ =	vpop (xrf2)  }
0x316: {  	v0 =	vsel vm13, v0, v47;
	vm13 =	vmmov $0x3ff;
	v3 =	vbroadcast v45, $0xF;
	v50, _, _ =	vpop (xrf2)  }
0x317: {  	v0 =	vsel vm13, v0, v49;
	vm13 =	vmmov $0x7ff;
	v1 =	vbroadcast v46, $0xF;
	v51, _, _ =	vpop (xrf2)  }
0x318: {  	v0 =	vsel vm13, v0, v3;
	vm13 =	vmmov $0xfff;
	v52, _, _ =	vpop (xrf2)  }
0x319: {  	v53 =	vbroadcast v48, $0xF;
	v0 =	vsel vm13, v0, v1;
	v54, _, _ =	vpop (xrf2);
	v55 =	vbroadcast v52, $0xF  }
0x31a: {  	vm13 =	vmmov $0x1fff;
	v5 =	vbroadcast v50, $0xF;
	v56, _, _ =	vpop (xrf2);
	v57 =	vbroadcast v54, $0xF  }
0x31b: {  	v0 =	vsel vm13, v0, v53;
	v58, _, _ =	vpop (xrf2);
	v1 =	vnsel vm0, $0x0, v55;
	v2 =	vbroadcast v56, $0xF  }
0x31c: {  	vm13 =	vmmov $0x3fff;
	v59, _, _ =	vpop (xrf2);
	v1 =	vsel vm8, v1, v57;
	v60 =	vbroadcast v58, $0xF  }
0x31d: {  	v0 =	vsel vm13, v0, v5;
	v1 =	vsel vm9, v1, v2;
	v61 =	vbroadcast v59, $0xF;
	v62, _, _ =	vpop (xrf2)  }
0x31e: {  	vm13 =	vmmov $0x7fff;
	v1 =	vsel vm10, v1, v60;
	v63 =	vbroadcast v62, $0xF  }
0x31f: {  	v0 =	vsel vm13, v0, v51;
	v1 =	vsel vm11, v1, v61  }
0x320: {  	[tilespmem:$0x17A80] =	vst v0;
	v1 =	vsel vm12, v1, v63  }
0x321: {  	s22 =	simm.s32 $0x17A80;
	s9 =	rddreg [dreg:$0xc];
	[tilespmem:$0x17A90] =	vst v1  }
0x322: {  	[hbm4b:s9+s2] =	stream.linear.scatter [tilespmem:s22], [sflag:$0x5], $0x80, $0x38;
	[tilespmem:$0x17B00] =	vst v63  }
0x323: {  	_ =	swait.ge [sflag:s20], $0x80  }
0x324: {  	s12 =	sadd.s32 $0x1, s12;
	s22 =	rddreg [dreg:$0xd]  }
0x325: {  	p0 =	sne.s32 s12, s22  }
.Ltmp4:
0x326: {  	_ = 	snop;
	(pc) =	sbr.rel @p0 .LBB2_1-.Ltmp4, $3  }
0x327: {  	_ =	sdelay $0x1  }
0x328: {  	[sflag:s20] =	ssyncset.done $0x0  }
0x329: {  	[sflag:s20] =	ssyncadd.s32 $0xFFFFFF80  }
0x32a: {  	_ =	sfence.sel $0x180000  }
0x32b: {  	[bflag:$0x0] =	sbarrier.arrive $0xFFFF  }
0x32c: {  	_ =	strace $0x90000047  }
0x32d: {  	s0 =	stileid.u32;
	[bflag:$0x2] =	sbarrier.arrive $0xFFFF  }
0x32e: {  	p0 =	sne.s32 s0, $0x0;
	s0 =	rddreg [dreg:$0x3]  }
0x32f: {  	s0 =	sadd.s32 @!p0 $0x100000, s0  }
0x330: {  	[sflag:s0] =	ssyncadd.tile.s32 @!p0 $0x1;
	_ =	shalt  }
.Lfunc_end2:
_tile_overlayer_lowered:
.L_overlay_start_2:
0x331: {  	(tag) =	ssettag $0x2  }
0x332: {  	s0 =	rddreg [dreg:$0x0];
	s2 =	stileid.u32  }
0x333: {  	s1 =	rddreg [dreg:$0x1];
	p0 =	sne.s32 s2, $0x0  }
0x334: {  	s3 =	rddreg [dreg:$0x2];
	[bflag:$0x3] =	sbarrier.arrive $0xFFFF;
	s2 =	simm.s32 @!p0 $0x1C05  }
0x335: {  	[timem:s3], [sflag:s2] =	dma.local @!p0 [hbm:s0], s1  }
0x336: {  	s0 =	simm.s32 @!p0 $0x5  }
0x337: {  	_ =	swait.ge @!p0 [sflag:s0], s1  }
0x338: {  	s1 =	ssub.s32 @!p0 $0x0, s1;
	[sflag:s0] =	ssyncset.done @!p0 $0x0  }
0x339: {  	[sflag:s0] =	ssyncadd.s32 @!p0 s1  }
0x33a: {  	[bflag:$0x3] =	sbarrier.arrive $0xFFFF  }
0x33b: {  	_ =	shalt  }

</sc_bundles>
